<compile_context>
chip_gen: v7x
topology: tpu7x:2x2x1
jax: 0.10.2.dev20260603
libtpu: 0.0.44.dev20260713+nightly
codegen_flags: <defaults>
</compile_context>

<pallas_src>
import functools

import jax
import jax.numpy as jnp
from jax import lax
from jax.experimental import pallas as pl
from jax.experimental.pallas import tpu as pltpu
from jax.experimental.pallas import tpu_sc as plsc

BATCH = 4096
SEQ = 200
N = BATCH * SEQ
D_ITEM = 64
D_FAKE = 16
D_OUT = D_ITEM + D_FAKE
NUM_WORKERS = 32

NUM_SLICES = 4
B_SLICE = BATCH // NUM_SLICES
N_SLICE = B_SLICE * SEQ
B_PER_W = B_SLICE // NUM_WORKERS

TC_TILE_B = 64
TC_ROWS = TC_TILE_B * SEQ
TC_GRID = N_SLICE // TC_ROWS


def _sc_gather(ids, item_table):
    mesh = plsc.VectorSubcoreMesh(core_axis_name="c", subcore_axis_name="s")

    @functools.partial(
        pl.kernel,
        mesh=mesh,
        compiler_params=pltpu.CompilerParams(use_tc_tiling_on_sc=False),
        out_type=jax.ShapeDtypeStruct((N_SLICE, D_ITEM), jnp.float32),
        scratch_types=[
            pltpu.VMEM((B_PER_W, SEQ), jnp.int32),
            pltpu.VMEM((SEQ, D_ITEM), jnp.float32),
            pltpu.VMEM((SEQ, D_ITEM), jnp.float32),
            pltpu.SemaphoreType.DMA,
            pltpu.SemaphoreType.DMA,
            pltpu.SemaphoreType.DMA,
            pltpu.SemaphoreType.DMA,
        ],
    )
    def k(ids_hbm, item_hbm, out_hbm, ids_v, st0, st1, gs0, gs1, ws0, ws1):
        wid = lax.axis_index("s") * 2 + lax.axis_index("c")
        b0 = wid * B_PER_W
        pltpu.sync_copy(ids_hbm.at[pl.ds(b0, B_PER_W)], ids_v)
        stage = (st0, st1)
        gsems = (gs0, gs1)
        wsems = (ws0, ws1)

        def issue_gathers(c, par, sem):
            return [
                pltpu.async_copy(
                    item_hbm.at[ids_v.at[c, pl.ds(k * 40, 40)]],
                    stage[par].at[pl.ds(k * 40, 40)], sem)
                for k in range(5)
            ]

        def issue_writeback(c, par, sem):
            return pltpu.async_copy(
                stage[par],
                out_hbm.at[pl.ds((b0 + c) * SEQ, SEQ)], sem)

        for cp in issue_gathers(0, 0, gsems[0]):
            cp.wait()

        def pair_body(p, carry):
            for par in range(2):
                c = p * 2 + par
                npar = 1 - par
                g = lax.rem(c + 1, B_PER_W)
                gcps = issue_gathers(g, npar, gsems[npar])
                wcp = issue_writeback(c, par, wsems[par])
                for cp in gcps:
                    cp.wait()
                wcp.wait()
            return carry

        lax.fori_loop(0, B_PER_W // 2, pair_body, 0)

    return k(ids, item_table)


def _tc_assemble(gathered, pos_tiled, fids3, fake_table, prev, slice_idx):
    def body(*refs):
        gath_ref, pos_ref, fid_ref, fake_ref = refs[:4]
        out_ref = refs[-1]
        out_ref[:, 0:D_ITEM] = gath_ref[...] + pos_ref[...]
        f = fid_ref[0, 0, :].reshape(TC_ROWS, 1)
        fb = fake_ref[...]
        r0 = fb[0:1, :]
        r1 = fb[1:2, :]
        r2 = fb[2:3, :]
        fe = jnp.where(f == 0, r0, jnp.where(f == 1, r1, r2))
        out_ref[:, D_ITEM:D_OUT] = fe

    in_specs = [
        pl.BlockSpec((TC_ROWS, D_ITEM), lambda g: (g, 0)),
        pl.BlockSpec((TC_ROWS, D_ITEM), lambda g: (0, 0)),
        pl.BlockSpec((1, 1, TC_ROWS), lambda g: (g, 0, 0)),
        pl.BlockSpec((3, D_FAKE), lambda g: (0, 0)),
    ]
    args = [gathered, pos_tiled, fids3, fake_table]
    aliases = {}
    if prev is not None:
        in_specs.append(pl.BlockSpec(memory_space=pl.ANY))
        args.append(prev)
        aliases = {4: 0}
    return pl.pallas_call(
        body,
        grid=(TC_GRID,),
        in_specs=in_specs,
        out_specs=pl.BlockSpec(
            (TC_ROWS, D_OUT),
            lambda g, _si=slice_idx: (_si * TC_GRID + g, 0)),
        out_shape=jax.ShapeDtypeStruct((N, D_OUT), jnp.float32),
        input_output_aliases=aliases,
    )(*args)


def kernel(input_ids, fake_ids, item_table, pos_table, fake_table):
    ids = input_ids.astype(jnp.int32)
    fids = fake_ids.astype(jnp.int32)
    pos_tiled = jnp.tile(pos_table, (TC_TILE_B, 1))

    gathered = [
        _sc_gather(ids[si * B_SLICE:(si + 1) * B_SLICE], item_table)
        for si in range(NUM_SLICES)
    ]
    out = None
    for si in range(NUM_SLICES):
        fids3 = fids[si * B_SLICE:(si + 1) * B_SLICE].reshape(
            TC_GRID, 1, TC_ROWS)
        out = _tc_assemble(gathered[si], pos_tiled, fids3, fake_table,
                           out, si)
    return out.reshape(BATCH, SEQ, D_OUT)

# --- scband reference (transcript-rebuilt; emitter-appended) ---
"""Pipeline reference for scband-srfr-with-bert-embedding-22462678958692 (READ-ONLY COPY).

The authoritative reference and input builder live on the scoring server;
editing this copy changes nothing except your own understanding.
"""

import jax, jax.numpy as jnp
import numpy as np

ITEM_NUMBER = 1000000
ITEM_DIM = 64
FAKE_DIM = 16
MAXLEN = 200
BATCH = 4096
SEQ = 200

def setup_inputs(seed: int = 0) -> dict:
    key = jax.random.key(seed)
    k1, k2, k3, k4, k5 = jax.random.split(key, 5)
    input_ids = jax.random.randint(k1, (BATCH, SEQ), 0, ITEM_NUMBER + 1, dtype=jnp.int64 if jax.config.jax_enable_x64 else jnp.int32)
    fake_ids = jax.random.randint(k2, (BATCH, SEQ), 0, 3, dtype=jnp.int64 if jax.config.jax_enable_x64 else jnp.int32)
    item_table = jax.random.normal(k3, (ITEM_NUMBER + 1, ITEM_DIM), dtype=jnp.float32)
    item_table = item_table.at[0].set(0.0)  # padding_idx=0
    fake_table = jax.random.normal(k4, (3, FAKE_DIM), dtype=jnp.float32)
    fake_table = fake_table.at[0].set(0.0)  # padding_idx=0
    pos_table = jax.random.normal(k5, (MAXLEN, ITEM_DIM), dtype=jnp.float32)
    return {"input_ids": input_ids, "fake_ids": fake_ids, "item_table": item_table, "pos_table": pos_table, "fake_table": fake_table}

def reference(input_ids, fake_ids, item_table, pos_table, fake_table):
    batch_size, seq_size = input_ids.shape[:2]
    # item embedding lookup
    input_embed = jnp.take(item_table, input_ids, axis=0)
    # positional embedding: tile(range(seq_size)) over batch
    pos_ids = jnp.tile(jnp.arange(seq_size), (batch_size, 1))
    pos_embed = jnp.take(pos_table, pos_ids, axis=0)
    input_embed = input_embed + pos_embed
    # fake embedding lookup
    fake_embed = jnp.take(fake_table, fake_ids, axis=0)
    # concat along last dim
    out = jnp.concatenate([input_embed, fake_embed], axis=2)
    return out

if __name__ == "__main__":
    import jax
    _d = setup_inputs()
    print(jax.jit(kernel)(*tuple(_d.values())))

</pallas_src>

<mosaic_0001>
#map = affine_map<(d0, d1) -> (0, 0)>
module attributes {stable_mosaic.version = 14 : i64} {
  func.func @k(%arg0: i32, %arg1: i32, %arg2: memref<1024x200xi32, #tpu.memory_space<hbm>>, %arg3: memref<1000001x64xf32, #tpu.memory_space<hbm>>, %arg4: memref<204800x64xf32, #tpu.memory_space<hbm>>, %arg5: memref<32x200xi32, #tpu.memory_space<vmem>>, %arg6: memref<200x64xf32, #tpu.memory_space<vmem>>, %arg7: memref<200x64xf32, #tpu.memory_space<vmem>>, %arg8: memref<!tpu.dma_semaphore, #tpu.memory_space<semaphore_mem>>, %arg9: memref<!tpu.dma_semaphore, #tpu.memory_space<semaphore_mem>>, %arg10: memref<!tpu.dma_semaphore, #tpu.memory_space<semaphore_mem>>, %arg11: memref<!tpu.dma_semaphore, #tpu.memory_space<semaphore_mem>>) attributes {dimension_semantics = [#tpu.dimension_semantics<core_parallel>, #tpu.dimension_semantics<subcore_parallel>], iteration_bounds = array<i64: 2, 16>, scalar_prefetch = 0 : i64, scratch_operands = 7 : i64, tpu.core_type = #tpu.core_type<sc_vector_subcore>, window_params = [{transform_indices = #map}, {transform_indices = #map}, {transform_indices = #map}]} {
    %mul3A = arith.constant 2 : i32
    %mul3A_0 = arith.muli %arg1, %mul3A : i32
    %add3A = arith.addi %mul3A_0, %arg0 : i32
    %mul3A_1 = arith.constant 32 : i32
    %mul3A_2 = arith.muli %add3A, %mul3A_1 : i32
    "tpu.region"() ({
      %run_scoped3A = tpu.sem_alloc : memref<!tpu.dma_semaphore, #tpu.memory_space<semaphore_mem>>
      %dma_start3A_106 = arith.constant 0 : i32
      %dma_start3A_107 = tpu.memref_slice %arg2[%mul3A_2, %dma_start3A_106] : memref<1024x200xi32, #tpu.memory_space<hbm>> -> memref<32x200xi32, #tpu.memory_space<hbm>>
      %dma_start3A_108 = arith.constant 0 : i32
      %dma_start3A_109 = tpu.memref_slice %arg2[%mul3A_2, %dma_start3A_108] : memref<1024x200xi32, #tpu.memory_space<hbm>> -> memref<32x200xi32, #tpu.memory_space<hbm>>
      tpu.enqueue_dma source(%dma_start3A_109 : memref<32x200xi32, #tpu.memory_space<hbm>>) target(%arg5 : memref<32x200xi32, #tpu.memory_space<vmem>>) target_semaphore(%run_scoped3A : memref<!tpu.dma_semaphore, #tpu.memory_space<semaphore_mem>>)
      %dma_wait3A_110 = arith.constant 0 : i32
      %dma_wait3A_111 = tpu.memref_slice %arg2[%mul3A_2, %dma_wait3A_110] : memref<1024x200xi32, #tpu.memory_space<hbm>> -> memref<32x200xi32, #tpu.memory_space<hbm>>
      %dma_wait3A_112 = arith.constant 0 : i32
      %dma_wait3A_113 = tpu.memref_slice %arg2[%mul3A_2, %dma_wait3A_112] : memref<1024x200xi32, #tpu.memory_space<hbm>> -> memref<32x200xi32, #tpu.memory_space<hbm>>
      tpu.wait_dma2 semaphore(%run_scoped3A : memref<!tpu.dma_semaphore, #tpu.memory_space<semaphore_mem>>) src(%dma_wait3A_113 : memref<32x200xi32, #tpu.memory_space<hbm>>) dst(%arg5 : memref<32x200xi32, #tpu.memory_space<vmem>>)
      tpu.yield
    }) : () -> ()
    %dma_start3A = arith.constant 0 : i32
    %dma_start3A_3 = arith.constant 0 : i32
    %dma_start3A_4 = arith.constant 0 : i32
    %dma_start3A_5 = tpu.memref_slice %arg6[%dma_start3A_3, %dma_start3A_4] : memref<200x64xf32, #tpu.memory_space<vmem>> -> memref<40x64xf32, #tpu.memory_space<vmem>>
    %dma_start3A_6 = arith.constant 0 : i32
    %dma_start3A_7 = tpu.memref_slice %arg5[%dma_start3A, %dma_start3A_6] : memref<32x200xi32, #tpu.memory_space<vmem>> -> memref<1x40xi32, #tpu.memory_space<vmem>>
    %dma_start3A_8 = tpu.memref_squeeze %dma_start3A_7 : memref<1x40xi32, #tpu.memory_space<vmem>> -> memref<40xi32, #tpu.memory_space<vmem>>
    %dma_start3A_9 = arith.constant 0 : i32
    %dma_start3A_10 = arith.constant 0 : i32
    %dma_start3A_11 = tpu.memref_slice %arg3[%dma_start3A_9, %dma_start3A_10] : memref<1000001x64xf32, #tpu.memory_space<hbm>> -> memref<1000001x64xf32, #tpu.memory_space<hbm>>
    tpu.enqueue_indirect_dma source(%dma_start3A_11 : memref<1000001x64xf32, #tpu.memory_space<hbm>>) target(%dma_start3A_5 : memref<40x64xf32, #tpu.memory_space<vmem>>) offsets(%dma_start3A_8 : memref<40xi32, #tpu.memory_space<vmem>>) semaphore(%arg8 : memref<!tpu.dma_semaphore, #tpu.memory_space<semaphore_mem>>)
    %dma_start3A_12 = arith.constant 0 : i32
    %dma_start3A_13 = arith.constant 40 : i32
    %dma_start3A_14 = arith.constant 0 : i32
    %dma_start3A_15 = tpu.memref_slice %arg6[%dma_start3A_13, %dma_start3A_14] : memref<200x64xf32, #tpu.memory_space<vmem>> -> memref<40x64xf32, #tpu.memory_space<vmem>>
    %dma_start3A_16 = arith.constant 40 : i32
    %dma_start3A_17 = tpu.memref_slice %arg5[%dma_start3A_12, %dma_start3A_16] : memref<32x200xi32, #tpu.memory_space<vmem>> -> memref<1x40xi32, #tpu.memory_space<vmem>>
    %dma_start3A_18 = tpu.memref_squeeze %dma_start3A_17 : memref<1x40xi32, #tpu.memory_space<vmem>> -> memref<40xi32, #tpu.memory_space<vmem>>
    %dma_start3A_19 = arith.constant 0 : i32
    %dma_start3A_20 = arith.constant 0 : i32
    %dma_start3A_21 = tpu.memref_slice %arg3[%dma_start3A_19, %dma_start3A_20] : memref<1000001x64xf32, #tpu.memory_space<hbm>> -> memref<1000001x64xf32, #tpu.memory_space<hbm>>
    tpu.enqueue_indirect_dma source(%dma_start3A_21 : memref<1000001x64xf32, #tpu.memory_space<hbm>>) target(%dma_start3A_15 : memref<40x64xf32, #tpu.memory_space<vmem>>) offsets(%dma_start3A_18 : memref<40xi32, #tpu.memory_space<vmem>>) semaphore(%arg8 : memref<!tpu.dma_semaphore, #tpu.memory_space<semaphore_mem>>)
    %dma_start3A_22 = arith.constant 0 : i32
    %dma_start3A_23 = arith.constant 80 : i32
    %dma_start3A_24 = arith.constant 0 : i32
    %dma_start3A_25 = tpu.memref_slice %arg6[%dma_start3A_23, %dma_start3A_24] : memref<200x64xf32, #tpu.memory_space<vmem>> -> memref<40x64xf32, #tpu.memory_space<vmem>>
    %dma_start3A_26 = arith.constant 80 : i32
    %dma_start3A_27 = tpu.memref_slice %arg5[%dma_start3A_22, %dma_start3A_26] : memref<32x200xi32, #tpu.memory_space<vmem>> -> memref<1x40xi32, #tpu.memory_space<vmem>>
    %dma_start3A_28 = tpu.memref_squeeze %dma_start3A_27 : memref<1x40xi32, #tpu.memory_space<vmem>> -> memref<40xi32, #tpu.memory_space<vmem>>
    %dma_start3A_29 = arith.constant 0 : i32
    %dma_start3A_30 = arith.constant 0 : i32
    %dma_start3A_31 = tpu.memref_slice %arg3[%dma_start3A_29, %dma_start3A_30] : memref<1000001x64xf32, #tpu.memory_space<hbm>> -> memref<1000001x64xf32, #tpu.memory_space<hbm>>
    tpu.enqueue_indirect_dma source(%dma_start3A_31 : memref<1000001x64xf32, #tpu.memory_space<hbm>>) target(%dma_start3A_25 : memref<40x64xf32, #tpu.memory_space<vmem>>) offsets(%dma_start3A_28 : memref<40xi32, #tpu.memory_space<vmem>>) semaphore(%arg8 : memref<!tpu.dma_semaphore, #tpu.memory_space<semaphore_mem>>)
    %dma_start3A_32 = arith.constant 0 : i32
    %dma_start3A_33 = arith.constant 120 : i32
    %dma_start3A_34 = arith.constant 0 : i32
    %dma_start3A_35 = tpu.memref_slice %arg6[%dma_start3A_33, %dma_start3A_34] : memref<200x64xf32, #tpu.memory_space<vmem>> -> memref<40x64xf32, #tpu.memory_space<vmem>>
    %dma_start3A_36 = arith.constant 120 : i32
    %dma_start3A_37 = tpu.memref_slice %arg5[%dma_start3A_32, %dma_start3A_36] : memref<32x200xi32, #tpu.memory_space<vmem>> -> memref<1x40xi32, #tpu.memory_space<vmem>>
    %dma_start3A_38 = tpu.memref_squeeze %dma_start3A_37 : memref<1x40xi32, #tpu.memory_space<vmem>> -> memref<40xi32, #tpu.memory_space<vmem>>
    %dma_start3A_39 = arith.constant 0 : i32
    %dma_start3A_40 = arith.constant 0 : i32
    %dma_start3A_41 = tpu.memref_slice %arg3[%dma_start3A_39, %dma_start3A_40] : memref<1000001x64xf32, #tpu.memory_space<hbm>> -> memref<1000001x64xf32, #tpu.memory_space<hbm>>
    tpu.enqueue_indirect_dma source(%dma_start3A_41 : memref<1000001x64xf32, #tpu.memory_space<hbm>>) target(%dma_start3A_35 : memref<40x64xf32, #tpu.memory_space<vmem>>) offsets(%dma_start3A_38 : memref<40xi32, #tpu.memory_space<vmem>>) semaphore(%arg8 : memref<!tpu.dma_semaphore, #tpu.memory_space<semaphore_mem>>)
    %dma_start3A_42 = arith.constant 0 : i32
    %dma_start3A_43 = arith.constant 160 : i32
    %dma_start3A_44 = arith.constant 0 : i32
    %dma_start3A_45 = tpu.memref_slice %arg6[%dma_start3A_43, %dma_start3A_44] : memref<200x64xf32, #tpu.memory_space<vmem>> -> memref<40x64xf32, #tpu.memory_space<vmem>>
    %dma_start3A_46 = arith.constant 160 : i32
    %dma_start3A_47 = tpu.memref_slice %arg5[%dma_start3A_42, %dma_start3A_46] : memref<32x200xi32, #tpu.memory_space<vmem>> -> memref<1x40xi32, #tpu.memory_space<vmem>>
    %dma_start3A_48 = tpu.memref_squeeze %dma_start3A_47 : memref<1x40xi32, #tpu.memory_space<vmem>> -> memref<40xi32, #tpu.memory_space<vmem>>
    %dma_start3A_49 = arith.constant 0 : i32
    %dma_start3A_50 = arith.constant 0 : i32
    %dma_start3A_51 = tpu.memref_slice %arg3[%dma_start3A_49, %dma_start3A_50] : memref<1000001x64xf32, #tpu.memory_space<hbm>> -> memref<1000001x64xf32, #tpu.memory_space<hbm>>
    tpu.enqueue_indirect_dma source(%dma_start3A_51 : memref<1000001x64xf32, #tpu.memory_space<hbm>>) target(%dma_start3A_45 : memref<40x64xf32, #tpu.memory_space<vmem>>) offsets(%dma_start3A_48 : memref<40xi32, #tpu.memory_space<vmem>>) semaphore(%arg8 : memref<!tpu.dma_semaphore, #tpu.memory_space<semaphore_mem>>)
    %dma_wait3A = arith.constant 0 : i32
    %dma_wait3A_52 = arith.constant 0 : i32
    %dma_wait3A_53 = arith.constant 0 : i32
    %dma_wait3A_54 = tpu.memref_slice %arg6[%dma_wait3A_52, %dma_wait3A_53] : memref<200x64xf32, #tpu.memory_space<vmem>> -> memref<40x64xf32, #tpu.memory_space<vmem>>
    %dma_wait3A_55 = arith.constant 0 : i32
    %dma_wait3A_56 = tpu.memref_slice %arg5[%dma_wait3A, %dma_wait3A_55] : memref<32x200xi32, #tpu.memory_space<vmem>> -> memref<1x40xi32, #tpu.memory_space<vmem>>
    %dma_wait3A_57 = tpu.memref_squeeze %dma_wait3A_56 : memref<1x40xi32, #tpu.memory_space<vmem>> -> memref<40xi32, #tpu.memory_space<vmem>>
    %dma_wait3A_58 = arith.constant 0 : i32
    %dma_wait3A_59 = arith.constant 0 : i32
    %dma_wait3A_60 = tpu.memref_slice %arg3[%dma_wait3A_58, %dma_wait3A_59] : memref<1000001x64xf32, #tpu.memory_space<hbm>> -> memref<1000001x64xf32, #tpu.memory_space<hbm>>
    tpu.wait_indirect_dma semaphore(%arg8 : memref<!tpu.dma_semaphore, #tpu.memory_space<semaphore_mem>>) src(%dma_wait3A_60 : memref<1000001x64xf32, #tpu.memory_space<hbm>>) dst(%dma_wait3A_54 : memref<40x64xf32, #tpu.memory_space<vmem>>)
    %dma_wait3A_61 = arith.constant 0 : i32
    %dma_wait3A_62 = arith.constant 40 : i32
    %dma_wait3A_63 = arith.constant 0 : i32
    %dma_wait3A_64 = tpu.memref_slice %arg6[%dma_wait3A_62, %dma_wait3A_63] : memref<200x64xf32, #tpu.memory_space<vmem>> -> memref<40x64xf32, #tpu.memory_space<vmem>>
    %dma_wait3A_65 = arith.constant 40 : i32
    %dma_wait3A_66 = tpu.memref_slice %arg5[%dma_wait3A_61, %dma_wait3A_65] : memref<32x200xi32, #tpu.memory_space<vmem>> -> memref<1x40xi32, #tpu.memory_space<vmem>>
    %dma_wait3A_67 = tpu.memref_squeeze %dma_wait3A_66 : memref<1x40xi32, #tpu.memory_space<vmem>> -> memref<40xi32, #tpu.memory_space<vmem>>
    %dma_wait3A_68 = arith.constant 0 : i32
    %dma_wait3A_69 = arith.constant 0 : i32
    %dma_wait3A_70 = tpu.memref_slice %arg3[%dma_wait3A_68, %dma_wait3A_69] : memref<1000001x64xf32, #tpu.memory_space<hbm>> -> memref<1000001x64xf32, #tpu.memory_space<hbm>>
    tpu.wait_indirect_dma semaphore(%arg8 : memref<!tpu.dma_semaphore, #tpu.memory_space<semaphore_mem>>) src(%dma_wait3A_70 : memref<1000001x64xf32, #tpu.memory_space<hbm>>) dst(%dma_wait3A_64 : memref<40x64xf32, #tpu.memory_space<vmem>>)
    %dma_wait3A_71 = arith.constant 0 : i32
    %dma_wait3A_72 = arith.constant 80 : i32
    %dma_wait3A_73 = arith.constant 0 : i32
    %dma_wait3A_74 = tpu.memref_slice %arg6[%dma_wait3A_72, %dma_wait3A_73] : memref<200x64xf32, #tpu.memory_space<vmem>> -> memref<40x64xf32, #tpu.memory_space<vmem>>
    %dma_wait3A_75 = arith.constant 80 : i32
    %dma_wait3A_76 = tpu.memref_slice %arg5[%dma_wait3A_71, %dma_wait3A_75] : memref<32x200xi32, #tpu.memory_space<vmem>> -> memref<1x40xi32, #tpu.memory_space<vmem>>
    %dma_wait3A_77 = tpu.memref_squeeze %dma_wait3A_76 : memref<1x40xi32, #tpu.memory_space<vmem>> -> memref<40xi32, #tpu.memory_space<vmem>>
    %dma_wait3A_78 = arith.constant 0 : i32
    %dma_wait3A_79 = arith.constant 0 : i32
    %dma_wait3A_80 = tpu.memref_slice %arg3[%dma_wait3A_78, %dma_wait3A_79] : memref<1000001x64xf32, #tpu.memory_space<hbm>> -> memref<1000001x64xf32, #tpu.memory_space<hbm>>
    tpu.wait_indirect_dma semaphore(%arg8 : memref<!tpu.dma_semaphore, #tpu.memory_space<semaphore_mem>>) src(%dma_wait3A_80 : memref<1000001x64xf32, #tpu.memory_space<hbm>>) dst(%dma_wait3A_74 : memref<40x64xf32, #tpu.memory_space<vmem>>)
    %dma_wait3A_81 = arith.constant 0 : i32
    %dma_wait3A_82 = arith.constant 120 : i32
    %dma_wait3A_83 = arith.constant 0 : i32
    %dma_wait3A_84 = tpu.memref_slice %arg6[%dma_wait3A_82, %dma_wait3A_83] : memref<200x64xf32, #tpu.memory_space<vmem>> -> memref<40x64xf32, #tpu.memory_space<vmem>>
    %dma_wait3A_85 = arith.constant 120 : i32
    %dma_wait3A_86 = tpu.memref_slice %arg5[%dma_wait3A_81, %dma_wait3A_85] : memref<32x200xi32, #tpu.memory_space<vmem>> -> memref<1x40xi32, #tpu.memory_space<vmem>>
    %dma_wait3A_87 = tpu.memref_squeeze %dma_wait3A_86 : memref<1x40xi32, #tpu.memory_space<vmem>> -> memref<40xi32, #tpu.memory_space<vmem>>
    %dma_wait3A_88 = arith.constant 0 : i32
    %dma_wait3A_89 = arith.constant 0 : i32
    %dma_wait3A_90 = tpu.memref_slice %arg3[%dma_wait3A_88, %dma_wait3A_89] : memref<1000001x64xf32, #tpu.memory_space<hbm>> -> memref<1000001x64xf32, #tpu.memory_space<hbm>>
    tpu.wait_indirect_dma semaphore(%arg8 : memref<!tpu.dma_semaphore, #tpu.memory_space<semaphore_mem>>) src(%dma_wait3A_90 : memref<1000001x64xf32, #tpu.memory_space<hbm>>) dst(%dma_wait3A_84 : memref<40x64xf32, #tpu.memory_space<vmem>>)
    %dma_wait3A_91 = arith.constant 0 : i32
    %dma_wait3A_92 = arith.constant 160 : i32
    %dma_wait3A_93 = arith.constant 0 : i32
    %dma_wait3A_94 = tpu.memref_slice %arg6[%dma_wait3A_92, %dma_wait3A_93] : memref<200x64xf32, #tpu.memory_space<vmem>> -> memref<40x64xf32, #tpu.memory_space<vmem>>
    %dma_wait3A_95 = arith.constant 160 : i32
    %dma_wait3A_96 = tpu.memref_slice %arg5[%dma_wait3A_91, %dma_wait3A_95] : memref<32x200xi32, #tpu.memory_space<vmem>> -> memref<1x40xi32, #tpu.memory_space<vmem>>
    %dma_wait3A_97 = tpu.memref_squeeze %dma_wait3A_96 : memref<1x40xi32, #tpu.memory_space<vmem>> -> memref<40xi32, #tpu.memory_space<vmem>>
    %dma_wait3A_98 = arith.constant 0 : i32
    %dma_wait3A_99 = arith.constant 0 : i32
    %dma_wait3A_100 = tpu.memref_slice %arg3[%dma_wait3A_98, %dma_wait3A_99] : memref<1000001x64xf32, #tpu.memory_space<hbm>> -> memref<1000001x64xf32, #tpu.memory_space<hbm>>
    tpu.wait_indirect_dma semaphore(%arg8 : memref<!tpu.dma_semaphore, #tpu.memory_space<semaphore_mem>>) src(%dma_wait3A_100 : memref<1000001x64xf32, #tpu.memory_space<hbm>>) dst(%dma_wait3A_94 : memref<40x64xf32, #tpu.memory_space<vmem>>)
    %scan3A = arith.constant 0 : i32
    %scan3A_101 = arith.constant 0 : i32
    %scan3A_102 = arith.constant 16 : i32
    %scan3A_103 = arith.addi %scan3A_101, %scan3A_102 : i32
    %scan3A_104 = arith.constant 1 : i32
    scf.for %scan3A_106 = %scan3A_101 to %scan3A_103 step %scan3A_104  : i32 {
      %mul3A_107 = arith.constant 2 : i32
      %mul3A_108 = arith.muli %scan3A_106, %mul3A_107 : i32
      %add3A_109 = arith.constant 0 : i32
      %add3A_110 = arith.addi %mul3A_108, %add3A_109 : i32
      %add3A_111 = arith.constant 1 : i32
      %add3A_112 = arith.addi %add3A_110, %add3A_111 : i32
      %rem3A = arith.constant 32 : i32
      %rem3A_113 = arith.remsi %add3A_112, %rem3A : i32
      %dma_start3A_114 = arith.constant 0 : i32
      %dma_start3A_115 = arith.constant 0 : i32
      %dma_start3A_116 = tpu.memref_slice %arg7[%dma_start3A_114, %dma_start3A_115] : memref<200x64xf32, #tpu.memory_space<vmem>> -> memref<40x64xf32, #tpu.memory_space<vmem>>
      %dma_start3A_117 = arith.constant 0 : i32
      %dma_start3A_118 = tpu.memref_slice %arg5[%rem3A_113, %dma_start3A_117] : memref<32x200xi32, #tpu.memory_space<vmem>> -> memref<1x40xi32, #tpu.memory_space<vmem>>
      %dma_start3A_119 = tpu.memref_squeeze %dma_start3A_118 : memref<1x40xi32, #tpu.memory_space<vmem>> -> memref<40xi32, #tpu.memory_space<vmem>>
      %dma_start3A_120 = arith.constant 0 : i32
      %dma_start3A_121 = arith.constant 0 : i32
      %dma_start3A_122 = tpu.memref_slice %arg3[%dma_start3A_120, %dma_start3A_121] : memref<1000001x64xf32, #tpu.memory_space<hbm>> -> memref<1000001x64xf32, #tpu.memory_space<hbm>>
      tpu.enqueue_indirect_dma source(%dma_start3A_122 : memref<1000001x64xf32, #tpu.memory_space<hbm>>) target(%dma_start3A_116 : memref<40x64xf32, #tpu.memory_space<vmem>>) offsets(%dma_start3A_119 : memref<40xi32, #tpu.memory_space<vmem>>) semaphore(%arg9 : memref<!tpu.dma_semaphore, #tpu.memory_space<semaphore_mem>>)
      %dma_start3A_123 = arith.constant 40 : i32
      %dma_start3A_124 = arith.constant 0 : i32
      %dma_start3A_125 = tpu.memref_slice %arg7[%dma_start3A_123, %dma_start3A_124] : memref<200x64xf32, #tpu.memory_space<vmem>> -> memref<40x64xf32, #tpu.memory_space<vmem>>
      %dma_start3A_126 = arith.constant 40 : i32
      %dma_start3A_127 = tpu.memref_slice %arg5[%rem3A_113, %dma_start3A_126] : memref<32x200xi32, #tpu.memory_space<vmem>> -> memref<1x40xi32, #tpu.memory_space<vmem>>
      %dma_start3A_128 = tpu.memref_squeeze %dma_start3A_127 : memref<1x40xi32, #tpu.memory_space<vmem>> -> memref<40xi32, #tpu.memory_space<vmem>>
      %dma_start3A_129 = arith.constant 0 : i32
      %dma_start3A_130 = arith.constant 0 : i32
      %dma_start3A_131 = tpu.memref_slice %arg3[%dma_start3A_129, %dma_start3A_130] : memref<1000001x64xf32, #tpu.memory_space<hbm>> -> memref<1000001x64xf32, #tpu.memory_space<hbm>>
      tpu.enqueue_indirect_dma source(%dma_start3A_131 : memref<1000001x64xf32, #tpu.memory_space<hbm>>) target(%dma_start3A_125 : memref<40x64xf32, #tpu.memory_space<vmem>>) offsets(%dma_start3A_128 : memref<40xi32, #tpu.memory_space<vmem>>) semaphore(%arg9 : memref<!tpu.dma_semaphore, #tpu.memory_space<semaphore_mem>>)
      %dma_start3A_132 = arith.constant 80 : i32
      %dma_start3A_133 = arith.constant 0 : i32
      %dma_start3A_134 = tpu.memref_slice %arg7[%dma_start3A_132, %dma_start3A_133] : memref<200x64xf32, #tpu.memory_space<vmem>> -> memref<40x64xf32, #tpu.memory_space<vmem>>
      %dma_start3A_135 = arith.constant 80 : i32
      %dma_start3A_136 = tpu.memref_slice %arg5[%rem3A_113, %dma_start3A_135] : memref<32x200xi32, #tpu.memory_space<vmem>> -> memref<1x40xi32, #tpu.memory_space<vmem>>
      %dma_start3A_137 = tpu.memref_squeeze %dma_start3A_136 : memref<1x40xi32, #tpu.memory_space<vmem>> -> memref<40xi32, #tpu.memory_space<vmem>>
      %dma_start3A_138 = arith.constant 0 : i32
      %dma_start3A_139 = arith.constant 0 : i32
      %dma_start3A_140 = tpu.memref_slice %arg3[%dma_start3A_138, %dma_start3A_139] : memref<1000001x64xf32, #tpu.memory_space<hbm>> -> memref<1000001x64xf32, #tpu.memory_space<hbm>>
      tpu.enqueue_indirect_dma source(%dma_start3A_140 : memref<1000001x64xf32, #tpu.memory_space<hbm>>) target(%dma_start3A_134 : memref<40x64xf32, #tpu.memory_space<vmem>>) offsets(%dma_start3A_137 : memref<40xi32, #tpu.memory_space<vmem>>) semaphore(%arg9 : memref<!tpu.dma_semaphore, #tpu.memory_space<semaphore_mem>>)
      %dma_start3A_141 = arith.constant 120 : i32
      %dma_start3A_142 = arith.constant 0 : i32
      %dma_start3A_143 = tpu.memref_slice %arg7[%dma_start3A_141, %dma_start3A_142] : memref<200x64xf32, #tpu.memory_space<vmem>> -> memref<40x64xf32, #tpu.memory_space<vmem>>
      %dma_start3A_144 = arith.constant 120 : i32
      %dma_start3A_145 = tpu.memref_slice %arg5[%rem3A_113, %dma_start3A_144] : memref<32x200xi32, #tpu.memory_space<vmem>> -> memref<1x40xi32, #tpu.memory_space<vmem>>
      %dma_start3A_146 = tpu.memref_squeeze %dma_start3A_145 : memref<1x40xi32, #tpu.memory_space<vmem>> -> memref<40xi32, #tpu.memory_space<vmem>>
      %dma_start3A_147 = arith.constant 0 : i32
      %dma_start3A_148 = arith.constant 0 : i32
      %dma_start3A_149 = tpu.memref_slice %arg3[%dma_start3A_147, %dma_start3A_148] : memref<1000001x64xf32, #tpu.memory_space<hbm>> -> memref<1000001x64xf32, #tpu.memory_space<hbm>>
      tpu.enqueue_indirect_dma source(%dma_start3A_149 : memref<1000001x64xf32, #tpu.memory_space<hbm>>) target(%dma_start3A_143 : memref<40x64xf32, #tpu.memory_space<vmem>>) offsets(%dma_start3A_146 : memref<40xi32, #tpu.memory_space<vmem>>) semaphore(%arg9 : memref<!tpu.dma_semaphore, #tpu.memory_space<semaphore_mem>>)
      %dma_start3A_150 = arith.constant 160 : i32
      %dma_start3A_151 = arith.constant 0 : i32
      %dma_start3A_152 = tpu.memref_slice %arg7[%dma_start3A_150, %dma_start3A_151] : memref<200x64xf32, #tpu.memory_space<vmem>> -> memref<40x64xf32, #tpu.memory_space<vmem>>
      %dma_start3A_153 = arith.constant 160 : i32
      %dma_start3A_154 = tpu.memref_slice %arg5[%rem3A_113, %dma_start3A_153] : memref<32x200xi32, #tpu.memory_space<vmem>> -> memref<1x40xi32, #tpu.memory_space<vmem>>
      %dma_start3A_155 = tpu.memref_squeeze %dma_start3A_154 : memref<1x40xi32, #tpu.memory_space<vmem>> -> memref<40xi32, #tpu.memory_space<vmem>>
      %dma_start3A_156 = arith.constant 0 : i32
      %dma_start3A_157 = arith.constant 0 : i32
      %dma_start3A_158 = tpu.memref_slice %arg3[%dma_start3A_156, %dma_start3A_157] : memref<1000001x64xf32, #tpu.memory_space<hbm>> -> memref<1000001x64xf32, #tpu.memory_space<hbm>>
      tpu.enqueue_indirect_dma source(%dma_start3A_158 : memref<1000001x64xf32, #tpu.memory_space<hbm>>) target(%dma_start3A_152 : memref<40x64xf32, #tpu.memory_space<vmem>>) offsets(%dma_start3A_155 : memref<40xi32, #tpu.memory_space<vmem>>) semaphore(%arg9 : memref<!tpu.dma_semaphore, #tpu.memory_space<semaphore_mem>>)
      %add3A_159 = arith.addi %mul3A_2, %add3A_110 : i32
      %mul3A_160 = arith.constant 200 : i32
      %mul3A_161 = arith.muli %add3A_159, %mul3A_160 : i32
      %dma_start3A_162 = arith.constant 0 : i32
      %dma_start3A_163 = tpu.memref_slice %arg4[%mul3A_161, %dma_start3A_162] : memref<204800x64xf32, #tpu.memory_space<hbm>> -> memref<200x64xf32, #tpu.memory_space<hbm>>
      %dma_start3A_164 = arith.constant 0 : i32
      %dma_start3A_165 = tpu.memref_slice %arg4[%mul3A_161, %dma_start3A_164] : memref<204800x64xf32, #tpu.memory_space<hbm>> -> memref<200x64xf32, #tpu.memory_space<hbm>>
      tpu.enqueue_dma source(%arg6 : memref<200x64xf32, #tpu.memory_space<vmem>>) target(%dma_start3A_165 : memref<200x64xf32, #tpu.memory_space<hbm>>) target_semaphore(%arg10 : memref<!tpu.dma_semaphore, #tpu.memory_space<semaphore_mem>>)
      %dma_wait3A_166 = arith.constant 0 : i32
      %dma_wait3A_167 = arith.constant 0 : i32
      %dma_wait3A_168 = tpu.memref_slice %arg7[%dma_wait3A_166, %dma_wait3A_167] : memref<200x64xf32, #tpu.memory_space<vmem>> -> memref<40x64xf32, #tpu.memory_space<vmem>>
      %dma_wait3A_169 = arith.constant 0 : i32
      %dma_wait3A_170 = tpu.memref_slice %arg5[%rem3A_113, %dma_wait3A_169] : memref<32x200xi32, #tpu.memory_space<vmem>> -> memref<1x40xi32, #tpu.memory_space<vmem>>
      %dma_wait3A_171 = tpu.memref_squeeze %dma_wait3A_170 : memref<1x40xi32, #tpu.memory_space<vmem>> -> memref<40xi32, #tpu.memory_space<vmem>>
      %dma_wait3A_172 = arith.constant 0 : i32
      %dma_wait3A_173 = arith.constant 0 : i32
      %dma_wait3A_174 = tpu.memref_slice %arg3[%dma_wait3A_172, %dma_wait3A_173] : memref<1000001x64xf32, #tpu.memory_space<hbm>> -> memref<1000001x64xf32, #tpu.memory_space<hbm>>
      tpu.wait_indirect_dma semaphore(%arg9 : memref<!tpu.dma_semaphore, #tpu.memory_space<semaphore_mem>>) src(%dma_wait3A_174 : memref<1000001x64xf32, #tpu.memory_space<hbm>>) dst(%dma_wait3A_168 : memref<40x64xf32, #tpu.memory_space<vmem>>)
      %dma_wait3A_175 = arith.constant 40 : i32
      %dma_wait3A_176 = arith.constant 0 : i32
      %dma_wait3A_177 = tpu.memref_slice %arg7[%dma_wait3A_175, %dma_wait3A_176] : memref<200x64xf32, #tpu.memory_space<vmem>> -> memref<40x64xf32, #tpu.memory_space<vmem>>
      %dma_wait3A_178 = arith.constant 40 : i32
      %dma_wait3A_179 = tpu.memref_slice %arg5[%rem3A_113, %dma_wait3A_178] : memref<32x200xi32, #tpu.memory_space<vmem>> -> memref<1x40xi32, #tpu.memory_space<vmem>>
      %dma_wait3A_180 = tpu.memref_squeeze %dma_wait3A_179 : memref<1x40xi32, #tpu.memory_space<vmem>> -> memref<40xi32, #tpu.memory_space<vmem>>
      %dma_wait3A_181 = arith.constant 0 : i32
      %dma_wait3A_182 = arith.constant 0 : i32
      %dma_wait3A_183 = tpu.memref_slice %arg3[%dma_wait3A_181, %dma_wait3A_182] : memref<1000001x64xf32, #tpu.memory_space<hbm>> -> memref<1000001x64xf32, #tpu.memory_space<hbm>>
      tpu.wait_indirect_dma semaphore(%arg9 : memref<!tpu.dma_semaphore, #tpu.memory_space<semaphore_mem>>) src(%dma_wait3A_183 : memref<1000001x64xf32, #tpu.memory_space<hbm>>) dst(%dma_wait3A_177 : memref<40x64xf32, #tpu.memory_space<vmem>>)
      %dma_wait3A_184 = arith.constant 80 : i32
      %dma_wait3A_185 = arith.constant 0 : i32
      %dma_wait3A_186 = tpu.memref_slice %arg7[%dma_wait3A_184, %dma_wait3A_185] : memref<200x64xf32, #tpu.memory_space<vmem>> -> memref<40x64xf32, #tpu.memory_space<vmem>>
      %dma_wait3A_187 = arith.constant 80 : i32
      %dma_wait3A_188 = tpu.memref_slice %arg5[%rem3A_113, %dma_wait3A_187] : memref<32x200xi32, #tpu.memory_space<vmem>> -> memref<1x40xi32, #tpu.memory_space<vmem>>
      %dma_wait3A_189 = tpu.memref_squeeze %dma_wait3A_188 : memref<1x40xi32, #tpu.memory_space<vmem>> -> memref<40xi32, #tpu.memory_space<vmem>>
      %dma_wait3A_190 = arith.constant 0 : i32
      %dma_wait3A_191 = arith.constant 0 : i32
      %dma_wait3A_192 = tpu.memref_slice %arg3[%dma_wait3A_190, %dma_wait3A_191] : memref<1000001x64xf32, #tpu.memory_space<hbm>> -> memref<1000001x64xf32, #tpu.memory_space<hbm>>
      tpu.wait_indirect_dma semaphore(%arg9 : memref<!tpu.dma_semaphore, #tpu.memory_space<semaphore_mem>>) src(%dma_wait3A_192 : memref<1000001x64xf32, #tpu.memory_space<hbm>>) dst(%dma_wait3A_186 : memref<40x64xf32, #tpu.memory_space<vmem>>)
      %dma_wait3A_193 = arith.constant 120 : i32
      %dma_wait3A_194 = arith.constant 0 : i32
      %dma_wait3A_195 = tpu.memref_slice %arg7[%dma_wait3A_193, %dma_wait3A_194] : memref<200x64xf32, #tpu.memory_space<vmem>> -> memref<40x64xf32, #tpu.memory_space<vmem>>
      %dma_wait3A_196 = arith.constant 120 : i32
      %dma_wait3A_197 = tpu.memref_slice %arg5[%rem3A_113, %dma_wait3A_196] : memref<32x200xi32, #tpu.memory_space<vmem>> -> memref<1x40xi32, #tpu.memory_space<vmem>>
      %dma_wait3A_198 = tpu.memref_squeeze %dma_wait3A_197 : memref<1x40xi32, #tpu.memory_space<vmem>> -> memref<40xi32, #tpu.memory_space<vmem>>
      %dma_wait3A_199 = arith.constant 0 : i32
      %dma_wait3A_200 = arith.constant 0 : i32
      %dma_wait3A_201 = tpu.memref_slice %arg3[%dma_wait3A_199, %dma_wait3A_200] : memref<1000001x64xf32, #tpu.memory_space<hbm>> -> memref<1000001x64xf32, #tpu.memory_space<hbm>>
      tpu.wait_indirect_dma semaphore(%arg9 : memref<!tpu.dma_semaphore, #tpu.memory_space<semaphore_mem>>) src(%dma_wait3A_201 : memref<1000001x64xf32, #tpu.memory_space<hbm>>) dst(%dma_wait3A_195 : memref<40x64xf32, #tpu.memory_space<vmem>>)
      %dma_wait3A_202 = arith.constant 160 : i32
      %dma_wait3A_203 = arith.constant 0 : i32
      %dma_wait3A_204 = tpu.memref_slice %arg7[%dma_wait3A_202, %dma_wait3A_203] : memref<200x64xf32, #tpu.memory_space<vmem>> -> memref<40x64xf32, #tpu.memory_space<vmem>>
      %dma_wait3A_205 = arith.constant 160 : i32
      %dma_wait3A_206 = tpu.memref_slice %arg5[%rem3A_113, %dma_wait3A_205] : memref<32x200xi32, #tpu.memory_space<vmem>> -> memref<1x40xi32, #tpu.memory_space<vmem>>
      %dma_wait3A_207 = tpu.memref_squeeze %dma_wait3A_206 : memref<1x40xi32, #tpu.memory_space<vmem>> -> memref<40xi32, #tpu.memory_space<vmem>>
      %dma_wait3A_208 = arith.constant 0 : i32
      %dma_wait3A_209 = arith.constant 0 : i32
      %dma_wait3A_210 = tpu.memref_slice %arg3[%dma_wait3A_208, %dma_wait3A_209] : memref<1000001x64xf32, #tpu.memory_space<hbm>> -> memref<1000001x64xf32, #tpu.memory_space<hbm>>
      tpu.wait_indirect_dma semaphore(%arg9 : memref<!tpu.dma_semaphore, #tpu.memory_space<semaphore_mem>>) src(%dma_wait3A_210 : memref<1000001x64xf32, #tpu.memory_space<hbm>>) dst(%dma_wait3A_204 : memref<40x64xf32, #tpu.memory_space<vmem>>)
      %dma_wait3A_211 = arith.constant 0 : i32
      %dma_wait3A_212 = tpu.memref_slice %arg4[%mul3A_161, %dma_wait3A_211] : memref<204800x64xf32, #tpu.memory_space<hbm>> -> memref<200x64xf32, #tpu.memory_space<hbm>>
      %dma_wait3A_213 = arith.constant 0 : i32
      %dma_wait3A_214 = tpu.memref_slice %arg4[%mul3A_161, %dma_wait3A_213] : memref<204800x64xf32, #tpu.memory_space<hbm>> -> memref<200x64xf32, #tpu.memory_space<hbm>>
      tpu.wait_dma2 semaphore(%arg10 : memref<!tpu.dma_semaphore, #tpu.memory_space<semaphore_mem>>) src(%arg6 : memref<200x64xf32, #tpu.memory_space<vmem>>) dst(%dma_wait3A_214 : memref<200x64xf32, #tpu.memory_space<hbm>>)
      %mul3A_215 = arith.constant 2 : i32
      %mul3A_216 = arith.muli %scan3A_106, %mul3A_215 : i32
      %add3A_217 = arith.constant 1 : i32
      %add3A_218 = arith.addi %mul3A_216, %add3A_217 : i32
      %add3A_219 = arith.constant 1 : i32
      %add3A_220 = arith.addi %add3A_218, %add3A_219 : i32
      %rem3A_221 = arith.constant 32 : i32
      %rem3A_222 = arith.remsi %add3A_220, %rem3A_221 : i32
      %dma_start3A_223 = arith.constant 0 : i32
      %dma_start3A_224 = arith.constant 0 : i32
      %dma_start3A_225 = tpu.memref_slice %arg6[%dma_start3A_223, %dma_start3A_224] : memref<200x64xf32, #tpu.memory_space<vmem>> -> memref<40x64xf32, #tpu.memory_space<vmem>>
      %dma_start3A_226 = arith.constant 0 : i32
      %dma_start3A_227 = tpu.memref_slice %arg5[%rem3A_222, %dma_start3A_226] : memref<32x200xi32, #tpu.memory_space<vmem>> -> memref<1x40xi32, #tpu.memory_space<vmem>>
      %dma_start3A_228 = tpu.memref_squeeze %dma_start3A_227 : memref<1x40xi32, #tpu.memory_space<vmem>> -> memref<40xi32, #tpu.memory_space<vmem>>
      %dma_start3A_229 = arith.constant 0 : i32
      %dma_start3A_230 = arith.constant 0 : i32
      %dma_start3A_231 = tpu.memref_slice %arg3[%dma_start3A_229, %dma_start3A_230] : memref<1000001x64xf32, #tpu.memory_space<hbm>> -> memref<1000001x64xf32, #tpu.memory_space<hbm>>
      tpu.enqueue_indirect_dma source(%dma_start3A_231 : memref<1000001x64xf32, #tpu.memory_space<hbm>>) target(%dma_start3A_225 : memref<40x64xf32, #tpu.memory_space<vmem>>) offsets(%dma_start3A_228 : memref<40xi32, #tpu.memory_space<vmem>>) semaphore(%arg8 : memref<!tpu.dma_semaphore, #tpu.memory_space<semaphore_mem>>)
      %dma_start3A_232 = arith.constant 40 : i32
      %dma_start3A_233 = arith.constant 0 : i32
      %dma_start3A_234 = tpu.memref_slice %arg6[%dma_start3A_232, %dma_start3A_233] : memref<200x64xf32, #tpu.memory_space<vmem>> -> memref<40x64xf32, #tpu.memory_space<vmem>>
      %dma_start3A_235 = arith.constant 40 : i32
      %dma_start3A_236 = tpu.memref_slice %arg5[%rem3A_222, %dma_start3A_235] : memref<32x200xi32, #tpu.memory_space<vmem>> -> memref<1x40xi32, #tpu.memory_space<vmem>>
      %dma_start3A_237 = tpu.memref_squeeze %dma_start3A_236 : memref<1x40xi32, #tpu.memory_space<vmem>> -> memref<40xi32, #tpu.memory_space<vmem>>
      %dma_start3A_238 = arith.constant 0 : i32
      %dma_start3A_239 = arith.constant 0 : i32
      %dma_start3A_240 = tpu.memref_slice %arg3[%dma_start3A_238, %dma_start3A_239] : memref<1000001x64xf32, #tpu.memory_space<hbm>> -> memref<1000001x64xf32, #tpu.memory_space<hbm>>
      tpu.enqueue_indirect_dma source(%dma_start3A_240 : memref<1000001x64xf32, #tpu.memory_space<hbm>>) target(%dma_start3A_234 : memref<40x64xf32, #tpu.memory_space<vmem>>) offsets(%dma_start3A_237 : memref<40xi32, #tpu.memory_space<vmem>>) semaphore(%arg8 : memref<!tpu.dma_semaphore, #tpu.memory_space<semaphore_mem>>)
      %dma_start3A_241 = arith.constant 80 : i32
      %dma_start3A_242 = arith.constant 0 : i32
      %dma_start3A_243 = tpu.memref_slice %arg6[%dma_start3A_241, %dma_start3A_242] : memref<200x64xf32, #tpu.memory_space<vmem>> -> memref<40x64xf32, #tpu.memory_space<vmem>>
      %dma_start3A_244 = arith.constant 80 : i32
      %dma_start3A_245 = tpu.memref_slice %arg5[%rem3A_222, %dma_start3A_244] : memref<32x200xi32, #tpu.memory_space<vmem>> -> memref<1x40xi32, #tpu.memory_space<vmem>>
      %dma_start3A_246 = tpu.memref_squeeze %dma_start3A_245 : memref<1x40xi32, #tpu.memory_space<vmem>> -> memref<40xi32, #tpu.memory_space<vmem>>
      %dma_start3A_247 = arith.constant 0 : i32
      %dma_start3A_248 = arith.constant 0 : i32
      %dma_start3A_249 = tpu.memref_slice %arg3[%dma_start3A_247, %dma_start3A_248] : memref<1000001x64xf32, #tpu.memory_space<hbm>> -> memref<1000001x64xf32, #tpu.memory_space<hbm>>
      tpu.enqueue_indirect_dma source(%dma_start3A_249 : memref<1000001x64xf32, #tpu.memory_space<hbm>>) target(%dma_start3A_243 : memref<40x64xf32, #tpu.memory_space<vmem>>) offsets(%dma_start3A_246 : memref<40xi32, #tpu.memory_space<vmem>>) semaphore(%arg8 : memref<!tpu.dma_semaphore, #tpu.memory_space<semaphore_mem>>)
      %dma_start3A_250 = arith.constant 120 : i32
      %dma_start3A_251 = arith.constant 0 : i32
      %dma_start3A_252 = tpu.memref_slice %arg6[%dma_start3A_250, %dma_start3A_251] : memref<200x64xf32, #tpu.memory_space<vmem>> -> memref<40x64xf32, #tpu.memory_space<vmem>>
      %dma_start3A_253 = arith.constant 120 : i32
      %dma_start3A_254 = tpu.memref_slice %arg5[%rem3A_222, %dma_start3A_253] : memref<32x200xi32, #tpu.memory_space<vmem>> -> memref<1x40xi32, #tpu.memory_space<vmem>>
      %dma_start3A_255 = tpu.memref_squeeze %dma_start3A_254 : memref<1x40xi32, #tpu.memory_space<vmem>> -> memref<40xi32, #tpu.memory_space<vmem>>
      %dma_start3A_256 = arith.constant 0 : i32
      %dma_start3A_257 = arith.constant 0 : i32
      %dma_start3A_258 = tpu.memref_slice %arg3[%dma_start3A_256, %dma_start3A_257] : memref<1000001x64xf32, #tpu.memory_space<hbm>> -> memref<1000001x64xf32, #tpu.memory_space<hbm>>
      tpu.enqueue_indirect_dma source(%dma_start3A_258 : memref<1000001x64xf32, #tpu.memory_space<hbm>>) target(%dma_start3A_252 : memref<40x64xf32, #tpu.memory_space<vmem>>) offsets(%dma_start3A_255 : memref<40xi32, #tpu.memory_space<vmem>>) semaphore(%arg8 : memref<!tpu.dma_semaphore, #tpu.memory_space<semaphore_mem>>)
      %dma_start3A_259 = arith.constant 160 : i32
      %dma_start3A_260 = arith.constant 0 : i32
      %dma_start3A_261 = tpu.memref_slice %arg6[%dma_start3A_259, %dma_start3A_260] : memref<200x64xf32, #tpu.memory_space<vmem>> -> memref<40x64xf32, #tpu.memory_space<vmem>>
      %dma_start3A_262 = arith.constant 160 : i32
      %dma_start3A_263 = tpu.memref_slice %arg5[%rem3A_222, %dma_start3A_262] : memref<32x200xi32, #tpu.memory_space<vmem>> -> memref<1x40xi32, #tpu.memory_space<vmem>>
      %dma_start3A_264 = tpu.memref_squeeze %dma_start3A_263 : memref<1x40xi32, #tpu.memory_space<vmem>> -> memref<40xi32, #tpu.memory_space<vmem>>
      %dma_start3A_265 = arith.constant 0 : i32
      %dma_start3A_266 = arith.constant 0 : i32
      %dma_start3A_267 = tpu.memref_slice %arg3[%dma_start3A_265, %dma_start3A_266] : memref<1000001x64xf32, #tpu.memory_space<hbm>> -> memref<1000001x64xf32, #tpu.memory_space<hbm>>
      tpu.enqueue_indirect_dma source(%dma_start3A_267 : memref<1000001x64xf32, #tpu.memory_space<hbm>>) target(%dma_start3A_261 : memref<40x64xf32, #tpu.memory_space<vmem>>) offsets(%dma_start3A_264 : memref<40xi32, #tpu.memory_space<vmem>>) semaphore(%arg8 : memref<!tpu.dma_semaphore, #tpu.memory_space<semaphore_mem>>)
      %add3A_268 = arith.addi %mul3A_2, %add3A_218 : i32
      %mul3A_269 = arith.constant 200 : i32
      %mul3A_270 = arith.muli %add3A_268, %mul3A_269 : i32
      %dma_start3A_271 = arith.constant 0 : i32
      %dma_start3A_272 = tpu.memref_slice %arg4[%mul3A_270, %dma_start3A_271] : memref<204800x64xf32, #tpu.memory_space<hbm>> -> memref<200x64xf32, #tpu.memory_space<hbm>>
      %dma_start3A_273 = arith.constant 0 : i32
      %dma_start3A_274 = tpu.memref_slice %arg4[%mul3A_270, %dma_start3A_273] : memref<204800x64xf32, #tpu.memory_space<hbm>> -> memref<200x64xf32, #tpu.memory_space<hbm>>
      tpu.enqueue_dma source(%arg7 : memref<200x64xf32, #tpu.memory_space<vmem>>) target(%dma_start3A_274 : memref<200x64xf32, #tpu.memory_space<hbm>>) target_semaphore(%arg11 : memref<!tpu.dma_semaphore, #tpu.memory_space<semaphore_mem>>)
      %dma_wait3A_275 = arith.constant 0 : i32
      %dma_wait3A_276 = arith.constant 0 : i32
      %dma_wait3A_277 = tpu.memref_slice %arg6[%dma_wait3A_275, %dma_wait3A_276] : memref<200x64xf32, #tpu.memory_space<vmem>> -> memref<40x64xf32, #tpu.memory_space<vmem>>
      %dma_wait3A_278 = arith.constant 0 : i32
      %dma_wait3A_279 = tpu.memref_slice %arg5[%rem3A_222, %dma_wait3A_278] : memref<32x200xi32, #tpu.memory_space<vmem>> -> memref<1x40xi32, #tpu.memory_space<vmem>>
      %dma_wait3A_280 = tpu.memref_squeeze %dma_wait3A_279 : memref<1x40xi32, #tpu.memory_space<vmem>> -> memref<40xi32, #tpu.memory_space<vmem>>
      %dma_wait3A_281 = arith.constant 0 : i32
      %dma_wait3A_282 = arith.constant 0 : i32
      %dma_wait3A_283 = tpu.memref_slice %arg3[%dma_wait3A_281, %dma_wait3A_282] : memref<1000001x64xf32, #tpu.memory_space<hbm>> -> memref<1000001x64xf32, #tpu.memory_space<hbm>>
      tpu.wait_indirect_dma semaphore(%arg8 : memref<!tpu.dma_semaphore, #tpu.memory_space<semaphore_mem>>) src(%dma_wait3A_283 : memref<1000001x64xf32, #tpu.memory_space<hbm>>) dst(%dma_wait3A_277 : memref<40x64xf32, #tpu.memory_space<vmem>>)
      %dma_wait3A_284 = arith.constant 40 : i32
      %dma_wait3A_285 = arith.constant 0 : i32
      %dma_wait3A_286 = tpu.memref_slice %arg6[%dma_wait3A_284, %dma_wait3A_285] : memref<200x64xf32, #tpu.memory_space<vmem>> -> memref<40x64xf32, #tpu.memory_space<vmem>>
      %dma_wait3A_287 = arith.constant 40 : i32
      %dma_wait3A_288 = tpu.memref_slice %arg5[%rem3A_222, %dma_wait3A_287] : memref<32x200xi32, #tpu.memory_space<vmem>> -> memref<1x40xi32, #tpu.memory_space<vmem>>
      %dma_wait3A_289 = tpu.memref_squeeze %dma_wait3A_288 : memref<1x40xi32, #tpu.memory_space<vmem>> -> memref<40xi32, #tpu.memory_space<vmem>>
      %dma_wait3A_290 = arith.constant 0 : i32
      %dma_wait3A_291 = arith.constant 0 : i32
      %dma_wait3A_292 = tpu.memref_slice %arg3[%dma_wait3A_290, %dma_wait3A_291] : memref<1000001x64xf32, #tpu.memory_space<hbm>> -> memref<1000001x64xf32, #tpu.memory_space<hbm>>
      tpu.wait_indirect_dma semaphore(%arg8 : memref<!tpu.dma_semaphore, #tpu.memory_space<semaphore_mem>>) src(%dma_wait3A_292 : memref<1000001x64xf32, #tpu.memory_space<hbm>>) dst(%dma_wait3A_286 : memref<40x64xf32, #tpu.memory_space<vmem>>)
      %dma_wait3A_293 = arith.constant 80 : i32
      %dma_wait3A_294 = arith.constant 0 : i32
      %dma_wait3A_295 = tpu.memref_slice %arg6[%dma_wait3A_293, %dma_wait3A_294] : memref<200x64xf32, #tpu.memory_space<vmem>> -> memref<40x64xf32, #tpu.memory_space<vmem>>
      %dma_wait3A_296 = arith.constant 80 : i32
      %dma_wait3A_297 = tpu.memref_slice %arg5[%rem3A_222, %dma_wait3A_296] : memref<32x200xi32, #tpu.memory_space<vmem>> -> memref<1x40xi32, #tpu.memory_space<vmem>>
      %dma_wait3A_298 = tpu.memref_squeeze %dma_wait3A_297 : memref<1x40xi32, #tpu.memory_space<vmem>> -> memref<40xi32, #tpu.memory_space<vmem>>
      %dma_wait3A_299 = arith.constant 0 : i32
      %dma_wait3A_300 = arith.constant 0 : i32
      %dma_wait3A_301 = tpu.memref_slice %arg3[%dma_wait3A_299, %dma_wait3A_300] : memref<1000001x64xf32, #tpu.memory_space<hbm>> -> memref<1000001x64xf32, #tpu.memory_space<hbm>>
      tpu.wait_indirect_dma semaphore(%arg8 : memref<!tpu.dma_semaphore, #tpu.memory_space<semaphore_mem>>) src(%dma_wait3A_301 : memref<1000001x64xf32, #tpu.memory_space<hbm>>) dst(%dma_wait3A_295 : memref<40x64xf32, #tpu.memory_space<vmem>>)
      %dma_wait3A_302 = arith.constant 120 : i32
      %dma_wait3A_303 = arith.constant 0 : i32
      %dma_wait3A_304 = tpu.memref_slice %arg6[%dma_wait3A_302, %dma_wait3A_303] : memref<200x64xf32, #tpu.memory_space<vmem>> -> memref<40x64xf32, #tpu.memory_space<vmem>>
      %dma_wait3A_305 = arith.constant 120 : i32
      %dma_wait3A_306 = tpu.memref_slice %arg5[%rem3A_222, %dma_wait3A_305] : memref<32x200xi32, #tpu.memory_space<vmem>> -> memref<1x40xi32, #tpu.memory_space<vmem>>
      %dma_wait3A_307 = tpu.memref_squeeze %dma_wait3A_306 : memref<1x40xi32, #tpu.memory_space<vmem>> -> memref<40xi32, #tpu.memory_space<vmem>>
      %dma_wait3A_308 = arith.constant 0 : i32
      %dma_wait3A_309 = arith.constant 0 : i32
      %dma_wait3A_310 = tpu.memref_slice %arg3[%dma_wait3A_308, %dma_wait3A_309] : memref<1000001x64xf32, #tpu.memory_space<hbm>> -> memref<1000001x64xf32, #tpu.memory_space<hbm>>
      tpu.wait_indirect_dma semaphore(%arg8 : memref<!tpu.dma_semaphore, #tpu.memory_space<semaphore_mem>>) src(%dma_wait3A_310 : memref<1000001x64xf32, #tpu.memory_space<hbm>>) dst(%dma_wait3A_304 : memref<40x64xf32, #tpu.memory_space<vmem>>)
      %dma_wait3A_311 = arith.constant 160 : i32
      %dma_wait3A_312 = arith.constant 0 : i32
      %dma_wait3A_313 = tpu.memref_slice %arg6[%dma_wait3A_311, %dma_wait3A_312] : memref<200x64xf32, #tpu.memory_space<vmem>> -> memref<40x64xf32, #tpu.memory_space<vmem>>
      %dma_wait3A_314 = arith.constant 160 : i32
      %dma_wait3A_315 = tpu.memref_slice %arg5[%rem3A_222, %dma_wait3A_314] : memref<32x200xi32, #tpu.memory_space<vmem>> -> memref<1x40xi32, #tpu.memory_space<vmem>>
      %dma_wait3A_316 = tpu.memref_squeeze %dma_wait3A_315 : memref<1x40xi32, #tpu.memory_space<vmem>> -> memref<40xi32, #tpu.memory_space<vmem>>
      %dma_wait3A_317 = arith.constant 0 : i32
      %dma_wait3A_318 = arith.constant 0 : i32
      %dma_wait3A_319 = tpu.memref_slice %arg3[%dma_wait3A_317, %dma_wait3A_318] : memref<1000001x64xf32, #tpu.memory_space<hbm>> -> memref<1000001x64xf32, #tpu.memory_space<hbm>>
      tpu.wait_indirect_dma semaphore(%arg8 : memref<!tpu.dma_semaphore, #tpu.memory_space<semaphore_mem>>) src(%dma_wait3A_319 : memref<1000001x64xf32, #tpu.memory_space<hbm>>) dst(%dma_wait3A_313 : memref<40x64xf32, #tpu.memory_space<vmem>>)
      %dma_wait3A_320 = arith.constant 0 : i32
      %dma_wait3A_321 = tpu.memref_slice %arg4[%mul3A_270, %dma_wait3A_320] : memref<204800x64xf32, #tpu.memory_space<hbm>> -> memref<200x64xf32, #tpu.memory_space<hbm>>
      %dma_wait3A_322 = arith.constant 0 : i32
      %dma_wait3A_323 = tpu.memref_slice %arg4[%mul3A_270, %dma_wait3A_322] : memref<204800x64xf32, #tpu.memory_space<hbm>> -> memref<200x64xf32, #tpu.memory_space<hbm>>
      tpu.wait_dma2 semaphore(%arg11 : memref<!tpu.dma_semaphore, #tpu.memory_space<semaphore_mem>>) src(%arg7 : memref<200x64xf32, #tpu.memory_space<vmem>>) dst(%dma_wait3A_323 : memref<200x64xf32, #tpu.memory_space<hbm>>)
    }
    %scan3A_105 = arith.constant 16 : i32
    return
  }
}

#map = affine_map<(d0, d1) -> (0, 0)>
module attributes {stable_mosaic.version = 14 : i64} {
  func.func @k(%arg0: i32, %arg1: i32, %arg2: memref<1024x200xi32, #tpu.memory_space<hbm>>, %arg3: memref<1000001x64xf32, #tpu.memory_space<hbm>>, %arg4: memref<204800x64xf32, #tpu.memory_space<hbm>>, %arg5: memref<32x200xi32, #tpu.memory_space<vmem>>, %arg6: memref<200x64xf32, #tpu.memory_space<vmem>>, %arg7: memref<200x64xf32, #tpu.memory_space<vmem>>, %arg8: memref<!tpu.dma_semaphore, #tpu.memory_space<semaphore_mem>>, %arg9: memref<!tpu.dma_semaphore, #tpu.memory_space<semaphore_mem>>, %arg10: memref<!tpu.dma_semaphore, #tpu.memory_space<semaphore_mem>>, %arg11: memref<!tpu.dma_semaphore, #tpu.memory_space<semaphore_mem>>) attributes {dimension_semantics = [#tpu.dimension_semantics<core_parallel>, #tpu.dimension_semantics<subcore_parallel>], iteration_bounds = array<i64: 2, 16>, scalar_prefetch = 0 : i64, scratch_operands = 7 : i64, tpu.core_type = #tpu.core_type<sc_vector_subcore>, window_params = [{transform_indices = #map}, {transform_indices = #map}, {transform_indices = #map}]} {
    %mul3A = arith.constant 2 : i32
    %mul3A_0 = arith.muli %arg1, %mul3A : i32
    %add3A = arith.addi %mul3A_0, %arg0 : i32
    %mul3A_1 = arith.constant 32 : i32
    %mul3A_2 = arith.muli %add3A, %mul3A_1 : i32
    "tpu.region"() ({
      %run_scoped3A = tpu.sem_alloc : memref<!tpu.dma_semaphore, #tpu.memory_space<semaphore_mem>>
      %dma_start3A_106 = arith.constant 0 : i32
      %dma_start3A_107 = tpu.memref_slice %arg2[%mul3A_2, %dma_start3A_106] : memref<1024x200xi32, #tpu.memory_space<hbm>> -> memref<32x200xi32, #tpu.memory_space<hbm>>
      %dma_start3A_108 = arith.constant 0 : i32
      %dma_start3A_109 = tpu.memref_slice %arg2[%mul3A_2, %dma_start3A_108] : memref<1024x200xi32, #tpu.memory_space<hbm>> -> memref<32x200xi32, #tpu.memory_space<hbm>>
      tpu.enqueue_dma source(%dma_start3A_109 : memref<32x200xi32, #tpu.memory_space<hbm>>) target(%arg5 : memref<32x200xi32, #tpu.memory_space<vmem>>) target_semaphore(%run_scoped3A : memref<!tpu.dma_semaphore, #tpu.memory_space<semaphore_mem>>)
      %dma_wait3A_110 = arith.constant 0 : i32
      %dma_wait3A_111 = tpu.memref_slice %arg2[%mul3A_2, %dma_wait3A_110] : memref<1024x200xi32, #tpu.memory_space<hbm>> -> memref<32x200xi32, #tpu.memory_space<hbm>>
      %dma_wait3A_112 = arith.constant 0 : i32
      %dma_wait3A_113 = tpu.memref_slice %arg2[%mul3A_2, %dma_wait3A_112] : memref<1024x200xi32, #tpu.memory_space<hbm>> -> memref<32x200xi32, #tpu.memory_space<hbm>>
      tpu.wait_dma2 semaphore(%run_scoped3A : memref<!tpu.dma_semaphore, #tpu.memory_space<semaphore_mem>>) src(%dma_wait3A_113 : memref<32x200xi32, #tpu.memory_space<hbm>>) dst(%arg5 : memref<32x200xi32, #tpu.memory_space<vmem>>)
      tpu.yield
    }) : () -> ()
    %dma_start3A = arith.constant 0 : i32
    %dma_start3A_3 = arith.constant 0 : i32
    %dma_start3A_4 = arith.constant 0 : i32
    %dma_start3A_5 = tpu.memref_slice %arg6[%dma_start3A_3, %dma_start3A_4] : memref<200x64xf32, #tpu.memory_space<vmem>> -> memref<40x64xf32, #tpu.memory_space<vmem>>
    %dma_start3A_6 = arith.constant 0 : i32
    %dma_start3A_7 = tpu.memref_slice %arg5[%dma_start3A, %dma_start3A_6] : memref<32x200xi32, #tpu.memory_space<vmem>> -> memref<1x40xi32, #tpu.memory_space<vmem>>
    %dma_start3A_8 = tpu.memref_squeeze %dma_start3A_7 : memref<1x40xi32, #tpu.memory_space<vmem>> -> memref<40xi32, #tpu.memory_space<vmem>>
    %dma_start3A_9 = arith.constant 0 : i32
    %dma_start3A_10 = arith.constant 0 : i32
    %dma_start3A_11 = tpu.memref_slice %arg3[%dma_start3A_9, %dma_start3A_10] : memref<1000001x64xf32, #tpu.memory_space<hbm>> -> memref<1000001x64xf32, #tpu.memory_space<hbm>>
    tpu.enqueue_indirect_dma source(%dma_start3A_11 : memref<1000001x64xf32, #tpu.memory_space<hbm>>) target(%dma_start3A_5 : memref<40x64xf32, #tpu.memory_space<vmem>>) offsets(%dma_start3A_8 : memref<40xi32, #tpu.memory_space<vmem>>) semaphore(%arg8 : memref<!tpu.dma_semaphore, #tpu.memory_space<semaphore_mem>>)
    %dma_start3A_12 = arith.constant 0 : i32
    %dma_start3A_13 = arith.constant 40 : i32
    %dma_start3A_14 = arith.constant 0 : i32
    %dma_start3A_15 = tpu.memref_slice %arg6[%dma_start3A_13, %dma_start3A_14] : memref<200x64xf32, #tpu.memory_space<vmem>> -> memref<40x64xf32, #tpu.memory_space<vmem>>
    %dma_start3A_16 = arith.constant 40 : i32
    %dma_start3A_17 = tpu.memref_slice %arg5[%dma_start3A_12, %dma_start3A_16] : memref<32x200xi32, #tpu.memory_space<vmem>> -> memref<1x40xi32, #tpu.memory_space<vmem>>
    %dma_start3A_18 = tpu.memref_squeeze %dma_start3A_17 : memref<1x40xi32, #tpu.memory_space<vmem>> -> memref<40xi32, #tpu.memory_space<vmem>>
    %dma_start3A_19 = arith.constant 0 : i32
    %dma_start3A_20 = arith.constant 0 : i32
    %dma_start3A_21 = tpu.memref_slice %arg3[%dma_start3A_19, %dma_start3A_20] : memref<1000001x64xf32, #tpu.memory_space<hbm>> -> memref<1000001x64xf32, #tpu.memory_space<hbm>>
    tpu.enqueue_indirect_dma source(%dma_start3A_21 : memref<1000001x64xf32, #tpu.memory_space<hbm>>) target(%dma_start3A_15 : memref<40x64xf32, #tpu.memory_space<vmem>>) offsets(%dma_start3A_18 : memref<40xi32, #tpu.memory_space<vmem>>) semaphore(%arg8 : memref<!tpu.dma_semaphore, #tpu.memory_space<semaphore_mem>>)
    %dma_start3A_22 = arith.constant 0 : i32
    %dma_start3A_23 = arith.constant 80 : i32
    %dma_start3A_24 = arith.constant 0 : i32
    %dma_start3A_25 = tpu.memref_slice %arg6[%dma_start3A_23, %dma_start3A_24] : memref<200x64xf32, #tpu.memory_space<vmem>> -> memref<40x64xf32, #tpu.memory_space<vmem>>
    %dma_start3A_26 = arith.constant 80 : i32
    %dma_start3A_27 = tpu.memref_slice %arg5[%dma_start3A_22, %dma_start3A_26] : memref<32x200xi32, #tpu.memory_space<vmem>> -> memref<1x40xi32, #tpu.memory_space<vmem>>
    %dma_start3A_28 = tpu.memref_squeeze %dma_start3A_27 : memref<1x40xi32, #tpu.memory_space<vmem>> -> memref<40xi32, #tpu.memory_space<vmem>>
    %dma_start3A_29 = arith.constant 0 : i32
    %dma_start3A_30 = arith.constant 0 : i32
    %dma_start3A_31 = tpu.memref_slice %arg3[%dma_start3A_29, %dma_start3A_30] : memref<1000001x64xf32, #tpu.memory_space<hbm>> -> memref<1000001x64xf32, #tpu.memory_space<hbm>>
    tpu.enqueue_indirect_dma source(%dma_start3A_31 : memref<1000001x64xf32, #tpu.memory_space<hbm>>) target(%dma_start3A_25 : memref<40x64xf32, #tpu.memory_space<vmem>>) offsets(%dma_start3A_28 : memref<40xi32, #tpu.memory_space<vmem>>) semaphore(%arg8 : memref<!tpu.dma_semaphore, #tpu.memory_space<semaphore_mem>>)
    %dma_start3A_32 = arith.constant 0 : i32
    %dma_start3A_33 = arith.constant 120 : i32
    %dma_start3A_34 = arith.constant 0 : i32
    %dma_start3A_35 = tpu.memref_slice %arg6[%dma_start3A_33, %dma_start3A_34] : memref<200x64xf32, #tpu.memory_space<vmem>> -> memref<40x64xf32, #tpu.memory_space<vmem>>
    %dma_start3A_36 = arith.constant 120 : i32
    %dma_start3A_37 = tpu.memref_slice %arg5[%dma_start3A_32, %dma_start3A_36] : memref<32x200xi32, #tpu.memory_space<vmem>> -> memref<1x40xi32, #tpu.memory_space<vmem>>
    %dma_start3A_38 = tpu.memref_squeeze %dma_start3A_37 : memref<1x40xi32, #tpu.memory_space<vmem>> -> memref<40xi32, #tpu.memory_space<vmem>>
    %dma_start3A_39 = arith.constant 0 : i32
    %dma_start3A_40 = arith.constant 0 : i32
    %dma_start3A_41 = tpu.memref_slice %arg3[%dma_start3A_39, %dma_start3A_40] : memref<1000001x64xf32, #tpu.memory_space<hbm>> -> memref<1000001x64xf32, #tpu.memory_space<hbm>>
    tpu.enqueue_indirect_dma source(%dma_start3A_41 : memref<1000001x64xf32, #tpu.memory_space<hbm>>) target(%dma_start3A_35 : memref<40x64xf32, #tpu.memory_space<vmem>>) offsets(%dma_start3A_38 : memref<40xi32, #tpu.memory_space<vmem>>) semaphore(%arg8 : memref<!tpu.dma_semaphore, #tpu.memory_space<semaphore_mem>>)
    %dma_start3A_42 = arith.constant 0 : i32
    %dma_start3A_43 = arith.constant 160 : i32
    %dma_start3A_44 = arith.constant 0 : i32
    %dma_start3A_45 = tpu.memref_slice %arg6[%dma_start3A_43, %dma_start3A_44] : memref<200x64xf32, #tpu.memory_space<vmem>> -> memref<40x64xf32, #tpu.memory_space<vmem>>
    %dma_start3A_46 = arith.constant 160 : i32
    %dma_start3A_47 = tpu.memref_slice %arg5[%dma_start3A_42, %dma_start3A_46] : memref<32x200xi32, #tpu.memory_space<vmem>> -> memref<1x40xi32, #tpu.memory_space<vmem>>
    %dma_start3A_48 = tpu.memref_squeeze %dma_start3A_47 : memref<1x40xi32, #tpu.memory_space<vmem>> -> memref<40xi32, #tpu.memory_space<vmem>>
    %dma_start3A_49 = arith.constant 0 : i32
    %dma_start3A_50 = arith.constant 0 : i32
    %dma_start3A_51 = tpu.memref_slice %arg3[%dma_start3A_49, %dma_start3A_50] : memref<1000001x64xf32, #tpu.memory_space<hbm>> -> memref<1000001x64xf32, #tpu.memory_space<hbm>>
    tpu.enqueue_indirect_dma source(%dma_start3A_51 : memref<1000001x64xf32, #tpu.memory_space<hbm>>) target(%dma_start3A_45 : memref<40x64xf32, #tpu.memory_space<vmem>>) offsets(%dma_start3A_48 : memref<40xi32, #tpu.memory_space<vmem>>) semaphore(%arg8 : memref<!tpu.dma_semaphore, #tpu.memory_space<semaphore_mem>>)
    %dma_wait3A = arith.constant 0 : i32
    %dma_wait3A_52 = arith.constant 0 : i32
    %dma_wait3A_53 = arith.constant 0 : i32
    %dma_wait3A_54 = tpu.memref_slice %arg6[%dma_wait3A_52, %dma_wait3A_53] : memref<200x64xf32, #tpu.memory_space<vmem>> -> memref<40x64xf32, #tpu.memory_space<vmem>>
    %dma_wait3A_55 = arith.constant 0 : i32
    %dma_wait3A_56 = tpu.memref_slice %arg5[%dma_wait3A, %dma_wait3A_55] : memref<32x200xi32, #tpu.memory_space<vmem>> -> memref<1x40xi32, #tpu.memory_space<vmem>>
    %dma_wait3A_57 = tpu.memref_squeeze %dma_wait3A_56 : memref<1x40xi32, #tpu.memory_space<vmem>> -> memref<40xi32, #tpu.memory_space<vmem>>
    %dma_wait3A_58 = arith.constant 0 : i32
    %dma_wait3A_59 = arith.constant 0 : i32
    %dma_wait3A_60 = tpu.memref_slice %arg3[%dma_wait3A_58, %dma_wait3A_59] : memref<1000001x64xf32, #tpu.memory_space<hbm>> -> memref<1000001x64xf32, #tpu.memory_space<hbm>>
    tpu.wait_indirect_dma semaphore(%arg8 : memref<!tpu.dma_semaphore, #tpu.memory_space<semaphore_mem>>) src(%dma_wait3A_60 : memref<1000001x64xf32, #tpu.memory_space<hbm>>) dst(%dma_wait3A_54 : memref<40x64xf32, #tpu.memory_space<vmem>>)
    %dma_wait3A_61 = arith.constant 0 : i32
    %dma_wait3A_62 = arith.constant 40 : i32
    %dma_wait3A_63 = arith.constant 0 : i32
    %dma_wait3A_64 = tpu.memref_slice %arg6[%dma_wait3A_62, %dma_wait3A_63] : memref<200x64xf32, #tpu.memory_space<vmem>> -> memref<40x64xf32, #tpu.memory_space<vmem>>
    %dma_wait3A_65 = arith.constant 40 : i32
    %dma_wait3A_66 = tpu.memref_slice %arg5[%dma_wait3A_61, %dma_wait3A_65] : memref<32x200xi32, #tpu.memory_space<vmem>> -> memref<1x40xi32, #tpu.memory_space<vmem>>
    %dma_wait3A_67 = tpu.memref_squeeze %dma_wait3A_66 : memref<1x40xi32, #tpu.memory_space<vmem>> -> memref<40xi32, #tpu.memory_space<vmem>>
    %dma_wait3A_68 = arith.constant 0 : i32
    %dma_wait3A_69 = arith.constant 0 : i32
    %dma_wait3A_70 = tpu.memref_slice %arg3[%dma_wait3A_68, %dma_wait3A_69] : memref<1000001x64xf32, #tpu.memory_space<hbm>> -> memref<1000001x64xf32, #tpu.memory_space<hbm>>
    tpu.wait_indirect_dma semaphore(%arg8 : memref<!tpu.dma_semaphore, #tpu.memory_space<semaphore_mem>>) src(%dma_wait3A_70 : memref<1000001x64xf32, #tpu.memory_space<hbm>>) dst(%dma_wait3A_64 : memref<40x64xf32, #tpu.memory_space<vmem>>)
    %dma_wait3A_71 = arith.constant 0 : i32
    %dma_wait3A_72 = arith.constant 80 : i32
    %dma_wait3A_73 = arith.constant 0 : i32
    %dma_wait3A_74 = tpu.memref_slice %arg6[%dma_wait3A_72, %dma_wait3A_73] : memref<200x64xf32, #tpu.memory_space<vmem>> -> memref<40x64xf32, #tpu.memory_space<vmem>>
    %dma_wait3A_75 = arith.constant 80 : i32
    %dma_wait3A_76 = tpu.memref_slice %arg5[%dma_wait3A_71, %dma_wait3A_75] : memref<32x200xi32, #tpu.memory_space<vmem>> -> memref<1x40xi32, #tpu.memory_space<vmem>>
    %dma_wait3A_77 = tpu.memref_squeeze %dma_wait3A_76 : memref<1x40xi32, #tpu.memory_space<vmem>> -> memref<40xi32, #tpu.memory_space<vmem>>
    %dma_wait3A_78 = arith.constant 0 : i32
    %dma_wait3A_79 = arith.constant 0 : i32
    %dma_wait3A_80 = tpu.memref_slice %arg3[%dma_wait3A_78, %dma_wait3A_79] : memref<1000001x64xf32, #tpu.memory_space<hbm>> -> memref<1000001x64xf32, #tpu.memory_space<hbm>>
    tpu.wait_indirect_dma semaphore(%arg8 : memref<!tpu.dma_semaphore, #tpu.memory_space<semaphore_mem>>) src(%dma_wait3A_80 : memref<1000001x64xf32, #tpu.memory_space<hbm>>) dst(%dma_wait3A_74 : memref<40x64xf32, #tpu.memory_space<vmem>>)
    %dma_wait3A_81 = arith.constant 0 : i32
    %dma_wait3A_82 = arith.constant 120 : i32
    %dma_wait3A_83 = arith.constant 0 : i32
    %dma_wait3A_84 = tpu.memref_slice %arg6[%dma_wait3A_82, %dma_wait3A_83] : memref<200x64xf32, #tpu.memory_space<vmem>> -> memref<40x64xf32, #tpu.memory_space<vmem>>
    %dma_wait3A_85 = arith.constant 120 : i32
    %dma_wait3A_86 = tpu.memref_slice %arg5[%dma_wait3A_81, %dma_wait3A_85] : memref<32x200xi32, #tpu.memory_space<vmem>> -> memref<1x40xi32, #tpu.memory_space<vmem>>
    %dma_wait3A_87 = tpu.memref_squeeze %dma_wait3A_86 : memref<1x40xi32, #tpu.memory_space<vmem>> -> memref<40xi32, #tpu.memory_space<vmem>>
    %dma_wait3A_88 = arith.constant 0 : i32
    %dma_wait3A_89 = arith.constant 0 : i32
    %dma_wait3A_90 = tpu.memref_slice %arg3[%dma_wait3A_88, %dma_wait3A_89] : memref<1000001x64xf32, #tpu.memory_space<hbm>> -> memref<1000001x64xf32, #tpu.memory_space<hbm>>
    tpu.wait_indirect_dma semaphore(%arg8 : memref<!tpu.dma_semaphore, #tpu.memory_space<semaphore_mem>>) src(%dma_wait3A_90 : memref<1000001x64xf32, #tpu.memory_space<hbm>>) dst(%dma_wait3A_84 : memref<40x64xf32, #tpu.memory_space<vmem>>)
    %dma_wait3A_91 = arith.constant 0 : i32
    %dma_wait3A_92 = arith.constant 160 : i32
    %dma_wait3A_93 = arith.constant 0 : i32
    %dma_wait3A_94 = tpu.memref_slice %arg6[%dma_wait3A_92, %dma_wait3A_93] : memref<200x64xf32, #tpu.memory_space<vmem>> -> memref<40x64xf32, #tpu.memory_space<vmem>>
    %dma_wait3A_95 = arith.constant 160 : i32
    %dma_wait3A_96 = tpu.memref_slice %arg5[%dma_wait3A_91, %dma_wait3A_95] : memref<32x200xi32, #tpu.memory_space<vmem>> -> memref<1x40xi32, #tpu.memory_space<vmem>>
    %dma_wait3A_97 = tpu.memref_squeeze %dma_wait3A_96 : memref<1x40xi32, #tpu.memory_space<vmem>> -> memref<40xi32, #tpu.memory_space<vmem>>
    %dma_wait3A_98 = arith.constant 0 : i32
    %dma_wait3A_99 = arith.constant 0 : i32
    %dma_wait3A_100 = tpu.memref_slice %arg3[%dma_wait3A_98, %dma_wait3A_99] : memref<1000001x64xf32, #tpu.memory_space<hbm>> -> memref<1000001x64xf32, #tpu.memory_space<hbm>>
    tpu.wait_indirect_dma semaphore(%arg8 : memref<!tpu.dma_semaphore, #tpu.memory_space<semaphore_mem>>) src(%dma_wait3A_100 : memref<1000001x64xf32, #tpu.memory_space<hbm>>) dst(%dma_wait3A_94 : memref<40x64xf32, #tpu.memory_space<vmem>>)
    %scan3A = arith.constant 0 : i32
    %scan3A_101 = arith.constant 0 : i32
    %scan3A_102 = arith.constant 16 : i32
    %scan3A_103 = arith.addi %scan3A_101, %scan3A_102 : i32
    %scan3A_104 = arith.constant 1 : i32
    scf.for %scan3A_106 = %scan3A_101 to %scan3A_103 step %scan3A_104  : i32 {
      %mul3A_107 = arith.constant 2 : i32
      %mul3A_108 = arith.muli %scan3A_106, %mul3A_107 : i32
      %add3A_109 = arith.constant 0 : i32
      %add3A_110 = arith.addi %mul3A_108, %add3A_109 : i32
      %add3A_111 = arith.constant 1 : i32
      %add3A_112 = arith.addi %add3A_110, %add3A_111 : i32
      %rem3A = arith.constant 32 : i32
      %rem3A_113 = arith.remsi %add3A_112, %rem3A : i32
      %dma_start3A_114 = arith.constant 0 : i32
      %dma_start3A_115 = arith.constant 0 : i32
      %dma_start3A_116 = tpu.memref_slice %arg7[%dma_start3A_114, %dma_start3A_115] : memref<200x64xf32, #tpu.memory_space<vmem>> -> memref<40x64xf32, #tpu.memory_space<vmem>>
      %dma_start3A_117 = arith.constant 0 : i32
      %dma_start3A_118 = tpu.memref_slice %arg5[%rem3A_113, %dma_start3A_117] : memref<32x200xi32, #tpu.memory_space<vmem>> -> memref<1x40xi32, #tpu.memory_space<vmem>>
      %dma_start3A_119 = tpu.memref_squeeze %dma_start3A_118 : memref<1x40xi32, #tpu.memory_space<vmem>> -> memref<40xi32, #tpu.memory_space<vmem>>
      %dma_start3A_120 = arith.constant 0 : i32
      %dma_start3A_121 = arith.constant 0 : i32
      %dma_start3A_122 = tpu.memref_slice %arg3[%dma_start3A_120, %dma_start3A_121] : memref<1000001x64xf32, #tpu.memory_space<hbm>> -> memref<1000001x64xf32, #tpu.memory_space<hbm>>
      tpu.enqueue_indirect_dma source(%dma_start3A_122 : memref<1000001x64xf32, #tpu.memory_space<hbm>>) target(%dma_start3A_116 : memref<40x64xf32, #tpu.memory_space<vmem>>) offsets(%dma_start3A_119 : memref<40xi32, #tpu.memory_space<vmem>>) semaphore(%arg9 : memref<!tpu.dma_semaphore, #tpu.memory_space<semaphore_mem>>)
      %dma_start3A_123 = arith.constant 40 : i32
      %dma_start3A_124 = arith.constant 0 : i32
      %dma_start3A_125 = tpu.memref_slice %arg7[%dma_start3A_123, %dma_start3A_124] : memref<200x64xf32, #tpu.memory_space<vmem>> -> memref<40x64xf32, #tpu.memory_space<vmem>>
      %dma_start3A_126 = arith.constant 40 : i32
      %dma_start3A_127 = tpu.memref_slice %arg5[%rem3A_113, %dma_start3A_126] : memref<32x200xi32, #tpu.memory_space<vmem>> -> memref<1x40xi32, #tpu.memory_space<vmem>>
      %dma_start3A_128 = tpu.memref_squeeze %dma_start3A_127 : memref<1x40xi32, #tpu.memory_space<vmem>> -> memref<40xi32, #tpu.memory_space<vmem>>
      %dma_start3A_129 = arith.constant 0 : i32
      %dma_start3A_130 = arith.constant 0 : i32
      %dma_start3A_131 = tpu.memref_slice %arg3[%dma_start3A_129, %dma_start3A_130] : memref<1000001x64xf32, #tpu.memory_space<hbm>> -> memref<1000001x64xf32, #tpu.memory_space<hbm>>
      tpu.enqueue_indirect_dma source(%dma_start3A_131 : memref<1000001x64xf32, #tpu.memory_space<hbm>>) target(%dma_start3A_125 : memref<40x64xf32, #tpu.memory_space<vmem>>) offsets(%dma_start3A_128 : memref<40xi32, #tpu.memory_space<vmem>>) semaphore(%arg9 : memref<!tpu.dma_semaphore, #tpu.memory_space<semaphore_mem>>)
      %dma_start3A_132 = arith.constant 80 : i32
      %dma_start3A_133 = arith.constant 0 : i32
      %dma_start3A_134 = tpu.memref_slice %arg7[%dma_start3A_132, %dma_start3A_133] : memref<200x64xf32, #tpu.memory_space<vmem>> -> memref<40x64xf32, #tpu.memory_space<vmem>>
      %dma_start3A_135 = arith.constant 80 : i32
      %dma_start3A_136 = tpu.memref_slice %arg5[%rem3A_113, %dma_start3A_135] : memref<32x200xi32, #tpu.memory_space<vmem>> -> memref<1x40xi32, #tpu.memory_space<vmem>>
      %dma_start3A_137 = tpu.memref_squeeze %dma_start3A_136 : memref<1x40xi32, #tpu.memory_space<vmem>> -> memref<40xi32, #tpu.memory_space<vmem>>
      %dma_start3A_138 = arith.constant 0 : i32
      %dma_start3A_139 = arith.constant 0 : i32
      %dma_start3A_140 = tpu.memref_slice %arg3[%dma_start3A_138, %dma_start3A_139] : memref<1000001x64xf32, #tpu.memory_space<hbm>> -> memref<1000001x64xf32, #tpu.memory_space<hbm>>
      tpu.enqueue_indirect_dma source(%dma_start3A_140 : memref<1000001x64xf32, #tpu.memory_space<hbm>>) target(%dma_start3A_134 : memref<40x64xf32, #tpu.memory_space<vmem>>) offsets(%dma_start3A_137 : memref<40xi32, #tpu.memory_space<vmem>>) semaphore(%arg9 : memref<!tpu.dma_semaphore, #tpu.memory_space<semaphore_mem>>)
      %dma_start3A_141 = arith.constant 120 : i32
      %dma_start3A_142 = arith.constant 0 : i32
      %dma_start3A_143 = tpu.memref_slice %arg7[%dma_start3A_141, %dma_start3A_142] : memref<200x64xf32, #tpu.memory_space<vmem>> -> memref<40x64xf32, #tpu.memory_space<vmem>>
      %dma_start3A_144 = arith.constant 120 : i32
      %dma_start3A_145 = tpu.memref_slice %arg5[%rem3A_113, %dma_start3A_144] : memref<32x200xi32, #tpu.memory_space<vmem>> -> memref<1x40xi32, #tpu.memory_space<vmem>>
      %dma_start3A_146 = tpu.memref_squeeze %dma_start3A_145 : memref<1x40xi32, #tpu.memory_space<vmem>> -> memref<40xi32, #tpu.memory_space<vmem>>
      %dma_start3A_147 = arith.constant 0 : i32
      %dma_start3A_148 = arith.constant 0 : i32
      %dma_start3A_149 = tpu.memref_slice %arg3[%dma_start3A_147, %dma_start3A_148] : memref<1000001x64xf32, #tpu.memory_space<hbm>> -> memref<1000001x64xf32, #tpu.memory_space<hbm>>
      tpu.enqueue_indirect_dma source(%dma_start3A_149 : memref<1000001x64xf32, #tpu.memory_space<hbm>>) target(%dma_start3A_143 : memref<40x64xf32, #tpu.memory_space<vmem>>) offsets(%dma_start3A_146 : memref<40xi32, #tpu.memory_space<vmem>>) semaphore(%arg9 : memref<!tpu.dma_semaphore, #tpu.memory_space<semaphore_mem>>)
      %dma_start3A_150 = arith.constant 160 : i32
      %dma_start3A_151 = arith.constant 0 : i32
      %dma_start3A_152 = tpu.memref_slice %arg7[%dma_start3A_150, %dma_start3A_151] : memref<200x64xf32, #tpu.memory_space<vmem>> -> memref<40x64xf32, #tpu.memory_space<vmem>>
      %dma_start3A_153 = arith.constant 160 : i32
      %dma_start3A_154 = tpu.memref_slice %arg5[%rem3A_113, %dma_start3A_153] : memref<32x200xi32, #tpu.memory_space<vmem>> -> memref<1x40xi32, #tpu.memory_space<vmem>>
      %dma_start3A_155 = tpu.memref_squeeze %dma_start3A_154 : memref<1x40xi32, #tpu.memory_space<vmem>> -> memref<40xi32, #tpu.memory_space<vmem>>
      %dma_start3A_156 = arith.constant 0 : i32
      %dma_start3A_157 = arith.constant 0 : i32
      %dma_start3A_158 = tpu.memref_slice %arg3[%dma_start3A_156, %dma_start3A_157] : memref<1000001x64xf32, #tpu.memory_space<hbm>> -> memref<1000001x64xf32, #tpu.memory_space<hbm>>
      tpu.enqueue_indirect_dma source(%dma_start3A_158 : memref<1000001x64xf32, #tpu.memory_space<hbm>>) target(%dma_start3A_152 : memref<40x64xf32, #tpu.memory_space<vmem>>) offsets(%dma_start3A_155 : memref<40xi32, #tpu.memory_space<vmem>>) semaphore(%arg9 : memref<!tpu.dma_semaphore, #tpu.memory_space<semaphore_mem>>)
      %add3A_159 = arith.addi %mul3A_2, %add3A_110 : i32
      %mul3A_160 = arith.constant 200 : i32
      %mul3A_161 = arith.muli %add3A_159, %mul3A_160 : i32
      %dma_start3A_162 = arith.constant 0 : i32
      %dma_start3A_163 = tpu.memref_slice %arg4[%mul3A_161, %dma_start3A_162] : memref<204800x64xf32, #tpu.memory_space<hbm>> -> memref<200x64xf32, #tpu.memory_space<hbm>>
      %dma_start3A_164 = arith.constant 0 : i32
      %dma_start3A_165 = tpu.memref_slice %arg4[%mul3A_161, %dma_start3A_164] : memref<204800x64xf32, #tpu.memory_space<hbm>> -> memref<200x64xf32, #tpu.memory_space<hbm>>
      tpu.enqueue_dma source(%arg6 : memref<200x64xf32, #tpu.memory_space<vmem>>) target(%dma_start3A_165 : memref<200x64xf32, #tpu.memory_space<hbm>>) target_semaphore(%arg10 : memref<!tpu.dma_semaphore, #tpu.memory_space<semaphore_mem>>)
      %dma_wait3A_166 = arith.constant 0 : i32
      %dma_wait3A_167 = arith.constant 0 : i32
      %dma_wait3A_168 = tpu.memref_slice %arg7[%dma_wait3A_166, %dma_wait3A_167] : memref<200x64xf32, #tpu.memory_space<vmem>> -> memref<40x64xf32, #tpu.memory_space<vmem>>
      %dma_wait3A_169 = arith.constant 0 : i32
      %dma_wait3A_170 = tpu.memref_slice %arg5[%rem3A_113, %dma_wait3A_169] : memref<32x200xi32, #tpu.memory_space<vmem>> -> memref<1x40xi32, #tpu.memory_space<vmem>>
      %dma_wait3A_171 = tpu.memref_squeeze %dma_wait3A_170 : memref<1x40xi32, #tpu.memory_space<vmem>> -> memref<40xi32, #tpu.memory_space<vmem>>
      %dma_wait3A_172 = arith.constant 0 : i32
      %dma_wait3A_173 = arith.constant 0 : i32
      %dma_wait3A_174 = tpu.memref_slice %arg3[%dma_wait3A_172, %dma_wait3A_173] : memref<1000001x64xf32, #tpu.memory_space<hbm>> -> memref<1000001x64xf32, #tpu.memory_space<hbm>>
      tpu.wait_indirect_dma semaphore(%arg9 : memref<!tpu.dma_semaphore, #tpu.memory_space<semaphore_mem>>) src(%dma_wait3A_174 : memref<1000001x64xf32, #tpu.memory_space<hbm>>) dst(%dma_wait3A_168 : memref<40x64xf32, #tpu.memory_space<vmem>>)
      %dma_wait3A_175 = arith.constant 40 : i32
      %dma_wait3A_176 = arith.constant 0 : i32
      %dma_wait3A_177 = tpu.memref_slice %arg7[%dma_wait3A_175, %dma_wait3A_176] : memref<200x64xf32, #tpu.memory_space<vmem>> -> memref<40x64xf32, #tpu.memory_space<vmem>>
      %dma_wait3A_178 = arith.constant 40 : i32
      %dma_wait3A_179 = tpu.memref_slice %arg5[%rem3A_113, %dma_wait3A_178] : memref<32x200xi32, #tpu.memory_space<vmem>> -> memref<1x40xi32, #tpu.memory_space<vmem>>
      %dma_wait3A_180 = tpu.memref_squeeze %dma_wait3A_179 : memref<1x40xi32, #tpu.memory_space<vmem>> -> memref<40xi32, #tpu.memory_space<vmem>>
      %dma_wait3A_181 = arith.constant 0 : i32
      %dma_wait3A_182 = arith.constant 0 : i32
      %dma_wait3A_183 = tpu.memref_slice %arg3[%dma_wait3A_181, %dma_wait3A_182] : memref<1000001x64xf32, #tpu.memory_space<hbm>> -> memref<1000001x64xf32, #tpu.memory_space<hbm>>
      tpu.wait_indirect_dma semaphore(%arg9 : memref<!tpu.dma_semaphore, #tpu.memory_space<semaphore_mem>>) src(%dma_wait3A_183 : memref<1000001x64xf32, #tpu.memory_space<hbm>>) dst(%dma_wait3A_177 : memref<40x64xf32, #tpu.memory_space<vmem>>)
      %dma_wait3A_184 = arith.constant 80 : i32
      %dma_wait3A_185 = arith.constant 0 : i32
      %dma_wait3A_186 = tpu.memref_slice %arg7[%dma_wait3A_184, %dma_wait3A_185] : memref<200x64xf32, #tpu.memory_space<vmem>> -> memref<40x64xf32, #tpu.memory_space<vmem>>
      %dma_wait3A_187 = arith.constant 80 : i32
      %dma_wait3A_188 = tpu.memref_slice %arg5[%rem3A_113, %dma_wait3A_187] : memref<32x200xi32, #tpu.memory_space<vmem>> -> memref<1x40xi32, #tpu.memory_space<vmem>>
      %dma_wait3A_189 = tpu.memref_squeeze %dma_wait3A_188 : memref<1x40xi32, #tpu.memory_space<vmem>> -> memref<40xi32, #tpu.memory_space<vmem>>
      %dma_wait3A_190 = arith.constant 0 : i32
      %dma_wait3A_191 = arith.constant 0 : i32
      %dma_wait3A_192 = tpu.memref_slice %arg3[%dma_wait3A_190, %dma_wait3A_191] : memref<1000001x64xf32, #tpu.memory_space<hbm>> -> memref<1000001x64xf32, #tpu.memory_space<hbm>>
      tpu.wait_indirect_dma semaphore(%arg9 : memref<!tpu.dma_semaphore, #tpu.memory_space<semaphore_mem>>) src(%dma_wait3A_192 : memref<1000001x64xf32, #tpu.memory_space<hbm>>) dst(%dma_wait3A_186 : memref<40x64xf32, #tpu.memory_space<vmem>>)
      %dma_wait3A_193 = arith.constant 120 : i32
      %dma_wait3A_194 = arith.constant 0 : i32
      %dma_wait3A_195 = tpu.memref_slice %arg7[%dma_wait3A_193, %dma_wait3A_194] : memref<200x64xf32, #tpu.memory_space<vmem>> -> memref<40x64xf32, #tpu.memory_space<vmem>>
      %dma_wait3A_196 = arith.constant 120 : i32
      %dma_wait3A_197 = tpu.memref_slice %arg5[%rem3A_113, %dma_wait3A_196] : memref<32x200xi32, #tpu.memory_space<vmem>> -> memref<1x40xi32, #tpu.memory_space<vmem>>
      %dma_wait3A_198 = tpu.memref_squeeze %dma_wait3A_197 : memref<1x40xi32, #tpu.memory_space<vmem>> -> memref<40xi32, #tpu.memory_space<vmem>>
      %dma_wait3A_199 = arith.constant 0 : i32
      %dma_wait3A_200 = arith.constant 0 : i32
      %dma_wait3A_201 = tpu.memref_slice %arg3[%dma_wait3A_199, %dma_wait3A_200] : memref<1000001x64xf32, #tpu.memory_space<hbm>> -> memref<1000001x64xf32, #tpu.memory_space<hbm>>
      tpu.wait_indirect_dma semaphore(%arg9 : memref<!tpu.dma_semaphore, #tpu.memory_space<semaphore_mem>>) src(%dma_wait3A_201 : memref<1000001x64xf32, #tpu.memory_space<hbm>>) dst(%dma_wait3A_195 : memref<40x64xf32, #tpu.memory_space<vmem>>)
      %dma_wait3A_202 = arith.constant 160 : i32
      %dma_wait3A_203 = arith.constant 0 : i32
      %dma_wait3A_204 = tpu.memref_slice %arg7[%dma_wait3A_202, %dma_wait3A_203] : memref<200x64xf32, #tpu.memory_space<vmem>> -> memref<40x64xf32, #tpu.memory_space<vmem>>
      %dma_wait3A_205 = arith.constant 160 : i32
      %dma_wait3A_206 = tpu.memref_slice %arg5[%rem3A_113, %dma_wait3A_205] : memref<32x200xi32, #tpu.memory_space<vmem>> -> memref<1x40xi32, #tpu.memory_space<vmem>>
      %dma_wait3A_207 = tpu.memref_squeeze %dma_wait3A_206 : memref<1x40xi32, #tpu.memory_space<vmem>> -> memref<40xi32, #tpu.memory_space<vmem>>
      %dma_wait3A_208 = arith.constant 0 : i32
      %dma_wait3A_209 = arith.constant 0 : i32
      %dma_wait3A_210 = tpu.memref_slice %arg3[%dma_wait3A_208, %dma_wait3A_209] : memref<1000001x64xf32, #tpu.memory_space<hbm>> -> memref<1000001x64xf32, #tpu.memory_space<hbm>>
      tpu.wait_indirect_dma semaphore(%arg9 : memref<!tpu.dma_semaphore, #tpu.memory_space<semaphore_mem>>) src(%dma_wait3A_210 : memref<1000001x64xf32, #tpu.memory_space<hbm>>) dst(%dma_wait3A_204 : memref<40x64xf32, #tpu.memory_space<vmem>>)
      %dma_wait3A_211 = arith.constant 0 : i32
      %dma_wait3A_212 = tpu.memref_slice %arg4[%mul3A_161, %dma_wait3A_211] : memref<204800x64xf32, #tpu.memory_space<hbm>> -> memref<200x64xf32, #tpu.memory_space<hbm>>
      %dma_wait3A_213 = arith.constant 0 : i32
      %dma_wait3A_214 = tpu.memref_slice %arg4[%mul3A_161, %dma_wait3A_213] : memref<204800x64xf32, #tpu.memory_space<hbm>> -> memref<200x64xf32, #tpu.memory_space<hbm>>
      tpu.wait_dma2 semaphore(%arg10 : memref<!tpu.dma_semaphore, #tpu.memory_space<semaphore_mem>>) src(%arg6 : memref<200x64xf32, #tpu.memory_space<vmem>>) dst(%dma_wait3A_214 : memref<200x64xf32, #tpu.memory_space<hbm>>)
      %mul3A_215 = arith.constant 2 : i32
      %mul3A_216 = arith.muli %scan3A_106, %mul3A_215 : i32
      %add3A_217 = arith.constant 1 : i32
      %add3A_218 = arith.addi %mul3A_216, %add3A_217 : i32
      %add3A_219 = arith.constant 1 : i32
      %add3A_220 = arith.addi %add3A_218, %add3A_219 : i32
      %rem3A_221 = arith.constant 32 : i32
      %rem3A_222 = arith.remsi %add3A_220, %rem3A_221 : i32
      %dma_start3A_223 = arith.constant 0 : i32
      %dma_start3A_224 = arith.constant 0 : i32
      %dma_start3A_225 = tpu.memref_slice %arg6[%dma_start3A_223, %dma_start3A_224] : memref<200x64xf32, #tpu.memory_space<vmem>> -> memref<40x64xf32, #tpu.memory_space<vmem>>
      %dma_start3A_226 = arith.constant 0 : i32
      %dma_start3A_227 = tpu.memref_slice %arg5[%rem3A_222, %dma_start3A_226] : memref<32x200xi32, #tpu.memory_space<vmem>> -> memref<1x40xi32, #tpu.memory_space<vmem>>
      %dma_start3A_228 = tpu.memref_squeeze %dma_start3A_227 : memref<1x40xi32, #tpu.memory_space<vmem>> -> memref<40xi32, #tpu.memory_space<vmem>>
      %dma_start3A_229 = arith.constant 0 : i32
      %dma_start3A_230 = arith.constant 0 : i32
      %dma_start3A_231 = tpu.memref_slice %arg3[%dma_start3A_229, %dma_start3A_230] : memref<1000001x64xf32, #tpu.memory_space<hbm>> -> memref<1000001x64xf32, #tpu.memory_space<hbm>>
      tpu.enqueue_indirect_dma source(%dma_start3A_231 : memref<1000001x64xf32, #tpu.memory_space<hbm>>) target(%dma_start3A_225 : memref<40x64xf32, #tpu.memory_space<vmem>>) offsets(%dma_start3A_228 : memref<40xi32, #tpu.memory_space<vmem>>) semaphore(%arg8 : memref<!tpu.dma_semaphore, #tpu.memory_space<semaphore_mem>>)
      %dma_start3A_232 = arith.constant 40 : i32
      %dma_start3A_233 = arith.constant 0 : i32
      %dma_start3A_234 = tpu.memref_slice %arg6[%dma_start3A_232, %dma_start3A_233] : memref<200x64xf32, #tpu.memory_space<vmem>> -> memref<40x64xf32, #tpu.memory_space<vmem>>
      %dma_start3A_235 = arith.constant 40 : i32
      %dma_start3A_236 = tpu.memref_slice %arg5[%rem3A_222, %dma_start3A_235] : memref<32x200xi32, #tpu.memory_space<vmem>> -> memref<1x40xi32, #tpu.memory_space<vmem>>
      %dma_start3A_237 = tpu.memref_squeeze %dma_start3A_236 : memref<1x40xi32, #tpu.memory_space<vmem>> -> memref<40xi32, #tpu.memory_space<vmem>>
      %dma_start3A_238 = arith.constant 0 : i32
      %dma_start3A_239 = arith.constant 0 : i32
      %dma_start3A_240 = tpu.memref_slice %arg3[%dma_start3A_238, %dma_start3A_239] : memref<1000001x64xf32, #tpu.memory_space<hbm>> -> memref<1000001x64xf32, #tpu.memory_space<hbm>>
      tpu.enqueue_indirect_dma source(%dma_start3A_240 : memref<1000001x64xf32, #tpu.memory_space<hbm>>) target(%dma_start3A_234 : memref<40x64xf32, #tpu.memory_space<vmem>>) offsets(%dma_start3A_237 : memref<40xi32, #tpu.memory_space<vmem>>) semaphore(%arg8 : memref<!tpu.dma_semaphore, #tpu.memory_space<semaphore_mem>>)
      %dma_start3A_241 = arith.constant 80 : i32
      %dma_start3A_242 = arith.constant 0 : i32
      %dma_start3A_243 = tpu.memref_slice %arg6[%dma_start3A_241, %dma_start3A_242] : memref<200x64xf32, #tpu.memory_space<vmem>> -> memref<40x64xf32, #tpu.memory_space<vmem>>
      %dma_start3A_244 = arith.constant 80 : i32
      %dma_start3A_245 = tpu.memref_slice %arg5[%rem3A_222, %dma_start3A_244] : memref<32x200xi32, #tpu.memory_space<vmem>> -> memref<1x40xi32, #tpu.memory_space<vmem>>
      %dma_start3A_246 = tpu.memref_squeeze %dma_start3A_245 : memref<1x40xi32, #tpu.memory_space<vmem>> -> memref<40xi32, #tpu.memory_space<vmem>>
      %dma_start3A_247 = arith.constant 0 : i32
      %dma_start3A_248 = arith.constant 0 : i32
      %dma_start3A_249 = tpu.memref_slice %arg3[%dma_start3A_247, %dma_start3A_248] : memref<1000001x64xf32, #tpu.memory_space<hbm>> -> memref<1000001x64xf32, #tpu.memory_space<hbm>>
      tpu.enqueue_indirect_dma source(%dma_start3A_249 : memref<1000001x64xf32, #tpu.memory_space<hbm>>) target(%dma_start3A_243 : memref<40x64xf32, #tpu.memory_space<vmem>>) offsets(%dma_start3A_246 : memref<40xi32, #tpu.memory_space<vmem>>) semaphore(%arg8 : memref<!tpu.dma_semaphore, #tpu.memory_space<semaphore_mem>>)
      %dma_start3A_250 = arith.constant 120 : i32
      %dma_start3A_251 = arith.constant 0 : i32
      %dma_start3A_252 = tpu.memref_slice %arg6[%dma_start3A_250, %dma_start3A_251] : memref<200x64xf32, #tpu.memory_space<vmem>> -> memref<40x64xf32, #tpu.memory_space<vmem>>
      %dma_start3A_253 = arith.constant 120 : i32
      %dma_start3A_254 = tpu.memref_slice %arg5[%rem3A_222, %dma_start3A_253] : memref<32x200xi32, #tpu.memory_space<vmem>> -> memref<1x40xi32, #tpu.memory_space<vmem>>
      %dma_start3A_255 = tpu.memref_squeeze %dma_start3A_254 : memref<1x40xi32, #tpu.memory_space<vmem>> -> memref<40xi32, #tpu.memory_space<vmem>>
      %dma_start3A_256 = arith.constant 0 : i32
      %dma_start3A_257 = arith.constant 0 : i32
      %dma_start3A_258 = tpu.memref_slice %arg3[%dma_start3A_256, %dma_start3A_257] : memref<1000001x64xf32, #tpu.memory_space<hbm>> -> memref<1000001x64xf32, #tpu.memory_space<hbm>>
      tpu.enqueue_indirect_dma source(%dma_start3A_258 : memref<1000001x64xf32, #tpu.memory_space<hbm>>) target(%dma_start3A_252 : memref<40x64xf32, #tpu.memory_space<vmem>>) offsets(%dma_start3A_255 : memref<40xi32, #tpu.memory_space<vmem>>) semaphore(%arg8 : memref<!tpu.dma_semaphore, #tpu.memory_space<semaphore_mem>>)
      %dma_start3A_259 = arith.constant 160 : i32
      %dma_start3A_260 = arith.constant 0 : i32
      %dma_start3A_261 = tpu.memref_slice %arg6[%dma_start3A_259, %dma_start3A_260] : memref<200x64xf32, #tpu.memory_space<vmem>> -> memref<40x64xf32, #tpu.memory_space<vmem>>
      %dma_start3A_262 = arith.constant 160 : i32
      %dma_start3A_263 = tpu.memref_slice %arg5[%rem3A_222, %dma_start3A_262] : memref<32x200xi32, #tpu.memory_space<vmem>> -> memref<1x40xi32, #tpu.memory_space<vmem>>
      %dma_start3A_264 = tpu.memref_squeeze %dma_start3A_263 : memref<1x40xi32, #tpu.memory_space<vmem>> -> memref<40xi32, #tpu.memory_space<vmem>>
      %dma_start3A_265 = arith.constant 0 : i32
      %dma_start3A_266 = arith.constant 0 : i32
      %dma_start3A_267 = tpu.memref_slice %arg3[%dma_start3A_265, %dma_start3A_266] : memref<1000001x64xf32, #tpu.memory_space<hbm>> -> memref<1000001x64xf32, #tpu.memory_space<hbm>>
      tpu.enqueue_indirect_dma source(%dma_start3A_267 : memref<1000001x64xf32, #tpu.memory_space<hbm>>) target(%dma_start3A_261 : memref<40x64xf32, #tpu.memory_space<vmem>>) offsets(%dma_start3A_264 : memref<40xi32, #tpu.memory_space<vmem>>) semaphore(%arg8 : memref<!tpu.dma_semaphore, #tpu.memory_space<semaphore_mem>>)
      %add3A_268 = arith.addi %mul3A_2, %add3A_218 : i32
      %mul3A_269 = arith.constant 200 : i32
      %mul3A_270 = arith.muli %add3A_268, %mul3A_269 : i32
      %dma_start3A_271 = arith.constant 0 : i32
      %dma_start3A_272 = tpu.memref_slice %arg4[%mul3A_270, %dma_start3A_271] : memref<204800x64xf32, #tpu.memory_space<hbm>> -> memref<200x64xf32, #tpu.memory_space<hbm>>
      %dma_start3A_273 = arith.constant 0 : i32
      %dma_start3A_274 = tpu.memref_slice %arg4[%mul3A_270, %dma_start3A_273] : memref<204800x64xf32, #tpu.memory_space<hbm>> -> memref<200x64xf32, #tpu.memory_space<hbm>>
      tpu.enqueue_dma source(%arg7 : memref<200x64xf32, #tpu.memory_space<vmem>>) target(%dma_start3A_274 : memref<200x64xf32, #tpu.memory_space<hbm>>) target_semaphore(%arg11 : memref<!tpu.dma_semaphore, #tpu.memory_space<semaphore_mem>>)
      %dma_wait3A_275 = arith.constant 0 : i32
      %dma_wait3A_276 = arith.constant 0 : i32
      %dma_wait3A_277 = tpu.memref_slice %arg6[%dma_wait3A_275, %dma_wait3A_276] : memref<200x64xf32, #tpu.memory_space<vmem>> -> memref<40x64xf32, #tpu.memory_space<vmem>>
      %dma_wait3A_278 = arith.constant 0 : i32
      %dma_wait3A_279 = tpu.memref_slice %arg5[%rem3A_222, %dma_wait3A_278] : memref<32x200xi32, #tpu.memory_space<vmem>> -> memref<1x40xi32, #tpu.memory_space<vmem>>
      %dma_wait3A_280 = tpu.memref_squeeze %dma_wait3A_279 : memref<1x40xi32, #tpu.memory_space<vmem>> -> memref<40xi32, #tpu.memory_space<vmem>>
      %dma_wait3A_281 = arith.constant 0 : i32
      %dma_wait3A_282 = arith.constant 0 : i32
      %dma_wait3A_283 = tpu.memref_slice %arg3[%dma_wait3A_281, %dma_wait3A_282] : memref<1000001x64xf32, #tpu.memory_space<hbm>> -> memref<1000001x64xf32, #tpu.memory_space<hbm>>
      tpu.wait_indirect_dma semaphore(%arg8 : memref<!tpu.dma_semaphore, #tpu.memory_space<semaphore_mem>>) src(%dma_wait3A_283 : memref<1000001x64xf32, #tpu.memory_space<hbm>>) dst(%dma_wait3A_277 : memref<40x64xf32, #tpu.memory_space<vmem>>)
      %dma_wait3A_284 = arith.constant 40 : i32
      %dma_wait3A_285 = arith.constant 0 : i32
      %dma_wait3A_286 = tpu.memref_slice %arg6[%dma_wait3A_284, %dma_wait3A_285] : memref<200x64xf32, #tpu.memory_space<vmem>> -> memref<40x64xf32, #tpu.memory_space<vmem>>
      %dma_wait3A_287 = arith.constant 40 : i32
      %dma_wait3A_288 = tpu.memref_slice %arg5[%rem3A_222, %dma_wait3A_287] : memref<32x200xi32, #tpu.memory_space<vmem>> -> memref<1x40xi32, #tpu.memory_space<vmem>>
      %dma_wait3A_289 = tpu.memref_squeeze %dma_wait3A_288 : memref<1x40xi32, #tpu.memory_space<vmem>> -> memref<40xi32, #tpu.memory_space<vmem>>
      %dma_wait3A_290 = arith.constant 0 : i32
      %dma_wait3A_291 = arith.constant 0 : i32
      %dma_wait3A_292 = tpu.memref_slice %arg3[%dma_wait3A_290, %dma_wait3A_291] : memref<1000001x64xf32, #tpu.memory_space<hbm>> -> memref<1000001x64xf32, #tpu.memory_space<hbm>>
      tpu.wait_indirect_dma semaphore(%arg8 : memref<!tpu.dma_semaphore, #tpu.memory_space<semaphore_mem>>) src(%dma_wait3A_292 : memref<1000001x64xf32, #tpu.memory_space<hbm>>) dst(%dma_wait3A_286 : memref<40x64xf32, #tpu.memory_space<vmem>>)
      %dma_wait3A_293 = arith.constant 80 : i32
      %dma_wait3A_294 = arith.constant 0 : i32
      %dma_wait3A_295 = tpu.memref_slice %arg6[%dma_wait3A_293, %dma_wait3A_294] : memref<200x64xf32, #tpu.memory_space<vmem>> -> memref<40x64xf32, #tpu.memory_space<vmem>>
      %dma_wait3A_296 = arith.constant 80 : i32
      %dma_wait3A_297 = tpu.memref_slice %arg5[%rem3A_222, %dma_wait3A_296] : memref<32x200xi32, #tpu.memory_space<vmem>> -> memref<1x40xi32, #tpu.memory_space<vmem>>
      %dma_wait3A_298 = tpu.memref_squeeze %dma_wait3A_297 : memref<1x40xi32, #tpu.memory_space<vmem>> -> memref<40xi32, #tpu.memory_space<vmem>>
      %dma_wait3A_299 = arith.constant 0 : i32
      %dma_wait3A_300 = arith.constant 0 : i32
      %dma_wait3A_301 = tpu.memref_slice %arg3[%dma_wait3A_299, %dma_wait3A_300] : memref<1000001x64xf32, #tpu.memory_space<hbm>> -> memref<1000001x64xf32, #tpu.memory_space<hbm>>
      tpu.wait_indirect_dma semaphore(%arg8 : memref<!tpu.dma_semaphore, #tpu.memory_space<semaphore_mem>>) src(%dma_wait3A_301 : memref<1000001x64xf32, #tpu.memory_space<hbm>>) dst(%dma_wait3A_295 : memref<40x64xf32, #tpu.memory_space<vmem>>)
      %dma_wait3A_302 = arith.constant 120 : i32
      %dma_wait3A_303 = arith.constant 0 : i32
      %dma_wait3A_304 = tpu.memref_slice %arg6[%dma_wait3A_302, %dma_wait3A_303] : memref<200x64xf32, #tpu.memory_space<vmem>> -> memref<40x64xf32, #tpu.memory_space<vmem>>
      %dma_wait3A_305 = arith.constant 120 : i32
      %dma_wait3A_306 = tpu.memref_slice %arg5[%rem3A_222, %dma_wait3A_305] : memref<32x200xi32, #tpu.memory_space<vmem>> -> memref<1x40xi32, #tpu.memory_space<vmem>>
      %dma_wait3A_307 = tpu.memref_squeeze %dma_wait3A_306 : memref<1x40xi32, #tpu.memory_space<vmem>> -> memref<40xi32, #tpu.memory_space<vmem>>
      %dma_wait3A_308 = arith.constant 0 : i32
      %dma_wait3A_309 = arith.constant 0 : i32
      %dma_wait3A_310 = tpu.memref_slice %arg3[%dma_wait3A_308, %dma_wait3A_309] : memref<1000001x64xf32, #tpu.memory_space<hbm>> -> memref<1000001x64xf32, #tpu.memory_space<hbm>>
      tpu.wait_indirect_dma semaphore(%arg8 : memref<!tpu.dma_semaphore, #tpu.memory_space<semaphore_mem>>) src(%dma_wait3A_310 : memref<1000001x64xf32, #tpu.memory_space<hbm>>) dst(%dma_wait3A_304 : memref<40x64xf32, #tpu.memory_space<vmem>>)
      %dma_wait3A_311 = arith.constant 160 : i32
      %dma_wait3A_312 = arith.constant 0 : i32
      %dma_wait3A_313 = tpu.memref_slice %arg6[%dma_wait3A_311, %dma_wait3A_312] : memref<200x64xf32, #tpu.memory_space<vmem>> -> memref<40x64xf32, #tpu.memory_space<vmem>>
      %dma_wait3A_314 = arith.constant 160 : i32
      %dma_wait3A_315 = tpu.memref_slice %arg5[%rem3A_222, %dma_wait3A_314] : memref<32x200xi32, #tpu.memory_space<vmem>> -> memref<1x40xi32, #tpu.memory_space<vmem>>
      %dma_wait3A_316 = tpu.memref_squeeze %dma_wait3A_315 : memref<1x40xi32, #tpu.memory_space<vmem>> -> memref<40xi32, #tpu.memory_space<vmem>>
      %dma_wait3A_317 = arith.constant 0 : i32
      %dma_wait3A_318 = arith.constant 0 : i32
      %dma_wait3A_319 = tpu.memref_slice %arg3[%dma_wait3A_317, %dma_wait3A_318] : memref<1000001x64xf32, #tpu.memory_space<hbm>> -> memref<1000001x64xf32, #tpu.memory_space<hbm>>
      tpu.wait_indirect_dma semaphore(%arg8 : memref<!tpu.dma_semaphore, #tpu.memory_space<semaphore_mem>>) src(%dma_wait3A_319 : memref<1000001x64xf32, #tpu.memory_space<hbm>>) dst(%dma_wait3A_313 : memref<40x64xf32, #tpu.memory_space<vmem>>)
      %dma_wait3A_320 = arith.constant 0 : i32
      %dma_wait3A_321 = tpu.memref_slice %arg4[%mul3A_270, %dma_wait3A_320] : memref<204800x64xf32, #tpu.memory_space<hbm>> -> memref<200x64xf32, #tpu.memory_space<hbm>>
      %dma_wait3A_322 = arith.constant 0 : i32
      %dma_wait3A_323 = tpu.memref_slice %arg4[%mul3A_270, %dma_wait3A_322] : memref<204800x64xf32, #tpu.memory_space<hbm>> -> memref<200x64xf32, #tpu.memory_space<hbm>>
      tpu.wait_dma2 semaphore(%arg11 : memref<!tpu.dma_semaphore, #tpu.memory_space<semaphore_mem>>) src(%arg7 : memref<200x64xf32, #tpu.memory_space<vmem>>) dst(%dma_wait3A_323 : memref<200x64xf32, #tpu.memory_space<hbm>>)
    }
    %scan3A_105 = arith.constant 16 : i32
    return
  }
}

#map = affine_map<(d0, d1) -> (0, 0)>
module attributes {stable_mosaic.version = 14 : i64} {
  func.func @k(%arg0: i32, %arg1: i32, %arg2: memref<1024x200xi32, #tpu.memory_space<hbm>>, %arg3: memref<1000001x64xf32, #tpu.memory_space<hbm>>, %arg4: memref<204800x64xf32, #tpu.memory_space<hbm>>, %arg5: memref<32x200xi32, #tpu.memory_space<vmem>>, %arg6: memref<200x64xf32, #tpu.memory_space<vmem>>, %arg7: memref<200x64xf32, #tpu.memory_space<vmem>>, %arg8: memref<!tpu.dma_semaphore, #tpu.memory_space<semaphore_mem>>, %arg9: memref<!tpu.dma_semaphore, #tpu.memory_space<semaphore_mem>>, %arg10: memref<!tpu.dma_semaphore, #tpu.memory_space<semaphore_mem>>, %arg11: memref<!tpu.dma_semaphore, #tpu.memory_space<semaphore_mem>>) attributes {dimension_semantics = [#tpu.dimension_semantics<core_parallel>, #tpu.dimension_semantics<subcore_parallel>], iteration_bounds = array<i64: 2, 16>, scalar_prefetch = 0 : i64, scratch_operands = 7 : i64, tpu.core_type = #tpu.core_type<sc_vector_subcore>, window_params = [{transform_indices = #map}, {transform_indices = #map}, {transform_indices = #map}]} {
    %mul3A = arith.constant 2 : i32
    %mul3A_0 = arith.muli %arg1, %mul3A : i32
    %add3A = arith.addi %mul3A_0, %arg0 : i32
    %mul3A_1 = arith.constant 32 : i32
    %mul3A_2 = arith.muli %add3A, %mul3A_1 : i32
    "tpu.region"() ({
      %run_scoped3A = tpu.sem_alloc : memref<!tpu.dma_semaphore, #tpu.memory_space<semaphore_mem>>
      %dma_start3A_106 = arith.constant 0 : i32
      %dma_start3A_107 = tpu.memref_slice %arg2[%mul3A_2, %dma_start3A_106] : memref<1024x200xi32, #tpu.memory_space<hbm>> -> memref<32x200xi32, #tpu.memory_space<hbm>>
      %dma_start3A_108 = arith.constant 0 : i32
      %dma_start3A_109 = tpu.memref_slice %arg2[%mul3A_2, %dma_start3A_108] : memref<1024x200xi32, #tpu.memory_space<hbm>> -> memref<32x200xi32, #tpu.memory_space<hbm>>
      tpu.enqueue_dma source(%dma_start3A_109 : memref<32x200xi32, #tpu.memory_space<hbm>>) target(%arg5 : memref<32x200xi32, #tpu.memory_space<vmem>>) target_semaphore(%run_scoped3A : memref<!tpu.dma_semaphore, #tpu.memory_space<semaphore_mem>>)
      %dma_wait3A_110 = arith.constant 0 : i32
      %dma_wait3A_111 = tpu.memref_slice %arg2[%mul3A_2, %dma_wait3A_110] : memref<1024x200xi32, #tpu.memory_space<hbm>> -> memref<32x200xi32, #tpu.memory_space<hbm>>
      %dma_wait3A_112 = arith.constant 0 : i32
      %dma_wait3A_113 = tpu.memref_slice %arg2[%mul3A_2, %dma_wait3A_112] : memref<1024x200xi32, #tpu.memory_space<hbm>> -> memref<32x200xi32, #tpu.memory_space<hbm>>
      tpu.wait_dma2 semaphore(%run_scoped3A : memref<!tpu.dma_semaphore, #tpu.memory_space<semaphore_mem>>) src(%dma_wait3A_113 : memref<32x200xi32, #tpu.memory_space<hbm>>) dst(%arg5 : memref<32x200xi32, #tpu.memory_space<vmem>>)
      tpu.yield
    }) : () -> ()
    %dma_start3A = arith.constant 0 : i32
    %dma_start3A_3 = arith.constant 0 : i32
    %dma_start3A_4 = arith.constant 0 : i32
    %dma_start3A_5 = tpu.memref_slice %arg6[%dma_start3A_3, %dma_start3A_4] : memref<200x64xf32, #tpu.memory_space<vmem>> -> memref<40x64xf32, #tpu.memory_space<vmem>>
    %dma_start3A_6 = arith.constant 0 : i32
    %dma_start3A_7 = tpu.memref_slice %arg5[%dma_start3A, %dma_start3A_6] : memref<32x200xi32, #tpu.memory_space<vmem>> -> memref<1x40xi32, #tpu.memory_space<vmem>>
    %dma_start3A_8 = tpu.memref_squeeze %dma_start3A_7 : memref<1x40xi32, #tpu.memory_space<vmem>> -> memref<40xi32, #tpu.memory_space<vmem>>
    %dma_start3A_9 = arith.constant 0 : i32
    %dma_start3A_10 = arith.constant 0 : i32
    %dma_start3A_11 = tpu.memref_slice %arg3[%dma_start3A_9, %dma_start3A_10] : memref<1000001x64xf32, #tpu.memory_space<hbm>> -> memref<1000001x64xf32, #tpu.memory_space<hbm>>
    tpu.enqueue_indirect_dma source(%dma_start3A_11 : memref<1000001x64xf32, #tpu.memory_space<hbm>>) target(%dma_start3A_5 : memref<40x64xf32, #tpu.memory_space<vmem>>) offsets(%dma_start3A_8 : memref<40xi32, #tpu.memory_space<vmem>>) semaphore(%arg8 : memref<!tpu.dma_semaphore, #tpu.memory_space<semaphore_mem>>)
    %dma_start3A_12 = arith.constant 0 : i32
    %dma_start3A_13 = arith.constant 40 : i32
    %dma_start3A_14 = arith.constant 0 : i32
    %dma_start3A_15 = tpu.memref_slice %arg6[%dma_start3A_13, %dma_start3A_14] : memref<200x64xf32, #tpu.memory_space<vmem>> -> memref<40x64xf32, #tpu.memory_space<vmem>>
    %dma_start3A_16 = arith.constant 40 : i32
    %dma_start3A_17 = tpu.memref_slice %arg5[%dma_start3A_12, %dma_start3A_16] : memref<32x200xi32, #tpu.memory_space<vmem>> -> memref<1x40xi32, #tpu.memory_space<vmem>>
    %dma_start3A_18 = tpu.memref_squeeze %dma_start3A_17 : memref<1x40xi32, #tpu.memory_space<vmem>> -> memref<40xi32, #tpu.memory_space<vmem>>
    %dma_start3A_19 = arith.constant 0 : i32
    %dma_start3A_20 = arith.constant 0 : i32
    %dma_start3A_21 = tpu.memref_slice %arg3[%dma_start3A_19, %dma_start3A_20] : memref<1000001x64xf32, #tpu.memory_space<hbm>> -> memref<1000001x64xf32, #tpu.memory_space<hbm>>
    tpu.enqueue_indirect_dma source(%dma_start3A_21 : memref<1000001x64xf32, #tpu.memory_space<hbm>>) target(%dma_start3A_15 : memref<40x64xf32, #tpu.memory_space<vmem>>) offsets(%dma_start3A_18 : memref<40xi32, #tpu.memory_space<vmem>>) semaphore(%arg8 : memref<!tpu.dma_semaphore, #tpu.memory_space<semaphore_mem>>)
    %dma_start3A_22 = arith.constant 0 : i32
    %dma_start3A_23 = arith.constant 80 : i32
    %dma_start3A_24 = arith.constant 0 : i32
    %dma_start3A_25 = tpu.memref_slice %arg6[%dma_start3A_23, %dma_start3A_24] : memref<200x64xf32, #tpu.memory_space<vmem>> -> memref<40x64xf32, #tpu.memory_space<vmem>>
    %dma_start3A_26 = arith.constant 80 : i32
    %dma_start3A_27 = tpu.memref_slice %arg5[%dma_start3A_22, %dma_start3A_26] : memref<32x200xi32, #tpu.memory_space<vmem>> -> memref<1x40xi32, #tpu.memory_space<vmem>>
    %dma_start3A_28 = tpu.memref_squeeze %dma_start3A_27 : memref<1x40xi32, #tpu.memory_space<vmem>> -> memref<40xi32, #tpu.memory_space<vmem>>
    %dma_start3A_29 = arith.constant 0 : i32
    %dma_start3A_30 = arith.constant 0 : i32
    %dma_start3A_31 = tpu.memref_slice %arg3[%dma_start3A_29, %dma_start3A_30] : memref<1000001x64xf32, #tpu.memory_space<hbm>> -> memref<1000001x64xf32, #tpu.memory_space<hbm>>
    tpu.enqueue_indirect_dma source(%dma_start3A_31 : memref<1000001x64xf32, #tpu.memory_space<hbm>>) target(%dma_start3A_25 : memref<40x64xf32, #tpu.memory_space<vmem>>) offsets(%dma_start3A_28 : memref<40xi32, #tpu.memory_space<vmem>>) semaphore(%arg8 : memref<!tpu.dma_semaphore, #tpu.memory_space<semaphore_mem>>)
    %dma_start3A_32 = arith.constant 0 : i32
    %dma_start3A_33 = arith.constant 120 : i32
    %dma_start3A_34 = arith.constant 0 : i32
    %dma_start3A_35 = tpu.memref_slice %arg6[%dma_start3A_33, %dma_start3A_34] : memref<200x64xf32, #tpu.memory_space<vmem>> -> memref<40x64xf32, #tpu.memory_space<vmem>>
    %dma_start3A_36 = arith.constant 120 : i32
    %dma_start3A_37 = tpu.memref_slice %arg5[%dma_start3A_32, %dma_start3A_36] : memref<32x200xi32, #tpu.memory_space<vmem>> -> memref<1x40xi32, #tpu.memory_space<vmem>>
    %dma_start3A_38 = tpu.memref_squeeze %dma_start3A_37 : memref<1x40xi32, #tpu.memory_space<vmem>> -> memref<40xi32, #tpu.memory_space<vmem>>
    %dma_start3A_39 = arith.constant 0 : i32
    %dma_start3A_40 = arith.constant 0 : i32
    %dma_start3A_41 = tpu.memref_slice %arg3[%dma_start3A_39, %dma_start3A_40] : memref<1000001x64xf32, #tpu.memory_space<hbm>> -> memref<1000001x64xf32, #tpu.memory_space<hbm>>
    tpu.enqueue_indirect_dma source(%dma_start3A_41 : memref<1000001x64xf32, #tpu.memory_space<hbm>>) target(%dma_start3A_35 : memref<40x64xf32, #tpu.memory_space<vmem>>) offsets(%dma_start3A_38 : memref<40xi32, #tpu.memory_space<vmem>>) semaphore(%arg8 : memref<!tpu.dma_semaphore, #tpu.memory_space<semaphore_mem>>)
    %dma_start3A_42 = arith.constant 0 : i32
    %dma_start3A_43 = arith.constant 160 : i32
    %dma_start3A_44 = arith.constant 0 : i32
    %dma_start3A_45 = tpu.memref_slice %arg6[%dma_start3A_43, %dma_start3A_44] : memref<200x64xf32, #tpu.memory_space<vmem>> -> memref<40x64xf32, #tpu.memory_space<vmem>>
    %dma_start3A_46 = arith.constant 160 : i32
    %dma_start3A_47 = tpu.memref_slice %arg5[%dma_start3A_42, %dma_start3A_46] : memref<32x200xi32, #tpu.memory_space<vmem>> -> memref<1x40xi32, #tpu.memory_space<vmem>>
    %dma_start3A_48 = tpu.memref_squeeze %dma_start3A_47 : memref<1x40xi32, #tpu.memory_space<vmem>> -> memref<40xi32, #tpu.memory_space<vmem>>
    %dma_start3A_49 = arith.constant 0 : i32
    %dma_start3A_50 = arith.constant 0 : i32
    %dma_start3A_51 = tpu.memref_slice %arg3[%dma_start3A_49, %dma_start3A_50] : memref<1000001x64xf32, #tpu.memory_space<hbm>> -> memref<1000001x64xf32, #tpu.memory_space<hbm>>
    tpu.enqueue_indirect_dma source(%dma_start3A_51 : memref<1000001x64xf32, #tpu.memory_space<hbm>>) target(%dma_start3A_45 : memref<40x64xf32, #tpu.memory_space<vmem>>) offsets(%dma_start3A_48 : memref<40xi32, #tpu.memory_space<vmem>>) semaphore(%arg8 : memref<!tpu.dma_semaphore, #tpu.memory_space<semaphore_mem>>)
    %dma_wait3A = arith.constant 0 : i32
    %dma_wait3A_52 = arith.constant 0 : i32
    %dma_wait3A_53 = arith.constant 0 : i32
    %dma_wait3A_54 = tpu.memref_slice %arg6[%dma_wait3A_52, %dma_wait3A_53] : memref<200x64xf32, #tpu.memory_space<vmem>> -> memref<40x64xf32, #tpu.memory_space<vmem>>
    %dma_wait3A_55 = arith.constant 0 : i32
    %dma_wait3A_56 = tpu.memref_slice %arg5[%dma_wait3A, %dma_wait3A_55] : memref<32x200xi32, #tpu.memory_space<vmem>> -> memref<1x40xi32, #tpu.memory_space<vmem>>
    %dma_wait3A_57 = tpu.memref_squeeze %dma_wait3A_56 : memref<1x40xi32, #tpu.memory_space<vmem>> -> memref<40xi32, #tpu.memory_space<vmem>>
    %dma_wait3A_58 = arith.constant 0 : i32
    %dma_wait3A_59 = arith.constant 0 : i32
    %dma_wait3A_60 = tpu.memref_slice %arg3[%dma_wait3A_58, %dma_wait3A_59] : memref<1000001x64xf32, #tpu.memory_space<hbm>> -> memref<1000001x64xf32, #tpu.memory_space<hbm>>
    tpu.wait_indirect_dma semaphore(%arg8 : memref<!tpu.dma_semaphore, #tpu.memory_space<semaphore_mem>>) src(%dma_wait3A_60 : memref<1000001x64xf32, #tpu.memory_space<hbm>>) dst(%dma_wait3A_54 : memref<40x64xf32, #tpu.memory_space<vmem>>)
    %dma_wait3A_61 = arith.constant 0 : i32
    %dma_wait3A_62 = arith.constant 40 : i32
    %dma_wait3A_63 = arith.constant 0 : i32
    %dma_wait3A_64 = tpu.memref_slice %arg6[%dma_wait3A_62, %dma_wait3A_63] : memref<200x64xf32, #tpu.memory_space<vmem>> -> memref<40x64xf32, #tpu.memory_space<vmem>>
    %dma_wait3A_65 = arith.constant 40 : i32
    %dma_wait3A_66 = tpu.memref_slice %arg5[%dma_wait3A_61, %dma_wait3A_65] : memref<32x200xi32, #tpu.memory_space<vmem>> -> memref<1x40xi32, #tpu.memory_space<vmem>>
    %dma_wait3A_67 = tpu.memref_squeeze %dma_wait3A_66 : memref<1x40xi32, #tpu.memory_space<vmem>> -> memref<40xi32, #tpu.memory_space<vmem>>
    %dma_wait3A_68 = arith.constant 0 : i32
    %dma_wait3A_69 = arith.constant 0 : i32
    %dma_wait3A_70 = tpu.memref_slice %arg3[%dma_wait3A_68, %dma_wait3A_69] : memref<1000001x64xf32, #tpu.memory_space<hbm>> -> memref<1000001x64xf32, #tpu.memory_space<hbm>>
    tpu.wait_indirect_dma semaphore(%arg8 : memref<!tpu.dma_semaphore, #tpu.memory_space<semaphore_mem>>) src(%dma_wait3A_70 : memref<1000001x64xf32, #tpu.memory_space<hbm>>) dst(%dma_wait3A_64 : memref<40x64xf32, #tpu.memory_space<vmem>>)
    %dma_wait3A_71 = arith.constant 0 : i32
    %dma_wait3A_72 = arith.constant 80 : i32
    %dma_wait3A_73 = arith.constant 0 : i32
    %dma_wait3A_74 = tpu.memref_slice %arg6[%dma_wait3A_72, %dma_wait3A_73] : memref<200x64xf32, #tpu.memory_space<vmem>> -> memref<40x64xf32, #tpu.memory_space<vmem>>
    %dma_wait3A_75 = arith.constant 80 : i32
    %dma_wait3A_76 = tpu.memref_slice %arg5[%dma_wait3A_71, %dma_wait3A_75] : memref<32x200xi32, #tpu.memory_space<vmem>> -> memref<1x40xi32, #tpu.memory_space<vmem>>
    %dma_wait3A_77 = tpu.memref_squeeze %dma_wait3A_76 : memref<1x40xi32, #tpu.memory_space<vmem>> -> memref<40xi32, #tpu.memory_space<vmem>>
    %dma_wait3A_78 = arith.constant 0 : i32
    %dma_wait3A_79 = arith.constant 0 : i32
    %dma_wait3A_80 = tpu.memref_slice %arg3[%dma_wait3A_78, %dma_wait3A_79] : memref<1000001x64xf32, #tpu.memory_space<hbm>> -> memref<1000001x64xf32, #tpu.memory_space<hbm>>
    tpu.wait_indirect_dma semaphore(%arg8 : memref<!tpu.dma_semaphore, #tpu.memory_space<semaphore_mem>>) src(%dma_wait3A_80 : memref<1000001x64xf32, #tpu.memory_space<hbm>>) dst(%dma_wait3A_74 : memref<40x64xf32, #tpu.memory_space<vmem>>)
    %dma_wait3A_81 = arith.constant 0 : i32
    %dma_wait3A_82 = arith.constant 120 : i32
    %dma_wait3A_83 = arith.constant 0 : i32
    %dma_wait3A_84 = tpu.memref_slice %arg6[%dma_wait3A_82, %dma_wait3A_83] : memref<200x64xf32, #tpu.memory_space<vmem>> -> memref<40x64xf32, #tpu.memory_space<vmem>>
    %dma_wait3A_85 = arith.constant 120 : i32
    %dma_wait3A_86 = tpu.memref_slice %arg5[%dma_wait3A_81, %dma_wait3A_85] : memref<32x200xi32, #tpu.memory_space<vmem>> -> memref<1x40xi32, #tpu.memory_space<vmem>>
    %dma_wait3A_87 = tpu.memref_squeeze %dma_wait3A_86 : memref<1x40xi32, #tpu.memory_space<vmem>> -> memref<40xi32, #tpu.memory_space<vmem>>
    %dma_wait3A_88 = arith.constant 0 : i32
    %dma_wait3A_89 = arith.constant 0 : i32
    %dma_wait3A_90 = tpu.memref_slice %arg3[%dma_wait3A_88, %dma_wait3A_89] : memref<1000001x64xf32, #tpu.memory_space<hbm>> -> memref<1000001x64xf32, #tpu.memory_space<hbm>>
    tpu.wait_indirect_dma semaphore(%arg8 : memref<!tpu.dma_semaphore, #tpu.memory_space<semaphore_mem>>) src(%dma_wait3A_90 : memref<1000001x64xf32, #tpu.memory_space<hbm>>) dst(%dma_wait3A_84 : memref<40x64xf32, #tpu.memory_space<vmem>>)
    %dma_wait3A_91 = arith.constant 0 : i32
    %dma_wait3A_92 = arith.constant 160 : i32
    %dma_wait3A_93 = arith.constant 0 : i32
    %dma_wait3A_94 = tpu.memref_slice %arg6[%dma_wait3A_92, %dma_wait3A_93] : memref<200x64xf32, #tpu.memory_space<vmem>> -> memref<40x64xf32, #tpu.memory_space<vmem>>
    %dma_wait3A_95 = arith.constant 160 : i32
    %dma_wait3A_96 = tpu.memref_slice %arg5[%dma_wait3A_91, %dma_wait3A_95] : memref<32x200xi32, #tpu.memory_space<vmem>> -> memref<1x40xi32, #tpu.memory_space<vmem>>
    %dma_wait3A_97 = tpu.memref_squeeze %dma_wait3A_96 : memref<1x40xi32, #tpu.memory_space<vmem>> -> memref<40xi32, #tpu.memory_space<vmem>>
    %dma_wait3A_98 = arith.constant 0 : i32
    %dma_wait3A_99 = arith.constant 0 : i32
    %dma_wait3A_100 = tpu.memref_slice %arg3[%dma_wait3A_98, %dma_wait3A_99] : memref<1000001x64xf32, #tpu.memory_space<hbm>> -> memref<1000001x64xf32, #tpu.memory_space<hbm>>
    tpu.wait_indirect_dma semaphore(%arg8 : memref<!tpu.dma_semaphore, #tpu.memory_space<semaphore_mem>>) src(%dma_wait3A_100 : memref<1000001x64xf32, #tpu.memory_space<hbm>>) dst(%dma_wait3A_94 : memref<40x64xf32, #tpu.memory_space<vmem>>)
    %scan3A = arith.constant 0 : i32
    %scan3A_101 = arith.constant 0 : i32
    %scan3A_102 = arith.constant 16 : i32
    %scan3A_103 = arith.addi %scan3A_101, %scan3A_102 : i32
    %scan3A_104 = arith.constant 1 : i32
    scf.for %scan3A_106 = %scan3A_101 to %scan3A_103 step %scan3A_104  : i32 {
      %mul3A_107 = arith.constant 2 : i32
      %mul3A_108 = arith.muli %scan3A_106, %mul3A_107 : i32
      %add3A_109 = arith.constant 0 : i32
      %add3A_110 = arith.addi %mul3A_108, %add3A_109 : i32
      %add3A_111 = arith.constant 1 : i32
      %add3A_112 = arith.addi %add3A_110, %add3A_111 : i32
      %rem3A = arith.constant 32 : i32
      %rem3A_113 = arith.remsi %add3A_112, %rem3A : i32
      %dma_start3A_114 = arith.constant 0 : i32
      %dma_start3A_115 = arith.constant 0 : i32
      %dma_start3A_116 = tpu.memref_slice %arg7[%dma_start3A_114, %dma_start3A_115] : memref<200x64xf32, #tpu.memory_space<vmem>> -> memref<40x64xf32, #tpu.memory_space<vmem>>
      %dma_start3A_117 = arith.constant 0 : i32
      %dma_start3A_118 = tpu.memref_slice %arg5[%rem3A_113, %dma_start3A_117] : memref<32x200xi32, #tpu.memory_space<vmem>> -> memref<1x40xi32, #tpu.memory_space<vmem>>
      %dma_start3A_119 = tpu.memref_squeeze %dma_start3A_118 : memref<1x40xi32, #tpu.memory_space<vmem>> -> memref<40xi32, #tpu.memory_space<vmem>>
      %dma_start3A_120 = arith.constant 0 : i32
      %dma_start3A_121 = arith.constant 0 : i32
      %dma_start3A_122 = tpu.memref_slice %arg3[%dma_start3A_120, %dma_start3A_121] : memref<1000001x64xf32, #tpu.memory_space<hbm>> -> memref<1000001x64xf32, #tpu.memory_space<hbm>>
      tpu.enqueue_indirect_dma source(%dma_start3A_122 : memref<1000001x64xf32, #tpu.memory_space<hbm>>) target(%dma_start3A_116 : memref<40x64xf32, #tpu.memory_space<vmem>>) offsets(%dma_start3A_119 : memref<40xi32, #tpu.memory_space<vmem>>) semaphore(%arg9 : memref<!tpu.dma_semaphore, #tpu.memory_space<semaphore_mem>>)
      %dma_start3A_123 = arith.constant 40 : i32
      %dma_start3A_124 = arith.constant 0 : i32
      %dma_start3A_125 = tpu.memref_slice %arg7[%dma_start3A_123, %dma_start3A_124] : memref<200x64xf32, #tpu.memory_space<vmem>> -> memref<40x64xf32, #tpu.memory_space<vmem>>
      %dma_start3A_126 = arith.constant 40 : i32
      %dma_start3A_127 = tpu.memref_slice %arg5[%rem3A_113, %dma_start3A_126] : memref<32x200xi32, #tpu.memory_space<vmem>> -> memref<1x40xi32, #tpu.memory_space<vmem>>
      %dma_start3A_128 = tpu.memref_squeeze %dma_start3A_127 : memref<1x40xi32, #tpu.memory_space<vmem>> -> memref<40xi32, #tpu.memory_space<vmem>>
      %dma_start3A_129 = arith.constant 0 : i32
      %dma_start3A_130 = arith.constant 0 : i32
      %dma_start3A_131 = tpu.memref_slice %arg3[%dma_start3A_129, %dma_start3A_130] : memref<1000001x64xf32, #tpu.memory_space<hbm>> -> memref<1000001x64xf32, #tpu.memory_space<hbm>>
      tpu.enqueue_indirect_dma source(%dma_start3A_131 : memref<1000001x64xf32, #tpu.memory_space<hbm>>) target(%dma_start3A_125 : memref<40x64xf32, #tpu.memory_space<vmem>>) offsets(%dma_start3A_128 : memref<40xi32, #tpu.memory_space<vmem>>) semaphore(%arg9 : memref<!tpu.dma_semaphore, #tpu.memory_space<semaphore_mem>>)
      %dma_start3A_132 = arith.constant 80 : i32
      %dma_start3A_133 = arith.constant 0 : i32
      %dma_start3A_134 = tpu.memref_slice %arg7[%dma_start3A_132, %dma_start3A_133] : memref<200x64xf32, #tpu.memory_space<vmem>> -> memref<40x64xf32, #tpu.memory_space<vmem>>
      %dma_start3A_135 = arith.constant 80 : i32
      %dma_start3A_136 = tpu.memref_slice %arg5[%rem3A_113, %dma_start3A_135] : memref<32x200xi32, #tpu.memory_space<vmem>> -> memref<1x40xi32, #tpu.memory_space<vmem>>
      %dma_start3A_137 = tpu.memref_squeeze %dma_start3A_136 : memref<1x40xi32, #tpu.memory_space<vmem>> -> memref<40xi32, #tpu.memory_space<vmem>>
      %dma_start3A_138 = arith.constant 0 : i32
      %dma_start3A_139 = arith.constant 0 : i32
      %dma_start3A_140 = tpu.memref_slice %arg3[%dma_start3A_138, %dma_start3A_139] : memref<1000001x64xf32, #tpu.memory_space<hbm>> -> memref<1000001x64xf32, #tpu.memory_space<hbm>>
      tpu.enqueue_indirect_dma source(%dma_start3A_140 : memref<1000001x64xf32, #tpu.memory_space<hbm>>) target(%dma_start3A_134 : memref<40x64xf32, #tpu.memory_space<vmem>>) offsets(%dma_start3A_137 : memref<40xi32, #tpu.memory_space<vmem>>) semaphore(%arg9 : memref<!tpu.dma_semaphore, #tpu.memory_space<semaphore_mem>>)
      %dma_start3A_141 = arith.constant 120 : i32
      %dma_start3A_142 = arith.constant 0 : i32
      %dma_start3A_143 = tpu.memref_slice %arg7[%dma_start3A_141, %dma_start3A_142] : memref<200x64xf32, #tpu.memory_space<vmem>> -> memref<40x64xf32, #tpu.memory_space<vmem>>
      %dma_start3A_144 = arith.constant 120 : i32
      %dma_start3A_145 = tpu.memref_slice %arg5[%rem3A_113, %dma_start3A_144] : memref<32x200xi32, #tpu.memory_space<vmem>> -> memref<1x40xi32, #tpu.memory_space<vmem>>
      %dma_start3A_146 = tpu.memref_squeeze %dma_start3A_145 : memref<1x40xi32, #tpu.memory_space<vmem>> -> memref<40xi32, #tpu.memory_space<vmem>>
      %dma_start3A_147 = arith.constant 0 : i32
      %dma_start3A_148 = arith.constant 0 : i32
      %dma_start3A_149 = tpu.memref_slice %arg3[%dma_start3A_147, %dma_start3A_148] : memref<1000001x64xf32, #tpu.memory_space<hbm>> -> memref<1000001x64xf32, #tpu.memory_space<hbm>>
      tpu.enqueue_indirect_dma source(%dma_start3A_149 : memref<1000001x64xf32, #tpu.memory_space<hbm>>) target(%dma_start3A_143 : memref<40x64xf32, #tpu.memory_space<vmem>>) offsets(%dma_start3A_146 : memref<40xi32, #tpu.memory_space<vmem>>) semaphore(%arg9 : memref<!tpu.dma_semaphore, #tpu.memory_space<semaphore_mem>>)
      %dma_start3A_150 = arith.constant 160 : i32
      %dma_start3A_151 = arith.constant 0 : i32
      %dma_start3A_152 = tpu.memref_slice %arg7[%dma_start3A_150, %dma_start3A_151] : memref<200x64xf32, #tpu.memory_space<vmem>> -> memref<40x64xf32, #tpu.memory_space<vmem>>
      %dma_start3A_153 = arith.constant 160 : i32
      %dma_start3A_154 = tpu.memref_slice %arg5[%rem3A_113, %dma_start3A_153] : memref<32x200xi32, #tpu.memory_space<vmem>> -> memref<1x40xi32, #tpu.memory_space<vmem>>
      %dma_start3A_155 = tpu.memref_squeeze %dma_start3A_154 : memref<1x40xi32, #tpu.memory_space<vmem>> -> memref<40xi32, #tpu.memory_space<vmem>>
      %dma_start3A_156 = arith.constant 0 : i32
      %dma_start3A_157 = arith.constant 0 : i32
      %dma_start3A_158 = tpu.memref_slice %arg3[%dma_start3A_156, %dma_start3A_157] : memref<1000001x64xf32, #tpu.memory_space<hbm>> -> memref<1000001x64xf32, #tpu.memory_space<hbm>>
      tpu.enqueue_indirect_dma source(%dma_start3A_158 : memref<1000001x64xf32, #tpu.memory_space<hbm>>) target(%dma_start3A_152 : memref<40x64xf32, #tpu.memory_space<vmem>>) offsets(%dma_start3A_155 : memref<40xi32, #tpu.memory_space<vmem>>) semaphore(%arg9 : memref<!tpu.dma_semaphore, #tpu.memory_space<semaphore_mem>>)
      %add3A_159 = arith.addi %mul3A_2, %add3A_110 : i32
      %mul3A_160 = arith.constant 200 : i32
      %mul3A_161 = arith.muli %add3A_159, %mul3A_160 : i32
      %dma_start3A_162 = arith.constant 0 : i32
      %dma_start3A_163 = tpu.memref_slice %arg4[%mul3A_161, %dma_start3A_162] : memref<204800x64xf32, #tpu.memory_space<hbm>> -> memref<200x64xf32, #tpu.memory_space<hbm>>
      %dma_start3A_164 = arith.constant 0 : i32
      %dma_start3A_165 = tpu.memref_slice %arg4[%mul3A_161, %dma_start3A_164] : memref<204800x64xf32, #tpu.memory_space<hbm>> -> memref<200x64xf32, #tpu.memory_space<hbm>>
      tpu.enqueue_dma source(%arg6 : memref<200x64xf32, #tpu.memory_space<vmem>>) target(%dma_start3A_165 : memref<200x64xf32, #tpu.memory_space<hbm>>) target_semaphore(%arg10 : memref<!tpu.dma_semaphore, #tpu.memory_space<semaphore_mem>>)
      %dma_wait3A_166 = arith.constant 0 : i32
      %dma_wait3A_167 = arith.constant 0 : i32
      %dma_wait3A_168 = tpu.memref_slice %arg7[%dma_wait3A_166, %dma_wait3A_167] : memref<200x64xf32, #tpu.memory_space<vmem>> -> memref<40x64xf32, #tpu.memory_space<vmem>>
      %dma_wait3A_169 = arith.constant 0 : i32
      %dma_wait3A_170 = tpu.memref_slice %arg5[%rem3A_113, %dma_wait3A_169] : memref<32x200xi32, #tpu.memory_space<vmem>> -> memref<1x40xi32, #tpu.memory_space<vmem>>
      %dma_wait3A_171 = tpu.memref_squeeze %dma_wait3A_170 : memref<1x40xi32, #tpu.memory_space<vmem>> -> memref<40xi32, #tpu.memory_space<vmem>>
      %dma_wait3A_172 = arith.constant 0 : i32
      %dma_wait3A_173 = arith.constant 0 : i32
      %dma_wait3A_174 = tpu.memref_slice %arg3[%dma_wait3A_172, %dma_wait3A_173] : memref<1000001x64xf32, #tpu.memory_space<hbm>> -> memref<1000001x64xf32, #tpu.memory_space<hbm>>
      tpu.wait_indirect_dma semaphore(%arg9 : memref<!tpu.dma_semaphore, #tpu.memory_space<semaphore_mem>>) src(%dma_wait3A_174 : memref<1000001x64xf32, #tpu.memory_space<hbm>>) dst(%dma_wait3A_168 : memref<40x64xf32, #tpu.memory_space<vmem>>)
      %dma_wait3A_175 = arith.constant 40 : i32
      %dma_wait3A_176 = arith.constant 0 : i32
      %dma_wait3A_177 = tpu.memref_slice %arg7[%dma_wait3A_175, %dma_wait3A_176] : memref<200x64xf32, #tpu.memory_space<vmem>> -> memref<40x64xf32, #tpu.memory_space<vmem>>
      %dma_wait3A_178 = arith.constant 40 : i32
      %dma_wait3A_179 = tpu.memref_slice %arg5[%rem3A_113, %dma_wait3A_178] : memref<32x200xi32, #tpu.memory_space<vmem>> -> memref<1x40xi32, #tpu.memory_space<vmem>>
      %dma_wait3A_180 = tpu.memref_squeeze %dma_wait3A_179 : memref<1x40xi32, #tpu.memory_space<vmem>> -> memref<40xi32, #tpu.memory_space<vmem>>
      %dma_wait3A_181 = arith.constant 0 : i32
      %dma_wait3A_182 = arith.constant 0 : i32
      %dma_wait3A_183 = tpu.memref_slice %arg3[%dma_wait3A_181, %dma_wait3A_182] : memref<1000001x64xf32, #tpu.memory_space<hbm>> -> memref<1000001x64xf32, #tpu.memory_space<hbm>>
      tpu.wait_indirect_dma semaphore(%arg9 : memref<!tpu.dma_semaphore, #tpu.memory_space<semaphore_mem>>) src(%dma_wait3A_183 : memref<1000001x64xf32, #tpu.memory_space<hbm>>) dst(%dma_wait3A_177 : memref<40x64xf32, #tpu.memory_space<vmem>>)
      %dma_wait3A_184 = arith.constant 80 : i32
      %dma_wait3A_185 = arith.constant 0 : i32
      %dma_wait3A_186 = tpu.memref_slice %arg7[%dma_wait3A_184, %dma_wait3A_185] : memref<200x64xf32, #tpu.memory_space<vmem>> -> memref<40x64xf32, #tpu.memory_space<vmem>>
      %dma_wait3A_187 = arith.constant 80 : i32
      %dma_wait3A_188 = tpu.memref_slice %arg5[%rem3A_113, %dma_wait3A_187] : memref<32x200xi32, #tpu.memory_space<vmem>> -> memref<1x40xi32, #tpu.memory_space<vmem>>
      %dma_wait3A_189 = tpu.memref_squeeze %dma_wait3A_188 : memref<1x40xi32, #tpu.memory_space<vmem>> -> memref<40xi32, #tpu.memory_space<vmem>>
      %dma_wait3A_190 = arith.constant 0 : i32
      %dma_wait3A_191 = arith.constant 0 : i32
      %dma_wait3A_192 = tpu.memref_slice %arg3[%dma_wait3A_190, %dma_wait3A_191] : memref<1000001x64xf32, #tpu.memory_space<hbm>> -> memref<1000001x64xf32, #tpu.memory_space<hbm>>
      tpu.wait_indirect_dma semaphore(%arg9 : memref<!tpu.dma_semaphore, #tpu.memory_space<semaphore_mem>>) src(%dma_wait3A_192 : memref<1000001x64xf32, #tpu.memory_space<hbm>>) dst(%dma_wait3A_186 : memref<40x64xf32, #tpu.memory_space<vmem>>)
      %dma_wait3A_193 = arith.constant 120 : i32
      %dma_wait3A_194 = arith.constant 0 : i32
      %dma_wait3A_195 = tpu.memref_slice %arg7[%dma_wait3A_193, %dma_wait3A_194] : memref<200x64xf32, #tpu.memory_space<vmem>> -> memref<40x64xf32, #tpu.memory_space<vmem>>
      %dma_wait3A_196 = arith.constant 120 : i32
      %dma_wait3A_197 = tpu.memref_slice %arg5[%rem3A_113, %dma_wait3A_196] : memref<32x200xi32, #tpu.memory_space<vmem>> -> memref<1x40xi32, #tpu.memory_space<vmem>>
      %dma_wait3A_198 = tpu.memref_squeeze %dma_wait3A_197 : memref<1x40xi32, #tpu.memory_space<vmem>> -> memref<40xi32, #tpu.memory_space<vmem>>
      %dma_wait3A_199 = arith.constant 0 : i32
      %dma_wait3A_200 = arith.constant 0 : i32
      %dma_wait3A_201 = tpu.memref_slice %arg3[%dma_wait3A_199, %dma_wait3A_200] : memref<1000001x64xf32, #tpu.memory_space<hbm>> -> memref<1000001x64xf32, #tpu.memory_space<hbm>>
      tpu.wait_indirect_dma semaphore(%arg9 : memref<!tpu.dma_semaphore, #tpu.memory_space<semaphore_mem>>) src(%dma_wait3A_201 : memref<1000001x64xf32, #tpu.memory_space<hbm>>) dst(%dma_wait3A_195 : memref<40x64xf32, #tpu.memory_space<vmem>>)
      %dma_wait3A_202 = arith.constant 160 : i32
      %dma_wait3A_203 = arith.constant 0 : i32
      %dma_wait3A_204 = tpu.memref_slice %arg7[%dma_wait3A_202, %dma_wait3A_203] : memref<200x64xf32, #tpu.memory_space<vmem>> -> memref<40x64xf32, #tpu.memory_space<vmem>>
      %dma_wait3A_205 = arith.constant 160 : i32
      %dma_wait3A_206 = tpu.memref_slice %arg5[%rem3A_113, %dma_wait3A_205] : memref<32x200xi32, #tpu.memory_space<vmem>> -> memref<1x40xi32, #tpu.memory_space<vmem>>
      %dma_wait3A_207 = tpu.memref_squeeze %dma_wait3A_206 : memref<1x40xi32, #tpu.memory_space<vmem>> -> memref<40xi32, #tpu.memory_space<vmem>>
      %dma_wait3A_208 = arith.constant 0 : i32
      %dma_wait3A_209 = arith.constant 0 : i32
      %dma_wait3A_210 = tpu.memref_slice %arg3[%dma_wait3A_208, %dma_wait3A_209] : memref<1000001x64xf32, #tpu.memory_space<hbm>> -> memref<1000001x64xf32, #tpu.memory_space<hbm>>
      tpu.wait_indirect_dma semaphore(%arg9 : memref<!tpu.dma_semaphore, #tpu.memory_space<semaphore_mem>>) src(%dma_wait3A_210 : memref<1000001x64xf32, #tpu.memory_space<hbm>>) dst(%dma_wait3A_204 : memref<40x64xf32, #tpu.memory_space<vmem>>)
      %dma_wait3A_211 = arith.constant 0 : i32
      %dma_wait3A_212 = tpu.memref_slice %arg4[%mul3A_161, %dma_wait3A_211] : memref<204800x64xf32, #tpu.memory_space<hbm>> -> memref<200x64xf32, #tpu.memory_space<hbm>>
      %dma_wait3A_213 = arith.constant 0 : i32
      %dma_wait3A_214 = tpu.memref_slice %arg4[%mul3A_161, %dma_wait3A_213] : memref<204800x64xf32, #tpu.memory_space<hbm>> -> memref<200x64xf32, #tpu.memory_space<hbm>>
      tpu.wait_dma2 semaphore(%arg10 : memref<!tpu.dma_semaphore, #tpu.memory_space<semaphore_mem>>) src(%arg6 : memref<200x64xf32, #tpu.memory_space<vmem>>) dst(%dma_wait3A_214 : memref<200x64xf32, #tpu.memory_space<hbm>>)
      %mul3A_215 = arith.constant 2 : i32
      %mul3A_216 = arith.muli %scan3A_106, %mul3A_215 : i32
      %add3A_217 = arith.constant 1 : i32
      %add3A_218 = arith.addi %mul3A_216, %add3A_217 : i32
      %add3A_219 = arith.constant 1 : i32
      %add3A_220 = arith.addi %add3A_218, %add3A_219 : i32
      %rem3A_221 = arith.constant 32 : i32
      %rem3A_222 = arith.remsi %add3A_220, %rem3A_221 : i32
      %dma_start3A_223 = arith.constant 0 : i32
      %dma_start3A_224 = arith.constant 0 : i32
      %dma_start3A_225 = tpu.memref_slice %arg6[%dma_start3A_223, %dma_start3A_224] : memref<200x64xf32, #tpu.memory_space<vmem>> -> memref<40x64xf32, #tpu.memory_space<vmem>>
      %dma_start3A_226 = arith.constant 0 : i32
      %dma_start3A_227 = tpu.memref_slice %arg5[%rem3A_222, %dma_start3A_226] : memref<32x200xi32, #tpu.memory_space<vmem>> -> memref<1x40xi32, #tpu.memory_space<vmem>>
      %dma_start3A_228 = tpu.memref_squeeze %dma_start3A_227 : memref<1x40xi32, #tpu.memory_space<vmem>> -> memref<40xi32, #tpu.memory_space<vmem>>
      %dma_start3A_229 = arith.constant 0 : i32
      %dma_start3A_230 = arith.constant 0 : i32
      %dma_start3A_231 = tpu.memref_slice %arg3[%dma_start3A_229, %dma_start3A_230] : memref<1000001x64xf32, #tpu.memory_space<hbm>> -> memref<1000001x64xf32, #tpu.memory_space<hbm>>
      tpu.enqueue_indirect_dma source(%dma_start3A_231 : memref<1000001x64xf32, #tpu.memory_space<hbm>>) target(%dma_start3A_225 : memref<40x64xf32, #tpu.memory_space<vmem>>) offsets(%dma_start3A_228 : memref<40xi32, #tpu.memory_space<vmem>>) semaphore(%arg8 : memref<!tpu.dma_semaphore, #tpu.memory_space<semaphore_mem>>)
      %dma_start3A_232 = arith.constant 40 : i32
      %dma_start3A_233 = arith.constant 0 : i32
      %dma_start3A_234 = tpu.memref_slice %arg6[%dma_start3A_232, %dma_start3A_233] : memref<200x64xf32, #tpu.memory_space<vmem>> -> memref<40x64xf32, #tpu.memory_space<vmem>>
      %dma_start3A_235 = arith.constant 40 : i32
      %dma_start3A_236 = tpu.memref_slice %arg5[%rem3A_222, %dma_start3A_235] : memref<32x200xi32, #tpu.memory_space<vmem>> -> memref<1x40xi32, #tpu.memory_space<vmem>>
      %dma_start3A_237 = tpu.memref_squeeze %dma_start3A_236 : memref<1x40xi32, #tpu.memory_space<vmem>> -> memref<40xi32, #tpu.memory_space<vmem>>
      %dma_start3A_238 = arith.constant 0 : i32
      %dma_start3A_239 = arith.constant 0 : i32
      %dma_start3A_240 = tpu.memref_slice %arg3[%dma_start3A_238, %dma_start3A_239] : memref<1000001x64xf32, #tpu.memory_space<hbm>> -> memref<1000001x64xf32, #tpu.memory_space<hbm>>
      tpu.enqueue_indirect_dma source(%dma_start3A_240 : memref<1000001x64xf32, #tpu.memory_space<hbm>>) target(%dma_start3A_234 : memref<40x64xf32, #tpu.memory_space<vmem>>) offsets(%dma_start3A_237 : memref<40xi32, #tpu.memory_space<vmem>>) semaphore(%arg8 : memref<!tpu.dma_semaphore, #tpu.memory_space<semaphore_mem>>)
      %dma_start3A_241 = arith.constant 80 : i32
      %dma_start3A_242 = arith.constant 0 : i32
      %dma_start3A_243 = tpu.memref_slice %arg6[%dma_start3A_241, %dma_start3A_242] : memref<200x64xf32, #tpu.memory_space<vmem>> -> memref<40x64xf32, #tpu.memory_space<vmem>>
      %dma_start3A_244 = arith.constant 80 : i32
      %dma_start3A_245 = tpu.memref_slice %arg5[%rem3A_222, %dma_start3A_244] : memref<32x200xi32, #tpu.memory_space<vmem>> -> memref<1x40xi32, #tpu.memory_space<vmem>>
      %dma_start3A_246 = tpu.memref_squeeze %dma_start3A_245 : memref<1x40xi32, #tpu.memory_space<vmem>> -> memref<40xi32, #tpu.memory_space<vmem>>
      %dma_start3A_247 = arith.constant 0 : i32
      %dma_start3A_248 = arith.constant 0 : i32
      %dma_start3A_249 = tpu.memref_slice %arg3[%dma_start3A_247, %dma_start3A_248] : memref<1000001x64xf32, #tpu.memory_space<hbm>> -> memref<1000001x64xf32, #tpu.memory_space<hbm>>
      tpu.enqueue_indirect_dma source(%dma_start3A_249 : memref<1000001x64xf32, #tpu.memory_space<hbm>>) target(%dma_start3A_243 : memref<40x64xf32, #tpu.memory_space<vmem>>) offsets(%dma_start3A_246 : memref<40xi32, #tpu.memory_space<vmem>>) semaphore(%arg8 : memref<!tpu.dma_semaphore, #tpu.memory_space<semaphore_mem>>)
      %dma_start3A_250 = arith.constant 120 : i32
      %dma_start3A_251 = arith.constant 0 : i32
      %dma_start3A_252 = tpu.memref_slice %arg6[%dma_start3A_250, %dma_start3A_251] : memref<200x64xf32, #tpu.memory_space<vmem>> -> memref<40x64xf32, #tpu.memory_space<vmem>>
      %dma_start3A_253 = arith.constant 120 : i32
      %dma_start3A_254 = tpu.memref_slice %arg5[%rem3A_222, %dma_start3A_253] : memref<32x200xi32, #tpu.memory_space<vmem>> -> memref<1x40xi32, #tpu.memory_space<vmem>>
      %dma_start3A_255 = tpu.memref_squeeze %dma_start3A_254 : memref<1x40xi32, #tpu.memory_space<vmem>> -> memref<40xi32, #tpu.memory_space<vmem>>
      %dma_start3A_256 = arith.constant 0 : i32
      %dma_start3A_257 = arith.constant 0 : i32
      %dma_start3A_258 = tpu.memref_slice %arg3[%dma_start3A_256, %dma_start3A_257] : memref<1000001x64xf32, #tpu.memory_space<hbm>> -> memref<1000001x64xf32, #tpu.memory_space<hbm>>
      tpu.enqueue_indirect_dma source(%dma_start3A_258 : memref<1000001x64xf32, #tpu.memory_space<hbm>>) target(%dma_start3A_252 : memref<40x64xf32, #tpu.memory_space<vmem>>) offsets(%dma_start3A_255 : memref<40xi32, #tpu.memory_space<vmem>>) semaphore(%arg8 : memref<!tpu.dma_semaphore, #tpu.memory_space<semaphore_mem>>)
      %dma_start3A_259 = arith.constant 160 : i32
      %dma_start3A_260 = arith.constant 0 : i32
      %dma_start3A_261 = tpu.memref_slice %arg6[%dma_start3A_259, %dma_start3A_260] : memref<200x64xf32, #tpu.memory_space<vmem>> -> memref<40x64xf32, #tpu.memory_space<vmem>>
      %dma_start3A_262 = arith.constant 160 : i32
      %dma_start3A_263 = tpu.memref_slice %arg5[%rem3A_222, %dma_start3A_262] : memref<32x200xi32, #tpu.memory_space<vmem>> -> memref<1x40xi32, #tpu.memory_space<vmem>>
      %dma_start3A_264 = tpu.memref_squeeze %dma_start3A_263 : memref<1x40xi32, #tpu.memory_space<vmem>> -> memref<40xi32, #tpu.memory_space<vmem>>
      %dma_start3A_265 = arith.constant 0 : i32
      %dma_start3A_266 = arith.constant 0 : i32
      %dma_start3A_267 = tpu.memref_slice %arg3[%dma_start3A_265, %dma_start3A_266] : memref<1000001x64xf32, #tpu.memory_space<hbm>> -> memref<1000001x64xf32, #tpu.memory_space<hbm>>
      tpu.enqueue_indirect_dma source(%dma_start3A_267 : memref<1000001x64xf32, #tpu.memory_space<hbm>>) target(%dma_start3A_261 : memref<40x64xf32, #tpu.memory_space<vmem>>) offsets(%dma_start3A_264 : memref<40xi32, #tpu.memory_space<vmem>>) semaphore(%arg8 : memref<!tpu.dma_semaphore, #tpu.memory_space<semaphore_mem>>)
      %add3A_268 = arith.addi %mul3A_2, %add3A_218 : i32
      %mul3A_269 = arith.constant 200 : i32
      %mul3A_270 = arith.muli %add3A_268, %mul3A_269 : i32
      %dma_start3A_271 = arith.constant 0 : i32
      %dma_start3A_272 = tpu.memref_slice %arg4[%mul3A_270, %dma_start3A_271] : memref<204800x64xf32, #tpu.memory_space<hbm>> -> memref<200x64xf32, #tpu.memory_space<hbm>>
      %dma_start3A_273 = arith.constant 0 : i32
      %dma_start3A_274 = tpu.memref_slice %arg4[%mul3A_270, %dma_start3A_273] : memref<204800x64xf32, #tpu.memory_space<hbm>> -> memref<200x64xf32, #tpu.memory_space<hbm>>
      tpu.enqueue_dma source(%arg7 : memref<200x64xf32, #tpu.memory_space<vmem>>) target(%dma_start3A_274 : memref<200x64xf32, #tpu.memory_space<hbm>>) target_semaphore(%arg11 : memref<!tpu.dma_semaphore, #tpu.memory_space<semaphore_mem>>)
      %dma_wait3A_275 = arith.constant 0 : i32
      %dma_wait3A_276 = arith.constant 0 : i32
      %dma_wait3A_277 = tpu.memref_slice %arg6[%dma_wait3A_275, %dma_wait3A_276] : memref<200x64xf32, #tpu.memory_space<vmem>> -> memref<40x64xf32, #tpu.memory_space<vmem>>
      %dma_wait3A_278 = arith.constant 0 : i32
      %dma_wait3A_279 = tpu.memref_slice %arg5[%rem3A_222, %dma_wait3A_278] : memref<32x200xi32, #tpu.memory_space<vmem>> -> memref<1x40xi32, #tpu.memory_space<vmem>>
      %dma_wait3A_280 = tpu.memref_squeeze %dma_wait3A_279 : memref<1x40xi32, #tpu.memory_space<vmem>> -> memref<40xi32, #tpu.memory_space<vmem>>
      %dma_wait3A_281 = arith.constant 0 : i32
      %dma_wait3A_282 = arith.constant 0 : i32
      %dma_wait3A_283 = tpu.memref_slice %arg3[%dma_wait3A_281, %dma_wait3A_282] : memref<1000001x64xf32, #tpu.memory_space<hbm>> -> memref<1000001x64xf32, #tpu.memory_space<hbm>>
      tpu.wait_indirect_dma semaphore(%arg8 : memref<!tpu.dma_semaphore, #tpu.memory_space<semaphore_mem>>) src(%dma_wait3A_283 : memref<1000001x64xf32, #tpu.memory_space<hbm>>) dst(%dma_wait3A_277 : memref<40x64xf32, #tpu.memory_space<vmem>>)
      %dma_wait3A_284 = arith.constant 40 : i32
      %dma_wait3A_285 = arith.constant 0 : i32
      %dma_wait3A_286 = tpu.memref_slice %arg6[%dma_wait3A_284, %dma_wait3A_285] : memref<200x64xf32, #tpu.memory_space<vmem>> -> memref<40x64xf32, #tpu.memory_space<vmem>>
      %dma_wait3A_287 = arith.constant 40 : i32
      %dma_wait3A_288 = tpu.memref_slice %arg5[%rem3A_222, %dma_wait3A_287] : memref<32x200xi32, #tpu.memory_space<vmem>> -> memref<1x40xi32, #tpu.memory_space<vmem>>
      %dma_wait3A_289 = tpu.memref_squeeze %dma_wait3A_288 : memref<1x40xi32, #tpu.memory_space<vmem>> -> memref<40xi32, #tpu.memory_space<vmem>>
      %dma_wait3A_290 = arith.constant 0 : i32
      %dma_wait3A_291 = arith.constant 0 : i32
      %dma_wait3A_292 = tpu.memref_slice %arg3[%dma_wait3A_290, %dma_wait3A_291] : memref<1000001x64xf32, #tpu.memory_space<hbm>> -> memref<1000001x64xf32, #tpu.memory_space<hbm>>
      tpu.wait_indirect_dma semaphore(%arg8 : memref<!tpu.dma_semaphore, #tpu.memory_space<semaphore_mem>>) src(%dma_wait3A_292 : memref<1000001x64xf32, #tpu.memory_space<hbm>>) dst(%dma_wait3A_286 : memref<40x64xf32, #tpu.memory_space<vmem>>)
      %dma_wait3A_293 = arith.constant 80 : i32
      %dma_wait3A_294 = arith.constant 0 : i32
      %dma_wait3A_295 = tpu.memref_slice %arg6[%dma_wait3A_293, %dma_wait3A_294] : memref<200x64xf32, #tpu.memory_space<vmem>> -> memref<40x64xf32, #tpu.memory_space<vmem>>
      %dma_wait3A_296 = arith.constant 80 : i32
      %dma_wait3A_297 = tpu.memref_slice %arg5[%rem3A_222, %dma_wait3A_296] : memref<32x200xi32, #tpu.memory_space<vmem>> -> memref<1x40xi32, #tpu.memory_space<vmem>>
      %dma_wait3A_298 = tpu.memref_squeeze %dma_wait3A_297 : memref<1x40xi32, #tpu.memory_space<vmem>> -> memref<40xi32, #tpu.memory_space<vmem>>
      %dma_wait3A_299 = arith.constant 0 : i32
      %dma_wait3A_300 = arith.constant 0 : i32
      %dma_wait3A_301 = tpu.memref_slice %arg3[%dma_wait3A_299, %dma_wait3A_300] : memref<1000001x64xf32, #tpu.memory_space<hbm>> -> memref<1000001x64xf32, #tpu.memory_space<hbm>>
      tpu.wait_indirect_dma semaphore(%arg8 : memref<!tpu.dma_semaphore, #tpu.memory_space<semaphore_mem>>) src(%dma_wait3A_301 : memref<1000001x64xf32, #tpu.memory_space<hbm>>) dst(%dma_wait3A_295 : memref<40x64xf32, #tpu.memory_space<vmem>>)
      %dma_wait3A_302 = arith.constant 120 : i32
      %dma_wait3A_303 = arith.constant 0 : i32
      %dma_wait3A_304 = tpu.memref_slice %arg6[%dma_wait3A_302, %dma_wait3A_303] : memref<200x64xf32, #tpu.memory_space<vmem>> -> memref<40x64xf32, #tpu.memory_space<vmem>>
      %dma_wait3A_305 = arith.constant 120 : i32
      %dma_wait3A_306 = tpu.memref_slice %arg5[%rem3A_222, %dma_wait3A_305] : memref<32x200xi32, #tpu.memory_space<vmem>> -> memref<1x40xi32, #tpu.memory_space<vmem>>
      %dma_wait3A_307 = tpu.memref_squeeze %dma_wait3A_306 : memref<1x40xi32, #tpu.memory_space<vmem>> -> memref<40xi32, #tpu.memory_space<vmem>>
      %dma_wait3A_308 = arith.constant 0 : i32
      %dma_wait3A_309 = arith.constant 0 : i32
      %dma_wait3A_310 = tpu.memref_slice %arg3[%dma_wait3A_308, %dma_wait3A_309] : memref<1000001x64xf32, #tpu.memory_space<hbm>> -> memref<1000001x64xf32, #tpu.memory_space<hbm>>
      tpu.wait_indirect_dma semaphore(%arg8 : memref<!tpu.dma_semaphore, #tpu.memory_space<semaphore_mem>>) src(%dma_wait3A_310 : memref<1000001x64xf32, #tpu.memory_space<hbm>>) dst(%dma_wait3A_304 : memref<40x64xf32, #tpu.memory_space<vmem>>)
      %dma_wait3A_311 = arith.constant 160 : i32
      %dma_wait3A_312 = arith.constant 0 : i32
      %dma_wait3A_313 = tpu.memref_slice %arg6[%dma_wait3A_311, %dma_wait3A_312] : memref<200x64xf32, #tpu.memory_space<vmem>> -> memref<40x64xf32, #tpu.memory_space<vmem>>
      %dma_wait3A_314 = arith.constant 160 : i32
      %dma_wait3A_315 = tpu.memref_slice %arg5[%rem3A_222, %dma_wait3A_314] : memref<32x200xi32, #tpu.memory_space<vmem>> -> memref<1x40xi32, #tpu.memory_space<vmem>>
      %dma_wait3A_316 = tpu.memref_squeeze %dma_wait3A_315 : memref<1x40xi32, #tpu.memory_space<vmem>> -> memref<40xi32, #tpu.memory_space<vmem>>
      %dma_wait3A_317 = arith.constant 0 : i32
      %dma_wait3A_318 = arith.constant 0 : i32
      %dma_wait3A_319 = tpu.memref_slice %arg3[%dma_wait3A_317, %dma_wait3A_318] : memref<1000001x64xf32, #tpu.memory_space<hbm>> -> memref<1000001x64xf32, #tpu.memory_space<hbm>>
      tpu.wait_indirect_dma semaphore(%arg8 : memref<!tpu.dma_semaphore, #tpu.memory_space<semaphore_mem>>) src(%dma_wait3A_319 : memref<1000001x64xf32, #tpu.memory_space<hbm>>) dst(%dma_wait3A_313 : memref<40x64xf32, #tpu.memory_space<vmem>>)
      %dma_wait3A_320 = arith.constant 0 : i32
      %dma_wait3A_321 = tpu.memref_slice %arg4[%mul3A_270, %dma_wait3A_320] : memref<204800x64xf32, #tpu.memory_space<hbm>> -> memref<200x64xf32, #tpu.memory_space<hbm>>
      %dma_wait3A_322 = arith.constant 0 : i32
      %dma_wait3A_323 = tpu.memref_slice %arg4[%mul3A_270, %dma_wait3A_322] : memref<204800x64xf32, #tpu.memory_space<hbm>> -> memref<200x64xf32, #tpu.memory_space<hbm>>
      tpu.wait_dma2 semaphore(%arg11 : memref<!tpu.dma_semaphore, #tpu.memory_space<semaphore_mem>>) src(%arg7 : memref<200x64xf32, #tpu.memory_space<vmem>>) dst(%dma_wait3A_323 : memref<200x64xf32, #tpu.memory_space<hbm>>)
    }
    %scan3A_105 = arith.constant 16 : i32
    return
  }
}

#map = affine_map<(d0, d1) -> (0, 0)>
module attributes {stable_mosaic.version = 14 : i64} {
  func.func @k(%arg0: i32, %arg1: i32, %arg2: memref<1024x200xi32, #tpu.memory_space<hbm>>, %arg3: memref<1000001x64xf32, #tpu.memory_space<hbm>>, %arg4: memref<204800x64xf32, #tpu.memory_space<hbm>>, %arg5: memref<32x200xi32, #tpu.memory_space<vmem>>, %arg6: memref<200x64xf32, #tpu.memory_space<vmem>>, %arg7: memref<200x64xf32, #tpu.memory_space<vmem>>, %arg8: memref<!tpu.dma_semaphore, #tpu.memory_space<semaphore_mem>>, %arg9: memref<!tpu.dma_semaphore, #tpu.memory_space<semaphore_mem>>, %arg10: memref<!tpu.dma_semaphore, #tpu.memory_space<semaphore_mem>>, %arg11: memref<!tpu.dma_semaphore, #tpu.memory_space<semaphore_mem>>) attributes {dimension_semantics = [#tpu.dimension_semantics<core_parallel>, #tpu.dimension_semantics<subcore_parallel>], iteration_bounds = array<i64: 2, 16>, scalar_prefetch = 0 : i64, scratch_operands = 7 : i64, tpu.core_type = #tpu.core_type<sc_vector_subcore>, window_params = [{transform_indices = #map}, {transform_indices = #map}, {transform_indices = #map}]} {
    %mul3A = arith.constant 2 : i32
    %mul3A_0 = arith.muli %arg1, %mul3A : i32
    %add3A = arith.addi %mul3A_0, %arg0 : i32
    %mul3A_1 = arith.constant 32 : i32
    %mul3A_2 = arith.muli %add3A, %mul3A_1 : i32
    "tpu.region"() ({
      %run_scoped3A = tpu.sem_alloc : memref<!tpu.dma_semaphore, #tpu.memory_space<semaphore_mem>>
      %dma_start3A_106 = arith.constant 0 : i32
      %dma_start3A_107 = tpu.memref_slice %arg2[%mul3A_2, %dma_start3A_106] : memref<1024x200xi32, #tpu.memory_space<hbm>> -> memref<32x200xi32, #tpu.memory_space<hbm>>
      %dma_start3A_108 = arith.constant 0 : i32
      %dma_start3A_109 = tpu.memref_slice %arg2[%mul3A_2, %dma_start3A_108] : memref<1024x200xi32, #tpu.memory_space<hbm>> -> memref<32x200xi32, #tpu.memory_space<hbm>>
      tpu.enqueue_dma source(%dma_start3A_109 : memref<32x200xi32, #tpu.memory_space<hbm>>) target(%arg5 : memref<32x200xi32, #tpu.memory_space<vmem>>) target_semaphore(%run_scoped3A : memref<!tpu.dma_semaphore, #tpu.memory_space<semaphore_mem>>)
      %dma_wait3A_110 = arith.constant 0 : i32
      %dma_wait3A_111 = tpu.memref_slice %arg2[%mul3A_2, %dma_wait3A_110] : memref<1024x200xi32, #tpu.memory_space<hbm>> -> memref<32x200xi32, #tpu.memory_space<hbm>>
      %dma_wait3A_112 = arith.constant 0 : i32
      %dma_wait3A_113 = tpu.memref_slice %arg2[%mul3A_2, %dma_wait3A_112] : memref<1024x200xi32, #tpu.memory_space<hbm>> -> memref<32x200xi32, #tpu.memory_space<hbm>>
      tpu.wait_dma2 semaphore(%run_scoped3A : memref<!tpu.dma_semaphore, #tpu.memory_space<semaphore_mem>>) src(%dma_wait3A_113 : memref<32x200xi32, #tpu.memory_space<hbm>>) dst(%arg5 : memref<32x200xi32, #tpu.memory_space<vmem>>)
      tpu.yield
    }) : () -> ()
    %dma_start3A = arith.constant 0 : i32
    %dma_start3A_3 = arith.constant 0 : i32
    %dma_start3A_4 = arith.constant 0 : i32
    %dma_start3A_5 = tpu.memref_slice %arg6[%dma_start3A_3, %dma_start3A_4] : memref<200x64xf32, #tpu.memory_space<vmem>> -> memref<40x64xf32, #tpu.memory_space<vmem>>
    %dma_start3A_6 = arith.constant 0 : i32
    %dma_start3A_7 = tpu.memref_slice %arg5[%dma_start3A, %dma_start3A_6] : memref<32x200xi32, #tpu.memory_space<vmem>> -> memref<1x40xi32, #tpu.memory_space<vmem>>
    %dma_start3A_8 = tpu.memref_squeeze %dma_start3A_7 : memref<1x40xi32, #tpu.memory_space<vmem>> -> memref<40xi32, #tpu.memory_space<vmem>>
    %dma_start3A_9 = arith.constant 0 : i32
    %dma_start3A_10 = arith.constant 0 : i32
    %dma_start3A_11 = tpu.memref_slice %arg3[%dma_start3A_9, %dma_start3A_10] : memref<1000001x64xf32, #tpu.memory_space<hbm>> -> memref<1000001x64xf32, #tpu.memory_space<hbm>>
    tpu.enqueue_indirect_dma source(%dma_start3A_11 : memref<1000001x64xf32, #tpu.memory_space<hbm>>) target(%dma_start3A_5 : memref<40x64xf32, #tpu.memory_space<vmem>>) offsets(%dma_start3A_8 : memref<40xi32, #tpu.memory_space<vmem>>) semaphore(%arg8 : memref<!tpu.dma_semaphore, #tpu.memory_space<semaphore_mem>>)
    %dma_start3A_12 = arith.constant 0 : i32
    %dma_start3A_13 = arith.constant 40 : i32
    %dma_start3A_14 = arith.constant 0 : i32
    %dma_start3A_15 = tpu.memref_slice %arg6[%dma_start3A_13, %dma_start3A_14] : memref<200x64xf32, #tpu.memory_space<vmem>> -> memref<40x64xf32, #tpu.memory_space<vmem>>
    %dma_start3A_16 = arith.constant 40 : i32
    %dma_start3A_17 = tpu.memref_slice %arg5[%dma_start3A_12, %dma_start3A_16] : memref<32x200xi32, #tpu.memory_space<vmem>> -> memref<1x40xi32, #tpu.memory_space<vmem>>
    %dma_start3A_18 = tpu.memref_squeeze %dma_start3A_17 : memref<1x40xi32, #tpu.memory_space<vmem>> -> memref<40xi32, #tpu.memory_space<vmem>>
    %dma_start3A_19 = arith.constant 0 : i32
    %dma_start3A_20 = arith.constant 0 : i32
    %dma_start3A_21 = tpu.memref_slice %arg3[%dma_start3A_19, %dma_start3A_20] : memref<1000001x64xf32, #tpu.memory_space<hbm>> -> memref<1000001x64xf32, #tpu.memory_space<hbm>>
    tpu.enqueue_indirect_dma source(%dma_start3A_21 : memref<1000001x64xf32, #tpu.memory_space<hbm>>) target(%dma_start3A_15 : memref<40x64xf32, #tpu.memory_space<vmem>>) offsets(%dma_start3A_18 : memref<40xi32, #tpu.memory_space<vmem>>) semaphore(%arg8 : memref<!tpu.dma_semaphore, #tpu.memory_space<semaphore_mem>>)
    %dma_start3A_22 = arith.constant 0 : i32
    %dma_start3A_23 = arith.constant 80 : i32
    %dma_start3A_24 = arith.constant 0 : i32
    %dma_start3A_25 = tpu.memref_slice %arg6[%dma_start3A_23, %dma_start3A_24] : memref<200x64xf32, #tpu.memory_space<vmem>> -> memref<40x64xf32, #tpu.memory_space<vmem>>
    %dma_start3A_26 = arith.constant 80 : i32
    %dma_start3A_27 = tpu.memref_slice %arg5[%dma_start3A_22, %dma_start3A_26] : memref<32x200xi32, #tpu.memory_space<vmem>> -> memref<1x40xi32, #tpu.memory_space<vmem>>
    %dma_start3A_28 = tpu.memref_squeeze %dma_start3A_27 : memref<1x40xi32, #tpu.memory_space<vmem>> -> memref<40xi32, #tpu.memory_space<vmem>>
    %dma_start3A_29 = arith.constant 0 : i32
    %dma_start3A_30 = arith.constant 0 : i32
    %dma_start3A_31 = tpu.memref_slice %arg3[%dma_start3A_29, %dma_start3A_30] : memref<1000001x64xf32, #tpu.memory_space<hbm>> -> memref<1000001x64xf32, #tpu.memory_space<hbm>>
    tpu.enqueue_indirect_dma source(%dma_start3A_31 : memref<1000001x64xf32, #tpu.memory_space<hbm>>) target(%dma_start3A_25 : memref<40x64xf32, #tpu.memory_space<vmem>>) offsets(%dma_start3A_28 : memref<40xi32, #tpu.memory_space<vmem>>) semaphore(%arg8 : memref<!tpu.dma_semaphore, #tpu.memory_space<semaphore_mem>>)
    %dma_start3A_32 = arith.constant 0 : i32
    %dma_start3A_33 = arith.constant 120 : i32
    %dma_start3A_34 = arith.constant 0 : i32
    %dma_start3A_35 = tpu.memref_slice %arg6[%dma_start3A_33, %dma_start3A_34] : memref<200x64xf32, #tpu.memory_space<vmem>> -> memref<40x64xf32, #tpu.memory_space<vmem>>
    %dma_start3A_36 = arith.constant 120 : i32
    %dma_start3A_37 = tpu.memref_slice %arg5[%dma_start3A_32, %dma_start3A_36] : memref<32x200xi32, #tpu.memory_space<vmem>> -> memref<1x40xi32, #tpu.memory_space<vmem>>
    %dma_start3A_38 = tpu.memref_squeeze %dma_start3A_37 : memref<1x40xi32, #tpu.memory_space<vmem>> -> memref<40xi32, #tpu.memory_space<vmem>>
    %dma_start3A_39 = arith.constant 0 : i32
    %dma_start3A_40 = arith.constant 0 : i32
    %dma_start3A_41 = tpu.memref_slice %arg3[%dma_start3A_39, %dma_start3A_40] : memref<1000001x64xf32, #tpu.memory_space<hbm>> -> memref<1000001x64xf32, #tpu.memory_space<hbm>>
    tpu.enqueue_indirect_dma source(%dma_start3A_41 : memref<1000001x64xf32, #tpu.memory_space<hbm>>) target(%dma_start3A_35 : memref<40x64xf32, #tpu.memory_space<vmem>>) offsets(%dma_start3A_38 : memref<40xi32, #tpu.memory_space<vmem>>) semaphore(%arg8 : memref<!tpu.dma_semaphore, #tpu.memory_space<semaphore_mem>>)
    %dma_start3A_42 = arith.constant 0 : i32
    %dma_start3A_43 = arith.constant 160 : i32
    %dma_start3A_44 = arith.constant 0 : i32
    %dma_start3A_45 = tpu.memref_slice %arg6[%dma_start3A_43, %dma_start3A_44] : memref<200x64xf32, #tpu.memory_space<vmem>> -> memref<40x64xf32, #tpu.memory_space<vmem>>
    %dma_start3A_46 = arith.constant 160 : i32
    %dma_start3A_47 = tpu.memref_slice %arg5[%dma_start3A_42, %dma_start3A_46] : memref<32x200xi32, #tpu.memory_space<vmem>> -> memref<1x40xi32, #tpu.memory_space<vmem>>
    %dma_start3A_48 = tpu.memref_squeeze %dma_start3A_47 : memref<1x40xi32, #tpu.memory_space<vmem>> -> memref<40xi32, #tpu.memory_space<vmem>>
    %dma_start3A_49 = arith.constant 0 : i32
    %dma_start3A_50 = arith.constant 0 : i32
    %dma_start3A_51 = tpu.memref_slice %arg3[%dma_start3A_49, %dma_start3A_50] : memref<1000001x64xf32, #tpu.memory_space<hbm>> -> memref<1000001x64xf32, #tpu.memory_space<hbm>>
    tpu.enqueue_indirect_dma source(%dma_start3A_51 : memref<1000001x64xf32, #tpu.memory_space<hbm>>) target(%dma_start3A_45 : memref<40x64xf32, #tpu.memory_space<vmem>>) offsets(%dma_start3A_48 : memref<40xi32, #tpu.memory_space<vmem>>) semaphore(%arg8 : memref<!tpu.dma_semaphore, #tpu.memory_space<semaphore_mem>>)
    %dma_wait3A = arith.constant 0 : i32
    %dma_wait3A_52 = arith.constant 0 : i32
    %dma_wait3A_53 = arith.constant 0 : i32
    %dma_wait3A_54 = tpu.memref_slice %arg6[%dma_wait3A_52, %dma_wait3A_53] : memref<200x64xf32, #tpu.memory_space<vmem>> -> memref<40x64xf32, #tpu.memory_space<vmem>>
    %dma_wait3A_55 = arith.constant 0 : i32
    %dma_wait3A_56 = tpu.memref_slice %arg5[%dma_wait3A, %dma_wait3A_55] : memref<32x200xi32, #tpu.memory_space<vmem>> -> memref<1x40xi32, #tpu.memory_space<vmem>>
    %dma_wait3A_57 = tpu.memref_squeeze %dma_wait3A_56 : memref<1x40xi32, #tpu.memory_space<vmem>> -> memref<40xi32, #tpu.memory_space<vmem>>
    %dma_wait3A_58 = arith.constant 0 : i32
    %dma_wait3A_59 = arith.constant 0 : i32
    %dma_wait3A_60 = tpu.memref_slice %arg3[%dma_wait3A_58, %dma_wait3A_59] : memref<1000001x64xf32, #tpu.memory_space<hbm>> -> memref<1000001x64xf32, #tpu.memory_space<hbm>>
    tpu.wait_indirect_dma semaphore(%arg8 : memref<!tpu.dma_semaphore, #tpu.memory_space<semaphore_mem>>) src(%dma_wait3A_60 : memref<1000001x64xf32, #tpu.memory_space<hbm>>) dst(%dma_wait3A_54 : memref<40x64xf32, #tpu.memory_space<vmem>>)
    %dma_wait3A_61 = arith.constant 0 : i32
    %dma_wait3A_62 = arith.constant 40 : i32
    %dma_wait3A_63 = arith.constant 0 : i32
    %dma_wait3A_64 = tpu.memref_slice %arg6[%dma_wait3A_62, %dma_wait3A_63] : memref<200x64xf32, #tpu.memory_space<vmem>> -> memref<40x64xf32, #tpu.memory_space<vmem>>
    %dma_wait3A_65 = arith.constant 40 : i32
    %dma_wait3A_66 = tpu.memref_slice %arg5[%dma_wait3A_61, %dma_wait3A_65] : memref<32x200xi32, #tpu.memory_space<vmem>> -> memref<1x40xi32, #tpu.memory_space<vmem>>
    %dma_wait3A_67 = tpu.memref_squeeze %dma_wait3A_66 : memref<1x40xi32, #tpu.memory_space<vmem>> -> memref<40xi32, #tpu.memory_space<vmem>>
    %dma_wait3A_68 = arith.constant 0 : i32
    %dma_wait3A_69 = arith.constant 0 : i32
    %dma_wait3A_70 = tpu.memref_slice %arg3[%dma_wait3A_68, %dma_wait3A_69] : memref<1000001x64xf32, #tpu.memory_space<hbm>> -> memref<1000001x64xf32, #tpu.memory_space<hbm>>
    tpu.wait_indirect_dma semaphore(%arg8 : memref<!tpu.dma_semaphore, #tpu.memory_space<semaphore_mem>>) src(%dma_wait3A_70 : memref<1000001x64xf32, #tpu.memory_space<hbm>>) dst(%dma_wait3A_64 : memref<40x64xf32, #tpu.memory_space<vmem>>)
    %dma_wait3A_71 = arith.constant 0 : i32
    %dma_wait3A_72 = arith.constant 80 : i32
    %dma_wait3A_73 = arith.constant 0 : i32
    %dma_wait3A_74 = tpu.memref_slice %arg6[%dma_wait3A_72, %dma_wait3A_73] : memref<200x64xf32, #tpu.memory_space<vmem>> -> memref<40x64xf32, #tpu.memory_space<vmem>>
    %dma_wait3A_75 = arith.constant 80 : i32
    %dma_wait3A_76 = tpu.memref_slice %arg5[%dma_wait3A_71, %dma_wait3A_75] : memref<32x200xi32, #tpu.memory_space<vmem>> -> memref<1x40xi32, #tpu.memory_space<vmem>>
    %dma_wait3A_77 = tpu.memref_squeeze %dma_wait3A_76 : memref<1x40xi32, #tpu.memory_space<vmem>> -> memref<40xi32, #tpu.memory_space<vmem>>
    %dma_wait3A_78 = arith.constant 0 : i32
    %dma_wait3A_79 = arith.constant 0 : i32
    %dma_wait3A_80 = tpu.memref_slice %arg3[%dma_wait3A_78, %dma_wait3A_79] : memref<1000001x64xf32, #tpu.memory_space<hbm>> -> memref<1000001x64xf32, #tpu.memory_space<hbm>>
    tpu.wait_indirect_dma semaphore(%arg8 : memref<!tpu.dma_semaphore, #tpu.memory_space<semaphore_mem>>) src(%dma_wait3A_80 : memref<1000001x64xf32, #tpu.memory_space<hbm>>) dst(%dma_wait3A_74 : memref<40x64xf32, #tpu.memory_space<vmem>>)
    %dma_wait3A_81 = arith.constant 0 : i32
    %dma_wait3A_82 = arith.constant 120 : i32
    %dma_wait3A_83 = arith.constant 0 : i32
    %dma_wait3A_84 = tpu.memref_slice %arg6[%dma_wait3A_82, %dma_wait3A_83] : memref<200x64xf32, #tpu.memory_space<vmem>> -> memref<40x64xf32, #tpu.memory_space<vmem>>
    %dma_wait3A_85 = arith.constant 120 : i32
    %dma_wait3A_86 = tpu.memref_slice %arg5[%dma_wait3A_81, %dma_wait3A_85] : memref<32x200xi32, #tpu.memory_space<vmem>> -> memref<1x40xi32, #tpu.memory_space<vmem>>
    %dma_wait3A_87 = tpu.memref_squeeze %dma_wait3A_86 : memref<1x40xi32, #tpu.memory_space<vmem>> -> memref<40xi32, #tpu.memory_space<vmem>>
    %dma_wait3A_88 = arith.constant 0 : i32
    %dma_wait3A_89 = arith.constant 0 : i32
    %dma_wait3A_90 = tpu.memref_slice %arg3[%dma_wait3A_88, %dma_wait3A_89] : memref<1000001x64xf32, #tpu.memory_space<hbm>> -> memref<1000001x64xf32, #tpu.memory_space<hbm>>
    tpu.wait_indirect_dma semaphore(%arg8 : memref<!tpu.dma_semaphore, #tpu.memory_space<semaphore_mem>>) src(%dma_wait3A_90 : memref<1000001x64xf32, #tpu.memory_space<hbm>>) dst(%dma_wait3A_84 : memref<40x64xf32, #tpu.memory_space<vmem>>)
    %dma_wait3A_91 = arith.constant 0 : i32
    %dma_wait3A_92 = arith.constant 160 : i32
    %dma_wait3A_93 = arith.constant 0 : i32
    %dma_wait3A_94 = tpu.memref_slice %arg6[%dma_wait3A_92, %dma_wait3A_93] : memref<200x64xf32, #tpu.memory_space<vmem>> -> memref<40x64xf32, #tpu.memory_space<vmem>>
    %dma_wait3A_95 = arith.constant 160 : i32
    %dma_wait3A_96 = tpu.memref_slice %arg5[%dma_wait3A_91, %dma_wait3A_95] : memref<32x200xi32, #tpu.memory_space<vmem>> -> memref<1x40xi32, #tpu.memory_space<vmem>>
    %dma_wait3A_97 = tpu.memref_squeeze %dma_wait3A_96 : memref<1x40xi32, #tpu.memory_space<vmem>> -> memref<40xi32, #tpu.memory_space<vmem>>
    %dma_wait3A_98 = arith.constant 0 : i32
    %dma_wait3A_99 = arith.constant 0 : i32
    %dma_wait3A_100 = tpu.memref_slice %arg3[%dma_wait3A_98, %dma_wait3A_99] : memref<1000001x64xf32, #tpu.memory_space<hbm>> -> memref<1000001x64xf32, #tpu.memory_space<hbm>>
    tpu.wait_indirect_dma semaphore(%arg8 : memref<!tpu.dma_semaphore, #tpu.memory_space<semaphore_mem>>) src(%dma_wait3A_100 : memref<1000001x64xf32, #tpu.memory_space<hbm>>) dst(%dma_wait3A_94 : memref<40x64xf32, #tpu.memory_space<vmem>>)
    %scan3A = arith.constant 0 : i32
    %scan3A_101 = arith.constant 0 : i32
    %scan3A_102 = arith.constant 16 : i32
    %scan3A_103 = arith.addi %scan3A_101, %scan3A_102 : i32
    %scan3A_104 = arith.constant 1 : i32
    scf.for %scan3A_106 = %scan3A_101 to %scan3A_103 step %scan3A_104  : i32 {
      %mul3A_107 = arith.constant 2 : i32
      %mul3A_108 = arith.muli %scan3A_106, %mul3A_107 : i32
      %add3A_109 = arith.constant 0 : i32
      %add3A_110 = arith.addi %mul3A_108, %add3A_109 : i32
      %add3A_111 = arith.constant 1 : i32
      %add3A_112 = arith.addi %add3A_110, %add3A_111 : i32
      %rem3A = arith.constant 32 : i32
      %rem3A_113 = arith.remsi %add3A_112, %rem3A : i32
      %dma_start3A_114 = arith.constant 0 : i32
      %dma_start3A_115 = arith.constant 0 : i32
      %dma_start3A_116 = tpu.memref_slice %arg7[%dma_start3A_114, %dma_start3A_115] : memref<200x64xf32, #tpu.memory_space<vmem>> -> memref<40x64xf32, #tpu.memory_space<vmem>>
      %dma_start3A_117 = arith.constant 0 : i32
      %dma_start3A_118 = tpu.memref_slice %arg5[%rem3A_113, %dma_start3A_117] : memref<32x200xi32, #tpu.memory_space<vmem>> -> memref<1x40xi32, #tpu.memory_space<vmem>>
      %dma_start3A_119 = tpu.memref_squeeze %dma_start3A_118 : memref<1x40xi32, #tpu.memory_space<vmem>> -> memref<40xi32, #tpu.memory_space<vmem>>
      %dma_start3A_120 = arith.constant 0 : i32
      %dma_start3A_121 = arith.constant 0 : i32
      %dma_start3A_122 = tpu.memref_slice %arg3[%dma_start3A_120, %dma_start3A_121] : memref<1000001x64xf32, #tpu.memory_space<hbm>> -> memref<1000001x64xf32, #tpu.memory_space<hbm>>
      tpu.enqueue_indirect_dma source(%dma_start3A_122 : memref<1000001x64xf32, #tpu.memory_space<hbm>>) target(%dma_start3A_116 : memref<40x64xf32, #tpu.memory_space<vmem>>) offsets(%dma_start3A_119 : memref<40xi32, #tpu.memory_space<vmem>>) semaphore(%arg9 : memref<!tpu.dma_semaphore, #tpu.memory_space<semaphore_mem>>)
      %dma_start3A_123 = arith.constant 40 : i32
      %dma_start3A_124 = arith.constant 0 : i32
      %dma_start3A_125 = tpu.memref_slice %arg7[%dma_start3A_123, %dma_start3A_124] : memref<200x64xf32, #tpu.memory_space<vmem>> -> memref<40x64xf32, #tpu.memory_space<vmem>>
      %dma_start3A_126 = arith.constant 40 : i32
      %dma_start3A_127 = tpu.memref_slice %arg5[%rem3A_113, %dma_start3A_126] : memref<32x200xi32, #tpu.memory_space<vmem>> -> memref<1x40xi32, #tpu.memory_space<vmem>>
      %dma_start3A_128 = tpu.memref_squeeze %dma_start3A_127 : memref<1x40xi32, #tpu.memory_space<vmem>> -> memref<40xi32, #tpu.memory_space<vmem>>
      %dma_start3A_129 = arith.constant 0 : i32
      %dma_start3A_130 = arith.constant 0 : i32
      %dma_start3A_131 = tpu.memref_slice %arg3[%dma_start3A_129, %dma_start3A_130] : memref<1000001x64xf32, #tpu.memory_space<hbm>> -> memref<1000001x64xf32, #tpu.memory_space<hbm>>
      tpu.enqueue_indirect_dma source(%dma_start3A_131 : memref<1000001x64xf32, #tpu.memory_space<hbm>>) target(%dma_start3A_125 : memref<40x64xf32, #tpu.memory_space<vmem>>) offsets(%dma_start3A_128 : memref<40xi32, #tpu.memory_space<vmem>>) semaphore(%arg9 : memref<!tpu.dma_semaphore, #tpu.memory_space<semaphore_mem>>)
      %dma_start3A_132 = arith.constant 80 : i32
      %dma_start3A_133 = arith.constant 0 : i32
      %dma_start3A_134 = tpu.memref_slice %arg7[%dma_start3A_132, %dma_start3A_133] : memref<200x64xf32, #tpu.memory_space<vmem>> -> memref<40x64xf32, #tpu.memory_space<vmem>>
      %dma_start3A_135 = arith.constant 80 : i32
      %dma_start3A_136 = tpu.memref_slice %arg5[%rem3A_113, %dma_start3A_135] : memref<32x200xi32, #tpu.memory_space<vmem>> -> memref<1x40xi32, #tpu.memory_space<vmem>>
      %dma_start3A_137 = tpu.memref_squeeze %dma_start3A_136 : memref<1x40xi32, #tpu.memory_space<vmem>> -> memref<40xi32, #tpu.memory_space<vmem>>
      %dma_start3A_138 = arith.constant 0 : i32
      %dma_start3A_139 = arith.constant 0 : i32
      %dma_start3A_140 = tpu.memref_slice %arg3[%dma_start3A_138, %dma_start3A_139] : memref<1000001x64xf32, #tpu.memory_space<hbm>> -> memref<1000001x64xf32, #tpu.memory_space<hbm>>
      tpu.enqueue_indirect_dma source(%dma_start3A_140 : memref<1000001x64xf32, #tpu.memory_space<hbm>>) target(%dma_start3A_134 : memref<40x64xf32, #tpu.memory_space<vmem>>) offsets(%dma_start3A_137 : memref<40xi32, #tpu.memory_space<vmem>>) semaphore(%arg9 : memref<!tpu.dma_semaphore, #tpu.memory_space<semaphore_mem>>)
      %dma_start3A_141 = arith.constant 120 : i32
      %dma_start3A_142 = arith.constant 0 : i32
      %dma_start3A_143 = tpu.memref_slice %arg7[%dma_start3A_141, %dma_start3A_142] : memref<200x64xf32, #tpu.memory_space<vmem>> -> memref<40x64xf32, #tpu.memory_space<vmem>>
      %dma_start3A_144 = arith.constant 120 : i32
      %dma_start3A_145 = tpu.memref_slice %arg5[%rem3A_113, %dma_start3A_144] : memref<32x200xi32, #tpu.memory_space<vmem>> -> memref<1x40xi32, #tpu.memory_space<vmem>>
      %dma_start3A_146 = tpu.memref_squeeze %dma_start3A_145 : memref<1x40xi32, #tpu.memory_space<vmem>> -> memref<40xi32, #tpu.memory_space<vmem>>
      %dma_start3A_147 = arith.constant 0 : i32
      %dma_start3A_148 = arith.constant 0 : i32
      %dma_start3A_149 = tpu.memref_slice %arg3[%dma_start3A_147, %dma_start3A_148] : memref<1000001x64xf32, #tpu.memory_space<hbm>> -> memref<1000001x64xf32, #tpu.memory_space<hbm>>
      tpu.enqueue_indirect_dma source(%dma_start3A_149 : memref<1000001x64xf32, #tpu.memory_space<hbm>>) target(%dma_start3A_143 : memref<40x64xf32, #tpu.memory_space<vmem>>) offsets(%dma_start3A_146 : memref<40xi32, #tpu.memory_space<vmem>>) semaphore(%arg9 : memref<!tpu.dma_semaphore, #tpu.memory_space<semaphore_mem>>)
      %dma_start3A_150 = arith.constant 160 : i32
      %dma_start3A_151 = arith.constant 0 : i32
      %dma_start3A_152 = tpu.memref_slice %arg7[%dma_start3A_150, %dma_start3A_151] : memref<200x64xf32, #tpu.memory_space<vmem>> -> memref<40x64xf32, #tpu.memory_space<vmem>>
      %dma_start3A_153 = arith.constant 160 : i32
      %dma_start3A_154 = tpu.memref_slice %arg5[%rem3A_113, %dma_start3A_153] : memref<32x200xi32, #tpu.memory_space<vmem>> -> memref<1x40xi32, #tpu.memory_space<vmem>>
      %dma_start3A_155 = tpu.memref_squeeze %dma_start3A_154 : memref<1x40xi32, #tpu.memory_space<vmem>> -> memref<40xi32, #tpu.memory_space<vmem>>
      %dma_start3A_156 = arith.constant 0 : i32
      %dma_start3A_157 = arith.constant 0 : i32
      %dma_start3A_158 = tpu.memref_slice %arg3[%dma_start3A_156, %dma_start3A_157] : memref<1000001x64xf32, #tpu.memory_space<hbm>> -> memref<1000001x64xf32, #tpu.memory_space<hbm>>
      tpu.enqueue_indirect_dma source(%dma_start3A_158 : memref<1000001x64xf32, #tpu.memory_space<hbm>>) target(%dma_start3A_152 : memref<40x64xf32, #tpu.memory_space<vmem>>) offsets(%dma_start3A_155 : memref<40xi32, #tpu.memory_space<vmem>>) semaphore(%arg9 : memref<!tpu.dma_semaphore, #tpu.memory_space<semaphore_mem>>)
      %add3A_159 = arith.addi %mul3A_2, %add3A_110 : i32
      %mul3A_160 = arith.constant 200 : i32
      %mul3A_161 = arith.muli %add3A_159, %mul3A_160 : i32
      %dma_start3A_162 = arith.constant 0 : i32
      %dma_start3A_163 = tpu.memref_slice %arg4[%mul3A_161, %dma_start3A_162] : memref<204800x64xf32, #tpu.memory_space<hbm>> -> memref<200x64xf32, #tpu.memory_space<hbm>>
      %dma_start3A_164 = arith.constant 0 : i32
      %dma_start3A_165 = tpu.memref_slice %arg4[%mul3A_161, %dma_start3A_164] : memref<204800x64xf32, #tpu.memory_space<hbm>> -> memref<200x64xf32, #tpu.memory_space<hbm>>
      tpu.enqueue_dma source(%arg6 : memref<200x64xf32, #tpu.memory_space<vmem>>) target(%dma_start3A_165 : memref<200x64xf32, #tpu.memory_space<hbm>>) target_semaphore(%arg10 : memref<!tpu.dma_semaphore, #tpu.memory_space<semaphore_mem>>)
      %dma_wait3A_166 = arith.constant 0 : i32
      %dma_wait3A_167 = arith.constant 0 : i32
      %dma_wait3A_168 = tpu.memref_slice %arg7[%dma_wait3A_166, %dma_wait3A_167] : memref<200x64xf32, #tpu.memory_space<vmem>> -> memref<40x64xf32, #tpu.memory_space<vmem>>
      %dma_wait3A_169 = arith.constant 0 : i32
      %dma_wait3A_170 = tpu.memref_slice %arg5[%rem3A_113, %dma_wait3A_169] : memref<32x200xi32, #tpu.memory_space<vmem>> -> memref<1x40xi32, #tpu.memory_space<vmem>>
      %dma_wait3A_171 = tpu.memref_squeeze %dma_wait3A_170 : memref<1x40xi32, #tpu.memory_space<vmem>> -> memref<40xi32, #tpu.memory_space<vmem>>
      %dma_wait3A_172 = arith.constant 0 : i32
      %dma_wait3A_173 = arith.constant 0 : i32
      %dma_wait3A_174 = tpu.memref_slice %arg3[%dma_wait3A_172, %dma_wait3A_173] : memref<1000001x64xf32, #tpu.memory_space<hbm>> -> memref<1000001x64xf32, #tpu.memory_space<hbm>>
      tpu.wait_indirect_dma semaphore(%arg9 : memref<!tpu.dma_semaphore, #tpu.memory_space<semaphore_mem>>) src(%dma_wait3A_174 : memref<1000001x64xf32, #tpu.memory_space<hbm>>) dst(%dma_wait3A_168 : memref<40x64xf32, #tpu.memory_space<vmem>>)
      %dma_wait3A_175 = arith.constant 40 : i32
      %dma_wait3A_176 = arith.constant 0 : i32
      %dma_wait3A_177 = tpu.memref_slice %arg7[%dma_wait3A_175, %dma_wait3A_176] : memref<200x64xf32, #tpu.memory_space<vmem>> -> memref<40x64xf32, #tpu.memory_space<vmem>>
      %dma_wait3A_178 = arith.constant 40 : i32
      %dma_wait3A_179 = tpu.memref_slice %arg5[%rem3A_113, %dma_wait3A_178] : memref<32x200xi32, #tpu.memory_space<vmem>> -> memref<1x40xi32, #tpu.memory_space<vmem>>
      %dma_wait3A_180 = tpu.memref_squeeze %dma_wait3A_179 : memref<1x40xi32, #tpu.memory_space<vmem>> -> memref<40xi32, #tpu.memory_space<vmem>>
      %dma_wait3A_181 = arith.constant 0 : i32
      %dma_wait3A_182 = arith.constant 0 : i32
      %dma_wait3A_183 = tpu.memref_slice %arg3[%dma_wait3A_181, %dma_wait3A_182] : memref<1000001x64xf32, #tpu.memory_space<hbm>> -> memref<1000001x64xf32, #tpu.memory_space<hbm>>
      tpu.wait_indirect_dma semaphore(%arg9 : memref<!tpu.dma_semaphore, #tpu.memory_space<semaphore_mem>>) src(%dma_wait3A_183 : memref<1000001x64xf32, #tpu.memory_space<hbm>>) dst(%dma_wait3A_177 : memref<40x64xf32, #tpu.memory_space<vmem>>)
      %dma_wait3A_184 = arith.constant 80 : i32
      %dma_wait3A_185 = arith.constant 0 : i32
      %dma_wait3A_186 = tpu.memref_slice %arg7[%dma_wait3A_184, %dma_wait3A_185] : memref<200x64xf32, #tpu.memory_space<vmem>> -> memref<40x64xf32, #tpu.memory_space<vmem>>
      %dma_wait3A_187 = arith.constant 80 : i32
      %dma_wait3A_188 = tpu.memref_slice %arg5[%rem3A_113, %dma_wait3A_187] : memref<32x200xi32, #tpu.memory_space<vmem>> -> memref<1x40xi32, #tpu.memory_space<vmem>>
      %dma_wait3A_189 = tpu.memref_squeeze %dma_wait3A_188 : memref<1x40xi32, #tpu.memory_space<vmem>> -> memref<40xi32, #tpu.memory_space<vmem>>
      %dma_wait3A_190 = arith.constant 0 : i32
      %dma_wait3A_191 = arith.constant 0 : i32
      %dma_wait3A_192 = tpu.memref_slice %arg3[%dma_wait3A_190, %dma_wait3A_191] : memref<1000001x64xf32, #tpu.memory_space<hbm>> -> memref<1000001x64xf32, #tpu.memory_space<hbm>>
      tpu.wait_indirect_dma semaphore(%arg9 : memref<!tpu.dma_semaphore, #tpu.memory_space<semaphore_mem>>) src(%dma_wait3A_192 : memref<1000001x64xf32, #tpu.memory_space<hbm>>) dst(%dma_wait3A_186 : memref<40x64xf32, #tpu.memory_space<vmem>>)
      %dma_wait3A_193 = arith.constant 120 : i32
      %dma_wait3A_194 = arith.constant 0 : i32
      %dma_wait3A_195 = tpu.memref_slice %arg7[%dma_wait3A_193, %dma_wait3A_194] : memref<200x64xf32, #tpu.memory_space<vmem>> -> memref<40x64xf32, #tpu.memory_space<vmem>>
      %dma_wait3A_196 = arith.constant 120 : i32
      %dma_wait3A_197 = tpu.memref_slice %arg5[%rem3A_113, %dma_wait3A_196] : memref<32x200xi32, #tpu.memory_space<vmem>> -> memref<1x40xi32, #tpu.memory_space<vmem>>
      %dma_wait3A_198 = tpu.memref_squeeze %dma_wait3A_197 : memref<1x40xi32, #tpu.memory_space<vmem>> -> memref<40xi32, #tpu.memory_space<vmem>>
      %dma_wait3A_199 = arith.constant 0 : i32
      %dma_wait3A_200 = arith.constant 0 : i32
      %dma_wait3A_201 = tpu.memref_slice %arg3[%dma_wait3A_199, %dma_wait3A_200] : memref<1000001x64xf32, #tpu.memory_space<hbm>> -> memref<1000001x64xf32, #tpu.memory_space<hbm>>
      tpu.wait_indirect_dma semaphore(%arg9 : memref<!tpu.dma_semaphore, #tpu.memory_space<semaphore_mem>>) src(%dma_wait3A_201 : memref<1000001x64xf32, #tpu.memory_space<hbm>>) dst(%dma_wait3A_195 : memref<40x64xf32, #tpu.memory_space<vmem>>)
      %dma_wait3A_202 = arith.constant 160 : i32
      %dma_wait3A_203 = arith.constant 0 : i32
      %dma_wait3A_204 = tpu.memref_slice %arg7[%dma_wait3A_202, %dma_wait3A_203] : memref<200x64xf32, #tpu.memory_space<vmem>> -> memref<40x64xf32, #tpu.memory_space<vmem>>
      %dma_wait3A_205 = arith.constant 160 : i32
      %dma_wait3A_206 = tpu.memref_slice %arg5[%rem3A_113, %dma_wait3A_205] : memref<32x200xi32, #tpu.memory_space<vmem>> -> memref<1x40xi32, #tpu.memory_space<vmem>>
      %dma_wait3A_207 = tpu.memref_squeeze %dma_wait3A_206 : memref<1x40xi32, #tpu.memory_space<vmem>> -> memref<40xi32, #tpu.memory_space<vmem>>
      %dma_wait3A_208 = arith.constant 0 : i32
      %dma_wait3A_209 = arith.constant 0 : i32
      %dma_wait3A_210 = tpu.memref_slice %arg3[%dma_wait3A_208, %dma_wait3A_209] : memref<1000001x64xf32, #tpu.memory_space<hbm>> -> memref<1000001x64xf32, #tpu.memory_space<hbm>>
      tpu.wait_indirect_dma semaphore(%arg9 : memref<!tpu.dma_semaphore, #tpu.memory_space<semaphore_mem>>) src(%dma_wait3A_210 : memref<1000001x64xf32, #tpu.memory_space<hbm>>) dst(%dma_wait3A_204 : memref<40x64xf32, #tpu.memory_space<vmem>>)
      %dma_wait3A_211 = arith.constant 0 : i32
      %dma_wait3A_212 = tpu.memref_slice %arg4[%mul3A_161, %dma_wait3A_211] : memref<204800x64xf32, #tpu.memory_space<hbm>> -> memref<200x64xf32, #tpu.memory_space<hbm>>
      %dma_wait3A_213 = arith.constant 0 : i32
      %dma_wait3A_214 = tpu.memref_slice %arg4[%mul3A_161, %dma_wait3A_213] : memref<204800x64xf32, #tpu.memory_space<hbm>> -> memref<200x64xf32, #tpu.memory_space<hbm>>
      tpu.wait_dma2 semaphore(%arg10 : memref<!tpu.dma_semaphore, #tpu.memory_space<semaphore_mem>>) src(%arg6 : memref<200x64xf32, #tpu.memory_space<vmem>>) dst(%dma_wait3A_214 : memref<200x64xf32, #tpu.memory_space<hbm>>)
      %mul3A_215 = arith.constant 2 : i32
      %mul3A_216 = arith.muli %scan3A_106, %mul3A_215 : i32
      %add3A_217 = arith.constant 1 : i32
      %add3A_218 = arith.addi %mul3A_216, %add3A_217 : i32
      %add3A_219 = arith.constant 1 : i32
      %add3A_220 = arith.addi %add3A_218, %add3A_219 : i32
      %rem3A_221 = arith.constant 32 : i32
      %rem3A_222 = arith.remsi %add3A_220, %rem3A_221 : i32
      %dma_start3A_223 = arith.constant 0 : i32
      %dma_start3A_224 = arith.constant 0 : i32
      %dma_start3A_225 = tpu.memref_slice %arg6[%dma_start3A_223, %dma_start3A_224] : memref<200x64xf32, #tpu.memory_space<vmem>> -> memref<40x64xf32, #tpu.memory_space<vmem>>
      %dma_start3A_226 = arith.constant 0 : i32
      %dma_start3A_227 = tpu.memref_slice %arg5[%rem3A_222, %dma_start3A_226] : memref<32x200xi32, #tpu.memory_space<vmem>> -> memref<1x40xi32, #tpu.memory_space<vmem>>
      %dma_start3A_228 = tpu.memref_squeeze %dma_start3A_227 : memref<1x40xi32, #tpu.memory_space<vmem>> -> memref<40xi32, #tpu.memory_space<vmem>>
      %dma_start3A_229 = arith.constant 0 : i32
      %dma_start3A_230 = arith.constant 0 : i32
      %dma_start3A_231 = tpu.memref_slice %arg3[%dma_start3A_229, %dma_start3A_230] : memref<1000001x64xf32, #tpu.memory_space<hbm>> -> memref<1000001x64xf32, #tpu.memory_space<hbm>>
      tpu.enqueue_indirect_dma source(%dma_start3A_231 : memref<1000001x64xf32, #tpu.memory_space<hbm>>) target(%dma_start3A_225 : memref<40x64xf32, #tpu.memory_space<vmem>>) offsets(%dma_start3A_228 : memref<40xi32, #tpu.memory_space<vmem>>) semaphore(%arg8 : memref<!tpu.dma_semaphore, #tpu.memory_space<semaphore_mem>>)
      %dma_start3A_232 = arith.constant 40 : i32
      %dma_start3A_233 = arith.constant 0 : i32
      %dma_start3A_234 = tpu.memref_slice %arg6[%dma_start3A_232, %dma_start3A_233] : memref<200x64xf32, #tpu.memory_space<vmem>> -> memref<40x64xf32, #tpu.memory_space<vmem>>
      %dma_start3A_235 = arith.constant 40 : i32
      %dma_start3A_236 = tpu.memref_slice %arg5[%rem3A_222, %dma_start3A_235] : memref<32x200xi32, #tpu.memory_space<vmem>> -> memref<1x40xi32, #tpu.memory_space<vmem>>
      %dma_start3A_237 = tpu.memref_squeeze %dma_start3A_236 : memref<1x40xi32, #tpu.memory_space<vmem>> -> memref<40xi32, #tpu.memory_space<vmem>>
      %dma_start3A_238 = arith.constant 0 : i32
      %dma_start3A_239 = arith.constant 0 : i32
      %dma_start3A_240 = tpu.memref_slice %arg3[%dma_start3A_238, %dma_start3A_239] : memref<1000001x64xf32, #tpu.memory_space<hbm>> -> memref<1000001x64xf32, #tpu.memory_space<hbm>>
      tpu.enqueue_indirect_dma source(%dma_start3A_240 : memref<1000001x64xf32, #tpu.memory_space<hbm>>) target(%dma_start3A_234 : memref<40x64xf32, #tpu.memory_space<vmem>>) offsets(%dma_start3A_237 : memref<40xi32, #tpu.memory_space<vmem>>) semaphore(%arg8 : memref<!tpu.dma_semaphore, #tpu.memory_space<semaphore_mem>>)
      %dma_start3A_241 = arith.constant 80 : i32
      %dma_start3A_242 = arith.constant 0 : i32
      %dma_start3A_243 = tpu.memref_slice %arg6[%dma_start3A_241, %dma_start3A_242] : memref<200x64xf32, #tpu.memory_space<vmem>> -> memref<40x64xf32, #tpu.memory_space<vmem>>
      %dma_start3A_244 = arith.constant 80 : i32
      %dma_start3A_245 = tpu.memref_slice %arg5[%rem3A_222, %dma_start3A_244] : memref<32x200xi32, #tpu.memory_space<vmem>> -> memref<1x40xi32, #tpu.memory_space<vmem>>
      %dma_start3A_246 = tpu.memref_squeeze %dma_start3A_245 : memref<1x40xi32, #tpu.memory_space<vmem>> -> memref<40xi32, #tpu.memory_space<vmem>>
      %dma_start3A_247 = arith.constant 0 : i32
      %dma_start3A_248 = arith.constant 0 : i32
      %dma_start3A_249 = tpu.memref_slice %arg3[%dma_start3A_247, %dma_start3A_248] : memref<1000001x64xf32, #tpu.memory_space<hbm>> -> memref<1000001x64xf32, #tpu.memory_space<hbm>>
      tpu.enqueue_indirect_dma source(%dma_start3A_249 : memref<1000001x64xf32, #tpu.memory_space<hbm>>) target(%dma_start3A_243 : memref<40x64xf32, #tpu.memory_space<vmem>>) offsets(%dma_start3A_246 : memref<40xi32, #tpu.memory_space<vmem>>) semaphore(%arg8 : memref<!tpu.dma_semaphore, #tpu.memory_space<semaphore_mem>>)
      %dma_start3A_250 = arith.constant 120 : i32
      %dma_start3A_251 = arith.constant 0 : i32
      %dma_start3A_252 = tpu.memref_slice %arg6[%dma_start3A_250, %dma_start3A_251] : memref<200x64xf32, #tpu.memory_space<vmem>> -> memref<40x64xf32, #tpu.memory_space<vmem>>
      %dma_start3A_253 = arith.constant 120 : i32
      %dma_start3A_254 = tpu.memref_slice %arg5[%rem3A_222, %dma_start3A_253] : memref<32x200xi32, #tpu.memory_space<vmem>> -> memref<1x40xi32, #tpu.memory_space<vmem>>
      %dma_start3A_255 = tpu.memref_squeeze %dma_start3A_254 : memref<1x40xi32, #tpu.memory_space<vmem>> -> memref<40xi32, #tpu.memory_space<vmem>>
      %dma_start3A_256 = arith.constant 0 : i32
      %dma_start3A_257 = arith.constant 0 : i32
      %dma_start3A_258 = tpu.memref_slice %arg3[%dma_start3A_256, %dma_start3A_257] : memref<1000001x64xf32, #tpu.memory_space<hbm>> -> memref<1000001x64xf32, #tpu.memory_space<hbm>>
      tpu.enqueue_indirect_dma source(%dma_start3A_258 : memref<1000001x64xf32, #tpu.memory_space<hbm>>) target(%dma_start3A_252 : memref<40x64xf32, #tpu.memory_space<vmem>>) offsets(%dma_start3A_255 : memref<40xi32, #tpu.memory_space<vmem>>) semaphore(%arg8 : memref<!tpu.dma_semaphore, #tpu.memory_space<semaphore_mem>>)
      %dma_start3A_259 = arith.constant 160 : i32
      %dma_start3A_260 = arith.constant 0 : i32
      %dma_start3A_261 = tpu.memref_slice %arg6[%dma_start3A_259, %dma_start3A_260] : memref<200x64xf32, #tpu.memory_space<vmem>> -> memref<40x64xf32, #tpu.memory_space<vmem>>
      %dma_start3A_262 = arith.constant 160 : i32
      %dma_start3A_263 = tpu.memref_slice %arg5[%rem3A_222, %dma_start3A_262] : memref<32x200xi32, #tpu.memory_space<vmem>> -> memref<1x40xi32, #tpu.memory_space<vmem>>
      %dma_start3A_264 = tpu.memref_squeeze %dma_start3A_263 : memref<1x40xi32, #tpu.memory_space<vmem>> -> memref<40xi32, #tpu.memory_space<vmem>>
      %dma_start3A_265 = arith.constant 0 : i32
      %dma_start3A_266 = arith.constant 0 : i32
      %dma_start3A_267 = tpu.memref_slice %arg3[%dma_start3A_265, %dma_start3A_266] : memref<1000001x64xf32, #tpu.memory_space<hbm>> -> memref<1000001x64xf32, #tpu.memory_space<hbm>>
      tpu.enqueue_indirect_dma source(%dma_start3A_267 : memref<1000001x64xf32, #tpu.memory_space<hbm>>) target(%dma_start3A_261 : memref<40x64xf32, #tpu.memory_space<vmem>>) offsets(%dma_start3A_264 : memref<40xi32, #tpu.memory_space<vmem>>) semaphore(%arg8 : memref<!tpu.dma_semaphore, #tpu.memory_space<semaphore_mem>>)
      %add3A_268 = arith.addi %mul3A_2, %add3A_218 : i32
      %mul3A_269 = arith.constant 200 : i32
      %mul3A_270 = arith.muli %add3A_268, %mul3A_269 : i32
      %dma_start3A_271 = arith.constant 0 : i32
      %dma_start3A_272 = tpu.memref_slice %arg4[%mul3A_270, %dma_start3A_271] : memref<204800x64xf32, #tpu.memory_space<hbm>> -> memref<200x64xf32, #tpu.memory_space<hbm>>
      %dma_start3A_273 = arith.constant 0 : i32
      %dma_start3A_274 = tpu.memref_slice %arg4[%mul3A_270, %dma_start3A_273] : memref<204800x64xf32, #tpu.memory_space<hbm>> -> memref<200x64xf32, #tpu.memory_space<hbm>>
      tpu.enqueue_dma source(%arg7 : memref<200x64xf32, #tpu.memory_space<vmem>>) target(%dma_start3A_274 : memref<200x64xf32, #tpu.memory_space<hbm>>) target_semaphore(%arg11 : memref<!tpu.dma_semaphore, #tpu.memory_space<semaphore_mem>>)
      %dma_wait3A_275 = arith.constant 0 : i32
      %dma_wait3A_276 = arith.constant 0 : i32
      %dma_wait3A_277 = tpu.memref_slice %arg6[%dma_wait3A_275, %dma_wait3A_276] : memref<200x64xf32, #tpu.memory_space<vmem>> -> memref<40x64xf32, #tpu.memory_space<vmem>>
      %dma_wait3A_278 = arith.constant 0 : i32
      %dma_wait3A_279 = tpu.memref_slice %arg5[%rem3A_222, %dma_wait3A_278] : memref<32x200xi32, #tpu.memory_space<vmem>> -> memref<1x40xi32, #tpu.memory_space<vmem>>
      %dma_wait3A_280 = tpu.memref_squeeze %dma_wait3A_279 : memref<1x40xi32, #tpu.memory_space<vmem>> -> memref<40xi32, #tpu.memory_space<vmem>>
      %dma_wait3A_281 = arith.constant 0 : i32
      %dma_wait3A_282 = arith.constant 0 : i32
      %dma_wait3A_283 = tpu.memref_slice %arg3[%dma_wait3A_281, %dma_wait3A_282] : memref<1000001x64xf32, #tpu.memory_space<hbm>> -> memref<1000001x64xf32, #tpu.memory_space<hbm>>
      tpu.wait_indirect_dma semaphore(%arg8 : memref<!tpu.dma_semaphore, #tpu.memory_space<semaphore_mem>>) src(%dma_wait3A_283 : memref<1000001x64xf32, #tpu.memory_space<hbm>>) dst(%dma_wait3A_277 : memref<40x64xf32, #tpu.memory_space<vmem>>)
      %dma_wait3A_284 = arith.constant 40 : i32
      %dma_wait3A_285 = arith.constant 0 : i32
      %dma_wait3A_286 = tpu.memref_slice %arg6[%dma_wait3A_284, %dma_wait3A_285] : memref<200x64xf32, #tpu.memory_space<vmem>> -> memref<40x64xf32, #tpu.memory_space<vmem>>
      %dma_wait3A_287 = arith.constant 40 : i32
      %dma_wait3A_288 = tpu.memref_slice %arg5[%rem3A_222, %dma_wait3A_287] : memref<32x200xi32, #tpu.memory_space<vmem>> -> memref<1x40xi32, #tpu.memory_space<vmem>>
      %dma_wait3A_289 = tpu.memref_squeeze %dma_wait3A_288 : memref<1x40xi32, #tpu.memory_space<vmem>> -> memref<40xi32, #tpu.memory_space<vmem>>
      %dma_wait3A_290 = arith.constant 0 : i32
      %dma_wait3A_291 = arith.constant 0 : i32
      %dma_wait3A_292 = tpu.memref_slice %arg3[%dma_wait3A_290, %dma_wait3A_291] : memref<1000001x64xf32, #tpu.memory_space<hbm>> -> memref<1000001x64xf32, #tpu.memory_space<hbm>>
      tpu.wait_indirect_dma semaphore(%arg8 : memref<!tpu.dma_semaphore, #tpu.memory_space<semaphore_mem>>) src(%dma_wait3A_292 : memref<1000001x64xf32, #tpu.memory_space<hbm>>) dst(%dma_wait3A_286 : memref<40x64xf32, #tpu.memory_space<vmem>>)
      %dma_wait3A_293 = arith.constant 80 : i32
      %dma_wait3A_294 = arith.constant 0 : i32
      %dma_wait3A_295 = tpu.memref_slice %arg6[%dma_wait3A_293, %dma_wait3A_294] : memref<200x64xf32, #tpu.memory_space<vmem>> -> memref<40x64xf32, #tpu.memory_space<vmem>>
      %dma_wait3A_296 = arith.constant 80 : i32
      %dma_wait3A_297 = tpu.memref_slice %arg5[%rem3A_222, %dma_wait3A_296] : memref<32x200xi32, #tpu.memory_space<vmem>> -> memref<1x40xi32, #tpu.memory_space<vmem>>
      %dma_wait3A_298 = tpu.memref_squeeze %dma_wait3A_297 : memref<1x40xi32, #tpu.memory_space<vmem>> -> memref<40xi32, #tpu.memory_space<vmem>>
      %dma_wait3A_299 = arith.constant 0 : i32
      %dma_wait3A_300 = arith.constant 0 : i32
      %dma_wait3A_301 = tpu.memref_slice %arg3[%dma_wait3A_299, %dma_wait3A_300] : memref<1000001x64xf32, #tpu.memory_space<hbm>> -> memref<1000001x64xf32, #tpu.memory_space<hbm>>
      tpu.wait_indirect_dma semaphore(%arg8 : memref<!tpu.dma_semaphore, #tpu.memory_space<semaphore_mem>>) src(%dma_wait3A_301 : memref<1000001x64xf32, #tpu.memory_space<hbm>>) dst(%dma_wait3A_295 : memref<40x64xf32, #tpu.memory_space<vmem>>)
      %dma_wait3A_302 = arith.constant 120 : i32
      %dma_wait3A_303 = arith.constant 0 : i32
      %dma_wait3A_304 = tpu.memref_slice %arg6[%dma_wait3A_302, %dma_wait3A_303] : memref<200x64xf32, #tpu.memory_space<vmem>> -> memref<40x64xf32, #tpu.memory_space<vmem>>
      %dma_wait3A_305 = arith.constant 120 : i32
      %dma_wait3A_306 = tpu.memref_slice %arg5[%rem3A_222, %dma_wait3A_305] : memref<32x200xi32, #tpu.memory_space<vmem>> -> memref<1x40xi32, #tpu.memory_space<vmem>>
      %dma_wait3A_307 = tpu.memref_squeeze %dma_wait3A_306 : memref<1x40xi32, #tpu.memory_space<vmem>> -> memref<40xi32, #tpu.memory_space<vmem>>
      %dma_wait3A_308 = arith.constant 0 : i32
      %dma_wait3A_309 = arith.constant 0 : i32
      %dma_wait3A_310 = tpu.memref_slice %arg3[%dma_wait3A_308, %dma_wait3A_309] : memref<1000001x64xf32, #tpu.memory_space<hbm>> -> memref<1000001x64xf32, #tpu.memory_space<hbm>>
      tpu.wait_indirect_dma semaphore(%arg8 : memref<!tpu.dma_semaphore, #tpu.memory_space<semaphore_mem>>) src(%dma_wait3A_310 : memref<1000001x64xf32, #tpu.memory_space<hbm>>) dst(%dma_wait3A_304 : memref<40x64xf32, #tpu.memory_space<vmem>>)
      %dma_wait3A_311 = arith.constant 160 : i32
      %dma_wait3A_312 = arith.constant 0 : i32
      %dma_wait3A_313 = tpu.memref_slice %arg6[%dma_wait3A_311, %dma_wait3A_312] : memref<200x64xf32, #tpu.memory_space<vmem>> -> memref<40x64xf32, #tpu.memory_space<vmem>>
      %dma_wait3A_314 = arith.constant 160 : i32
      %dma_wait3A_315 = tpu.memref_slice %arg5[%rem3A_222, %dma_wait3A_314] : memref<32x200xi32, #tpu.memory_space<vmem>> -> memref<1x40xi32, #tpu.memory_space<vmem>>
      %dma_wait3A_316 = tpu.memref_squeeze %dma_wait3A_315 : memref<1x40xi32, #tpu.memory_space<vmem>> -> memref<40xi32, #tpu.memory_space<vmem>>
      %dma_wait3A_317 = arith.constant 0 : i32
      %dma_wait3A_318 = arith.constant 0 : i32
      %dma_wait3A_319 = tpu.memref_slice %arg3[%dma_wait3A_317, %dma_wait3A_318] : memref<1000001x64xf32, #tpu.memory_space<hbm>> -> memref<1000001x64xf32, #tpu.memory_space<hbm>>
      tpu.wait_indirect_dma semaphore(%arg8 : memref<!tpu.dma_semaphore, #tpu.memory_space<semaphore_mem>>) src(%dma_wait3A_319 : memref<1000001x64xf32, #tpu.memory_space<hbm>>) dst(%dma_wait3A_313 : memref<40x64xf32, #tpu.memory_space<vmem>>)
      %dma_wait3A_320 = arith.constant 0 : i32
      %dma_wait3A_321 = tpu.memref_slice %arg4[%mul3A_270, %dma_wait3A_320] : memref<204800x64xf32, #tpu.memory_space<hbm>> -> memref<200x64xf32, #tpu.memory_space<hbm>>
      %dma_wait3A_322 = arith.constant 0 : i32
      %dma_wait3A_323 = tpu.memref_slice %arg4[%mul3A_270, %dma_wait3A_322] : memref<204800x64xf32, #tpu.memory_space<hbm>> -> memref<200x64xf32, #tpu.memory_space<hbm>>
      tpu.wait_dma2 semaphore(%arg11 : memref<!tpu.dma_semaphore, #tpu.memory_space<semaphore_mem>>) src(%arg7 : memref<200x64xf32, #tpu.memory_space<vmem>>) dst(%dma_wait3A_323 : memref<200x64xf32, #tpu.memory_space<hbm>>)
    }
    %scan3A_105 = arith.constant 16 : i32
    return
  }
}

module attributes {stable_mosaic.version = 14 : i64} {
  func.func @body(%arg0: i32, %arg1: memref<12800x64xf32, #tpu.memory_space<vmem>>, %arg2: memref<12800x64xf32, #tpu.memory_space<vmem>>, %arg3: memref<1x1x12800xi32, #tpu.memory_space<vmem>>, %arg4: memref<3x16xf32, #tpu.memory_space<vmem>>, %arg5: memref<12800x80xf32, #tpu.memory_space<vmem>>) attributes {dimension_semantics = [#tpu.dimension_semantics<arbitrary>], iteration_bounds = array<i64: 16>, scalar_prefetch = 0 : i64, scratch_operands = 0 : i64, tpu.core_type = #tpu.core_type<tc>, window_params = [{transform_indices = @transform_0, window_bounds = array<i64: 12800, 64>}, {pipeline_mode = #tpu.pipeline_mode<synchronous>, transform_indices = @transform_1, window_bounds = array<i64: 12800, 64>}, {transform_indices = @transform_2, window_bounds = array<i64: 1, 1, 12800>}, {pipeline_mode = #tpu.pipeline_mode<synchronous>, transform_indices = @transform_3, window_bounds = array<i64: 3, 16>}, {transform_indices = @transform_4, window_bounds = array<i64: 12800, 80>}]} {
    %get3A = arith.constant 0 : index
    %get3A_0 = arith.constant 0 : index
    %get3A_1 = vector.load %arg1[%get3A, %get3A_0] : memref<12800x64xf32, #tpu.memory_space<vmem>>, vector<12800x64xf32>
    %get3A_2 = arith.constant 0 : index
    %get3A_3 = arith.constant 0 : index
    %get3A_4 = vector.load %arg2[%get3A_2, %get3A_3] : memref<12800x64xf32, #tpu.memory_space<vmem>>, vector<12800x64xf32>
    %add3A = arith.addf %get3A_1, %get3A_4 : vector<12800x64xf32>
    %swap3A = arith.constant 0 : index
    %swap3A_5 = arith.constant 0 : index
    %swap3A_6 = vector.load %arg5[%swap3A, %swap3A_5] : memref<12800x80xf32, #tpu.memory_space<vmem>>, vector<12800x64xf32>
    tpu.vector_store %arg5[%swap3A, %swap3A_5], %add3A {strides = array<i32>} : memref<12800x80xf32, #tpu.memory_space<vmem>>, vector<12800x64xf32>,
    %get3A_7 = arith.constant 0 : index
    %get3A_8 = arith.constant 0 : index
    %get3A_9 = arith.constant 0 : index
    %get3A_10 = vector.load %arg3[%get3A_7, %get3A_8, %get3A_9] : memref<1x1x12800xi32, #tpu.memory_space<vmem>>, vector<1x1x12800xi32>
    %get3A_11 = vector.shape_cast %get3A_10 : vector<1x1x12800xi32> to vector<12800xi32>
    %reshape3A = vector.shape_cast %get3A_11 : vector<12800xi32> to vector<12800x1xi32>
    %get3A_12 = arith.constant 0 : index
    %get3A_13 = arith.constant 0 : index
    %get3A_14 = vector.load %arg4[%get3A_12, %get3A_13] : memref<3x16xf32, #tpu.memory_space<vmem>>, vector<3x16xf32>
    %slice3A = vector.extract_strided_slice %get3A_14 {offsets = [0, 0], sizes = [1, 16], strides = [1, 1]} : vector<3x16xf32> to vector<1x16xf32>
    %slice3A_15 = vector.extract_strided_slice %get3A_14 {offsets = [1, 0], sizes = [1, 16], strides = [1, 1]} : vector<3x16xf32> to vector<1x16xf32>
    %slice3A_16 = vector.extract_strided_slice %get3A_14 {offsets = [2, 0], sizes = [1, 16], strides = [1, 1]} : vector<3x16xf32> to vector<1x16xf32>
    %eq3A = arith.constant 0 : i32
    %eq3A_17 = vector.broadcast %eq3A : i32 to vector<12800x1xi32>
    %eq3A_18 = arith.cmpi eq, %reshape3A, %eq3A_17 : vector<12800x1xi32>
    %eq3A_19 = arith.constant 1 : i32
    %eq3A_20 = vector.broadcast %eq3A_19 : i32 to vector<12800x1xi32>
    %eq3A_21 = arith.cmpi eq, %reshape3A, %eq3A_20 : vector<12800x1xi32>
    %broadcast_in_dim3A = vector.shape_cast %eq3A_21 : vector<12800x1xi1> to vector<12800x1xi1>
    %broadcast_in_dim3A_22 = vector.broadcast %broadcast_in_dim3A : vector<12800x1xi1> to vector<12800x16xi1>
    %broadcast_in_dim3A_23 = vector.shape_cast %slice3A_15 : vector<1x16xf32> to vector<1x16xf32>
    %broadcast_in_dim3A_24 = vector.broadcast %broadcast_in_dim3A_23 : vector<1x16xf32> to vector<12800x16xf32>
    %broadcast_in_dim3A_25 = vector.shape_cast %slice3A_16 : vector<1x16xf32> to vector<1x16xf32>
    %broadcast_in_dim3A_26 = vector.broadcast %broadcast_in_dim3A_25 : vector<1x16xf32> to vector<12800x16xf32>
    %select_n3A = arith.select %broadcast_in_dim3A_22, %broadcast_in_dim3A_24, %broadcast_in_dim3A_26 : vector<12800x16xi1>, vector<12800x16xf32>
    %broadcast_in_dim3A_27 = vector.shape_cast %eq3A_18 : vector<12800x1xi1> to vector<12800x1xi1>
    %broadcast_in_dim3A_28 = vector.broadcast %broadcast_in_dim3A_27 : vector<12800x1xi1> to vector<12800x16xi1>
    %broadcast_in_dim3A_29 = vector.shape_cast %slice3A : vector<1x16xf32> to vector<1x16xf32>
    %broadcast_in_dim3A_30 = vector.broadcast %broadcast_in_dim3A_29 : vector<1x16xf32> to vector<12800x16xf32>
    %select_n3A_31 = arith.select %broadcast_in_dim3A_28, %broadcast_in_dim3A_30, %select_n3A : vector<12800x16xi1>, vector<12800x16xf32>
    %swap3A_32 = arith.constant 0 : index
    %swap3A_33 = arith.constant 64 : index
    %swap3A_34 = vector.load %arg5[%swap3A_32, %swap3A_33] : memref<12800x80xf32, #tpu.memory_space<vmem>>, vector<12800x16xf32>
    tpu.vector_store %arg5[%swap3A_32, %swap3A_33], %select_n3A_31 {strides = array<i32>} : memref<12800x80xf32, #tpu.memory_space<vmem>>, vector<12800x16xf32>,
    return
  }
  func.func @transform_0(%arg0: i32) -> (i32, i32) {
    %c0_i32 = arith.constant 0 : i32
    %c0_i32_0 = arith.constant 0 : i32
    return %arg0, %c0_i32 : i32, i32
  }
  func.func @transform_1(%arg0: i32) -> (i32, i32) {
    %c0_i32 = arith.constant 0 : i32
    %c0_i32_0 = arith.constant 0 : i32
    %c0_i32_1 = arith.constant 0 : i32
    return %c0_i32, %c0_i32_0 : i32, i32
  }
  func.func @transform_2(%arg0: i32) -> (i32, i32, i32) {
    %c0_i32 = arith.constant 0 : i32
    %c0_i32_0 = arith.constant 0 : i32
    %c0_i32_1 = arith.constant 0 : i32
    return %arg0, %c0_i32, %c0_i32_0 : i32, i32, i32
  }
  func.func @transform_3(%arg0: i32) -> (i32, i32) {
    %c0_i32 = arith.constant 0 : i32
    %c0_i32_0 = arith.constant 0 : i32
    %c0_i32_1 = arith.constant 0 : i32
    return %c0_i32, %c0_i32_0 : i32, i32
  }
  func.func @transform_4(%arg0: i32) -> (i32, i32) {
    %add3A = arith.constant 0 : i32
    %add3A_0 = arith.addi %add3A, %arg0 : i32
    %c0_i32 = arith.constant 0 : i32
    %c0_i32_1 = arith.constant 0 : i32
    return %add3A_0, %c0_i32 : i32, i32
  }
}

module attributes {stable_mosaic.version = 14 : i64} {
  func.func @body(%arg0: i32, %arg1: memref<12800x64xf32, #tpu.memory_space<vmem>>, %arg2: memref<12800x64xf32, #tpu.memory_space<vmem>>, %arg3: memref<1x1x12800xi32, #tpu.memory_space<vmem>>, %arg4: memref<3x16xf32, #tpu.memory_space<vmem>>, %arg5: memref<819200x80xf32, #tpu.memory_space<any>>, %arg6: memref<12800x80xf32, #tpu.memory_space<vmem>>) attributes {dimension_semantics = [#tpu.dimension_semantics<arbitrary>], iteration_bounds = array<i64: 16>, scalar_prefetch = 0 : i64, scratch_operands = 0 : i64, tpu.core_type = #tpu.core_type<tc>, window_params = [{transform_indices = @transform_0, window_bounds = array<i64: 12800, 64>}, {pipeline_mode = #tpu.pipeline_mode<synchronous>, transform_indices = @transform_1, window_bounds = array<i64: 12800, 64>}, {transform_indices = @transform_2, window_bounds = array<i64: 1, 1, 12800>}, {pipeline_mode = #tpu.pipeline_mode<synchronous>, transform_indices = @transform_3, window_bounds = array<i64: 3, 16>}, {}, {transform_indices = @transform_5, window_bounds = array<i64: 12800, 80>}]} {
    %get3A = arith.constant 0 : index
    %get3A_0 = arith.constant 0 : index
    %get3A_1 = vector.load %arg1[%get3A, %get3A_0] : memref<12800x64xf32, #tpu.memory_space<vmem>>, vector<12800x64xf32>
    %get3A_2 = arith.constant 0 : index
    %get3A_3 = arith.constant 0 : index
    %get3A_4 = vector.load %arg2[%get3A_2, %get3A_3] : memref<12800x64xf32, #tpu.memory_space<vmem>>, vector<12800x64xf32>
    %add3A = arith.addf %get3A_1, %get3A_4 : vector<12800x64xf32>
    %swap3A = arith.constant 0 : index
    %swap3A_5 = arith.constant 0 : index
    %swap3A_6 = vector.load %arg6[%swap3A, %swap3A_5] : memref<12800x80xf32, #tpu.memory_space<vmem>>, vector<12800x64xf32>
    tpu.vector_store %arg6[%swap3A, %swap3A_5], %add3A {strides = array<i32>} : memref<12800x80xf32, #tpu.memory_space<vmem>>, vector<12800x64xf32>,
    %get3A_7 = arith.constant 0 : index
    %get3A_8 = arith.constant 0 : index
    %get3A_9 = arith.constant 0 : index
    %get3A_10 = vector.load %arg3[%get3A_7, %get3A_8, %get3A_9] : memref<1x1x12800xi32, #tpu.memory_space<vmem>>, vector<1x1x12800xi32>
    %get3A_11 = vector.shape_cast %get3A_10 : vector<1x1x12800xi32> to vector<12800xi32>
    %reshape3A = vector.shape_cast %get3A_11 : vector<12800xi32> to vector<12800x1xi32>
    %get3A_12 = arith.constant 0 : index
    %get3A_13 = arith.constant 0 : index
    %get3A_14 = vector.load %arg4[%get3A_12, %get3A_13] : memref<3x16xf32, #tpu.memory_space<vmem>>, vector<3x16xf32>
    %slice3A = vector.extract_strided_slice %get3A_14 {offsets = [0, 0], sizes = [1, 16], strides = [1, 1]} : vector<3x16xf32> to vector<1x16xf32>
    %slice3A_15 = vector.extract_strided_slice %get3A_14 {offsets = [1, 0], sizes = [1, 16], strides = [1, 1]} : vector<3x16xf32> to vector<1x16xf32>
    %slice3A_16 = vector.extract_strided_slice %get3A_14 {offsets = [2, 0], sizes = [1, 16], strides = [1, 1]} : vector<3x16xf32> to vector<1x16xf32>
    %eq3A = arith.constant 0 : i32
    %eq3A_17 = vector.broadcast %eq3A : i32 to vector<12800x1xi32>
    %eq3A_18 = arith.cmpi eq, %reshape3A, %eq3A_17 : vector<12800x1xi32>
    %eq3A_19 = arith.constant 1 : i32
    %eq3A_20 = vector.broadcast %eq3A_19 : i32 to vector<12800x1xi32>
    %eq3A_21 = arith.cmpi eq, %reshape3A, %eq3A_20 : vector<12800x1xi32>
    %broadcast_in_dim3A = vector.shape_cast %eq3A_21 : vector<12800x1xi1> to vector<12800x1xi1>
    %broadcast_in_dim3A_22 = vector.broadcast %broadcast_in_dim3A : vector<12800x1xi1> to vector<12800x16xi1>
    %broadcast_in_dim3A_23 = vector.shape_cast %slice3A_15 : vector<1x16xf32> to vector<1x16xf32>
    %broadcast_in_dim3A_24 = vector.broadcast %broadcast_in_dim3A_23 : vector<1x16xf32> to vector<12800x16xf32>
    %broadcast_in_dim3A_25 = vector.shape_cast %slice3A_16 : vector<1x16xf32> to vector<1x16xf32>
    %broadcast_in_dim3A_26 = vector.broadcast %broadcast_in_dim3A_25 : vector<1x16xf32> to vector<12800x16xf32>
    %select_n3A = arith.select %broadcast_in_dim3A_22, %broadcast_in_dim3A_24, %broadcast_in_dim3A_26 : vector<12800x16xi1>, vector<12800x16xf32>
    %broadcast_in_dim3A_27 = vector.shape_cast %eq3A_18 : vector<12800x1xi1> to vector<12800x1xi1>
    %broadcast_in_dim3A_28 = vector.broadcast %broadcast_in_dim3A_27 : vector<12800x1xi1> to vector<12800x16xi1>
    %broadcast_in_dim3A_29 = vector.shape_cast %slice3A : vector<1x16xf32> to vector<1x16xf32>
    %broadcast_in_dim3A_30 = vector.broadcast %broadcast_in_dim3A_29 : vector<1x16xf32> to vector<12800x16xf32>
    %select_n3A_31 = arith.select %broadcast_in_dim3A_28, %broadcast_in_dim3A_30, %select_n3A : vector<12800x16xi1>, vector<12800x16xf32>
    %swap3A_32 = arith.constant 0 : index
    %swap3A_33 = arith.constant 64 : index
    %swap3A_34 = vector.load %arg6[%swap3A_32, %swap3A_33] : memref<12800x80xf32, #tpu.memory_space<vmem>>, vector<12800x16xf32>
    tpu.vector_store %arg6[%swap3A_32, %swap3A_33], %select_n3A_31 {strides = array<i32>} : memref<12800x80xf32, #tpu.memory_space<vmem>>, vector<12800x16xf32>,
    return
  }
  func.func @transform_0(%arg0: i32) -> (i32, i32) {
    %c0_i32 = arith.constant 0 : i32
    %c0_i32_0 = arith.constant 0 : i32
    return %arg0, %c0_i32 : i32, i32
  }
  func.func @transform_1(%arg0: i32) -> (i32, i32) {
    %c0_i32 = arith.constant 0 : i32
    %c0_i32_0 = arith.constant 0 : i32
    %c0_i32_1 = arith.constant 0 : i32
    return %c0_i32, %c0_i32_0 : i32, i32
  }
  func.func @transform_2(%arg0: i32) -> (i32, i32, i32) {
    %c0_i32 = arith.constant 0 : i32
    %c0_i32_0 = arith.constant 0 : i32
    %c0_i32_1 = arith.constant 0 : i32
    return %arg0, %c0_i32, %c0_i32_0 : i32, i32, i32
  }
  func.func @transform_3(%arg0: i32) -> (i32, i32) {
    %c0_i32 = arith.constant 0 : i32
    %c0_i32_0 = arith.constant 0 : i32
    %c0_i32_1 = arith.constant 0 : i32
    return %c0_i32, %c0_i32_0 : i32, i32
  }
  func.func @transform_5(%arg0: i32) -> (i32, i32) {
    %add3A = arith.constant 16 : i32
    %add3A_0 = arith.addi %add3A, %arg0 : i32
    %c0_i32 = arith.constant 0 : i32
    %c0_i32_1 = arith.constant 0 : i32
    return %add3A_0, %c0_i32 : i32, i32
  }
}

module attributes {stable_mosaic.version = 14 : i64} {
  func.func @body(%arg0: i32, %arg1: memref<12800x64xf32, #tpu.memory_space<vmem>>, %arg2: memref<12800x64xf32, #tpu.memory_space<vmem>>, %arg3: memref<1x1x12800xi32, #tpu.memory_space<vmem>>, %arg4: memref<3x16xf32, #tpu.memory_space<vmem>>, %arg5: memref<819200x80xf32, #tpu.memory_space<any>>, %arg6: memref<12800x80xf32, #tpu.memory_space<vmem>>) attributes {dimension_semantics = [#tpu.dimension_semantics<arbitrary>], iteration_bounds = array<i64: 16>, scalar_prefetch = 0 : i64, scratch_operands = 0 : i64, tpu.core_type = #tpu.core_type<tc>, window_params = [{transform_indices = @transform_0, window_bounds = array<i64: 12800, 64>}, {pipeline_mode = #tpu.pipeline_mode<synchronous>, transform_indices = @transform_1, window_bounds = array<i64: 12800, 64>}, {transform_indices = @transform_2, window_bounds = array<i64: 1, 1, 12800>}, {pipeline_mode = #tpu.pipeline_mode<synchronous>, transform_indices = @transform_3, window_bounds = array<i64: 3, 16>}, {}, {transform_indices = @transform_5, window_bounds = array<i64: 12800, 80>}]} {
    %get3A = arith.constant 0 : index
    %get3A_0 = arith.constant 0 : index
    %get3A_1 = vector.load %arg1[%get3A, %get3A_0] : memref<12800x64xf32, #tpu.memory_space<vmem>>, vector<12800x64xf32>
    %get3A_2 = arith.constant 0 : index
    %get3A_3 = arith.constant 0 : index
    %get3A_4 = vector.load %arg2[%get3A_2, %get3A_3] : memref<12800x64xf32, #tpu.memory_space<vmem>>, vector<12800x64xf32>
    %add3A = arith.addf %get3A_1, %get3A_4 : vector<12800x64xf32>
    %swap3A = arith.constant 0 : index
    %swap3A_5 = arith.constant 0 : index
    %swap3A_6 = vector.load %arg6[%swap3A, %swap3A_5] : memref<12800x80xf32, #tpu.memory_space<vmem>>, vector<12800x64xf32>
    tpu.vector_store %arg6[%swap3A, %swap3A_5], %add3A {strides = array<i32>} : memref<12800x80xf32, #tpu.memory_space<vmem>>, vector<12800x64xf32>,
    %get3A_7 = arith.constant 0 : index
    %get3A_8 = arith.constant 0 : index
    %get3A_9 = arith.constant 0 : index
    %get3A_10 = vector.load %arg3[%get3A_7, %get3A_8, %get3A_9] : memref<1x1x12800xi32, #tpu.memory_space<vmem>>, vector<1x1x12800xi32>
    %get3A_11 = vector.shape_cast %get3A_10 : vector<1x1x12800xi32> to vector<12800xi32>
    %reshape3A = vector.shape_cast %get3A_11 : vector<12800xi32> to vector<12800x1xi32>
    %get3A_12 = arith.constant 0 : index
    %get3A_13 = arith.constant 0 : index
    %get3A_14 = vector.load %arg4[%get3A_12, %get3A_13] : memref<3x16xf32, #tpu.memory_space<vmem>>, vector<3x16xf32>
    %slice3A = vector.extract_strided_slice %get3A_14 {offsets = [0, 0], sizes = [1, 16], strides = [1, 1]} : vector<3x16xf32> to vector<1x16xf32>
    %slice3A_15 = vector.extract_strided_slice %get3A_14 {offsets = [1, 0], sizes = [1, 16], strides = [1, 1]} : vector<3x16xf32> to vector<1x16xf32>
    %slice3A_16 = vector.extract_strided_slice %get3A_14 {offsets = [2, 0], sizes = [1, 16], strides = [1, 1]} : vector<3x16xf32> to vector<1x16xf32>
    %eq3A = arith.constant 0 : i32
    %eq3A_17 = vector.broadcast %eq3A : i32 to vector<12800x1xi32>
    %eq3A_18 = arith.cmpi eq, %reshape3A, %eq3A_17 : vector<12800x1xi32>
    %eq3A_19 = arith.constant 1 : i32
    %eq3A_20 = vector.broadcast %eq3A_19 : i32 to vector<12800x1xi32>
    %eq3A_21 = arith.cmpi eq, %reshape3A, %eq3A_20 : vector<12800x1xi32>
    %broadcast_in_dim3A = vector.shape_cast %eq3A_21 : vector<12800x1xi1> to vector<12800x1xi1>
    %broadcast_in_dim3A_22 = vector.broadcast %broadcast_in_dim3A : vector<12800x1xi1> to vector<12800x16xi1>
    %broadcast_in_dim3A_23 = vector.shape_cast %slice3A_15 : vector<1x16xf32> to vector<1x16xf32>
    %broadcast_in_dim3A_24 = vector.broadcast %broadcast_in_dim3A_23 : vector<1x16xf32> to vector<12800x16xf32>
    %broadcast_in_dim3A_25 = vector.shape_cast %slice3A_16 : vector<1x16xf32> to vector<1x16xf32>
    %broadcast_in_dim3A_26 = vector.broadcast %broadcast_in_dim3A_25 : vector<1x16xf32> to vector<12800x16xf32>
    %select_n3A = arith.select %broadcast_in_dim3A_22, %broadcast_in_dim3A_24, %broadcast_in_dim3A_26 : vector<12800x16xi1>, vector<12800x16xf32>
    %broadcast_in_dim3A_27 = vector.shape_cast %eq3A_18 : vector<12800x1xi1> to vector<12800x1xi1>
    %broadcast_in_dim3A_28 = vector.broadcast %broadcast_in_dim3A_27 : vector<12800x1xi1> to vector<12800x16xi1>
    %broadcast_in_dim3A_29 = vector.shape_cast %slice3A : vector<1x16xf32> to vector<1x16xf32>
    %broadcast_in_dim3A_30 = vector.broadcast %broadcast_in_dim3A_29 : vector<1x16xf32> to vector<12800x16xf32>
    %select_n3A_31 = arith.select %broadcast_in_dim3A_28, %broadcast_in_dim3A_30, %select_n3A : vector<12800x16xi1>, vector<12800x16xf32>
    %swap3A_32 = arith.constant 0 : index
    %swap3A_33 = arith.constant 64 : index
    %swap3A_34 = vector.load %arg6[%swap3A_32, %swap3A_33] : memref<12800x80xf32, #tpu.memory_space<vmem>>, vector<12800x16xf32>
    tpu.vector_store %arg6[%swap3A_32, %swap3A_33], %select_n3A_31 {strides = array<i32>} : memref<12800x80xf32, #tpu.memory_space<vmem>>, vector<12800x16xf32>,
    return
  }
  func.func @transform_0(%arg0: i32) -> (i32, i32) {
    %c0_i32 = arith.constant 0 : i32
    %c0_i32_0 = arith.constant 0 : i32
    return %arg0, %c0_i32 : i32, i32
  }
  func.func @transform_1(%arg0: i32) -> (i32, i32) {
    %c0_i32 = arith.constant 0 : i32
    %c0_i32_0 = arith.constant 0 : i32
    %c0_i32_1 = arith.constant 0 : i32
    return %c0_i32, %c0_i32_0 : i32, i32
  }
  func.func @transform_2(%arg0: i32) -> (i32, i32, i32) {
    %c0_i32 = arith.constant 0 : i32
    %c0_i32_0 = arith.constant 0 : i32
    %c0_i32_1 = arith.constant 0 : i32
    return %arg0, %c0_i32, %c0_i32_0 : i32, i32, i32
  }
  func.func @transform_3(%arg0: i32) -> (i32, i32) {
    %c0_i32 = arith.constant 0 : i32
    %c0_i32_0 = arith.constant 0 : i32
    %c0_i32_1 = arith.constant 0 : i32
    return %c0_i32, %c0_i32_0 : i32, i32
  }
  func.func @transform_5(%arg0: i32) -> (i32, i32) {
    %add3A = arith.constant 32 : i32
    %add3A_0 = arith.addi %add3A, %arg0 : i32
    %c0_i32 = arith.constant 0 : i32
    %c0_i32_1 = arith.constant 0 : i32
    return %add3A_0, %c0_i32 : i32, i32
  }
}

module attributes {stable_mosaic.version = 14 : i64} {
  func.func @body(%arg0: i32, %arg1: memref<12800x64xf32, #tpu.memory_space<vmem>>, %arg2: memref<12800x64xf32, #tpu.memory_space<vmem>>, %arg3: memref<1x1x12800xi32, #tpu.memory_space<vmem>>, %arg4: memref<3x16xf32, #tpu.memory_space<vmem>>, %arg5: memref<819200x80xf32, #tpu.memory_space<any>>, %arg6: memref<12800x80xf32, #tpu.memory_space<vmem>>) attributes {dimension_semantics = [#tpu.dimension_semantics<arbitrary>], iteration_bounds = array<i64: 16>, scalar_prefetch = 0 : i64, scratch_operands = 0 : i64, tpu.core_type = #tpu.core_type<tc>, window_params = [{transform_indices = @transform_0, window_bounds = array<i64: 12800, 64>}, {pipeline_mode = #tpu.pipeline_mode<synchronous>, transform_indices = @transform_1, window_bounds = array<i64: 12800, 64>}, {transform_indices = @transform_2, window_bounds = array<i64: 1, 1, 12800>}, {pipeline_mode = #tpu.pipeline_mode<synchronous>, transform_indices = @transform_3, window_bounds = array<i64: 3, 16>}, {}, {transform_indices = @transform_5, window_bounds = array<i64: 12800, 80>}]} {
    %get3A = arith.constant 0 : index
    %get3A_0 = arith.constant 0 : index
    %get3A_1 = vector.load %arg1[%get3A, %get3A_0] : memref<12800x64xf32, #tpu.memory_space<vmem>>, vector<12800x64xf32>
    %get3A_2 = arith.constant 0 : index
    %get3A_3 = arith.constant 0 : index
    %get3A_4 = vector.load %arg2[%get3A_2, %get3A_3] : memref<12800x64xf32, #tpu.memory_space<vmem>>, vector<12800x64xf32>
    %add3A = arith.addf %get3A_1, %get3A_4 : vector<12800x64xf32>
    %swap3A = arith.constant 0 : index
    %swap3A_5 = arith.constant 0 : index
    %swap3A_6 = vector.load %arg6[%swap3A, %swap3A_5] : memref<12800x80xf32, #tpu.memory_space<vmem>>, vector<12800x64xf32>
    tpu.vector_store %arg6[%swap3A, %swap3A_5], %add3A {strides = array<i32>} : memref<12800x80xf32, #tpu.memory_space<vmem>>, vector<12800x64xf32>,
    %get3A_7 = arith.constant 0 : index
    %get3A_8 = arith.constant 0 : index
    %get3A_9 = arith.constant 0 : index
    %get3A_10 = vector.load %arg3[%get3A_7, %get3A_8, %get3A_9] : memref<1x1x12800xi32, #tpu.memory_space<vmem>>, vector<1x1x12800xi32>
    %get3A_11 = vector.shape_cast %get3A_10 : vector<1x1x12800xi32> to vector<12800xi32>
    %reshape3A = vector.shape_cast %get3A_11 : vector<12800xi32> to vector<12800x1xi32>
    %get3A_12 = arith.constant 0 : index
    %get3A_13 = arith.constant 0 : index
    %get3A_14 = vector.load %arg4[%get3A_12, %get3A_13] : memref<3x16xf32, #tpu.memory_space<vmem>>, vector<3x16xf32>
    %slice3A = vector.extract_strided_slice %get3A_14 {offsets = [0, 0], sizes = [1, 16], strides = [1, 1]} : vector<3x16xf32> to vector<1x16xf32>
    %slice3A_15 = vector.extract_strided_slice %get3A_14 {offsets = [1, 0], sizes = [1, 16], strides = [1, 1]} : vector<3x16xf32> to vector<1x16xf32>
    %slice3A_16 = vector.extract_strided_slice %get3A_14 {offsets = [2, 0], sizes = [1, 16], strides = [1, 1]} : vector<3x16xf32> to vector<1x16xf32>
    %eq3A = arith.constant 0 : i32
    %eq3A_17 = vector.broadcast %eq3A : i32 to vector<12800x1xi32>
    %eq3A_18 = arith.cmpi eq, %reshape3A, %eq3A_17 : vector<12800x1xi32>
    %eq3A_19 = arith.constant 1 : i32
    %eq3A_20 = vector.broadcast %eq3A_19 : i32 to vector<12800x1xi32>
    %eq3A_21 = arith.cmpi eq, %reshape3A, %eq3A_20 : vector<12800x1xi32>
    %broadcast_in_dim3A = vector.shape_cast %eq3A_21 : vector<12800x1xi1> to vector<12800x1xi1>
    %broadcast_in_dim3A_22 = vector.broadcast %broadcast_in_dim3A : vector<12800x1xi1> to vector<12800x16xi1>
    %broadcast_in_dim3A_23 = vector.shape_cast %slice3A_15 : vector<1x16xf32> to vector<1x16xf32>
    %broadcast_in_dim3A_24 = vector.broadcast %broadcast_in_dim3A_23 : vector<1x16xf32> to vector<12800x16xf32>
    %broadcast_in_dim3A_25 = vector.shape_cast %slice3A_16 : vector<1x16xf32> to vector<1x16xf32>
    %broadcast_in_dim3A_26 = vector.broadcast %broadcast_in_dim3A_25 : vector<1x16xf32> to vector<12800x16xf32>
    %select_n3A = arith.select %broadcast_in_dim3A_22, %broadcast_in_dim3A_24, %broadcast_in_dim3A_26 : vector<12800x16xi1>, vector<12800x16xf32>
    %broadcast_in_dim3A_27 = vector.shape_cast %eq3A_18 : vector<12800x1xi1> to vector<12800x1xi1>
    %broadcast_in_dim3A_28 = vector.broadcast %broadcast_in_dim3A_27 : vector<12800x1xi1> to vector<12800x16xi1>
    %broadcast_in_dim3A_29 = vector.shape_cast %slice3A : vector<1x16xf32> to vector<1x16xf32>
    %broadcast_in_dim3A_30 = vector.broadcast %broadcast_in_dim3A_29 : vector<1x16xf32> to vector<12800x16xf32>
    %select_n3A_31 = arith.select %broadcast_in_dim3A_28, %broadcast_in_dim3A_30, %select_n3A : vector<12800x16xi1>, vector<12800x16xf32>
    %swap3A_32 = arith.constant 0 : index
    %swap3A_33 = arith.constant 64 : index
    %swap3A_34 = vector.load %arg6[%swap3A_32, %swap3A_33] : memref<12800x80xf32, #tpu.memory_space<vmem>>, vector<12800x16xf32>
    tpu.vector_store %arg6[%swap3A_32, %swap3A_33], %select_n3A_31 {strides = array<i32>} : memref<12800x80xf32, #tpu.memory_space<vmem>>, vector<12800x16xf32>,
    return
  }
  func.func @transform_0(%arg0: i32) -> (i32, i32) {
    %c0_i32 = arith.constant 0 : i32
    %c0_i32_0 = arith.constant 0 : i32
    return %arg0, %c0_i32 : i32, i32
  }
  func.func @transform_1(%arg0: i32) -> (i32, i32) {
    %c0_i32 = arith.constant 0 : i32
    %c0_i32_0 = arith.constant 0 : i32
    %c0_i32_1 = arith.constant 0 : i32
    return %c0_i32, %c0_i32_0 : i32, i32
  }
  func.func @transform_2(%arg0: i32) -> (i32, i32, i32) {
    %c0_i32 = arith.constant 0 : i32
    %c0_i32_0 = arith.constant 0 : i32
    %c0_i32_1 = arith.constant 0 : i32
    return %arg0, %c0_i32, %c0_i32_0 : i32, i32, i32
  }
  func.func @transform_3(%arg0: i32) -> (i32, i32) {
    %c0_i32 = arith.constant 0 : i32
    %c0_i32_0 = arith.constant 0 : i32
    %c0_i32_1 = arith.constant 0 : i32
    return %c0_i32, %c0_i32_0 : i32, i32
  }
  func.func @transform_5(%arg0: i32) -> (i32, i32) {
    %add3A = arith.constant 48 : i32
    %add3A_0 = arith.addi %add3A, %arg0 : i32
    %c0_i32 = arith.constant 0 : i32
    %c0_i32_1 = arith.constant 0 : i32
    return %add3A_0, %c0_i32 : i32, i32
  }
}

</mosaic_0001>

<sc_bundles>
// kernel: kernel.10.cloned.1.call-start
scs
__scs_entry_jumppad:
0x0: {  	(pc) =	sbr.rel $0x88, $3  }
0x1: {  	(tag) =	ssettag $0x0;
	lr =	simm.s32 $0x1  }
0x2: {  	[smem:$0x3F9C] =	sst lr;
	_ =	strace $0xD0000000  }
0x3: {  	_ = 	snop  }
0x4: {  	_ = 	snop  }
0x5: {  	_ = 	snop  }
0x6: {  	_ = 	snop  }
0x7: {  	_ = 	snop  }
__scs_overlays_trampoline_lowered:
0x8: {  	[smem:$0x3FAB] =	sst s0  }
0x9: {  	[smem:$0x3FAC] =	sst s1  }
0xa: {  	[smem:$0x3FAD] =	sst s2  }
0xb: {  	[smem:$0x3FAE] =	sst s3  }
0xc: {  	[smem:$0x3FAF] =	sst s4  }
0xd: {  	[smem:$0x3FB0] =	sst s5  }
0xe: {  	[smem:$0x3FB1] =	sst s6  }
0xf: {  	[smem:$0x3FB2] =	sst s7  }
0x10: {  	[smem:$0x3FB3] =	sst s8  }
0x11: {  	[smem:$0x3FB4] =	sst s9;
	s0 =	simm.s32 @!p0 $0x0  }
0x12: {  	s1 =	sld [smem:$0x3F9A];
	s0 =	simm.s32 @p0 $0x1  }
0x13: {  	[smem:$0x3FB5] =	sst s0;
	s0 =	simm.s32 @!p1 $0x0  }
0x14: {  	s2 =	sld [smem:$0x3F99];
	s0 =	simm.s32 @p1 $0x1  }
0x15: {  	[smem:$0x3FB6] =	sst s0;
	s0 =	simm.s32 @!p2 $0x0  }
0x16: {  	s3 =	sld [smem:$0x3FDB];
	s0 =	simm.s32 @p2 $0x1  }
0x17: {  	s4 =	simm.s32 $0x1BF5;
	[smem:$0x3FB8] =	sst s0  }
0x18: {  	s0 =	sld [smem:$0x3F9B];
	_ =	swait.ge [sflag:s4], $0x0  }
0x19: {  	s7 =	sld [smem:$0x3F9C]  }
0x1a: {  	s8 =	sadd.s32 $0xFFFFE003, lr  }
0x1b: {  	s9 =	sadd.s32 $0xFFFFFEF7, lr;
	s5 =	simm.s32 $0xFFFFFFFF;
	p2 =	slt.u32 s8, $0xFFFFF086  }
0x1c: {  	p1 =	slt.u32 s9, $0xF7A;
	s5 =	simm.s32 @!p2 $0x0  }
0x1d: {  	s5 =	simm.s32 @p1 $0x1;
	p0 =	seq.s32 s7, s2  }
0x1e: {  	s7 =	smul.u32 @!p0 $0xF7A, s2;
	p2 =	seq.s32 @!p0 s5, $0x0  }
0x1f: {  	s9 =	smul.u32 $0xF7A, s1;
	s8 =	simm.s32 @!p0 $0x1BF5;
	p2 =	por !p2, p0  }
0x20: {  	[sflag:s8] =	ssyncset.s32 @!p0 $0xFFFFF086;
	s6 =	sadd.s32 @!p0 s3, s7;
	s7 =	simm.s32 @!p0 $0x108  }
0x21: {  	s3 =	sadd.s32 s3, s9;
	s6 =	sadd.s32 @!p0 $0x88, s6;
	s7 =	simm.s32 @p2 $0x1082  }
0x22: {  	[simem:s7], [sflag:s8] =	dma.local @!p0 [hbm:s6], $0xF7A  }
0x23: {  	s9 =	sor.u32 $0xD0000000, s2;
	s6 =	simm.s32 $0x108;
	_ =	swait.ge @!p0 [sflag:s8], $0x0  }
0x24: {  	s3 =	sadd.s32 $0x88, s3;
	s6 =	simm.s32 @!p1 $0x1082;
	[sflag:s4] =	ssyncset.s32 $0xFFFFF086  }
0x25: {  	[simem:s6], [sflag:s4] =	dma.local [hbm:s3], $0xF7A  }
0x26: {  	[smem:$0x3F9C] =	sst s1;
	(tag) =	ssettag s2;
	_ =	strace s9  }
0x27: {  	s1 =	sld [smem:$0x3FAC]  }
0x28: {  	s2 =	sld [smem:$0x3FAD]  }
0x29: {  	s4 =	sld [smem:$0x3FAF]  }
0x2a: {  	p0 =	seq.s32 s5, $0x0;
	s5 =	sld [smem:$0x3FB0]  }
0x2b: {  	s6 =	sld [smem:$0x3FB1]  }
0x2c: {  	s7 =	sld [smem:$0x3FB2]  }
0x2d: {  	s3 =	simm.s32 $0x108;
	s8 =	sld [smem:$0x3FB3]  }
0x2e: {  	s3 =	simm.s32 @!p0 $0x1082;
	s9 =	sld [smem:$0x3FB4]  }
0x2f: {  	lr =	sadd.s32 s0, s3;
	s0 =	sld [smem:$0x3FAB]  }
0x30: {  	s3 =	sld [smem:$0x3FAE]  }
0x31: {  	[smem:$0x3FB7] =	sst s10  }
0x32: {  	s10 =	sld [smem:$0x3FB5];
	_ =	sdelay $0x3  }
0x33: {  	p0 =	seq.s32 s10, $0x1;
	s10 =	sld [smem:$0x3FB7];
	_ =	sdelay $0x3  }
0x34: {  	[smem:$0x3FB7] =	sst s10  }
0x35: {  	s10 =	sld [smem:$0x3FB6];
	_ =	sdelay $0x3  }
0x36: {  	p1 =	seq.s32 s10, $0x1;
	s10 =	sld [smem:$0x3FB7];
	_ =	sdelay $0x3  }
0x37: {  	[smem:$0x3FB7] =	sst s10  }
0x38: {  	s10 =	sld [smem:$0x3FB8]  }
0x39: {  	_ = 	snop;
	(pc) =	sbr.ind lr, $3  }
0x3a: {  	_ = 	snop  }
0x3b: {  	_ = 	snop  }
0x3c: {  	p2 =	seq.s32 s10, $0x1;
	s10 =	sld [smem:$0x3FB7]  }
0x3d: {  	_ =	shalt  }
0x3e: {  	_ =	shalt  }
0x3f: {  	_ =	shalt  }
0x40: {  	_ =	shalt  }
0x41: {  	_ =	shalt  }
0x42: {  	_ =	shalt  }
0x43: {  	_ =	shalt  }
0x44: {  	_ =	shalt  }
0x45: {  	_ =	shalt  }
0x46: {  	_ =	shalt  }
0x47: {  	_ =	shalt  }
0x48: {  	_ =	shalt  }
0x49: {  	_ =	shalt  }
0x4a: {  	_ =	shalt  }
0x4b: {  	_ =	shalt  }
0x4c: {  	_ =	shalt  }
0x4d: {  	_ =	shalt  }
0x4e: {  	_ =	shalt  }
0x4f: {  	_ =	shalt  }
0x50: {  	_ =	shalt  }
0x51: {  	_ =	shalt  }
0x52: {  	_ =	shalt  }
0x53: {  	_ =	shalt  }
0x54: {  	_ =	shalt  }
0x55: {  	_ =	shalt  }
0x56: {  	_ =	shalt  }
0x57: {  	_ =	shalt  }
0x58: {  	_ =	shalt  }
0x59: {  	_ =	shalt  }
0x5a: {  	_ =	shalt  }
0x5b: {  	_ =	shalt  }
0x5c: {  	_ =	shalt  }
0x5d: {  	_ =	shalt  }
0x5e: {  	_ =	shalt  }
0x5f: {  	_ =	shalt  }
0x60: {  	_ =	shalt  }
0x61: {  	_ =	shalt  }
0x62: {  	_ =	shalt  }
0x63: {  	_ =	shalt  }
0x64: {  	_ =	shalt  }
0x65: {  	_ =	shalt  }
0x66: {  	_ =	shalt  }
0x67: {  	_ =	shalt  }
0x68: {  	_ =	shalt  }
0x69: {  	_ =	shalt  }
0x6a: {  	_ =	shalt  }
0x6b: {  	_ =	shalt  }
0x6c: {  	_ =	shalt  }
0x6d: {  	_ =	shalt  }
0x6e: {  	_ =	shalt  }
0x6f: {  	_ =	shalt  }
0x70: {  	_ =	shalt  }
0x71: {  	_ =	shalt  }
0x72: {  	_ =	shalt  }
0x73: {  	_ =	shalt  }
0x74: {  	_ =	shalt  }
0x75: {  	_ =	shalt  }
0x76: {  	_ =	shalt  }
0x77: {  	_ =	shalt  }
0x78: {  	_ =	shalt  }
0x79: {  	_ =	shalt  }
0x7a: {  	_ =	shalt  }
0x7b: {  	_ =	shalt  }
0x7c: {  	_ =	shalt  }
0x7d: {  	_ =	shalt  }
0x7e: {  	_ =	shalt  }
0x7f: {  	_ =	shalt  }
0x80: {  	_ =	shalt  }
0x81: {  	_ =	shalt  }
0x82: {  	_ =	shalt  }
0x83: {  	_ =	shalt  }
0x84: {  	_ =	shalt  }
0x85: {  	_ =	shalt  }
0x86: {  	_ =	shalt  }
0x87: {  	_ =	shalt  }
.Lfunc_end0:
.L_simem_size_0:
called_computation.1_lowered:
.L_overlay_start_0:
0x88: {  	s2 =	sld [smem:$0x3FD9]  }
0x89: {  	s3 =	sld [smem:$0x3FFE];
	_ =	sdelay $0x1  }
0x8a: {  	s1 =	srdreg.scid  }
0x8b: {  	s0 =	sand.u32 $0x1, s1  }
0x8c: {  	s17 =	sshll.u32 s0, $0xA;
	s2 =	sadd.s32 s3, s2  }
0x8d: {  	s2 =	sadd.s32 s2, s17  }
0x8e: {  	[smem:$0x3FC3] =	sst s2  }
0x8f: {  	_ = 	snop  }
0x90: {  	s2 =	sld [smem:$0x3FD0];
	(tm) =	ssettm $0x1  }
0x91: {  	s18 =	sld [smem:$0x3FFB];
	_ =	sdelay $0x3  }
0x92: {  	_ =	strace s18  }
0x93: {  	s3 =	sld [smem:$0x3FFC];
	_ =	sdelay $0x3  }
0x94: {  	_ =	strace s3  }
0x95: {  	s3 =	sld [smem:$0x3FFD];
	_ =	sdelay $0x3  }
0x96: {  	_ =	strace s3  }
0x97: {  	_ =	strace $0x8FFFFFFF  }
0x98: {  	s19 =	sld [smem:$0x3FDB];
	_ =	sdelay $0x1  }
0x99: {  	s4 =	simm.s32 $_scs_section_size  }
0x9a: {  	s5 =	simm.s32 $_size__tile_overlayer_lowered;
	s6 =	simm.s32 $_tile_overlayer_lowered  }
0x9b: {  	s22 =	simm.s32 $0x1BFF;
	s21 =	sshll.u32 s6, $0x1;
	s3 =	sadd.s32 s4, s19  }
0x9c: {  	s7 =	simm.s32 $0x0;
	s20 =	sshll.u32 s5, $0x1;
	s5 =	sadd.s32 s21, s3  }
0x9d: {  	[timem:s7], [sflag:s22] =	dma.local [hbm:s5], s20  }
0x9e: {  	_ =	swait.ge [sflag:s22], s20  }
0x9f: {  	s4 =	ssub.s32 $0x0, s20;
	[sflag:s22] =	ssyncset.done $0x0  }
0xa0: {  	[sflag:s22] =	ssyncadd.s32 s4;
	_ =	sdelay $0x1  }
0xa1: {  	s23 =	simm.s32 $0x1B8B  }
0xa2: {  	_ =	swait.ge [sflag:s23], $0x1  }
0xa3: {  	[sflag:s23] =	ssyncset.done $0x0  }
0xa4: {  	s25 =	simm.s32 $0x1B8E;
	s24 =	sld [smem:$0x3FFE];
	[sflag:s23] =	ssyncadd.s32 $0xFFFFFFFF  }
0xa5: {  	s26 =	simm.s32 $execute0_lowered;
	[smem:$0x3FD2] =	sst s25  }
0xa6: {  	s5 =	sshll.u32 s26, $0x1;
	_ =	strace $0x80000046;
	[dreg:$0x1] =	wrdreg $0xFFFFFFFF  }
0xa7: {  	s28 =	simm.s32 $_size_execute0_lowered;
	s3 =	sadd.s32 s3, s5;
	[dreg:$0x0] =	wrdreg $0x0  }
0xa8: {  	s5 =	sshll.u32 s28, $0x1;
	[dreg:$0x2] =	wrdreg s3  }
0xa9: {  	[dreg:$0x3] =	wrdreg s5  }
0xaa: {  	[dreg:$0x4] =	wrdreg $0xC0  }
0xab: {  	_ =	task [dreg:s7], $0x5FFFF  }
0xac: {  	[dreg:$0x1] =	wrdreg $0xFFFFFFFF  }
0xad: {  	[dreg:$0x0] =	wrdreg $0x60  }
0xae: {  	[dreg:$0x2] =	wrdreg s24  }
0xaf: {  	[dreg:$0x3] =	wrdreg s2  }
0xb0: {  	[dreg:$0x4] =	wrdreg $0x9  }
0xb1: {  	_ =	task.clear_ibuf [dreg:s7], $0x5FFFF;
	_ =	strace $0x90000046  }
0xb2: {  	s29 =	simm.s32 $0x9;
	_ =	strace $0x80000048  }
0xb3: {  	_ =	swait.ge [sflag:s29], $0x1  }
0xb4: {  	[sflag:s29] =	ssyncadd.s32 $0xFFFFFFFF  }
0xb5: {  	_ =	strace $0x90000048  }
0xb6: {  	_ =	sfence  }
0xb7: {  	s30 =	sld [smem:$0x0];
	_ =	sdelay $0x2  }
0xb8: {  	s31 =	sshll.u32 s1, $0xD;
	s1 =	sshrl.u32 s1, $0x2  }
0xb9: {  	s3 =	sand.u32 $0x4000, s31;
	s1 =	sadd.s32 s1, s30  }
0xba: {  	s0 =	sor.u32 s3, s0;
	s1 =	sshll.u32 s1, $0x11  }
0xbb: {  	s0 =	sor.u32 s1, s0  }
0xbc: {  	s0 =	sadd.s32 $0x8F2B, s0  }
0xbd: {  	[sflag:s0] =	ssyncadd.remote.s32 $0x1  }
0xbe: {  	_ =	sfence.sel $0xFFFF  }
0xbf: {  	[dreg:$0x0] =	wrdreg $0xFFFFFFFF;
	(pc) =	sbr.abs _section_cstart, $3  }
0xc0: {  	[dreg:$0x1] =	wrdreg $0xFFFFFFFF  }
0xc1: {  	_ =	task.clear_ibuf [dreg:s7], $0x2FFFF;
	_ =	strace $0x9FFFFFFF  }
0xc2: {  	(tm) =	ssettm $0x7FFFFFFF  }
0xc3: {  	_ =	shalt  }
tec
execute0_lowered:
.L_overlay_start_1:
0x0: {  	(tag) =	ssettag $0x1  }
0x1: {  	s1 =	srdreg.scid;
	s5 =	rddreg [dreg:$0x0]  }
0x2: {  	s0 =	stileid.u32;
	s2 =	rddreg [dreg:$0x1]  }
0x3: {  	s11 =	simm.s32 $0x50;
	s12 =	simm.s32 $0x2D00;
	s13 =	simm.s32 $0x78  }
0x4: {  	s14 =	simm.s32 $0x3700;
	s15 =	simm.s32 $0xA0;
	s16 =	simm.s32 $0x4100  }
0x5: {  	s18 =	simm.s32 $0x5500;
	s17 =	simm.s32 $0x1;
	s19 =	simm.s32 $0x5F00  }
0x6: {  	s31 =	simm.s32 $0x6900;
	s20 =	simm.s32 $0x2;
	s21 =	simm.s32 $0x3  }
0x7: {  	s22 =	simm.s32 $0x4;
	s23 =	simm.s32 $0x0;
	s4 =	sand.u32 $0x1, s1  }
0x8: {  	s26 =	sshll.u32 s0, $0x6;
	s7 =	smul.u32 $0x19000, s0;
	s3 =	sshll.u32 s4, $0x5  }
0x9: {  	s8 =	ssub.s32 $0x2, s4;
	s10 =	smul.u32 $0xC800, s4;
	s6 =	sor.u32 s3, s26  }
0xa: {  	s3 =	simm.s32 $0x0;
	s9 =	sshrl.u32 s8, $0x1;
	s29 =	sadd.s32 s7, s5  }
0xb: {  	s7 =	simm.s32 $0x5;
	s6 =	smul.u32 $0x19, s6;
	[smem:$0x7FF] =	sst s3  }
0xc: {  	s30 =	ssub.s32 s8, s9;
	_ =	strace $0x80000047;
	[dreg:$0x3] =	wrdreg s18  }
0xd: {  	s8 =	simm.s32 $0x28;
	s9 =	simm.s32 $0x1900;
	[dreg:$0x4] =	wrdreg s19  }
0xe: {  	s18 =	simm.s32 $0x4B00;
	[dreg:$0x5] =	wrdreg s31;
	s19 =	simm.s32 $0x7300  }
0xf: {  	s28 =	sadd.s32 s6, s5;
	s5 =	smax.u32 s30, $0x1;
	s6 =	sadd.s32 s10, s29  }
0x10: {  	s10 =	simm.s32 $0x2300;
	s4 =	sadd.s32 $0x15A00, s28;
	s6 =	sadd.s32 $0x1BE00, s6  }
.LBB2_1:
0x11: {  	[tilespmem:s3], [sflag:$0x5] =	stream.linear.gather [hbm4b:s4+s3], $0x1900, $0x38;
	[tilespmem:$0x7D00] =	vst v63  }
0x12: {  	_ =	swait.ge [sflag:s7], $0x1900  }
0x13: {  	[sflag:s7] =	ssyncset.done $0x0  }
0x14: {  	[sflag:s7] =	ssyncadd.s32 $0xFFFFE700  }
0x15: {  	[tilespmem:s9], [sflag:$0x1] =	stream.indirect.gather [hbm4b:s2+s8], $0x40, s3, s8, $0xb8;
	[tilespmem:$0x7D00] =	vst v63  }
0x16: {  	_ = 	snop  }
0x17: {  	[tilespmem:s10], [sflag:$0x1] =	stream.indirect.gather [hbm4b:s2+s8], $0x40, s8, s8, $0xb8;
	[tilespmem:$0x7D00] =	vst v63  }
0x18: {  	_ = 	snop  }
0x19: {  	[tilespmem:s12], [sflag:$0x1] =	stream.indirect.gather [hbm4b:s2+s8], $0x40, s11, s8, $0xb8;
	[tilespmem:$0x7D00] =	vst v63  }
0x1a: {  	_ = 	snop  }
0x1b: {  	[tilespmem:s14], [sflag:$0x1] =	stream.indirect.gather [hbm4b:s2+s8], $0x40, s13, s8, $0xb8;
	[tilespmem:$0x7D00] =	vst v63  }
0x1c: {  	_ = 	snop  }
0x1d: {  	[tilespmem:s16], [sflag:$0x1] =	stream.indirect.gather [hbm4b:s2+s8], $0x40, s15, s8, $0xb8;
	[tilespmem:$0x7D00] =	vst v63  }
0x1e: {  	_ =	swait.ge [sflag:s17], $0xA00  }
0x1f: {  	[sflag:s17] =	ssyncset.done $0x0  }
0x20: {  	[sflag:s17] =	ssyncadd.s32 $0xFFFFF600  }
0x21: {  	_ =	swait.ge [sflag:s17], $0xA00  }
0x22: {  	[sflag:s17] =	ssyncset.done $0x0  }
0x23: {  	[sflag:s17] =	ssyncadd.s32 $0xFFFFF600  }
0x24: {  	_ =	swait.ge [sflag:s17], $0xA00  }
0x25: {  	[sflag:s17] =	ssyncset.done $0x0  }
0x26: {  	[sflag:s17] =	ssyncadd.s32 $0xFFFFF600  }
0x27: {  	_ =	swait.ge [sflag:s17], $0xA00  }
0x28: {  	[sflag:s17] =	ssyncset.done $0x0  }
0x29: {  	[sflag:s17] =	ssyncadd.s32 $0xFFFFF600  }
0x2a: {  	_ =	swait.ge [sflag:s17], $0xA00  }
0x2b: {  	[sflag:s17] =	ssyncset.done $0x0  }
0x2c: {  	s25 =	simm.s32 $0xC8;
	[sflag:s17] =	ssyncadd.s32 $0xFFFFF600  }
0x2d: {  	[tilespmem:s18], [sflag:$0x2] =	stream.indirect.gather [hbm4b:s2+s8], $0x40, s25, s8, $0xb8;
	[tilespmem:$0x7D00] =	vst v63  }
0x2e: {  	s1 =	simm.s32 $0xF0;
	s24 =	rddreg [dreg:$0x3]  }
0x2f: {  	[tilespmem:s24], [sflag:$0x2] =	stream.indirect.gather [hbm4b:s2+s8], $0x40, s1, s8, $0xb8;
	[tilespmem:$0x7D00] =	vst v63  }
0x30: {  	s26 =	rddreg [dreg:$0x4];
	s25 =	simm.s32 $0x118  }
0x31: {  	[tilespmem:s26], [sflag:$0x2] =	stream.indirect.gather [hbm4b:s2+s8], $0x40, s25, s8, $0xb8;
	[tilespmem:$0x7D00] =	vst v63  }
0x32: {  	s28 =	rddreg [dreg:$0x5];
	s1 =	simm.s32 $0x140  }
0x33: {  	[tilespmem:s28], [sflag:$0x2] =	stream.indirect.gather [hbm4b:s2+s8], $0x40, s1, s8, $0xb8;
	[tilespmem:$0x7D00] =	vst v63  }
0x34: {  	s25 =	simm.s32 $0x168  }
0x35: {  	[tilespmem:s19], [sflag:$0x2] =	stream.indirect.gather [hbm4b:s2+s8], $0x40, s25, s8, $0xb8;
	[tilespmem:$0x7D00] =	vst v63  }
0x36: {  	_ = 	snop  }
0x37: {  	[hbm4b:s6+s3] =	stream.linear.scatter [tilespmem:s9], [sflag:$0x3], $0x3200, $0x38;
	[tilespmem:$0x7D00] =	vst v63  }
0x38: {  	_ =	swait.ge [sflag:s20], $0xA00  }
0x39: {  	[sflag:s20] =	ssyncset.done $0x0  }
0x3a: {  	[sflag:s20] =	ssyncadd.s32 $0xFFFFF600  }
0x3b: {  	_ =	swait.ge [sflag:s20], $0xA00  }
0x3c: {  	[sflag:s20] =	ssyncset.done $0x0  }
0x3d: {  	[sflag:s20] =	ssyncadd.s32 $0xFFFFF600  }
0x3e: {  	_ =	swait.ge [sflag:s20], $0xA00  }
0x3f: {  	[sflag:s20] =	ssyncset.done $0x0  }
0x40: {  	[sflag:s20] =	ssyncadd.s32 $0xFFFFF600  }
0x41: {  	_ =	swait.ge [sflag:s20], $0xA00  }
0x42: {  	[sflag:s20] =	ssyncset.done $0x0  }
0x43: {  	[sflag:s20] =	ssyncadd.s32 $0xFFFFF600  }
0x44: {  	_ =	swait.ge [sflag:s20], $0xA00  }
0x45: {  	[sflag:s20] =	ssyncset.done $0x0  }
0x46: {  	s26 =	sand.u32 $0x1E, s20;
	[sflag:s20] =	ssyncadd.s32 $0xFFFFF600  }
0x47: {  	s24 =	smul.u32 $0x320, s26;
	_ =	swait.ge [sflag:s21], $0x3200  }
0x48: {  	[sflag:s21] =	ssyncset.done $0x0  }
0x49: {  	s24 =	sshrl.u32 s24, $0x2;
	[sflag:s21] =	ssyncadd.s32 $0xFFFFCE00  }
0x4a: {  	[tilespmem:s9], [sflag:$0x1] =	stream.indirect.gather [hbm4b:s2+s8], $0x40, s24, s8, $0xb8;
	[tilespmem:$0x7D00] =	vst v63  }
0x4b: {  	s28 =	sadd.s32 $0x28, s24  }
0x4c: {  	[tilespmem:s10], [sflag:$0x1] =	stream.indirect.gather [hbm4b:s2+s8], $0x40, s28, s8, $0xb8;
	[tilespmem:$0x7D00] =	vst v63  }
0x4d: {  	s1 =	sadd.s32 $0x50, s24  }
0x4e: {  	[tilespmem:s12], [sflag:$0x1] =	stream.indirect.gather [hbm4b:s2+s8], $0x40, s1, s8, $0xb8;
	[tilespmem:$0x7D00] =	vst v63  }
0x4f: {  	s26 =	sadd.s32 $0x78, s24  }
0x50: {  	[tilespmem:s14], [sflag:$0x1] =	stream.indirect.gather [hbm4b:s2+s8], $0x40, s26, s8, $0xb8;
	[tilespmem:$0x7D00] =	vst v63  }
0x51: {  	s24 =	sadd.s32 $0xA0, s24  }
0x52: {  	[tilespmem:s16], [sflag:$0x1] =	stream.indirect.gather [hbm4b:s2+s8], $0x40, s24, s8, $0xb8;
	[tilespmem:$0x7D00] =	vst v63  }
0x53: {  	s28 =	sadd.s32 $0x640, s6  }
0x54: {  	[hbm4b:s28+s3] =	stream.linear.scatter [tilespmem:s18], [sflag:$0x4], $0x3200, $0x38;
	[tilespmem:$0x7D00] =	vst v63  }
0x55: {  	_ =	swait.ge [sflag:s17], $0xA00  }
0x56: {  	[sflag:s17] =	ssyncset.done $0x0  }
0x57: {  	[sflag:s17] =	ssyncadd.s32 $0xFFFFF600  }
0x58: {  	_ =	swait.ge [sflag:s17], $0xA00  }
0x59: {  	[sflag:s17] =	ssyncset.done $0x0  }
0x5a: {  	[sflag:s17] =	ssyncadd.s32 $0xFFFFF600  }
0x5b: {  	_ =	swait.ge [sflag:s17], $0xA00  }
0x5c: {  	[sflag:s17] =	ssyncset.done $0x0  }
0x5d: {  	[sflag:s17] =	ssyncadd.s32 $0xFFFFF600  }
0x5e: {  	_ =	swait.ge [sflag:s17], $0xA00  }
0x5f: {  	[sflag:s17] =	ssyncset.done $0x0  }
0x60: {  	[sflag:s17] =	ssyncadd.s32 $0xFFFFF600  }
0x61: {  	_ =	swait.ge [sflag:s17], $0xA00  }
0x62: {  	[sflag:s17] =	ssyncset.done $0x0  }
0x63: {  	s31 =	simm.s32 $0xC80;
	[sflag:s17] =	ssyncadd.s32 $0xFFFFF600  }
0x64: {  	s29 =	simm.s32 $0x190;
	s25 =	simm.s32 $0x4;
	_ =	swait.ge [sflag:s22], $0x3200  }
0x65: {  	s24 =	sadd.s32 $0xC80, s6;
	s30 =	rddreg [dreg:$0x3];
	[sflag:s22] =	ssyncset.done $0x0  }
.LBB2_2:
0x66: {  	s1 =	sadd.s32 $0xC8, s29;
	[sflag:s22] =	ssyncadd.s32 $0xFFFFCE00  }
0x67: {  	[tilespmem:s18], [sflag:$0x2] =	stream.indirect.gather [hbm4b:s2+s8], $0x40, s1, s8, $0xb8;
	[tilespmem:$0x7D00] =	vst v63  }
0x68: {  	s28 =	smov.u32 s31;
	s26 =	sadd.s32 $0x640, s31;
	s1 =	sadd.s32 $0xF0, s29  }
0x69: {  	[tilespmem:s30], [sflag:$0x2] =	stream.indirect.gather [hbm4b:s2+s8], $0x40, s1, s8, $0xb8;
	[tilespmem:$0x7D00] =	vst v63  }
0x6a: {  	p0 =	sne.s32 s31, $0x5DC0;
	s31 =	rddreg [dreg:$0x4];
	s1 =	sadd.s32 $0x118, s29  }
0x6b: {  	[tilespmem:s31], [sflag:$0x2] =	stream.indirect.gather [hbm4b:s2+s8], $0x40, s1, s8, $0xb8;
	[tilespmem:$0x7D00] =	vst v63  }
0x6c: {  	s30 =	rddreg [dreg:$0x5];
	s1 =	sadd.s32 $0x140, s29  }
0x6d: {  	[tilespmem:s30], [sflag:$0x2] =	stream.indirect.gather [hbm4b:s2+s8], $0x40, s1, s8, $0xb8;
	[tilespmem:$0x7D00] =	vst v63  }
0x6e: {  	s1 =	sadd.s32 $0x168, s29  }
0x6f: {  	[tilespmem:s19], [sflag:$0x2] =	stream.indirect.gather [hbm4b:s2+s8], $0x40, s1, s8, $0xb8;
	[tilespmem:$0x7D00] =	vst v63  }
0x70: {  	_ = 	snop  }
0x71: {  	[hbm4b:s24+s3] =	stream.linear.scatter [tilespmem:s9], [sflag:$0x3], $0x3200, $0x38;
	[tilespmem:$0x7D00] =	vst v63  }
0x72: {  	_ =	swait.ge [sflag:s20], $0xA00  }
0x73: {  	[sflag:s20] =	ssyncset.done $0x0  }
0x74: {  	[sflag:s20] =	ssyncadd.s32 $0xFFFFF600  }
0x75: {  	_ =	swait.ge [sflag:s20], $0xA00  }
0x76: {  	[sflag:s20] =	ssyncset.done $0x0  }
0x77: {  	[sflag:s20] =	ssyncadd.s32 $0xFFFFF600  }
0x78: {  	_ =	swait.ge [sflag:s20], $0xA00  }
0x79: {  	[sflag:s20] =	ssyncset.done $0x0  }
0x7a: {  	[sflag:s20] =	ssyncadd.s32 $0xFFFFF600  }
0x7b: {  	_ =	swait.ge [sflag:s20], $0xA00  }
0x7c: {  	[sflag:s20] =	ssyncset.done $0x0  }
0x7d: {  	[sflag:s20] =	ssyncadd.s32 $0xFFFFF600  }
0x7e: {  	_ =	swait.ge [sflag:s20], $0xA00  }
0x7f: {  	[sflag:s20] =	ssyncset.done $0x0  }
0x80: {  	s1 =	sand.u32 $0x1E, s25;
	[sflag:s20] =	ssyncadd.s32 $0xFFFFF600  }
0x81: {  	s1 =	smul.u32 $0x320, s1;
	_ =	swait.ge [sflag:s21], $0x3200  }
0x82: {  	[sflag:s21] =	ssyncset.done $0x0  }
0x83: {  	s1 =	sshrl.u32 s1, $0x2;
	[sflag:s21] =	ssyncadd.s32 $0xFFFFCE00  }
0x84: {  	[tilespmem:s9], [sflag:$0x1] =	stream.indirect.gather [hbm4b:s2+s8], $0x40, s1, s8, $0xb8;
	[tilespmem:$0x7D00] =	vst v63  }
0x85: {  	s29 =	sadd.s32 $0x28, s1  }
0x86: {  	[tilespmem:s10], [sflag:$0x1] =	stream.indirect.gather [hbm4b:s2+s8], $0x40, s29, s8, $0xb8;
	[tilespmem:$0x7D00] =	vst v63  }
0x87: {  	s29 =	sadd.s32 $0x50, s1  }
0x88: {  	[tilespmem:s12], [sflag:$0x1] =	stream.indirect.gather [hbm4b:s2+s8], $0x40, s29, s8, $0xb8;
	[tilespmem:$0x7D00] =	vst v63  }
0x89: {  	s29 =	sadd.s32 $0x78, s1  }
0x8a: {  	[tilespmem:s14], [sflag:$0x1] =	stream.indirect.gather [hbm4b:s2+s8], $0x40, s29, s8, $0xb8;
	[tilespmem:$0x7D00] =	vst v63  }
0x8b: {  	s1 =	sadd.s32 $0xA0, s1  }
0x8c: {  	[tilespmem:s16], [sflag:$0x1] =	stream.indirect.gather [hbm4b:s2+s8], $0x40, s1, s8, $0xb8;
	[tilespmem:$0x7D00] =	vst v63  }
0x8d: {  	s1 =	sadd.s32 $0x640, s24  }
0x8e: {  	[hbm4b:s1+s3] =	stream.linear.scatter [tilespmem:s18], [sflag:$0x4], $0x3200, $0x38;
	[tilespmem:$0x7D00] =	vst v63  }
0x8f: {  	_ =	swait.ge [sflag:s17], $0xA00  }
0x90: {  	[sflag:s17] =	ssyncset.done $0x0  }
0x91: {  	[sflag:s17] =	ssyncadd.s32 $0xFFFFF600  }
0x92: {  	_ =	swait.ge [sflag:s17], $0xA00  }
0x93: {  	[sflag:s17] =	ssyncset.done $0x0  }
0x94: {  	[sflag:s17] =	ssyncadd.s32 $0xFFFFF600  }
0x95: {  	_ =	swait.ge [sflag:s17], $0xA00  }
0x96: {  	[sflag:s17] =	ssyncset.done $0x0  }
0x97: {  	[sflag:s17] =	ssyncadd.s32 $0xFFFFF600  }
0x98: {  	_ =	swait.ge [sflag:s17], $0xA00  }
0x99: {  	[sflag:s17] =	ssyncset.done $0x0  }
0x9a: {  	[sflag:s17] =	ssyncadd.s32 $0xFFFFF600  }
.Ltmp0:
0x9b: {  	_ =	swait.ge [sflag:s17], $0xA00;
	(pc) =	sbr.rel @p0 .LBB2_2-.Ltmp0, $4  }
0x9c: {  	[sflag:s17] =	ssyncset.done $0x0  }
0x9d: {  	s31 =	smov.u32 s26;
	[sflag:s17] =	ssyncadd.s32 $0xFFFFF600  }
0x9e: {  	s25 =	sadd.s32 $0x2, s25;
	s29 =	sshra.s32 s28, $0x2;
	_ =	swait.ge [sflag:s22], $0x3200  }
0x9f: {  	s24 =	sadd.s32 $0xC80, s24;
	s30 =	rddreg [dreg:$0x3];
	[sflag:s22] =	ssyncset.done $0x0  }
0xa0: {  	s1 =	sadd.s32 $0xC8, s29;
	[sflag:s22] =	ssyncadd.s32 $0xFFFFCE00  }
0xa1: {  	[tilespmem:s18], [sflag:$0x2] =	stream.indirect.gather [hbm4b:s2+s8], $0x40, s1, s8, $0xb8;
	[tilespmem:$0x7D00] =	vst v63  }
0xa2: {  	s28 =	sadd.s32 $0xF0, s29  }
0xa3: {  	[tilespmem:s30], [sflag:$0x2] =	stream.indirect.gather [hbm4b:s2+s8], $0x40, s28, s8, $0xb8;
	[tilespmem:$0x7D00] =	vst v63  }
0xa4: {  	s26 =	rddreg [dreg:$0x4];
	s31 =	sadd.s32 $0x118, s29  }
0xa5: {  	[tilespmem:s26], [sflag:$0x2] =	stream.indirect.gather [hbm4b:s2+s8], $0x40, s31, s8, $0xb8;
	[tilespmem:$0x7D00] =	vst v63  }
0xa6: {  	s28 =	rddreg [dreg:$0x5];
	s30 =	sadd.s32 $0x140, s29  }
0xa7: {  	[tilespmem:s28], [sflag:$0x2] =	stream.indirect.gather [hbm4b:s2+s8], $0x40, s30, s8, $0xb8;
	[tilespmem:$0x7D00] =	vst v63  }
0xa8: {  	s31 =	sadd.s32 $0x168, s29  }
0xa9: {  	[tilespmem:s19], [sflag:$0x2] =	stream.indirect.gather [hbm4b:s2+s8], $0x40, s31, s8, $0xb8;
	[tilespmem:$0x7D00] =	vst v63  }
0xaa: {  	_ = 	snop  }
0xab: {  	[hbm4b:s24+s3] =	stream.linear.scatter [tilespmem:s9], [sflag:$0x3], $0x3200, $0x38;
	[tilespmem:$0x7D00] =	vst v63  }
0xac: {  	_ =	swait.ge [sflag:s20], $0xA00  }
0xad: {  	[sflag:s20] =	ssyncset.done $0x0  }
0xae: {  	[sflag:s20] =	ssyncadd.s32 $0xFFFFF600  }
0xaf: {  	_ =	swait.ge [sflag:s20], $0xA00  }
0xb0: {  	[sflag:s20] =	ssyncset.done $0x0  }
0xb1: {  	[sflag:s20] =	ssyncadd.s32 $0xFFFFF600  }
0xb2: {  	_ =	swait.ge [sflag:s20], $0xA00  }
0xb3: {  	[sflag:s20] =	ssyncset.done $0x0  }
0xb4: {  	[sflag:s20] =	ssyncadd.s32 $0xFFFFF600  }
0xb5: {  	_ =	swait.ge [sflag:s20], $0xA00  }
0xb6: {  	[sflag:s20] =	ssyncset.done $0x0  }
0xb7: {  	[sflag:s20] =	ssyncadd.s32 $0xFFFFF600  }
0xb8: {  	_ =	swait.ge [sflag:s20], $0xA00  }
0xb9: {  	[sflag:s20] =	ssyncset.done $0x0  }
0xba: {  	s26 =	sand.u32 $0x1E, s25;
	[sflag:s20] =	ssyncadd.s32 $0xFFFFF600  }
0xbb: {  	s1 =	smul.u32 $0x320, s26;
	_ =	swait.ge [sflag:s21], $0x3200  }
0xbc: {  	[sflag:s21] =	ssyncset.done $0x0  }
0xbd: {  	s1 =	sshrl.u32 s1, $0x2;
	[sflag:s21] =	ssyncadd.s32 $0xFFFFCE00  }
0xbe: {  	[tilespmem:s9], [sflag:$0x1] =	stream.indirect.gather [hbm4b:s2+s8], $0x40, s1, s8, $0xb8;
	[tilespmem:$0x7D00] =	vst v63  }
0xbf: {  	s28 =	sadd.s32 $0x28, s1  }
0xc0: {  	[tilespmem:s10], [sflag:$0x1] =	stream.indirect.gather [hbm4b:s2+s8], $0x40, s28, s8, $0xb8;
	[tilespmem:$0x7D00] =	vst v63  }
0xc1: {  	s29 =	sadd.s32 $0x50, s1  }
0xc2: {  	[tilespmem:s12], [sflag:$0x1] =	stream.indirect.gather [hbm4b:s2+s8], $0x40, s29, s8, $0xb8;
	[tilespmem:$0x7D00] =	vst v63  }
0xc3: {  	s30 =	sadd.s32 $0x78, s1  }
0xc4: {  	[tilespmem:s14], [sflag:$0x1] =	stream.indirect.gather [hbm4b:s2+s8], $0x40, s30, s8, $0xb8;
	[tilespmem:$0x7D00] =	vst v63  }
0xc5: {  	s1 =	sadd.s32 $0xA0, s1  }
0xc6: {  	[tilespmem:s16], [sflag:$0x1] =	stream.indirect.gather [hbm4b:s2+s8], $0x40, s1, s8, $0xb8;
	[tilespmem:$0x7D00] =	vst v63  }
0xc7: {  	s31 =	sadd.s32 $0x640, s24  }
0xc8: {  	[hbm4b:s31+s3] =	stream.linear.scatter [tilespmem:s18], [sflag:$0x4], $0x3200, $0x38;
	[tilespmem:$0x7D00] =	vst v63  }
0xc9: {  	_ =	swait.ge [sflag:s17], $0xA00  }
0xca: {  	[sflag:s17] =	ssyncset.done $0x0  }
0xcb: {  	[sflag:s17] =	ssyncadd.s32 $0xFFFFF600  }
0xcc: {  	_ =	swait.ge [sflag:s17], $0xA00  }
0xcd: {  	[sflag:s17] =	ssyncset.done $0x0  }
0xce: {  	[sflag:s17] =	ssyncadd.s32 $0xFFFFF600  }
0xcf: {  	_ =	swait.ge [sflag:s17], $0xA00  }
0xd0: {  	[sflag:s17] =	ssyncset.done $0x0  }
0xd1: {  	[sflag:s17] =	ssyncadd.s32 $0xFFFFF600  }
0xd2: {  	_ =	swait.ge [sflag:s17], $0xA00  }
0xd3: {  	[sflag:s17] =	ssyncset.done $0x0  }
0xd4: {  	s23 =	sadd.s32 $0x1, s23;
	[sflag:s17] =	ssyncadd.s32 $0xFFFFF600  }
0xd5: {  	p0 =	sne.s32 s23, s5;
	_ =	swait.ge [sflag:s17], $0xA00  }
.Ltmp1:
0xd6: {  	[sflag:s17] =	ssyncset.done $0x0;
	(pc) =	sbr.rel @p0 .LBB2_1-.Ltmp1, $4  }
0xd7: {  	[sflag:s17] =	ssyncadd.s32 $0xFFFFF600  }
0xd8: {  	_ =	swait.ge [sflag:s22], $0x3200  }
0xd9: {  	[sflag:s22] =	ssyncset.done $0x0  }
0xda: {  	[sflag:s22] =	ssyncadd.s32 $0xFFFFCE00  }
0xdb: {  	_ =	sfence.sel $0x180000  }
0xdc: {  	[bflag:$0x0] =	sbarrier.arrive $0xFFFF  }
0xdd: {  	_ =	strace $0x90000047  }
0xde: {  	[bflag:$0x2] =	sbarrier.arrive $0xFFFF  }
0xdf: {  	p0 =	sne.s32 s0, $0x0;
	s0 =	rddreg [dreg:$0x2]  }
0xe0: {  	s0 =	sadd.s32 @!p0 $0x100000, s0  }
0xe1: {  	[sflag:s0] =	ssyncadd.tile.s32 @!p0 $0x1;
	_ =	shalt  }
.Lfunc_end2:
_tile_overlayer_lowered:
.L_overlay_start_2:
0xe2: {  	(tag) =	ssettag $0x2  }
0xe3: {  	s0 =	rddreg [dreg:$0x0];
	s2 =	stileid.u32  }
0xe4: {  	s1 =	rddreg [dreg:$0x1];
	p0 =	sne.s32 s2, $0x0  }
0xe5: {  	s3 =	rddreg [dreg:$0x2];
	[bflag:$0x3] =	sbarrier.arrive $0xFFFF;
	s2 =	simm.s32 @!p0 $0x1C05  }
0xe6: {  	[timem:s3], [sflag:s2] =	dma.local @!p0 [hbm:s0], s1  }
0xe7: {  	s0 =	simm.s32 @!p0 $0x5  }
0xe8: {  	_ =	swait.ge @!p0 [sflag:s0], s1  }
0xe9: {  	s1 =	ssub.s32 @!p0 $0x0, s1;
	[sflag:s0] =	ssyncset.done @!p0 $0x0  }
0xea: {  	[sflag:s0] =	ssyncadd.s32 @!p0 s1  }
0xeb: {  	[bflag:$0x3] =	sbarrier.arrive $0xFFFF  }
0xec: {  	_ =	shalt  }

// kernel: kernel.13.cloned.1.call-start
scs
__scs_entry_jumppad:
0x0: {  	(pc) =	sbr.rel $0x88, $3  }
0x1: {  	(tag) =	ssettag $0x0;
	lr =	simm.s32 $0x1  }
0x2: {  	[smem:$0x3F9C] =	sst lr;
	_ =	strace $0xD0000000  }
0x3: {  	_ = 	snop  }
0x4: {  	_ = 	snop  }
0x5: {  	_ = 	snop  }
0x6: {  	_ = 	snop  }
0x7: {  	_ = 	snop  }
__scs_overlays_trampoline_lowered:
0x8: {  	[smem:$0x3FAB] =	sst s0  }
0x9: {  	[smem:$0x3FAC] =	sst s1  }
0xa: {  	[smem:$0x3FAD] =	sst s2  }
0xb: {  	[smem:$0x3FAE] =	sst s3  }
0xc: {  	[smem:$0x3FAF] =	sst s4  }
0xd: {  	[smem:$0x3FB0] =	sst s5  }
0xe: {  	[smem:$0x3FB1] =	sst s6  }
0xf: {  	[smem:$0x3FB2] =	sst s7  }
0x10: {  	[smem:$0x3FB3] =	sst s8  }
0x11: {  	[smem:$0x3FB4] =	sst s9;
	s0 =	simm.s32 @!p0 $0x0  }
0x12: {  	s1 =	sld [smem:$0x3F9A];
	s0 =	simm.s32 @p0 $0x1  }
0x13: {  	[smem:$0x3FB5] =	sst s0;
	s0 =	simm.s32 @!p1 $0x0  }
0x14: {  	s2 =	sld [smem:$0x3F99];
	s0 =	simm.s32 @p1 $0x1  }
0x15: {  	[smem:$0x3FB6] =	sst s0;
	s0 =	simm.s32 @!p2 $0x0  }
0x16: {  	s3 =	sld [smem:$0x3FDB];
	s0 =	simm.s32 @p2 $0x1  }
0x17: {  	s4 =	simm.s32 $0x1BF5;
	[smem:$0x3FB8] =	sst s0  }
0x18: {  	s0 =	sld [smem:$0x3F9B];
	_ =	swait.ge [sflag:s4], $0x0  }
0x19: {  	s7 =	sld [smem:$0x3F9C]  }
0x1a: {  	s8 =	sadd.s32 $0xFFFFE003, lr  }
0x1b: {  	s9 =	sadd.s32 $0xFFFFFEF7, lr;
	s5 =	simm.s32 $0xFFFFFFFF;
	p2 =	slt.u32 s8, $0xFFFFF086  }
0x1c: {  	p1 =	slt.u32 s9, $0xF7A;
	s5 =	simm.s32 @!p2 $0x0  }
0x1d: {  	s5 =	simm.s32 @p1 $0x1;
	p0 =	seq.s32 s7, s2  }
0x1e: {  	s7 =	smul.u32 @!p0 $0xF7A, s2;
	p2 =	seq.s32 @!p0 s5, $0x0  }
0x1f: {  	s9 =	smul.u32 $0xF7A, s1;
	s8 =	simm.s32 @!p0 $0x1BF5;
	p2 =	por !p2, p0  }
0x20: {  	[sflag:s8] =	ssyncset.s32 @!p0 $0xFFFFF086;
	s6 =	sadd.s32 @!p0 s3, s7;
	s7 =	simm.s32 @!p0 $0x108  }
0x21: {  	s3 =	sadd.s32 s3, s9;
	s6 =	sadd.s32 @!p0 $0x88, s6;
	s7 =	simm.s32 @p2 $0x1082  }
0x22: {  	[simem:s7], [sflag:s8] =	dma.local @!p0 [hbm:s6], $0xF7A  }
0x23: {  	s9 =	sor.u32 $0xD0000000, s2;
	s6 =	simm.s32 $0x108;
	_ =	swait.ge @!p0 [sflag:s8], $0x0  }
0x24: {  	s3 =	sadd.s32 $0x88, s3;
	s6 =	simm.s32 @!p1 $0x1082;
	[sflag:s4] =	ssyncset.s32 $0xFFFFF086  }
0x25: {  	[simem:s6], [sflag:s4] =	dma.local [hbm:s3], $0xF7A  }
0x26: {  	[smem:$0x3F9C] =	sst s1;
	(tag) =	ssettag s2;
	_ =	strace s9  }
0x27: {  	s1 =	sld [smem:$0x3FAC]  }
0x28: {  	s2 =	sld [smem:$0x3FAD]  }
0x29: {  	s4 =	sld [smem:$0x3FAF]  }
0x2a: {  	p0 =	seq.s32 s5, $0x0;
	s5 =	sld [smem:$0x3FB0]  }
0x2b: {  	s6 =	sld [smem:$0x3FB1]  }
0x2c: {  	s7 =	sld [smem:$0x3FB2]  }
0x2d: {  	s3 =	simm.s32 $0x108;
	s8 =	sld [smem:$0x3FB3]  }
0x2e: {  	s3 =	simm.s32 @!p0 $0x1082;
	s9 =	sld [smem:$0x3FB4]  }
0x2f: {  	lr =	sadd.s32 s0, s3;
	s0 =	sld [smem:$0x3FAB]  }
0x30: {  	s3 =	sld [smem:$0x3FAE]  }
0x31: {  	[smem:$0x3FB7] =	sst s10  }
0x32: {  	s10 =	sld [smem:$0x3FB5];
	_ =	sdelay $0x3  }
0x33: {  	p0 =	seq.s32 s10, $0x1;
	s10 =	sld [smem:$0x3FB7];
	_ =	sdelay $0x3  }
0x34: {  	[smem:$0x3FB7] =	sst s10  }
0x35: {  	s10 =	sld [smem:$0x3FB6];
	_ =	sdelay $0x3  }
0x36: {  	p1 =	seq.s32 s10, $0x1;
	s10 =	sld [smem:$0x3FB7];
	_ =	sdelay $0x3  }
0x37: {  	[smem:$0x3FB7] =	sst s10  }
0x38: {  	s10 =	sld [smem:$0x3FB8]  }
0x39: {  	_ = 	snop;
	(pc) =	sbr.ind lr, $3  }
0x3a: {  	_ = 	snop  }
0x3b: {  	_ = 	snop  }
0x3c: {  	p2 =	seq.s32 s10, $0x1;
	s10 =	sld [smem:$0x3FB7]  }
0x3d: {  	_ =	shalt  }
0x3e: {  	_ =	shalt  }
0x3f: {  	_ =	shalt  }
0x40: {  	_ =	shalt  }
0x41: {  	_ =	shalt  }
0x42: {  	_ =	shalt  }
0x43: {  	_ =	shalt  }
0x44: {  	_ =	shalt  }
0x45: {  	_ =	shalt  }
0x46: {  	_ =	shalt  }
0x47: {  	_ =	shalt  }
0x48: {  	_ =	shalt  }
0x49: {  	_ =	shalt  }
0x4a: {  	_ =	shalt  }
0x4b: {  	_ =	shalt  }
0x4c: {  	_ =	shalt  }
0x4d: {  	_ =	shalt  }
0x4e: {  	_ =	shalt  }
0x4f: {  	_ =	shalt  }
0x50: {  	_ =	shalt  }
0x51: {  	_ =	shalt  }
0x52: {  	_ =	shalt  }
0x53: {  	_ =	shalt  }
0x54: {  	_ =	shalt  }
0x55: {  	_ =	shalt  }
0x56: {  	_ =	shalt  }
0x57: {  	_ =	shalt  }
0x58: {  	_ =	shalt  }
0x59: {  	_ =	shalt  }
0x5a: {  	_ =	shalt  }
0x5b: {  	_ =	shalt  }
0x5c: {  	_ =	shalt  }
0x5d: {  	_ =	shalt  }
0x5e: {  	_ =	shalt  }
0x5f: {  	_ =	shalt  }
0x60: {  	_ =	shalt  }
0x61: {  	_ =	shalt  }
0x62: {  	_ =	shalt  }
0x63: {  	_ =	shalt  }
0x64: {  	_ =	shalt  }
0x65: {  	_ =	shalt  }
0x66: {  	_ =	shalt  }
0x67: {  	_ =	shalt  }
0x68: {  	_ =	shalt  }
0x69: {  	_ =	shalt  }
0x6a: {  	_ =	shalt  }
0x6b: {  	_ =	shalt  }
0x6c: {  	_ =	shalt  }
0x6d: {  	_ =	shalt  }
0x6e: {  	_ =	shalt  }
0x6f: {  	_ =	shalt  }
0x70: {  	_ =	shalt  }
0x71: {  	_ =	shalt  }
0x72: {  	_ =	shalt  }
0x73: {  	_ =	shalt  }
0x74: {  	_ =	shalt  }
0x75: {  	_ =	shalt  }
0x76: {  	_ =	shalt  }
0x77: {  	_ =	shalt  }
0x78: {  	_ =	shalt  }
0x79: {  	_ =	shalt  }
0x7a: {  	_ =	shalt  }
0x7b: {  	_ =	shalt  }
0x7c: {  	_ =	shalt  }
0x7d: {  	_ =	shalt  }
0x7e: {  	_ =	shalt  }
0x7f: {  	_ =	shalt  }
0x80: {  	_ =	shalt  }
0x81: {  	_ =	shalt  }
0x82: {  	_ =	shalt  }
0x83: {  	_ =	shalt  }
0x84: {  	_ =	shalt  }
0x85: {  	_ =	shalt  }
0x86: {  	_ =	shalt  }
0x87: {  	_ =	shalt  }
.Lfunc_end0:
.L_simem_size_0:
called_computation.2_lowered:
.L_overlay_start_0:
0x88: {  	s2 =	sld [smem:$0x3FD9]  }
0x89: {  	s3 =	sld [smem:$0x3FFE];
	_ =	sdelay $0x1  }
0x8a: {  	s1 =	srdreg.scid  }
0x8b: {  	s0 =	sand.u32 $0x1, s1  }
0x8c: {  	s17 =	sshll.u32 s0, $0xA;
	s2 =	sadd.s32 s3, s2  }
0x8d: {  	s2 =	sadd.s32 s2, s17  }
0x8e: {  	[smem:$0x3FC3] =	sst s2  }
0x8f: {  	_ = 	snop  }
0x90: {  	s18 =	sld [smem:$0x3FD0];
	(tm) =	ssettm $0x1  }
0x91: {  	s19 =	sld [smem:$0x3FFB];
	_ =	sdelay $0x3  }
0x92: {  	_ =	strace s19  }
0x93: {  	s2 =	sld [smem:$0x3FFC];
	_ =	sdelay $0x3  }
0x94: {  	_ =	strace s2  }
0x95: {  	s2 =	sld [smem:$0x3FFD];
	_ =	sdelay $0x3  }
0x96: {  	_ =	strace s2  }
0x97: {  	_ =	strace $0x8FFFFFFF  }
0x98: {  	s20 =	sld [smem:$0x3FDB];
	_ =	sdelay $0x1  }
0x99: {  	s4 =	simm.s32 $_scs_section_size  }
0x9a: {  	s5 =	simm.s32 $_size__tile_overlayer_lowered;
	s6 =	simm.s32 $_tile_overlayer_lowered  }
0x9b: {  	s7 =	simm.s32 $0x1BFF;
	s21 =	sshll.u32 s6, $0x1;
	s4 =	sadd.s32 s4, s20  }
0x9c: {  	s22 =	simm.s32 $0x0;
	s5 =	sshll.u32 s5, $0x1;
	s6 =	sadd.s32 s21, s4  }
0x9d: {  	[timem:s22], [sflag:s7] =	dma.local [hbm:s6], s5  }
0x9e: {  	_ =	swait.ge [sflag:s7], s5  }
0x9f: {  	s5 =	ssub.s32 $0x0, s5;
	[sflag:s7] =	ssyncset.done $0x0  }
0xa0: {  	[sflag:s7] =	ssyncadd.s32 s5;
	_ =	sdelay $0x1  }
0xa1: {  	s23 =	simm.s32 $0x1B8B  }
0xa2: {  	_ =	swait.ge [sflag:s23], $0x1  }
0xa3: {  	[sflag:s23] =	ssyncset.done $0x0  }
0xa4: {  	[sflag:s23] =	ssyncadd.s32 $0xFFFFFFFF  }
0xa5: {  	s5 =	sld [smem:$0x0]  }
0xa6: {  	s6 =	sand.u32 $0xFFFFFFFE, s1  }
0xa7: {  	p0 =	sne.s32 s1, s6  }
0xa8: {  	s6 =	sshll.u32 @p0 s6, $0xE  }
0xa9: {  	s6 =	sadd.s32 @p0 $0x11B8D, s6;
	s7 =	sshll.u32 @p0 s5, $0x11  }
0xaa: {  	s6 =	sor.u32 @p0 s7, s6  }
0xab: {  	[sflag:s6] =	ssyncadd.remote.s32 @p0 $0x1;
	_ =	sdelay $0x1  }
0xac: {  	s6 =	simm.s32 @p0 $0x1B8D  }
0xad: {  	_ =	swait.eq @p0 [sflag:s6], $0x1  }
0xae: {  	[sflag:s6] =	ssyncadd.s32 @p0 $0xFFFFFFFF  }
0xaf: {  	s7 =	sshll.u32 @!p0 s1, $0xE  }
0xb0: {  	s7 =	sor.u32 @!p0 $0x4000, s7;
	s6 =	simm.s32 @!p0 $0x1B8D  }
0xb1: {  	s5 =	sshll.u32 @!p0 s5, $0x11;
	s7 =	sadd.s32 @!p0 $0x11B8D, s7;
	_ =	swait.eq @!p0 [sflag:s6], $0x1  }
0xb2: {  	s5 =	sor.u32 @!p0 s5, s7;
	[sflag:s6] =	ssyncadd.s32 @!p0 $0xFFFFFFFF  }
0xb3: {  	s25 =	simm.s32 $0x1B8E;
	s24 =	sld [smem:$0x3FFE];
	[sflag:s5] =	ssyncadd.remote.s32 @!p0 $0x1  }
0xb4: {  	s26 =	simm.s32 $execute0_lowered;
	[smem:$0x3FD2] =	sst s25  }
0xb5: {  	s6 =	sshll.u32 s26, $0x1;
	_ =	strace $0x80000049;
	[dreg:$0x1] =	wrdreg $0xFFFFFFFF  }
0xb6: {  	s28 =	simm.s32 $_size_execute0_lowered;
	s4 =	sadd.s32 s4, s6;
	[dreg:$0x0] =	wrdreg $0x0  }
0xb7: {  	s6 =	sshll.u32 s28, $0x1;
	[dreg:$0x2] =	wrdreg s4  }
0xb8: {  	[dreg:$0x3] =	wrdreg s6  }
0xb9: {  	[dreg:$0x4] =	wrdreg $0xC0  }
0xba: {  	_ =	task [dreg:s22], $0x5FFFF  }
0xbb: {  	[dreg:$0x1] =	wrdreg $0xFFFFFFFF  }
0xbc: {  	[dreg:$0x0] =	wrdreg $0x60  }
0xbd: {  	[dreg:$0x2] =	wrdreg s24  }
0xbe: {  	[dreg:$0x3] =	wrdreg s18  }
0xbf: {  	[dreg:$0x4] =	wrdreg $0xA  }
0xc0: {  	_ =	task.clear_ibuf [dreg:s22], $0x5FFFF;
	_ =	strace $0x90000049  }
0xc1: {  	s29 =	simm.s32 $0xA;
	_ =	strace $0x8000004B  }
0xc2: {  	_ =	swait.ge [sflag:s29], $0x1  }
0xc3: {  	[sflag:s29] =	ssyncadd.s32 $0xFFFFFFFF  }
0xc4: {  	_ =	strace $0x9000004B  }
0xc5: {  	_ =	sfence  }
0xc6: {  	s30 =	sld [smem:$0x0];
	_ =	sdelay $0x2  }
0xc7: {  	s31 =	sshll.u32 s1, $0xD;
	s1 =	sshrl.u32 s1, $0x2  }
0xc8: {  	s4 =	sand.u32 $0x4000, s31;
	s1 =	sadd.s32 s1, s30  }
0xc9: {  	s0 =	sor.u32 s4, s0;
	s1 =	sshll.u32 s1, $0x11  }
0xca: {  	s0 =	sor.u32 s1, s0  }
0xcb: {  	s0 =	sadd.s32 $0x8F2B, s0  }
0xcc: {  	[sflag:s0] =	ssyncadd.remote.s32 $0x1  }
0xcd: {  	_ =	sfence.sel $0xFFFF  }
0xce: {  	[dreg:$0x0] =	wrdreg $0xFFFFFFFF;
	(pc) =	sbr.abs _section_cstart, $3  }
0xcf: {  	[dreg:$0x1] =	wrdreg $0xFFFFFFFF  }
0xd0: {  	_ =	task.clear_ibuf [dreg:s22], $0x2FFFF;
	_ =	strace $0x9FFFFFFF  }
0xd1: {  	(tm) =	ssettm $0x7FFFFFFF  }
tec
execute0_lowered:
.L_overlay_start_1:
0x0: {  	(tag) =	ssettag $0x1  }
0x1: {  	s1 =	srdreg.scid;
	s5 =	rddreg [dreg:$0x0]  }
0x2: {  	s0 =	stileid.u32;
	s2 =	rddreg [dreg:$0x1]  }
0x3: {  	s11 =	simm.s32 $0x50;
	s12 =	simm.s32 $0x2D00;
	s13 =	simm.s32 $0x78  }
0x4: {  	s14 =	simm.s32 $0x3700;
	s15 =	simm.s32 $0xA0;
	s16 =	simm.s32 $0x4100  }
0x5: {  	s18 =	simm.s32 $0x5500;
	s17 =	simm.s32 $0x1;
	s19 =	simm.s32 $0x5F00  }
0x6: {  	s31 =	simm.s32 $0x6900;
	s20 =	simm.s32 $0x2;
	s21 =	simm.s32 $0x3  }
0x7: {  	s22 =	simm.s32 $0x4;
	s23 =	simm.s32 $0x0;
	s4 =	sand.u32 $0x1, s1  }
0x8: {  	s26 =	sshll.u32 s0, $0x6;
	s7 =	smul.u32 $0x19000, s0;
	s3 =	sshll.u32 s4, $0x5  }
0x9: {  	s8 =	ssub.s32 $0x2, s4;
	s10 =	smul.u32 $0xC800, s4;
	s6 =	sor.u32 s3, s26  }
0xa: {  	s3 =	simm.s32 $0x0;
	s9 =	sshrl.u32 s8, $0x1;
	s29 =	sadd.s32 s7, s5  }
0xb: {  	s7 =	simm.s32 $0x5;
	s6 =	smul.u32 $0x19, s6;
	[smem:$0x7FF] =	sst s3  }
0xc: {  	s30 =	ssub.s32 s8, s9;
	_ =	strace $0x8000004A;
	[dreg:$0x3] =	wrdreg s18  }
0xd: {  	s8 =	simm.s32 $0x28;
	s9 =	simm.s32 $0x1900;
	[dreg:$0x4] =	wrdreg s19  }
0xe: {  	s18 =	simm.s32 $0x4B00;
	[dreg:$0x5] =	wrdreg s31;
	s19 =	simm.s32 $0x7300  }
0xf: {  	s28 =	sadd.s32 s6, s5;
	s5 =	smax.u32 s30, $0x1;
	s6 =	sadd.s32 s10, s29  }
0x10: {  	s10 =	simm.s32 $0x2300;
	s4 =	sadd.s32 $0x2E00, s28;
	s6 =	sadd.s32 $0x1ABE00, s6  }
.LBB2_1:
0x11: {  	[tilespmem:s3], [sflag:$0x5] =	stream.linear.gather [hbm4b:s4+s3], $0x1900, $0x38;
	[tilespmem:$0x7D00] =	vst v63  }
0x12: {  	_ =	swait.ge [sflag:s7], $0x1900  }
0x13: {  	[sflag:s7] =	ssyncset.done $0x0  }
0x14: {  	[sflag:s7] =	ssyncadd.s32 $0xFFFFE700  }
0x15: {  	[tilespmem:s9], [sflag:$0x1] =	stream.indirect.gather [hbm4b:s2+s8], $0x40, s3, s8, $0xb8;
	[tilespmem:$0x7D00] =	vst v63  }
0x16: {  	_ = 	snop  }
0x17: {  	[tilespmem:s10], [sflag:$0x1] =	stream.indirect.gather [hbm4b:s2+s8], $0x40, s8, s8, $0xb8;
	[tilespmem:$0x7D00] =	vst v63  }
0x18: {  	_ = 	snop  }
0x19: {  	[tilespmem:s12], [sflag:$0x1] =	stream.indirect.gather [hbm4b:s2+s8], $0x40, s11, s8, $0xb8;
	[tilespmem:$0x7D00] =	vst v63  }
0x1a: {  	_ = 	snop  }
0x1b: {  	[tilespmem:s14], [sflag:$0x1] =	stream.indirect.gather [hbm4b:s2+s8], $0x40, s13, s8, $0xb8;
	[tilespmem:$0x7D00] =	vst v63  }
0x1c: {  	_ = 	snop  }
0x1d: {  	[tilespmem:s16], [sflag:$0x1] =	stream.indirect.gather [hbm4b:s2+s8], $0x40, s15, s8, $0xb8;
	[tilespmem:$0x7D00] =	vst v63  }
0x1e: {  	_ =	swait.ge [sflag:s17], $0xA00  }
0x1f: {  	[sflag:s17] =	ssyncset.done $0x0  }
0x20: {  	[sflag:s17] =	ssyncadd.s32 $0xFFFFF600  }
0x21: {  	_ =	swait.ge [sflag:s17], $0xA00  }
0x22: {  	[sflag:s17] =	ssyncset.done $0x0  }
0x23: {  	[sflag:s17] =	ssyncadd.s32 $0xFFFFF600  }
0x24: {  	_ =	swait.ge [sflag:s17], $0xA00  }
0x25: {  	[sflag:s17] =	ssyncset.done $0x0  }
0x26: {  	[sflag:s17] =	ssyncadd.s32 $0xFFFFF600  }
0x27: {  	_ =	swait.ge [sflag:s17], $0xA00  }
0x28: {  	[sflag:s17] =	ssyncset.done $0x0  }
0x29: {  	[sflag:s17] =	ssyncadd.s32 $0xFFFFF600  }
0x2a: {  	_ =	swait.ge [sflag:s17], $0xA00  }
0x2b: {  	[sflag:s17] =	ssyncset.done $0x0  }
0x2c: {  	s25 =	simm.s32 $0xC8;
	[sflag:s17] =	ssyncadd.s32 $0xFFFFF600  }
0x2d: {  	[tilespmem:s18], [sflag:$0x2] =	stream.indirect.gather [hbm4b:s2+s8], $0x40, s25, s8, $0xb8;
	[tilespmem:$0x7D00] =	vst v63  }
0x2e: {  	s1 =	simm.s32 $0xF0;
	s24 =	rddreg [dreg:$0x3]  }
0x2f: {  	[tilespmem:s24], [sflag:$0x2] =	stream.indirect.gather [hbm4b:s2+s8], $0x40, s1, s8, $0xb8;
	[tilespmem:$0x7D00] =	vst v63  }
0x30: {  	s26 =	rddreg [dreg:$0x4];
	s25 =	simm.s32 $0x118  }
0x31: {  	[tilespmem:s26], [sflag:$0x2] =	stream.indirect.gather [hbm4b:s2+s8], $0x40, s25, s8, $0xb8;
	[tilespmem:$0x7D00] =	vst v63  }
0x32: {  	s28 =	rddreg [dreg:$0x5];
	s1 =	simm.s32 $0x140  }
0x33: {  	[tilespmem:s28], [sflag:$0x2] =	stream.indirect.gather [hbm4b:s2+s8], $0x40, s1, s8, $0xb8;
	[tilespmem:$0x7D00] =	vst v63  }
0x34: {  	s25 =	simm.s32 $0x168  }
0x35: {  	[tilespmem:s19], [sflag:$0x2] =	stream.indirect.gather [hbm4b:s2+s8], $0x40, s25, s8, $0xb8;
	[tilespmem:$0x7D00] =	vst v63  }
0x36: {  	_ = 	snop  }
0x37: {  	[hbm4b:s6+s3] =	stream.linear.scatter [tilespmem:s9], [sflag:$0x3], $0x3200, $0x38;
	[tilespmem:$0x7D00] =	vst v63  }
0x38: {  	_ =	swait.ge [sflag:s20], $0xA00  }
0x39: {  	[sflag:s20] =	ssyncset.done $0x0  }
0x3a: {  	[sflag:s20] =	ssyncadd.s32 $0xFFFFF600  }
0x3b: {  	_ =	swait.ge [sflag:s20], $0xA00  }
0x3c: {  	[sflag:s20] =	ssyncset.done $0x0  }
0x3d: {  	[sflag:s20] =	ssyncadd.s32 $0xFFFFF600  }
0x3e: {  	_ =	swait.ge [sflag:s20], $0xA00  }
0x3f: {  	[sflag:s20] =	ssyncset.done $0x0  }
0x40: {  	[sflag:s20] =	ssyncadd.s32 $0xFFFFF600  }
0x41: {  	_ =	swait.ge [sflag:s20], $0xA00  }
0x42: {  	[sflag:s20] =	ssyncset.done $0x0  }
0x43: {  	[sflag:s20] =	ssyncadd.s32 $0xFFFFF600  }
0x44: {  	_ =	swait.ge [sflag:s20], $0xA00  }
0x45: {  	[sflag:s20] =	ssyncset.done $0x0  }
0x46: {  	s26 =	sand.u32 $0x1E, s20;
	[sflag:s20] =	ssyncadd.s32 $0xFFFFF600  }
0x47: {  	s24 =	smul.u32 $0x320, s26;
	_ =	swait.ge [sflag:s21], $0x3200  }
0x48: {  	[sflag:s21] =	ssyncset.done $0x0  }
0x49: {  	s24 =	sshrl.u32 s24, $0x2;
	[sflag:s21] =	ssyncadd.s32 $0xFFFFCE00  }
0x4a: {  	[tilespmem:s9], [sflag:$0x1] =	stream.indirect.gather [hbm4b:s2+s8], $0x40, s24, s8, $0xb8;
	[tilespmem:$0x7D00] =	vst v63  }
0x4b: {  	s28 =	sadd.s32 $0x28, s24  }
0x4c: {  	[tilespmem:s10], [sflag:$0x1] =	stream.indirect.gather [hbm4b:s2+s8], $0x40, s28, s8, $0xb8;
	[tilespmem:$0x7D00] =	vst v63  }
0x4d: {  	s1 =	sadd.s32 $0x50, s24  }
0x4e: {  	[tilespmem:s12], [sflag:$0x1] =	stream.indirect.gather [hbm4b:s2+s8], $0x40, s1, s8, $0xb8;
	[tilespmem:$0x7D00] =	vst v63  }
0x4f: {  	s26 =	sadd.s32 $0x78, s24  }
0x50: {  	[tilespmem:s14], [sflag:$0x1] =	stream.indirect.gather [hbm4b:s2+s8], $0x40, s26, s8, $0xb8;
	[tilespmem:$0x7D00] =	vst v63  }
0x51: {  	s24 =	sadd.s32 $0xA0, s24  }
0x52: {  	[tilespmem:s16], [sflag:$0x1] =	stream.indirect.gather [hbm4b:s2+s8], $0x40, s24, s8, $0xb8;
	[tilespmem:$0x7D00] =	vst v63  }
0x53: {  	s28 =	sadd.s32 $0x640, s6  }
0x54: {  	[hbm4b:s28+s3] =	stream.linear.scatter [tilespmem:s18], [sflag:$0x4], $0x3200, $0x38;
	[tilespmem:$0x7D00] =	vst v63  }
0x55: {  	_ =	swait.ge [sflag:s17], $0xA00  }
0x56: {  	[sflag:s17] =	ssyncset.done $0x0  }
0x57: {  	[sflag:s17] =	ssyncadd.s32 $0xFFFFF600  }
0x58: {  	_ =	swait.ge [sflag:s17], $0xA00  }
0x59: {  	[sflag:s17] =	ssyncset.done $0x0  }
0x5a: {  	[sflag:s17] =	ssyncadd.s32 $0xFFFFF600  }
0x5b: {  	_ =	swait.ge [sflag:s17], $0xA00  }
0x5c: {  	[sflag:s17] =	ssyncset.done $0x0  }
0x5d: {  	[sflag:s17] =	ssyncadd.s32 $0xFFFFF600  }
0x5e: {  	_ =	swait.ge [sflag:s17], $0xA00  }
0x5f: {  	[sflag:s17] =	ssyncset.done $0x0  }
0x60: {  	[sflag:s17] =	ssyncadd.s32 $0xFFFFF600  }
0x61: {  	_ =	swait.ge [sflag:s17], $0xA00  }
0x62: {  	[sflag:s17] =	ssyncset.done $0x0  }
0x63: {  	s31 =	simm.s32 $0xC80;
	[sflag:s17] =	ssyncadd.s32 $0xFFFFF600  }
0x64: {  	s29 =	simm.s32 $0x190;
	s25 =	simm.s32 $0x4;
	_ =	swait.ge [sflag:s22], $0x3200  }
0x65: {  	s24 =	sadd.s32 $0xC80, s6;
	s30 =	rddreg [dreg:$0x3];
	[sflag:s22] =	ssyncset.done $0x0  }
.LBB2_2:
0x66: {  	s1 =	sadd.s32 $0xC8, s29;
	[sflag:s22] =	ssyncadd.s32 $0xFFFFCE00  }
0x67: {  	[tilespmem:s18], [sflag:$0x2] =	stream.indirect.gather [hbm4b:s2+s8], $0x40, s1, s8, $0xb8;
	[tilespmem:$0x7D00] =	vst v63  }
0x68: {  	s28 =	smov.u32 s31;
	s26 =	sadd.s32 $0x640, s31;
	s1 =	sadd.s32 $0xF0, s29  }
0x69: {  	[tilespmem:s30], [sflag:$0x2] =	stream.indirect.gather [hbm4b:s2+s8], $0x40, s1, s8, $0xb8;
	[tilespmem:$0x7D00] =	vst v63  }
0x6a: {  	p0 =	sne.s32 s31, $0x5DC0;
	s31 =	rddreg [dreg:$0x4];
	s1 =	sadd.s32 $0x118, s29  }
0x6b: {  	[tilespmem:s31], [sflag:$0x2] =	stream.indirect.gather [hbm4b:s2+s8], $0x40, s1, s8, $0xb8;
	[tilespmem:$0x7D00] =	vst v63  }
0x6c: {  	s30 =	rddreg [dreg:$0x5];
	s1 =	sadd.s32 $0x140, s29  }
0x6d: {  	[tilespmem:s30], [sflag:$0x2] =	stream.indirect.gather [hbm4b:s2+s8], $0x40, s1, s8, $0xb8;
	[tilespmem:$0x7D00] =	vst v63  }
0x6e: {  	s1 =	sadd.s32 $0x168, s29  }
0x6f: {  	[tilespmem:s19], [sflag:$0x2] =	stream.indirect.gather [hbm4b:s2+s8], $0x40, s1, s8, $0xb8;
	[tilespmem:$0x7D00] =	vst v63  }
0x70: {  	_ = 	snop  }
0x71: {  	[hbm4b:s24+s3] =	stream.linear.scatter [tilespmem:s9], [sflag:$0x3], $0x3200, $0x38;
	[tilespmem:$0x7D00] =	vst v63  }
0x72: {  	_ =	swait.ge [sflag:s20], $0xA00  }
0x73: {  	[sflag:s20] =	ssyncset.done $0x0  }
0x74: {  	[sflag:s20] =	ssyncadd.s32 $0xFFFFF600  }
0x75: {  	_ =	swait.ge [sflag:s20], $0xA00  }
0x76: {  	[sflag:s20] =	ssyncset.done $0x0  }
0x77: {  	[sflag:s20] =	ssyncadd.s32 $0xFFFFF600  }
0x78: {  	_ =	swait.ge [sflag:s20], $0xA00  }
0x79: {  	[sflag:s20] =	ssyncset.done $0x0  }
0x7a: {  	[sflag:s20] =	ssyncadd.s32 $0xFFFFF600  }
0x7b: {  	_ =	swait.ge [sflag:s20], $0xA00  }
0x7c: {  	[sflag:s20] =	ssyncset.done $0x0  }
0x7d: {  	[sflag:s20] =	ssyncadd.s32 $0xFFFFF600  }
0x7e: {  	_ =	swait.ge [sflag:s20], $0xA00  }
0x7f: {  	[sflag:s20] =	ssyncset.done $0x0  }
0x80: {  	s1 =	sand.u32 $0x1E, s25;
	[sflag:s20] =	ssyncadd.s32 $0xFFFFF600  }
0x81: {  	s1 =	smul.u32 $0x320, s1;
	_ =	swait.ge [sflag:s21], $0x3200  }
0x82: {  	[sflag:s21] =	ssyncset.done $0x0  }
0x83: {  	s1 =	sshrl.u32 s1, $0x2;
	[sflag:s21] =	ssyncadd.s32 $0xFFFFCE00  }
0x84: {  	[tilespmem:s9], [sflag:$0x1] =	stream.indirect.gather [hbm4b:s2+s8], $0x40, s1, s8, $0xb8;
	[tilespmem:$0x7D00] =	vst v63  }
0x85: {  	s29 =	sadd.s32 $0x28, s1  }
0x86: {  	[tilespmem:s10], [sflag:$0x1] =	stream.indirect.gather [hbm4b:s2+s8], $0x40, s29, s8, $0xb8;
	[tilespmem:$0x7D00] =	vst v63  }
0x87: {  	s29 =	sadd.s32 $0x50, s1  }
0x88: {  	[tilespmem:s12], [sflag:$0x1] =	stream.indirect.gather [hbm4b:s2+s8], $0x40, s29, s8, $0xb8;
	[tilespmem:$0x7D00] =	vst v63  }
0x89: {  	s29 =	sadd.s32 $0x78, s1  }
0x8a: {  	[tilespmem:s14], [sflag:$0x1] =	stream.indirect.gather [hbm4b:s2+s8], $0x40, s29, s8, $0xb8;
	[tilespmem:$0x7D00] =	vst v63  }
0x8b: {  	s1 =	sadd.s32 $0xA0, s1  }
0x8c: {  	[tilespmem:s16], [sflag:$0x1] =	stream.indirect.gather [hbm4b:s2+s8], $0x40, s1, s8, $0xb8;
	[tilespmem:$0x7D00] =	vst v63  }
0x8d: {  	s1 =	sadd.s32 $0x640, s24  }
0x8e: {  	[hbm4b:s1+s3] =	stream.linear.scatter [tilespmem:s18], [sflag:$0x4], $0x3200, $0x38;
	[tilespmem:$0x7D00] =	vst v63  }
0x8f: {  	_ =	swait.ge [sflag:s17], $0xA00  }
0x90: {  	[sflag:s17] =	ssyncset.done $0x0  }
0x91: {  	[sflag:s17] =	ssyncadd.s32 $0xFFFFF600  }
0x92: {  	_ =	swait.ge [sflag:s17], $0xA00  }
0x93: {  	[sflag:s17] =	ssyncset.done $0x0  }
0x94: {  	[sflag:s17] =	ssyncadd.s32 $0xFFFFF600  }
0x95: {  	_ =	swait.ge [sflag:s17], $0xA00  }
0x96: {  	[sflag:s17] =	ssyncset.done $0x0  }
0x97: {  	[sflag:s17] =	ssyncadd.s32 $0xFFFFF600  }
0x98: {  	_ =	swait.ge [sflag:s17], $0xA00  }
0x99: {  	[sflag:s17] =	ssyncset.done $0x0  }
0x9a: {  	[sflag:s17] =	ssyncadd.s32 $0xFFFFF600  }
.Ltmp0:
0x9b: {  	_ =	swait.ge [sflag:s17], $0xA00;
	(pc) =	sbr.rel @p0 .LBB2_2-.Ltmp0, $4  }
0x9c: {  	[sflag:s17] =	ssyncset.done $0x0  }
0x9d: {  	s31 =	smov.u32 s26;
	[sflag:s17] =	ssyncadd.s32 $0xFFFFF600  }
0x9e: {  	s25 =	sadd.s32 $0x2, s25;
	s29 =	sshra.s32 s28, $0x2;
	_ =	swait.ge [sflag:s22], $0x3200  }
0x9f: {  	s24 =	sadd.s32 $0xC80, s24;
	s30 =	rddreg [dreg:$0x3];
	[sflag:s22] =	ssyncset.done $0x0  }
0xa0: {  	s1 =	sadd.s32 $0xC8, s29;
	[sflag:s22] =	ssyncadd.s32 $0xFFFFCE00  }
0xa1: {  	[tilespmem:s18], [sflag:$0x2] =	stream.indirect.gather [hbm4b:s2+s8], $0x40, s1, s8, $0xb8;
	[tilespmem:$0x7D00] =	vst v63  }
0xa2: {  	s28 =	sadd.s32 $0xF0, s29  }
0xa3: {  	[tilespmem:s30], [sflag:$0x2] =	stream.indirect.gather [hbm4b:s2+s8], $0x40, s28, s8, $0xb8;
	[tilespmem:$0x7D00] =	vst v63  }
0xa4: {  	s26 =	rddreg [dreg:$0x4];
	s31 =	sadd.s32 $0x118, s29  }
0xa5: {  	[tilespmem:s26], [sflag:$0x2] =	stream.indirect.gather [hbm4b:s2+s8], $0x40, s31, s8, $0xb8;
	[tilespmem:$0x7D00] =	vst v63  }
0xa6: {  	s28 =	rddreg [dreg:$0x5];
	s30 =	sadd.s32 $0x140, s29  }
0xa7: {  	[tilespmem:s28], [sflag:$0x2] =	stream.indirect.gather [hbm4b:s2+s8], $0x40, s30, s8, $0xb8;
	[tilespmem:$0x7D00] =	vst v63  }
0xa8: {  	s31 =	sadd.s32 $0x168, s29  }
0xa9: {  	[tilespmem:s19], [sflag:$0x2] =	stream.indirect.gather [hbm4b:s2+s8], $0x40, s31, s8, $0xb8;
	[tilespmem:$0x7D00] =	vst v63  }
0xaa: {  	_ = 	snop  }
0xab: {  	[hbm4b:s24+s3] =	stream.linear.scatter [tilespmem:s9], [sflag:$0x3], $0x3200, $0x38;
	[tilespmem:$0x7D00] =	vst v63  }
0xac: {  	_ =	swait.ge [sflag:s20], $0xA00  }
0xad: {  	[sflag:s20] =	ssyncset.done $0x0  }
0xae: {  	[sflag:s20] =	ssyncadd.s32 $0xFFFFF600  }
0xaf: {  	_ =	swait.ge [sflag:s20], $0xA00  }
0xb0: {  	[sflag:s20] =	ssyncset.done $0x0  }
0xb1: {  	[sflag:s20] =	ssyncadd.s32 $0xFFFFF600  }
0xb2: {  	_ =	swait.ge [sflag:s20], $0xA00  }
0xb3: {  	[sflag:s20] =	ssyncset.done $0x0  }
0xb4: {  	[sflag:s20] =	ssyncadd.s32 $0xFFFFF600  }
0xb5: {  	_ =	swait.ge [sflag:s20], $0xA00  }
0xb6: {  	[sflag:s20] =	ssyncset.done $0x0  }
0xb7: {  	[sflag:s20] =	ssyncadd.s32 $0xFFFFF600  }
0xb8: {  	_ =	swait.ge [sflag:s20], $0xA00  }
0xb9: {  	[sflag:s20] =	ssyncset.done $0x0  }
0xba: {  	s26 =	sand.u32 $0x1E, s25;
	[sflag:s20] =	ssyncadd.s32 $0xFFFFF600  }
0xbb: {  	s1 =	smul.u32 $0x320, s26;
	_ =	swait.ge [sflag:s21], $0x3200  }
0xbc: {  	[sflag:s21] =	ssyncset.done $0x0  }
0xbd: {  	s1 =	sshrl.u32 s1, $0x2;
	[sflag:s21] =	ssyncadd.s32 $0xFFFFCE00  }
0xbe: {  	[tilespmem:s9], [sflag:$0x1] =	stream.indirect.gather [hbm4b:s2+s8], $0x40, s1, s8, $0xb8;
	[tilespmem:$0x7D00] =	vst v63  }
0xbf: {  	s28 =	sadd.s32 $0x28, s1  }
0xc0: {  	[tilespmem:s10], [sflag:$0x1] =	stream.indirect.gather [hbm4b:s2+s8], $0x40, s28, s8, $0xb8;
	[tilespmem:$0x7D00] =	vst v63  }
0xc1: {  	s29 =	sadd.s32 $0x50, s1  }
0xc2: {  	[tilespmem:s12], [sflag:$0x1] =	stream.indirect.gather [hbm4b:s2+s8], $0x40, s29, s8, $0xb8;
	[tilespmem:$0x7D00] =	vst v63  }
0xc3: {  	s30 =	sadd.s32 $0x78, s1  }
0xc4: {  	[tilespmem:s14], [sflag:$0x1] =	stream.indirect.gather [hbm4b:s2+s8], $0x40, s30, s8, $0xb8;
	[tilespmem:$0x7D00] =	vst v63  }
0xc5: {  	s1 =	sadd.s32 $0xA0, s1  }
0xc6: {  	[tilespmem:s16], [sflag:$0x1] =	stream.indirect.gather [hbm4b:s2+s8], $0x40, s1, s8, $0xb8;
	[tilespmem:$0x7D00] =	vst v63  }
0xc7: {  	s31 =	sadd.s32 $0x640, s24  }
0xc8: {  	[hbm4b:s31+s3] =	stream.linear.scatter [tilespmem:s18], [sflag:$0x4], $0x3200, $0x38;
	[tilespmem:$0x7D00] =	vst v63  }
0xc9: {  	_ =	swait.ge [sflag:s17], $0xA00  }
0xca: {  	[sflag:s17] =	ssyncset.done $0x0  }
0xcb: {  	[sflag:s17] =	ssyncadd.s32 $0xFFFFF600  }
0xcc: {  	_ =	swait.ge [sflag:s17], $0xA00  }
0xcd: {  	[sflag:s17] =	ssyncset.done $0x0  }
0xce: {  	[sflag:s17] =	ssyncadd.s32 $0xFFFFF600  }
0xcf: {  	_ =	swait.ge [sflag:s17], $0xA00  }
0xd0: {  	[sflag:s17] =	ssyncset.done $0x0  }
0xd1: {  	[sflag:s17] =	ssyncadd.s32 $0xFFFFF600  }
0xd2: {  	_ =	swait.ge [sflag:s17], $0xA00  }
0xd3: {  	[sflag:s17] =	ssyncset.done $0x0  }
0xd4: {  	s23 =	sadd.s32 $0x1, s23;
	[sflag:s17] =	ssyncadd.s32 $0xFFFFF600  }
0xd5: {  	p0 =	sne.s32 s23, s5;
	_ =	swait.ge [sflag:s17], $0xA00  }
.Ltmp1:
0xd6: {  	[sflag:s17] =	ssyncset.done $0x0;
	(pc) =	sbr.rel @p0 .LBB2_1-.Ltmp1, $4  }
0xd7: {  	[sflag:s17] =	ssyncadd.s32 $0xFFFFF600  }
0xd8: {  	_ =	swait.ge [sflag:s22], $0x3200  }
0xd9: {  	[sflag:s22] =	ssyncset.done $0x0  }
0xda: {  	[sflag:s22] =	ssyncadd.s32 $0xFFFFCE00  }
0xdb: {  	_ =	sfence.sel $0x180000  }
0xdc: {  	[bflag:$0x0] =	sbarrier.arrive $0xFFFF  }
0xdd: {  	_ =	strace $0x9000004A  }
0xde: {  	[bflag:$0x2] =	sbarrier.arrive $0xFFFF  }
0xdf: {  	p0 =	sne.s32 s0, $0x0;
	s0 =	rddreg [dreg:$0x2]  }
0xe0: {  	s0 =	sadd.s32 @!p0 $0x100000, s0  }
0xe1: {  	[sflag:s0] =	ssyncadd.tile.s32 @!p0 $0x1;
	_ =	shalt  }
.Lfunc_end2:
_tile_overlayer_lowered:
.L_overlay_start_2:
0xe2: {  	(tag) =	ssettag $0x2  }
0xe3: {  	s0 =	rddreg [dreg:$0x0];
	s2 =	stileid.u32  }
0xe4: {  	s1 =	rddreg [dreg:$0x1];
	p0 =	sne.s32 s2, $0x0  }
0xe5: {  	s3 =	rddreg [dreg:$0x2];
	[bflag:$0x3] =	sbarrier.arrive $0xFFFF;
	s2 =	simm.s32 @!p0 $0x1C05  }
0xe6: {  	[timem:s3], [sflag:s2] =	dma.local @!p0 [hbm:s0], s1  }
0xe7: {  	s0 =	simm.s32 @!p0 $0x5  }
0xe8: {  	_ =	swait.ge @!p0 [sflag:s0], s1  }
0xe9: {  	s1 =	ssub.s32 @!p0 $0x0, s1;
	[sflag:s0] =	ssyncset.done @!p0 $0x0  }
0xea: {  	[sflag:s0] =	ssyncadd.s32 @!p0 s1  }
0xeb: {  	[bflag:$0x3] =	sbarrier.arrive $0xFFFF  }
0xec: {  	_ =	shalt  }

// kernel: kernel.16.cloned.1.call-start
scs
__scs_entry_jumppad:
0x0: {  	(pc) =	sbr.rel $0x88, $3  }
0x1: {  	(tag) =	ssettag $0x0;
	lr =	simm.s32 $0x1  }
0x2: {  	[smem:$0x3F9C] =	sst lr;
	_ =	strace $0xD0000000  }
0x3: {  	_ = 	snop  }
0x4: {  	_ = 	snop  }
0x5: {  	_ = 	snop  }
0x6: {  	_ = 	snop  }
0x7: {  	_ = 	snop  }
__scs_overlays_trampoline_lowered:
0x8: {  	[smem:$0x3FAB] =	sst s0  }
0x9: {  	[smem:$0x3FAC] =	sst s1  }
0xa: {  	[smem:$0x3FAD] =	sst s2  }
0xb: {  	[smem:$0x3FAE] =	sst s3  }
0xc: {  	[smem:$0x3FAF] =	sst s4  }
0xd: {  	[smem:$0x3FB0] =	sst s5  }
0xe: {  	[smem:$0x3FB1] =	sst s6  }
0xf: {  	[smem:$0x3FB2] =	sst s7  }
0x10: {  	[smem:$0x3FB3] =	sst s8  }
0x11: {  	[smem:$0x3FB4] =	sst s9;
	s0 =	simm.s32 @!p0 $0x0  }
0x12: {  	s1 =	sld [smem:$0x3F9A];
	s0 =	simm.s32 @p0 $0x1  }
0x13: {  	[smem:$0x3FB5] =	sst s0;
	s0 =	simm.s32 @!p1 $0x0  }
0x14: {  	s2 =	sld [smem:$0x3F99];
	s0 =	simm.s32 @p1 $0x1  }
0x15: {  	[smem:$0x3FB6] =	sst s0;
	s0 =	simm.s32 @!p2 $0x0  }
0x16: {  	s3 =	sld [smem:$0x3FDB];
	s0 =	simm.s32 @p2 $0x1  }
0x17: {  	s4 =	simm.s32 $0x1BF5;
	[smem:$0x3FB8] =	sst s0  }
0x18: {  	s0 =	sld [smem:$0x3F9B];
	_ =	swait.ge [sflag:s4], $0x0  }
0x19: {  	s7 =	sld [smem:$0x3F9C]  }
0x1a: {  	s8 =	sadd.s32 $0xFFFFE003, lr  }
0x1b: {  	s9 =	sadd.s32 $0xFFFFFEF7, lr;
	s5 =	simm.s32 $0xFFFFFFFF;
	p2 =	slt.u32 s8, $0xFFFFF086  }
0x1c: {  	p1 =	slt.u32 s9, $0xF7A;
	s5 =	simm.s32 @!p2 $0x0  }
0x1d: {  	s5 =	simm.s32 @p1 $0x1;
	p0 =	seq.s32 s7, s2  }
0x1e: {  	s7 =	smul.u32 @!p0 $0xF7A, s2;
	p2 =	seq.s32 @!p0 s5, $0x0  }
0x1f: {  	s9 =	smul.u32 $0xF7A, s1;
	s8 =	simm.s32 @!p0 $0x1BF5;
	p2 =	por !p2, p0  }
0x20: {  	[sflag:s8] =	ssyncset.s32 @!p0 $0xFFFFF086;
	s6 =	sadd.s32 @!p0 s3, s7;
	s7 =	simm.s32 @!p0 $0x108  }
0x21: {  	s3 =	sadd.s32 s3, s9;
	s6 =	sadd.s32 @!p0 $0x88, s6;
	s7 =	simm.s32 @p2 $0x1082  }
0x22: {  	[simem:s7], [sflag:s8] =	dma.local @!p0 [hbm:s6], $0xF7A  }
0x23: {  	s9 =	sor.u32 $0xD0000000, s2;
	s6 =	simm.s32 $0x108;
	_ =	swait.ge @!p0 [sflag:s8], $0x0  }
0x24: {  	s3 =	sadd.s32 $0x88, s3;
	s6 =	simm.s32 @!p1 $0x1082;
	[sflag:s4] =	ssyncset.s32 $0xFFFFF086  }
0x25: {  	[simem:s6], [sflag:s4] =	dma.local [hbm:s3], $0xF7A  }
0x26: {  	[smem:$0x3F9C] =	sst s1;
	(tag) =	ssettag s2;
	_ =	strace s9  }
0x27: {  	s1 =	sld [smem:$0x3FAC]  }
0x28: {  	s2 =	sld [smem:$0x3FAD]  }
0x29: {  	s4 =	sld [smem:$0x3FAF]  }
0x2a: {  	p0 =	seq.s32 s5, $0x0;
	s5 =	sld [smem:$0x3FB0]  }
0x2b: {  	s6 =	sld [smem:$0x3FB1]  }
0x2c: {  	s7 =	sld [smem:$0x3FB2]  }
0x2d: {  	s3 =	simm.s32 $0x108;
	s8 =	sld [smem:$0x3FB3]  }
0x2e: {  	s3 =	simm.s32 @!p0 $0x1082;
	s9 =	sld [smem:$0x3FB4]  }
0x2f: {  	lr =	sadd.s32 s0, s3;
	s0 =	sld [smem:$0x3FAB]  }
0x30: {  	s3 =	sld [smem:$0x3FAE]  }
0x31: {  	[smem:$0x3FB7] =	sst s10  }
0x32: {  	s10 =	sld [smem:$0x3FB5];
	_ =	sdelay $0x3  }
0x33: {  	p0 =	seq.s32 s10, $0x1;
	s10 =	sld [smem:$0x3FB7];
	_ =	sdelay $0x3  }
0x34: {  	[smem:$0x3FB7] =	sst s10  }
0x35: {  	s10 =	sld [smem:$0x3FB6];
	_ =	sdelay $0x3  }
0x36: {  	p1 =	seq.s32 s10, $0x1;
	s10 =	sld [smem:$0x3FB7];
	_ =	sdelay $0x3  }
0x37: {  	[smem:$0x3FB7] =	sst s10  }
0x38: {  	s10 =	sld [smem:$0x3FB8]  }
0x39: {  	_ = 	snop;
	(pc) =	sbr.ind lr, $3  }
0x3a: {  	_ = 	snop  }
0x3b: {  	_ = 	snop  }
0x3c: {  	p2 =	seq.s32 s10, $0x1;
	s10 =	sld [smem:$0x3FB7]  }
0x3d: {  	_ =	shalt  }
0x3e: {  	_ =	shalt  }
0x3f: {  	_ =	shalt  }
0x40: {  	_ =	shalt  }
0x41: {  	_ =	shalt  }
0x42: {  	_ =	shalt  }
0x43: {  	_ =	shalt  }
0x44: {  	_ =	shalt  }
0x45: {  	_ =	shalt  }
0x46: {  	_ =	shalt  }
0x47: {  	_ =	shalt  }
0x48: {  	_ =	shalt  }
0x49: {  	_ =	shalt  }
0x4a: {  	_ =	shalt  }
0x4b: {  	_ =	shalt  }
0x4c: {  	_ =	shalt  }
0x4d: {  	_ =	shalt  }
0x4e: {  	_ =	shalt  }
0x4f: {  	_ =	shalt  }
0x50: {  	_ =	shalt  }
0x51: {  	_ =	shalt  }
0x52: {  	_ =	shalt  }
0x53: {  	_ =	shalt  }
0x54: {  	_ =	shalt  }
0x55: {  	_ =	shalt  }
0x56: {  	_ =	shalt  }
0x57: {  	_ =	shalt  }
0x58: {  	_ =	shalt  }
0x59: {  	_ =	shalt  }
0x5a: {  	_ =	shalt  }
0x5b: {  	_ =	shalt  }
0x5c: {  	_ =	shalt  }
0x5d: {  	_ =	shalt  }
0x5e: {  	_ =	shalt  }
0x5f: {  	_ =	shalt  }
0x60: {  	_ =	shalt  }
0x61: {  	_ =	shalt  }
0x62: {  	_ =	shalt  }
0x63: {  	_ =	shalt  }
0x64: {  	_ =	shalt  }
0x65: {  	_ =	shalt  }
0x66: {  	_ =	shalt  }
0x67: {  	_ =	shalt  }
0x68: {  	_ =	shalt  }
0x69: {  	_ =	shalt  }
0x6a: {  	_ =	shalt  }
0x6b: {  	_ =	shalt  }
0x6c: {  	_ =	shalt  }
0x6d: {  	_ =	shalt  }
0x6e: {  	_ =	shalt  }
0x6f: {  	_ =	shalt  }
0x70: {  	_ =	shalt  }
0x71: {  	_ =	shalt  }
0x72: {  	_ =	shalt  }
0x73: {  	_ =	shalt  }
0x74: {  	_ =	shalt  }
0x75: {  	_ =	shalt  }
0x76: {  	_ =	shalt  }
0x77: {  	_ =	shalt  }
0x78: {  	_ =	shalt  }
0x79: {  	_ =	shalt  }
0x7a: {  	_ =	shalt  }
0x7b: {  	_ =	shalt  }
0x7c: {  	_ =	shalt  }
0x7d: {  	_ =	shalt  }
0x7e: {  	_ =	shalt  }
0x7f: {  	_ =	shalt  }
0x80: {  	_ =	shalt  }
0x81: {  	_ =	shalt  }
0x82: {  	_ =	shalt  }
0x83: {  	_ =	shalt  }
0x84: {  	_ =	shalt  }
0x85: {  	_ =	shalt  }
0x86: {  	_ =	shalt  }
0x87: {  	_ =	shalt  }
.Lfunc_end0:
.L_simem_size_0:
called_computation.3_lowered:
.L_overlay_start_0:
0x88: {  	s2 =	sld [smem:$0x3FD9]  }
0x89: {  	s3 =	sld [smem:$0x3FFE];
	_ =	sdelay $0x1  }
0x8a: {  	s1 =	srdreg.scid  }
0x8b: {  	s0 =	sand.u32 $0x1, s1  }
0x8c: {  	s17 =	sshll.u32 s0, $0xA;
	s2 =	sadd.s32 s3, s2  }
0x8d: {  	s2 =	sadd.s32 s2, s17  }
0x8e: {  	[smem:$0x3FC3] =	sst s2  }
0x8f: {  	_ = 	snop  }
0x90: {  	s18 =	sld [smem:$0x3FD0];
	(tm) =	ssettm $0x1  }
0x91: {  	s19 =	sld [smem:$0x3FFB];
	_ =	sdelay $0x3  }
0x92: {  	_ =	strace s19  }
0x93: {  	s2 =	sld [smem:$0x3FFC];
	_ =	sdelay $0x3  }
0x94: {  	_ =	strace s2  }
0x95: {  	s2 =	sld [smem:$0x3FFD];
	_ =	sdelay $0x3  }
0x96: {  	_ =	strace s2  }
0x97: {  	_ =	strace $0x8FFFFFFF  }
0x98: {  	s20 =	sld [smem:$0x3FDB];
	_ =	sdelay $0x1  }
0x99: {  	s4 =	simm.s32 $_scs_section_size  }
0x9a: {  	s5 =	simm.s32 $_size__tile_overlayer_lowered;
	s6 =	simm.s32 $_tile_overlayer_lowered  }
0x9b: {  	s7 =	simm.s32 $0x1BFF;
	s21 =	sshll.u32 s6, $0x1;
	s4 =	sadd.s32 s4, s20  }
0x9c: {  	s22 =	simm.s32 $0x0;
	s5 =	sshll.u32 s5, $0x1;
	s6 =	sadd.s32 s21, s4  }
0x9d: {  	[timem:s22], [sflag:s7] =	dma.local [hbm:s6], s5  }
0x9e: {  	_ =	swait.ge [sflag:s7], s5  }
0x9f: {  	s5 =	ssub.s32 $0x0, s5;
	[sflag:s7] =	ssyncset.done $0x0  }
0xa0: {  	[sflag:s7] =	ssyncadd.s32 s5;
	_ =	sdelay $0x1  }
0xa1: {  	s23 =	simm.s32 $0x1B8B  }
0xa2: {  	_ =	swait.ge [sflag:s23], $0x1  }
0xa3: {  	[sflag:s23] =	ssyncset.done $0x0  }
0xa4: {  	[sflag:s23] =	ssyncadd.s32 $0xFFFFFFFF  }
0xa5: {  	s5 =	sld [smem:$0x0]  }
0xa6: {  	s6 =	sand.u32 $0xFFFFFFFE, s1  }
0xa7: {  	p0 =	sne.s32 s1, s6  }
0xa8: {  	s6 =	sshll.u32 @p0 s6, $0xE  }
0xa9: {  	s6 =	sadd.s32 @p0 $0x11B8D, s6;
	s7 =	sshll.u32 @p0 s5, $0x11  }
0xaa: {  	s6 =	sor.u32 @p0 s7, s6  }
0xab: {  	[sflag:s6] =	ssyncadd.remote.s32 @p0 $0x1;
	_ =	sdelay $0x1  }
0xac: {  	s6 =	simm.s32 @p0 $0x1B8D  }
0xad: {  	_ =	swait.eq @p0 [sflag:s6], $0x1  }
0xae: {  	[sflag:s6] =	ssyncadd.s32 @p0 $0xFFFFFFFF  }
0xaf: {  	s7 =	sshll.u32 @!p0 s1, $0xE  }
0xb0: {  	s7 =	sor.u32 @!p0 $0x4000, s7;
	s6 =	simm.s32 @!p0 $0x1B8D  }
0xb1: {  	s5 =	sshll.u32 @!p0 s5, $0x11;
	s7 =	sadd.s32 @!p0 $0x11B8D, s7;
	_ =	swait.eq @!p0 [sflag:s6], $0x1  }
0xb2: {  	s5 =	sor.u32 @!p0 s5, s7;
	[sflag:s6] =	ssyncadd.s32 @!p0 $0xFFFFFFFF  }
0xb3: {  	s25 =	simm.s32 $0x1B8E;
	s24 =	sld [smem:$0x3FFE];
	[sflag:s5] =	ssyncadd.remote.s32 @!p0 $0x1  }
0xb4: {  	s26 =	simm.s32 $execute0_lowered;
	[smem:$0x3FD2] =	sst s25  }
0xb5: {  	s6 =	sshll.u32 s26, $0x1;
	_ =	strace $0x8000004C;
	[dreg:$0x1] =	wrdreg $0xFFFFFFFF  }
0xb6: {  	s28 =	simm.s32 $_size_execute0_lowered;
	s4 =	sadd.s32 s4, s6;
	[dreg:$0x0] =	wrdreg $0x0  }
0xb7: {  	s6 =	sshll.u32 s28, $0x1;
	[dreg:$0x2] =	wrdreg s4  }
0xb8: {  	[dreg:$0x3] =	wrdreg s6  }
0xb9: {  	[dreg:$0x4] =	wrdreg $0xC0  }
0xba: {  	_ =	task [dreg:s22], $0x5FFFF  }
0xbb: {  	[dreg:$0x1] =	wrdreg $0xFFFFFFFF  }
0xbc: {  	[dreg:$0x0] =	wrdreg $0x60  }
0xbd: {  	[dreg:$0x2] =	wrdreg s24  }
0xbe: {  	[dreg:$0x3] =	wrdreg s18  }
0xbf: {  	[dreg:$0x4] =	wrdreg $0xB  }
0xc0: {  	_ =	task.clear_ibuf [dreg:s22], $0x5FFFF;
	_ =	strace $0x9000004C  }
0xc1: {  	s29 =	simm.s32 $0xB;
	_ =	strace $0x8000004E  }
0xc2: {  	_ =	swait.ge [sflag:s29], $0x1  }
0xc3: {  	[sflag:s29] =	ssyncadd.s32 $0xFFFFFFFF  }
0xc4: {  	_ =	strace $0x9000004E  }
0xc5: {  	_ =	sfence  }
0xc6: {  	s30 =	sld [smem:$0x0];
	_ =	sdelay $0x2  }
0xc7: {  	s31 =	sshll.u32 s1, $0xD;
	s1 =	sshrl.u32 s1, $0x2  }
0xc8: {  	s4 =	sand.u32 $0x4000, s31;
	s1 =	sadd.s32 s1, s30  }
0xc9: {  	s0 =	sor.u32 s4, s0;
	s1 =	sshll.u32 s1, $0x11  }
0xca: {  	s0 =	sor.u32 s1, s0  }
0xcb: {  	s0 =	sadd.s32 $0x8F2B, s0  }
0xcc: {  	[sflag:s0] =	ssyncadd.remote.s32 $0x1  }
0xcd: {  	_ =	sfence.sel $0xFFFF  }
0xce: {  	[dreg:$0x0] =	wrdreg $0xFFFFFFFF;
	(pc) =	sbr.abs _section_cstart, $3  }
0xcf: {  	[dreg:$0x1] =	wrdreg $0xFFFFFFFF  }
0xd0: {  	_ =	task.clear_ibuf [dreg:s22], $0x2FFFF;
	_ =	strace $0x9FFFFFFF  }
0xd1: {  	(tm) =	ssettm $0x7FFFFFFF  }
tec
execute0_lowered:
.L_overlay_start_1:
0x0: {  	(tag) =	ssettag $0x1  }
0x1: {  	s1 =	srdreg.scid;
	s5 =	rddreg [dreg:$0x0]  }
0x2: {  	s0 =	stileid.u32;
	s2 =	rddreg [dreg:$0x1]  }
0x3: {  	s11 =	simm.s32 $0x50;
	s12 =	simm.s32 $0x2D00;
	s13 =	simm.s32 $0x78  }
0x4: {  	s14 =	simm.s32 $0x3700;
	s15 =	simm.s32 $0xA0;
	s16 =	simm.s32 $0x4100  }
0x5: {  	s18 =	simm.s32 $0x5500;
	s17 =	simm.s32 $0x1;
	s19 =	simm.s32 $0x5F00  }
0x6: {  	s31 =	simm.s32 $0x6900;
	s20 =	simm.s32 $0x2;
	s21 =	simm.s32 $0x3  }
0x7: {  	s22 =	simm.s32 $0x4;
	s23 =	simm.s32 $0x0;
	s4 =	sand.u32 $0x1, s1  }
0x8: {  	s26 =	sshll.u32 s0, $0x6;
	s7 =	smul.u32 $0x19000, s0;
	s3 =	sshll.u32 s4, $0x5  }
0x9: {  	s8 =	ssub.s32 $0x2, s4;
	s10 =	smul.u32 $0xC800, s4;
	s6 =	sor.u32 s3, s26  }
0xa: {  	s3 =	simm.s32 $0x0;
	s9 =	sshrl.u32 s8, $0x1;
	s29 =	sadd.s32 s7, s5  }
0xb: {  	s7 =	simm.s32 $0x5;
	s6 =	smul.u32 $0x19, s6;
	[smem:$0x7FF] =	sst s3  }
0xc: {  	s30 =	ssub.s32 s8, s9;
	_ =	strace $0x8000004D;
	[dreg:$0x3] =	wrdreg s18  }
0xd: {  	s8 =	simm.s32 $0x28;
	s9 =	simm.s32 $0x1900;
	[dreg:$0x4] =	wrdreg s19  }
0xe: {  	s18 =	simm.s32 $0x4B00;
	[dreg:$0x5] =	wrdreg s31;
	s19 =	simm.s32 $0x7300  }
0xf: {  	s28 =	sadd.s32 s6, s5;
	s5 =	smax.u32 s30, $0x1;
	s6 =	sadd.s32 s10, s29  }
0x10: {  	s10 =	simm.s32 $0x2300;
	s4 =	sadd.s32 $0x9200, s28;
	s6 =	sadd.s32 $0x33BE00, s6  }
.LBB2_1:
0x11: {  	[tilespmem:s3], [sflag:$0x5] =	stream.linear.gather [hbm4b:s4+s3], $0x1900, $0x38;
	[tilespmem:$0x7D00] =	vst v63  }
0x12: {  	_ =	swait.ge [sflag:s7], $0x1900  }
0x13: {  	[sflag:s7] =	ssyncset.done $0x0  }
0x14: {  	[sflag:s7] =	ssyncadd.s32 $0xFFFFE700  }
0x15: {  	[tilespmem:s9], [sflag:$0x1] =	stream.indirect.gather [hbm4b:s2+s8], $0x40, s3, s8, $0xb8;
	[tilespmem:$0x7D00] =	vst v63  }
0x16: {  	_ = 	snop  }
0x17: {  	[tilespmem:s10], [sflag:$0x1] =	stream.indirect.gather [hbm4b:s2+s8], $0x40, s8, s8, $0xb8;
	[tilespmem:$0x7D00] =	vst v63  }
0x18: {  	_ = 	snop  }
0x19: {  	[tilespmem:s12], [sflag:$0x1] =	stream.indirect.gather [hbm4b:s2+s8], $0x40, s11, s8, $0xb8;
	[tilespmem:$0x7D00] =	vst v63  }
0x1a: {  	_ = 	snop  }
0x1b: {  	[tilespmem:s14], [sflag:$0x1] =	stream.indirect.gather [hbm4b:s2+s8], $0x40, s13, s8, $0xb8;
	[tilespmem:$0x7D00] =	vst v63  }
0x1c: {  	_ = 	snop  }
0x1d: {  	[tilespmem:s16], [sflag:$0x1] =	stream.indirect.gather [hbm4b:s2+s8], $0x40, s15, s8, $0xb8;
	[tilespmem:$0x7D00] =	vst v63  }
0x1e: {  	_ =	swait.ge [sflag:s17], $0xA00  }
0x1f: {  	[sflag:s17] =	ssyncset.done $0x0  }
0x20: {  	[sflag:s17] =	ssyncadd.s32 $0xFFFFF600  }
0x21: {  	_ =	swait.ge [sflag:s17], $0xA00  }
0x22: {  	[sflag:s17] =	ssyncset.done $0x0  }
0x23: {  	[sflag:s17] =	ssyncadd.s32 $0xFFFFF600  }
0x24: {  	_ =	swait.ge [sflag:s17], $0xA00  }
0x25: {  	[sflag:s17] =	ssyncset.done $0x0  }
0x26: {  	[sflag:s17] =	ssyncadd.s32 $0xFFFFF600  }
0x27: {  	_ =	swait.ge [sflag:s17], $0xA00  }
0x28: {  	[sflag:s17] =	ssyncset.done $0x0  }
0x29: {  	[sflag:s17] =	ssyncadd.s32 $0xFFFFF600  }
0x2a: {  	_ =	swait.ge [sflag:s17], $0xA00  }
0x2b: {  	[sflag:s17] =	ssyncset.done $0x0  }
0x2c: {  	s25 =	simm.s32 $0xC8;
	[sflag:s17] =	ssyncadd.s32 $0xFFFFF600  }
0x2d: {  	[tilespmem:s18], [sflag:$0x2] =	stream.indirect.gather [hbm4b:s2+s8], $0x40, s25, s8, $0xb8;
	[tilespmem:$0x7D00] =	vst v63  }
0x2e: {  	s1 =	simm.s32 $0xF0;
	s24 =	rddreg [dreg:$0x3]  }
0x2f: {  	[tilespmem:s24], [sflag:$0x2] =	stream.indirect.gather [hbm4b:s2+s8], $0x40, s1, s8, $0xb8;
	[tilespmem:$0x7D00] =	vst v63  }
0x30: {  	s26 =	rddreg [dreg:$0x4];
	s25 =	simm.s32 $0x118  }
0x31: {  	[tilespmem:s26], [sflag:$0x2] =	stream.indirect.gather [hbm4b:s2+s8], $0x40, s25, s8, $0xb8;
	[tilespmem:$0x7D00] =	vst v63  }
0x32: {  	s28 =	rddreg [dreg:$0x5];
	s1 =	simm.s32 $0x140  }
0x33: {  	[tilespmem:s28], [sflag:$0x2] =	stream.indirect.gather [hbm4b:s2+s8], $0x40, s1, s8, $0xb8;
	[tilespmem:$0x7D00] =	vst v63  }
0x34: {  	s25 =	simm.s32 $0x168  }
0x35: {  	[tilespmem:s19], [sflag:$0x2] =	stream.indirect.gather [hbm4b:s2+s8], $0x40, s25, s8, $0xb8;
	[tilespmem:$0x7D00] =	vst v63  }
0x36: {  	_ = 	snop  }
0x37: {  	[hbm4b:s6+s3] =	stream.linear.scatter [tilespmem:s9], [sflag:$0x3], $0x3200, $0x38;
	[tilespmem:$0x7D00] =	vst v63  }
0x38: {  	_ =	swait.ge [sflag:s20], $0xA00  }
0x39: {  	[sflag:s20] =	ssyncset.done $0x0  }
0x3a: {  	[sflag:s20] =	ssyncadd.s32 $0xFFFFF600  }
0x3b: {  	_ =	swait.ge [sflag:s20], $0xA00  }
0x3c: {  	[sflag:s20] =	ssyncset.done $0x0  }
0x3d: {  	[sflag:s20] =	ssyncadd.s32 $0xFFFFF600  }
0x3e: {  	_ =	swait.ge [sflag:s20], $0xA00  }
0x3f: {  	[sflag:s20] =	ssyncset.done $0x0  }
0x40: {  	[sflag:s20] =	ssyncadd.s32 $0xFFFFF600  }
0x41: {  	_ =	swait.ge [sflag:s20], $0xA00  }
0x42: {  	[sflag:s20] =	ssyncset.done $0x0  }
0x43: {  	[sflag:s20] =	ssyncadd.s32 $0xFFFFF600  }
0x44: {  	_ =	swait.ge [sflag:s20], $0xA00  }
0x45: {  	[sflag:s20] =	ssyncset.done $0x0  }
0x46: {  	s26 =	sand.u32 $0x1E, s20;
	[sflag:s20] =	ssyncadd.s32 $0xFFFFF600  }
0x47: {  	s24 =	smul.u32 $0x320, s26;
	_ =	swait.ge [sflag:s21], $0x3200  }
0x48: {  	[sflag:s21] =	ssyncset.done $0x0  }
0x49: {  	s24 =	sshrl.u32 s24, $0x2;
	[sflag:s21] =	ssyncadd.s32 $0xFFFFCE00  }
0x4a: {  	[tilespmem:s9], [sflag:$0x1] =	stream.indirect.gather [hbm4b:s2+s8], $0x40, s24, s8, $0xb8;
	[tilespmem:$0x7D00] =	vst v63  }
0x4b: {  	s28 =	sadd.s32 $0x28, s24  }
0x4c: {  	[tilespmem:s10], [sflag:$0x1] =	stream.indirect.gather [hbm4b:s2+s8], $0x40, s28, s8, $0xb8;
	[tilespmem:$0x7D00] =	vst v63  }
0x4d: {  	s1 =	sadd.s32 $0x50, s24  }
0x4e: {  	[tilespmem:s12], [sflag:$0x1] =	stream.indirect.gather [hbm4b:s2+s8], $0x40, s1, s8, $0xb8;
	[tilespmem:$0x7D00] =	vst v63  }
0x4f: {  	s26 =	sadd.s32 $0x78, s24  }
0x50: {  	[tilespmem:s14], [sflag:$0x1] =	stream.indirect.gather [hbm4b:s2+s8], $0x40, s26, s8, $0xb8;
	[tilespmem:$0x7D00] =	vst v63  }
0x51: {  	s24 =	sadd.s32 $0xA0, s24  }
0x52: {  	[tilespmem:s16], [sflag:$0x1] =	stream.indirect.gather [hbm4b:s2+s8], $0x40, s24, s8, $0xb8;
	[tilespmem:$0x7D00] =	vst v63  }
0x53: {  	s28 =	sadd.s32 $0x640, s6  }
0x54: {  	[hbm4b:s28+s3] =	stream.linear.scatter [tilespmem:s18], [sflag:$0x4], $0x3200, $0x38;
	[tilespmem:$0x7D00] =	vst v63  }
0x55: {  	_ =	swait.ge [sflag:s17], $0xA00  }
0x56: {  	[sflag:s17] =	ssyncset.done $0x0  }
0x57: {  	[sflag:s17] =	ssyncadd.s32 $0xFFFFF600  }
0x58: {  	_ =	swait.ge [sflag:s17], $0xA00  }
0x59: {  	[sflag:s17] =	ssyncset.done $0x0  }
0x5a: {  	[sflag:s17] =	ssyncadd.s32 $0xFFFFF600  }
0x5b: {  	_ =	swait.ge [sflag:s17], $0xA00  }
0x5c: {  	[sflag:s17] =	ssyncset.done $0x0  }
0x5d: {  	[sflag:s17] =	ssyncadd.s32 $0xFFFFF600  }
0x5e: {  	_ =	swait.ge [sflag:s17], $0xA00  }
0x5f: {  	[sflag:s17] =	ssyncset.done $0x0  }
0x60: {  	[sflag:s17] =	ssyncadd.s32 $0xFFFFF600  }
0x61: {  	_ =	swait.ge [sflag:s17], $0xA00  }
0x62: {  	[sflag:s17] =	ssyncset.done $0x0  }
0x63: {  	s31 =	simm.s32 $0xC80;
	[sflag:s17] =	ssyncadd.s32 $0xFFFFF600  }
0x64: {  	s29 =	simm.s32 $0x190;
	s25 =	simm.s32 $0x4;
	_ =	swait.ge [sflag:s22], $0x3200  }
0x65: {  	s24 =	sadd.s32 $0xC80, s6;
	s30 =	rddreg [dreg:$0x3];
	[sflag:s22] =	ssyncset.done $0x0  }
.LBB2_2:
0x66: {  	s1 =	sadd.s32 $0xC8, s29;
	[sflag:s22] =	ssyncadd.s32 $0xFFFFCE00  }
0x67: {  	[tilespmem:s18], [sflag:$0x2] =	stream.indirect.gather [hbm4b:s2+s8], $0x40, s1, s8, $0xb8;
	[tilespmem:$0x7D00] =	vst v63  }
0x68: {  	s28 =	smov.u32 s31;
	s26 =	sadd.s32 $0x640, s31;
	s1 =	sadd.s32 $0xF0, s29  }
0x69: {  	[tilespmem:s30], [sflag:$0x2] =	stream.indirect.gather [hbm4b:s2+s8], $0x40, s1, s8, $0xb8;
	[tilespmem:$0x7D00] =	vst v63  }
0x6a: {  	p0 =	sne.s32 s31, $0x5DC0;
	s31 =	rddreg [dreg:$0x4];
	s1 =	sadd.s32 $0x118, s29  }
0x6b: {  	[tilespmem:s31], [sflag:$0x2] =	stream.indirect.gather [hbm4b:s2+s8], $0x40, s1, s8, $0xb8;
	[tilespmem:$0x7D00] =	vst v63  }
0x6c: {  	s30 =	rddreg [dreg:$0x5];
	s1 =	sadd.s32 $0x140, s29  }
0x6d: {  	[tilespmem:s30], [sflag:$0x2] =	stream.indirect.gather [hbm4b:s2+s8], $0x40, s1, s8, $0xb8;
	[tilespmem:$0x7D00] =	vst v63  }
0x6e: {  	s1 =	sadd.s32 $0x168, s29  }
0x6f: {  	[tilespmem:s19], [sflag:$0x2] =	stream.indirect.gather [hbm4b:s2+s8], $0x40, s1, s8, $0xb8;
	[tilespmem:$0x7D00] =	vst v63  }
0x70: {  	_ = 	snop  }
0x71: {  	[hbm4b:s24+s3] =	stream.linear.scatter [tilespmem:s9], [sflag:$0x3], $0x3200, $0x38;
	[tilespmem:$0x7D00] =	vst v63  }
0x72: {  	_ =	swait.ge [sflag:s20], $0xA00  }
0x73: {  	[sflag:s20] =	ssyncset.done $0x0  }
0x74: {  	[sflag:s20] =	ssyncadd.s32 $0xFFFFF600  }
0x75: {  	_ =	swait.ge [sflag:s20], $0xA00  }
0x76: {  	[sflag:s20] =	ssyncset.done $0x0  }
0x77: {  	[sflag:s20] =	ssyncadd.s32 $0xFFFFF600  }
0x78: {  	_ =	swait.ge [sflag:s20], $0xA00  }
0x79: {  	[sflag:s20] =	ssyncset.done $0x0  }
0x7a: {  	[sflag:s20] =	ssyncadd.s32 $0xFFFFF600  }
0x7b: {  	_ =	swait.ge [sflag:s20], $0xA00  }
0x7c: {  	[sflag:s20] =	ssyncset.done $0x0  }
0x7d: {  	[sflag:s20] =	ssyncadd.s32 $0xFFFFF600  }
0x7e: {  	_ =	swait.ge [sflag:s20], $0xA00  }
0x7f: {  	[sflag:s20] =	ssyncset.done $0x0  }
0x80: {  	s1 =	sand.u32 $0x1E, s25;
	[sflag:s20] =	ssyncadd.s32 $0xFFFFF600  }
0x81: {  	s1 =	smul.u32 $0x320, s1;
	_ =	swait.ge [sflag:s21], $0x3200  }
0x82: {  	[sflag:s21] =	ssyncset.done $0x0  }
0x83: {  	s1 =	sshrl.u32 s1, $0x2;
	[sflag:s21] =	ssyncadd.s32 $0xFFFFCE00  }
0x84: {  	[tilespmem:s9], [sflag:$0x1] =	stream.indirect.gather [hbm4b:s2+s8], $0x40, s1, s8, $0xb8;
	[tilespmem:$0x7D00] =	vst v63  }
0x85: {  	s29 =	sadd.s32 $0x28, s1  }
0x86: {  	[tilespmem:s10], [sflag:$0x1] =	stream.indirect.gather [hbm4b:s2+s8], $0x40, s29, s8, $0xb8;
	[tilespmem:$0x7D00] =	vst v63  }
0x87: {  	s29 =	sadd.s32 $0x50, s1  }
0x88: {  	[tilespmem:s12], [sflag:$0x1] =	stream.indirect.gather [hbm4b:s2+s8], $0x40, s29, s8, $0xb8;
	[tilespmem:$0x7D00] =	vst v63  }
0x89: {  	s29 =	sadd.s32 $0x78, s1  }
0x8a: {  	[tilespmem:s14], [sflag:$0x1] =	stream.indirect.gather [hbm4b:s2+s8], $0x40, s29, s8, $0xb8;
	[tilespmem:$0x7D00] =	vst v63  }
0x8b: {  	s1 =	sadd.s32 $0xA0, s1  }
0x8c: {  	[tilespmem:s16], [sflag:$0x1] =	stream.indirect.gather [hbm4b:s2+s8], $0x40, s1, s8, $0xb8;
	[tilespmem:$0x7D00] =	vst v63  }
0x8d: {  	s1 =	sadd.s32 $0x640, s24  }
0x8e: {  	[hbm4b:s1+s3] =	stream.linear.scatter [tilespmem:s18], [sflag:$0x4], $0x3200, $0x38;
	[tilespmem:$0x7D00] =	vst v63  }
0x8f: {  	_ =	swait.ge [sflag:s17], $0xA00  }
0x90: {  	[sflag:s17] =	ssyncset.done $0x0  }
0x91: {  	[sflag:s17] =	ssyncadd.s32 $0xFFFFF600  }
0x92: {  	_ =	swait.ge [sflag:s17], $0xA00  }
0x93: {  	[sflag:s17] =	ssyncset.done $0x0  }
0x94: {  	[sflag:s17] =	ssyncadd.s32 $0xFFFFF600  }
0x95: {  	_ =	swait.ge [sflag:s17], $0xA00  }
0x96: {  	[sflag:s17] =	ssyncset.done $0x0  }
0x97: {  	[sflag:s17] =	ssyncadd.s32 $0xFFFFF600  }
0x98: {  	_ =	swait.ge [sflag:s17], $0xA00  }
0x99: {  	[sflag:s17] =	ssyncset.done $0x0  }
0x9a: {  	[sflag:s17] =	ssyncadd.s32 $0xFFFFF600  }
.Ltmp0:
0x9b: {  	_ =	swait.ge [sflag:s17], $0xA00;
	(pc) =	sbr.rel @p0 .LBB2_2-.Ltmp0, $4  }
0x9c: {  	[sflag:s17] =	ssyncset.done $0x0  }
0x9d: {  	s31 =	smov.u32 s26;
	[sflag:s17] =	ssyncadd.s32 $0xFFFFF600  }
0x9e: {  	s25 =	sadd.s32 $0x2, s25;
	s29 =	sshra.s32 s28, $0x2;
	_ =	swait.ge [sflag:s22], $0x3200  }
0x9f: {  	s24 =	sadd.s32 $0xC80, s24;
	s30 =	rddreg [dreg:$0x3];
	[sflag:s22] =	ssyncset.done $0x0  }
0xa0: {  	s1 =	sadd.s32 $0xC8, s29;
	[sflag:s22] =	ssyncadd.s32 $0xFFFFCE00  }
0xa1: {  	[tilespmem:s18], [sflag:$0x2] =	stream.indirect.gather [hbm4b:s2+s8], $0x40, s1, s8, $0xb8;
	[tilespmem:$0x7D00] =	vst v63  }
0xa2: {  	s28 =	sadd.s32 $0xF0, s29  }
0xa3: {  	[tilespmem:s30], [sflag:$0x2] =	stream.indirect.gather [hbm4b:s2+s8], $0x40, s28, s8, $0xb8;
	[tilespmem:$0x7D00] =	vst v63  }
0xa4: {  	s26 =	rddreg [dreg:$0x4];
	s31 =	sadd.s32 $0x118, s29  }
0xa5: {  	[tilespmem:s26], [sflag:$0x2] =	stream.indirect.gather [hbm4b:s2+s8], $0x40, s31, s8, $0xb8;
	[tilespmem:$0x7D00] =	vst v63  }
0xa6: {  	s28 =	rddreg [dreg:$0x5];
	s30 =	sadd.s32 $0x140, s29  }
0xa7: {  	[tilespmem:s28], [sflag:$0x2] =	stream.indirect.gather [hbm4b:s2+s8], $0x40, s30, s8, $0xb8;
	[tilespmem:$0x7D00] =	vst v63  }
0xa8: {  	s31 =	sadd.s32 $0x168, s29  }
0xa9: {  	[tilespmem:s19], [sflag:$0x2] =	stream.indirect.gather [hbm4b:s2+s8], $0x40, s31, s8, $0xb8;
	[tilespmem:$0x7D00] =	vst v63  }
0xaa: {  	_ = 	snop  }
0xab: {  	[hbm4b:s24+s3] =	stream.linear.scatter [tilespmem:s9], [sflag:$0x3], $0x3200, $0x38;
	[tilespmem:$0x7D00] =	vst v63  }
0xac: {  	_ =	swait.ge [sflag:s20], $0xA00  }
0xad: {  	[sflag:s20] =	ssyncset.done $0x0  }
0xae: {  	[sflag:s20] =	ssyncadd.s32 $0xFFFFF600  }
0xaf: {  	_ =	swait.ge [sflag:s20], $0xA00  }
0xb0: {  	[sflag:s20] =	ssyncset.done $0x0  }
0xb1: {  	[sflag:s20] =	ssyncadd.s32 $0xFFFFF600  }
0xb2: {  	_ =	swait.ge [sflag:s20], $0xA00  }
0xb3: {  	[sflag:s20] =	ssyncset.done $0x0  }
0xb4: {  	[sflag:s20] =	ssyncadd.s32 $0xFFFFF600  }
0xb5: {  	_ =	swait.ge [sflag:s20], $0xA00  }
0xb6: {  	[sflag:s20] =	ssyncset.done $0x0  }
0xb7: {  	[sflag:s20] =	ssyncadd.s32 $0xFFFFF600  }
0xb8: {  	_ =	swait.ge [sflag:s20], $0xA00  }
0xb9: {  	[sflag:s20] =	ssyncset.done $0x0  }
0xba: {  	s26 =	sand.u32 $0x1E, s25;
	[sflag:s20] =	ssyncadd.s32 $0xFFFFF600  }
0xbb: {  	s1 =	smul.u32 $0x320, s26;
	_ =	swait.ge [sflag:s21], $0x3200  }
0xbc: {  	[sflag:s21] =	ssyncset.done $0x0  }
0xbd: {  	s1 =	sshrl.u32 s1, $0x2;
	[sflag:s21] =	ssyncadd.s32 $0xFFFFCE00  }
0xbe: {  	[tilespmem:s9], [sflag:$0x1] =	stream.indirect.gather [hbm4b:s2+s8], $0x40, s1, s8, $0xb8;
	[tilespmem:$0x7D00] =	vst v63  }
0xbf: {  	s28 =	sadd.s32 $0x28, s1  }
0xc0: {  	[tilespmem:s10], [sflag:$0x1] =	stream.indirect.gather [hbm4b:s2+s8], $0x40, s28, s8, $0xb8;
	[tilespmem:$0x7D00] =	vst v63  }
0xc1: {  	s29 =	sadd.s32 $0x50, s1  }
0xc2: {  	[tilespmem:s12], [sflag:$0x1] =	stream.indirect.gather [hbm4b:s2+s8], $0x40, s29, s8, $0xb8;
	[tilespmem:$0x7D00] =	vst v63  }
0xc3: {  	s30 =	sadd.s32 $0x78, s1  }
0xc4: {  	[tilespmem:s14], [sflag:$0x1] =	stream.indirect.gather [hbm4b:s2+s8], $0x40, s30, s8, $0xb8;
	[tilespmem:$0x7D00] =	vst v63  }
0xc5: {  	s1 =	sadd.s32 $0xA0, s1  }
0xc6: {  	[tilespmem:s16], [sflag:$0x1] =	stream.indirect.gather [hbm4b:s2+s8], $0x40, s1, s8, $0xb8;
	[tilespmem:$0x7D00] =	vst v63  }
0xc7: {  	s31 =	sadd.s32 $0x640, s24  }
0xc8: {  	[hbm4b:s31+s3] =	stream.linear.scatter [tilespmem:s18], [sflag:$0x4], $0x3200, $0x38;
	[tilespmem:$0x7D00] =	vst v63  }
0xc9: {  	_ =	swait.ge [sflag:s17], $0xA00  }
0xca: {  	[sflag:s17] =	ssyncset.done $0x0  }
0xcb: {  	[sflag:s17] =	ssyncadd.s32 $0xFFFFF600  }
0xcc: {  	_ =	swait.ge [sflag:s17], $0xA00  }
0xcd: {  	[sflag:s17] =	ssyncset.done $0x0  }
0xce: {  	[sflag:s17] =	ssyncadd.s32 $0xFFFFF600  }
0xcf: {  	_ =	swait.ge [sflag:s17], $0xA00  }
0xd0: {  	[sflag:s17] =	ssyncset.done $0x0  }
0xd1: {  	[sflag:s17] =	ssyncadd.s32 $0xFFFFF600  }
0xd2: {  	_ =	swait.ge [sflag:s17], $0xA00  }
0xd3: {  	[sflag:s17] =	ssyncset.done $0x0  }
0xd4: {  	s23 =	sadd.s32 $0x1, s23;
	[sflag:s17] =	ssyncadd.s32 $0xFFFFF600  }
0xd5: {  	p0 =	sne.s32 s23, s5;
	_ =	swait.ge [sflag:s17], $0xA00  }
.Ltmp1:
0xd6: {  	[sflag:s17] =	ssyncset.done $0x0;
	(pc) =	sbr.rel @p0 .LBB2_1-.Ltmp1, $4  }
0xd7: {  	[sflag:s17] =	ssyncadd.s32 $0xFFFFF600  }
0xd8: {  	_ =	swait.ge [sflag:s22], $0x3200  }
0xd9: {  	[sflag:s22] =	ssyncset.done $0x0  }
0xda: {  	[sflag:s22] =	ssyncadd.s32 $0xFFFFCE00  }
0xdb: {  	_ =	sfence.sel $0x180000  }
0xdc: {  	[bflag:$0x0] =	sbarrier.arrive $0xFFFF  }
0xdd: {  	_ =	strace $0x9000004D  }
0xde: {  	[bflag:$0x2] =	sbarrier.arrive $0xFFFF  }
0xdf: {  	p0 =	sne.s32 s0, $0x0;
	s0 =	rddreg [dreg:$0x2]  }
0xe0: {  	s0 =	sadd.s32 @!p0 $0x100000, s0  }
0xe1: {  	[sflag:s0] =	ssyncadd.tile.s32 @!p0 $0x1;
	_ =	shalt  }
.Lfunc_end2:
_tile_overlayer_lowered:
.L_overlay_start_2:
0xe2: {  	(tag) =	ssettag $0x2  }
0xe3: {  	s0 =	rddreg [dreg:$0x0];
	s2 =	stileid.u32  }
0xe4: {  	s1 =	rddreg [dreg:$0x1];
	p0 =	sne.s32 s2, $0x0  }
0xe5: {  	s3 =	rddreg [dreg:$0x2];
	[bflag:$0x3] =	sbarrier.arrive $0xFFFF;
	s2 =	simm.s32 @!p0 $0x1C05  }
0xe6: {  	[timem:s3], [sflag:s2] =	dma.local @!p0 [hbm:s0], s1  }
0xe7: {  	s0 =	simm.s32 @!p0 $0x5  }
0xe8: {  	_ =	swait.ge @!p0 [sflag:s0], s1  }
0xe9: {  	s1 =	ssub.s32 @!p0 $0x0, s1;
	[sflag:s0] =	ssyncset.done @!p0 $0x0  }
0xea: {  	[sflag:s0] =	ssyncadd.s32 @!p0 s1  }
0xeb: {  	[bflag:$0x3] =	sbarrier.arrive $0xFFFF  }
0xec: {  	_ =	shalt  }

// kernel: kernel.19.cloned.1.call-start
scs
__scs_entry_jumppad:
0x0: {  	(pc) =	sbr.rel $0x88, $3  }
0x1: {  	(tag) =	ssettag $0x0;
	lr =	simm.s32 $0x1  }
0x2: {  	[smem:$0x3F9C] =	sst lr;
	_ =	strace $0xD0000000  }
0x3: {  	_ = 	snop  }
0x4: {  	_ = 	snop  }
0x5: {  	_ = 	snop  }
0x6: {  	_ = 	snop  }
0x7: {  	_ = 	snop  }
__scs_overlays_trampoline_lowered:
0x8: {  	[smem:$0x3FAB] =	sst s0  }
0x9: {  	[smem:$0x3FAC] =	sst s1  }
0xa: {  	[smem:$0x3FAD] =	sst s2  }
0xb: {  	[smem:$0x3FAE] =	sst s3  }
0xc: {  	[smem:$0x3FAF] =	sst s4  }
0xd: {  	[smem:$0x3FB0] =	sst s5  }
0xe: {  	[smem:$0x3FB1] =	sst s6  }
0xf: {  	[smem:$0x3FB2] =	sst s7  }
0x10: {  	[smem:$0x3FB3] =	sst s8  }
0x11: {  	[smem:$0x3FB4] =	sst s9;
	s0 =	simm.s32 @!p0 $0x0  }
0x12: {  	s1 =	sld [smem:$0x3F9A];
	s0 =	simm.s32 @p0 $0x1  }
0x13: {  	[smem:$0x3FB5] =	sst s0;
	s0 =	simm.s32 @!p1 $0x0  }
0x14: {  	s2 =	sld [smem:$0x3F99];
	s0 =	simm.s32 @p1 $0x1  }
0x15: {  	[smem:$0x3FB6] =	sst s0;
	s0 =	simm.s32 @!p2 $0x0  }
0x16: {  	s3 =	sld [smem:$0x3FDB];
	s0 =	simm.s32 @p2 $0x1  }
0x17: {  	s4 =	simm.s32 $0x1BF5;
	[smem:$0x3FB8] =	sst s0  }
0x18: {  	s0 =	sld [smem:$0x3F9B];
	_ =	swait.ge [sflag:s4], $0x0  }
0x19: {  	s7 =	sld [smem:$0x3F9C]  }
0x1a: {  	s8 =	sadd.s32 $0xFFFFE003, lr  }
0x1b: {  	s9 =	sadd.s32 $0xFFFFFEF7, lr;
	s5 =	simm.s32 $0xFFFFFFFF;
	p2 =	slt.u32 s8, $0xFFFFF086  }
0x1c: {  	p1 =	slt.u32 s9, $0xF7A;
	s5 =	simm.s32 @!p2 $0x0  }
0x1d: {  	s5 =	simm.s32 @p1 $0x1;
	p0 =	seq.s32 s7, s2  }
0x1e: {  	s7 =	smul.u32 @!p0 $0xF7A, s2;
	p2 =	seq.s32 @!p0 s5, $0x0  }
0x1f: {  	s9 =	smul.u32 $0xF7A, s1;
	s8 =	simm.s32 @!p0 $0x1BF5;
	p2 =	por !p2, p0  }
0x20: {  	[sflag:s8] =	ssyncset.s32 @!p0 $0xFFFFF086;
	s6 =	sadd.s32 @!p0 s3, s7;
	s7 =	simm.s32 @!p0 $0x108  }
0x21: {  	s3 =	sadd.s32 s3, s9;
	s6 =	sadd.s32 @!p0 $0x88, s6;
	s7 =	simm.s32 @p2 $0x1082  }
0x22: {  	[simem:s7], [sflag:s8] =	dma.local @!p0 [hbm:s6], $0xF7A  }
0x23: {  	s9 =	sor.u32 $0xD0000000, s2;
	s6 =	simm.s32 $0x108;
	_ =	swait.ge @!p0 [sflag:s8], $0x0  }
0x24: {  	s3 =	sadd.s32 $0x88, s3;
	s6 =	simm.s32 @!p1 $0x1082;
	[sflag:s4] =	ssyncset.s32 $0xFFFFF086  }
0x25: {  	[simem:s6], [sflag:s4] =	dma.local [hbm:s3], $0xF7A  }
0x26: {  	[smem:$0x3F9C] =	sst s1;
	(tag) =	ssettag s2;
	_ =	strace s9  }
0x27: {  	s1 =	sld [smem:$0x3FAC]  }
0x28: {  	s2 =	sld [smem:$0x3FAD]  }
0x29: {  	s4 =	sld [smem:$0x3FAF]  }
0x2a: {  	p0 =	seq.s32 s5, $0x0;
	s5 =	sld [smem:$0x3FB0]  }
0x2b: {  	s6 =	sld [smem:$0x3FB1]  }
0x2c: {  	s7 =	sld [smem:$0x3FB2]  }
0x2d: {  	s3 =	simm.s32 $0x108;
	s8 =	sld [smem:$0x3FB3]  }
0x2e: {  	s3 =	simm.s32 @!p0 $0x1082;
	s9 =	sld [smem:$0x3FB4]  }
0x2f: {  	lr =	sadd.s32 s0, s3;
	s0 =	sld [smem:$0x3FAB]  }
0x30: {  	s3 =	sld [smem:$0x3FAE]  }
0x31: {  	[smem:$0x3FB7] =	sst s10  }
0x32: {  	s10 =	sld [smem:$0x3FB5];
	_ =	sdelay $0x3  }
0x33: {  	p0 =	seq.s32 s10, $0x1;
	s10 =	sld [smem:$0x3FB7];
	_ =	sdelay $0x3  }
0x34: {  	[smem:$0x3FB7] =	sst s10  }
0x35: {  	s10 =	sld [smem:$0x3FB6];
	_ =	sdelay $0x3  }
0x36: {  	p1 =	seq.s32 s10, $0x1;
	s10 =	sld [smem:$0x3FB7];
	_ =	sdelay $0x3  }
0x37: {  	[smem:$0x3FB7] =	sst s10  }
0x38: {  	s10 =	sld [smem:$0x3FB8]  }
0x39: {  	_ = 	snop;
	(pc) =	sbr.ind lr, $3  }
0x3a: {  	_ = 	snop  }
0x3b: {  	_ = 	snop  }
0x3c: {  	p2 =	seq.s32 s10, $0x1;
	s10 =	sld [smem:$0x3FB7]  }
0x3d: {  	_ =	shalt  }
0x3e: {  	_ =	shalt  }
0x3f: {  	_ =	shalt  }
0x40: {  	_ =	shalt  }
0x41: {  	_ =	shalt  }
0x42: {  	_ =	shalt  }
0x43: {  	_ =	shalt  }
0x44: {  	_ =	shalt  }
0x45: {  	_ =	shalt  }
0x46: {  	_ =	shalt  }
0x47: {  	_ =	shalt  }
0x48: {  	_ =	shalt  }
0x49: {  	_ =	shalt  }
0x4a: {  	_ =	shalt  }
0x4b: {  	_ =	shalt  }
0x4c: {  	_ =	shalt  }
0x4d: {  	_ =	shalt  }
0x4e: {  	_ =	shalt  }
0x4f: {  	_ =	shalt  }
0x50: {  	_ =	shalt  }
0x51: {  	_ =	shalt  }
0x52: {  	_ =	shalt  }
0x53: {  	_ =	shalt  }
0x54: {  	_ =	shalt  }
0x55: {  	_ =	shalt  }
0x56: {  	_ =	shalt  }
0x57: {  	_ =	shalt  }
0x58: {  	_ =	shalt  }
0x59: {  	_ =	shalt  }
0x5a: {  	_ =	shalt  }
0x5b: {  	_ =	shalt  }
0x5c: {  	_ =	shalt  }
0x5d: {  	_ =	shalt  }
0x5e: {  	_ =	shalt  }
0x5f: {  	_ =	shalt  }
0x60: {  	_ =	shalt  }
0x61: {  	_ =	shalt  }
0x62: {  	_ =	shalt  }
0x63: {  	_ =	shalt  }
0x64: {  	_ =	shalt  }
0x65: {  	_ =	shalt  }
0x66: {  	_ =	shalt  }
0x67: {  	_ =	shalt  }
0x68: {  	_ =	shalt  }
0x69: {  	_ =	shalt  }
0x6a: {  	_ =	shalt  }
0x6b: {  	_ =	shalt  }
0x6c: {  	_ =	shalt  }
0x6d: {  	_ =	shalt  }
0x6e: {  	_ =	shalt  }
0x6f: {  	_ =	shalt  }
0x70: {  	_ =	shalt  }
0x71: {  	_ =	shalt  }
0x72: {  	_ =	shalt  }
0x73: {  	_ =	shalt  }
0x74: {  	_ =	shalt  }
0x75: {  	_ =	shalt  }
0x76: {  	_ =	shalt  }
0x77: {  	_ =	shalt  }
0x78: {  	_ =	shalt  }
0x79: {  	_ =	shalt  }
0x7a: {  	_ =	shalt  }
0x7b: {  	_ =	shalt  }
0x7c: {  	_ =	shalt  }
0x7d: {  	_ =	shalt  }
0x7e: {  	_ =	shalt  }
0x7f: {  	_ =	shalt  }
0x80: {  	_ =	shalt  }
0x81: {  	_ =	shalt  }
0x82: {  	_ =	shalt  }
0x83: {  	_ =	shalt  }
0x84: {  	_ =	shalt  }
0x85: {  	_ =	shalt  }
0x86: {  	_ =	shalt  }
0x87: {  	_ =	shalt  }
.Lfunc_end0:
.L_simem_size_0:
called_computation.4_lowered:
.L_overlay_start_0:
0x88: {  	s2 =	sld [smem:$0x3FD9]  }
0x89: {  	s3 =	sld [smem:$0x3FFE];
	_ =	sdelay $0x1  }
0x8a: {  	s1 =	srdreg.scid  }
0x8b: {  	s0 =	sand.u32 $0x1, s1  }
0x8c: {  	s17 =	sshll.u32 s0, $0xA;
	s2 =	sadd.s32 s3, s2  }
0x8d: {  	s2 =	sadd.s32 s2, s17  }
0x8e: {  	[smem:$0x3FC3] =	sst s2  }
0x8f: {  	_ = 	snop  }
0x90: {  	s18 =	sld [smem:$0x3FD0];
	(tm) =	ssettm $0x1  }
0x91: {  	s19 =	sld [smem:$0x3FFB];
	_ =	sdelay $0x3  }
0x92: {  	_ =	strace s19  }
0x93: {  	s2 =	sld [smem:$0x3FFC];
	_ =	sdelay $0x3  }
0x94: {  	_ =	strace s2  }
0x95: {  	s2 =	sld [smem:$0x3FFD];
	_ =	sdelay $0x3  }
0x96: {  	_ =	strace s2  }
0x97: {  	_ =	strace $0x8FFFFFFF  }
0x98: {  	s20 =	sld [smem:$0x3FDB];
	_ =	sdelay $0x1  }
0x99: {  	s4 =	simm.s32 $_scs_section_size  }
0x9a: {  	s5 =	simm.s32 $_size__tile_overlayer_lowered;
	s6 =	simm.s32 $_tile_overlayer_lowered  }
0x9b: {  	s7 =	simm.s32 $0x1BFF;
	s21 =	sshll.u32 s6, $0x1;
	s4 =	sadd.s32 s4, s20  }
0x9c: {  	s22 =	simm.s32 $0x0;
	s5 =	sshll.u32 s5, $0x1;
	s6 =	sadd.s32 s21, s4  }
0x9d: {  	[timem:s22], [sflag:s7] =	dma.local [hbm:s6], s5  }
0x9e: {  	_ =	swait.ge [sflag:s7], s5  }
0x9f: {  	s5 =	ssub.s32 $0x0, s5;
	[sflag:s7] =	ssyncset.done $0x0  }
0xa0: {  	[sflag:s7] =	ssyncadd.s32 s5;
	_ =	sdelay $0x1  }
0xa1: {  	s23 =	simm.s32 $0x1B8B  }
0xa2: {  	_ =	swait.ge [sflag:s23], $0x1  }
0xa3: {  	[sflag:s23] =	ssyncset.done $0x0  }
0xa4: {  	[sflag:s23] =	ssyncadd.s32 $0xFFFFFFFF  }
0xa5: {  	s5 =	sld [smem:$0x0]  }
0xa6: {  	s6 =	sand.u32 $0xFFFFFFFE, s1  }
0xa7: {  	p0 =	sne.s32 s1, s6  }
0xa8: {  	s6 =	sshll.u32 @p0 s6, $0xE  }
0xa9: {  	s6 =	sadd.s32 @p0 $0x11B8D, s6;
	s7 =	sshll.u32 @p0 s5, $0x11  }
0xaa: {  	s6 =	sor.u32 @p0 s7, s6  }
0xab: {  	[sflag:s6] =	ssyncadd.remote.s32 @p0 $0x1;
	_ =	sdelay $0x1  }
0xac: {  	s6 =	simm.s32 @p0 $0x1B8D  }
0xad: {  	_ =	swait.eq @p0 [sflag:s6], $0x1  }
0xae: {  	[sflag:s6] =	ssyncadd.s32 @p0 $0xFFFFFFFF  }
0xaf: {  	s7 =	sshll.u32 @!p0 s1, $0xE  }
0xb0: {  	s7 =	sor.u32 @!p0 $0x4000, s7;
	s6 =	simm.s32 @!p0 $0x1B8D  }
0xb1: {  	s5 =	sshll.u32 @!p0 s5, $0x11;
	s7 =	sadd.s32 @!p0 $0x11B8D, s7;
	_ =	swait.eq @!p0 [sflag:s6], $0x1  }
0xb2: {  	s5 =	sor.u32 @!p0 s5, s7;
	[sflag:s6] =	ssyncadd.s32 @!p0 $0xFFFFFFFF  }
0xb3: {  	s25 =	simm.s32 $0x1B8E;
	s24 =	sld [smem:$0x3FFE];
	[sflag:s5] =	ssyncadd.remote.s32 @!p0 $0x1  }
0xb4: {  	s26 =	simm.s32 $execute0_lowered;
	[smem:$0x3FD2] =	sst s25  }
0xb5: {  	s6 =	sshll.u32 s26, $0x1;
	_ =	strace $0x8000004F;
	[dreg:$0x1] =	wrdreg $0xFFFFFFFF  }
0xb6: {  	s28 =	simm.s32 $_size_execute0_lowered;
	s4 =	sadd.s32 s4, s6;
	[dreg:$0x0] =	wrdreg $0x0  }
0xb7: {  	s6 =	sshll.u32 s28, $0x1;
	[dreg:$0x2] =	wrdreg s4  }
0xb8: {  	[dreg:$0x3] =	wrdreg s6  }
0xb9: {  	[dreg:$0x4] =	wrdreg $0xC0  }
0xba: {  	_ =	task [dreg:s22], $0x5FFFF  }
0xbb: {  	[dreg:$0x1] =	wrdreg $0xFFFFFFFF  }
0xbc: {  	[dreg:$0x0] =	wrdreg $0x60  }
0xbd: {  	[dreg:$0x2] =	wrdreg s24  }
0xbe: {  	[dreg:$0x3] =	wrdreg s18  }
0xbf: {  	[dreg:$0x4] =	wrdreg $0xC  }
0xc0: {  	_ =	task.clear_ibuf [dreg:s22], $0x5FFFF;
	_ =	strace $0x9000004F  }
0xc1: {  	s29 =	simm.s32 $0xC;
	_ =	strace $0x80000051  }
0xc2: {  	_ =	swait.ge [sflag:s29], $0x1  }
0xc3: {  	[sflag:s29] =	ssyncadd.s32 $0xFFFFFFFF  }
0xc4: {  	_ =	strace $0x90000051  }
0xc5: {  	_ =	sfence  }
0xc6: {  	s30 =	sld [smem:$0x0];
	_ =	sdelay $0x2  }
0xc7: {  	s31 =	sshll.u32 s1, $0xD;
	s1 =	sshrl.u32 s1, $0x2  }
0xc8: {  	s4 =	sand.u32 $0x4000, s31;
	s1 =	sadd.s32 s1, s30  }
0xc9: {  	s0 =	sor.u32 s4, s0;
	s1 =	sshll.u32 s1, $0x11  }
0xca: {  	s0 =	sor.u32 s1, s0  }
0xcb: {  	s0 =	sadd.s32 $0x8F2B, s0  }
0xcc: {  	[sflag:s0] =	ssyncadd.remote.s32 $0x1  }
0xcd: {  	_ =	sfence.sel $0xFFFF  }
0xce: {  	[dreg:$0x0] =	wrdreg $0xFFFFFFFF;
	(pc) =	sbr.abs _section_cstart, $3  }
0xcf: {  	[dreg:$0x1] =	wrdreg $0xFFFFFFFF  }
0xd0: {  	_ =	task.clear_ibuf [dreg:s22], $0x2FFFF;
	_ =	strace $0x9FFFFFFF  }
0xd1: {  	(tm) =	ssettm $0x7FFFFFFF  }
tec
execute0_lowered:
.L_overlay_start_1:
0x0: {  	(tag) =	ssettag $0x1  }
0x1: {  	s1 =	srdreg.scid;
	s5 =	rddreg [dreg:$0x0]  }
0x2: {  	s0 =	stileid.u32;
	s2 =	rddreg [dreg:$0x1]  }
0x3: {  	s11 =	simm.s32 $0x50;
	s12 =	simm.s32 $0x2D00;
	s13 =	simm.s32 $0x78  }
0x4: {  	s14 =	simm.s32 $0x3700;
	s15 =	simm.s32 $0xA0;
	s16 =	simm.s32 $0x4100  }
0x5: {  	s18 =	simm.s32 $0x5500;
	s17 =	simm.s32 $0x1;
	s19 =	simm.s32 $0x5F00  }
0x6: {  	s31 =	simm.s32 $0x6900;
	s20 =	simm.s32 $0x2;
	s21 =	simm.s32 $0x3  }
0x7: {  	s22 =	simm.s32 $0x4;
	s23 =	simm.s32 $0x0;
	s4 =	sand.u32 $0x1, s1  }
0x8: {  	s26 =	sshll.u32 s0, $0x6;
	s7 =	smul.u32 $0x19000, s0;
	s3 =	sshll.u32 s4, $0x5  }
0x9: {  	s8 =	ssub.s32 $0x2, s4;
	s10 =	smul.u32 $0xC800, s4;
	s6 =	sor.u32 s3, s26  }
0xa: {  	s3 =	simm.s32 $0x0;
	s9 =	sshrl.u32 s8, $0x1;
	s29 =	sadd.s32 s7, s5  }
0xb: {  	s7 =	simm.s32 $0x5;
	s6 =	smul.u32 $0x19, s6;
	[smem:$0x7FF] =	sst s3  }
0xc: {  	s30 =	ssub.s32 s8, s9;
	_ =	strace $0x80000050;
	[dreg:$0x3] =	wrdreg s18  }
0xd: {  	s8 =	simm.s32 $0x28;
	s9 =	simm.s32 $0x1900;
	[dreg:$0x4] =	wrdreg s19  }
0xe: {  	s18 =	simm.s32 $0x4B00;
	[dreg:$0x5] =	wrdreg s31;
	s19 =	simm.s32 $0x7300  }
0xf: {  	s28 =	sadd.s32 s6, s5;
	s5 =	smax.u32 s30, $0x1;
	s6 =	sadd.s32 s10, s29  }
0x10: {  	s10 =	simm.s32 $0x2300;
	s4 =	sadd.s32 $0xF600, s28;
	s6 =	sadd.s32 $0x4CBE00, s6  }
.LBB2_1:
0x11: {  	[tilespmem:s3], [sflag:$0x5] =	stream.linear.gather [hbm4b:s4+s3], $0x1900, $0x38;
	[tilespmem:$0x7D00] =	vst v63  }
0x12: {  	_ =	swait.ge [sflag:s7], $0x1900  }
0x13: {  	[sflag:s7] =	ssyncset.done $0x0  }
0x14: {  	[sflag:s7] =	ssyncadd.s32 $0xFFFFE700  }
0x15: {  	[tilespmem:s9], [sflag:$0x1] =	stream.indirect.gather [hbm4b:s2+s8], $0x40, s3, s8, $0xb8;
	[tilespmem:$0x7D00] =	vst v63  }
0x16: {  	_ = 	snop  }
0x17: {  	[tilespmem:s10], [sflag:$0x1] =	stream.indirect.gather [hbm4b:s2+s8], $0x40, s8, s8, $0xb8;
	[tilespmem:$0x7D00] =	vst v63  }
0x18: {  	_ = 	snop  }
0x19: {  	[tilespmem:s12], [sflag:$0x1] =	stream.indirect.gather [hbm4b:s2+s8], $0x40, s11, s8, $0xb8;
	[tilespmem:$0x7D00] =	vst v63  }
0x1a: {  	_ = 	snop  }
0x1b: {  	[tilespmem:s14], [sflag:$0x1] =	stream.indirect.gather [hbm4b:s2+s8], $0x40, s13, s8, $0xb8;
	[tilespmem:$0x7D00] =	vst v63  }
0x1c: {  	_ = 	snop  }
0x1d: {  	[tilespmem:s16], [sflag:$0x1] =	stream.indirect.gather [hbm4b:s2+s8], $0x40, s15, s8, $0xb8;
	[tilespmem:$0x7D00] =	vst v63  }
0x1e: {  	_ =	swait.ge [sflag:s17], $0xA00  }
0x1f: {  	[sflag:s17] =	ssyncset.done $0x0  }
0x20: {  	[sflag:s17] =	ssyncadd.s32 $0xFFFFF600  }
0x21: {  	_ =	swait.ge [sflag:s17], $0xA00  }
0x22: {  	[sflag:s17] =	ssyncset.done $0x0  }
0x23: {  	[sflag:s17] =	ssyncadd.s32 $0xFFFFF600  }
0x24: {  	_ =	swait.ge [sflag:s17], $0xA00  }
0x25: {  	[sflag:s17] =	ssyncset.done $0x0  }
0x26: {  	[sflag:s17] =	ssyncadd.s32 $0xFFFFF600  }
0x27: {  	_ =	swait.ge [sflag:s17], $0xA00  }
0x28: {  	[sflag:s17] =	ssyncset.done $0x0  }
0x29: {  	[sflag:s17] =	ssyncadd.s32 $0xFFFFF600  }
0x2a: {  	_ =	swait.ge [sflag:s17], $0xA00  }
0x2b: {  	[sflag:s17] =	ssyncset.done $0x0  }
0x2c: {  	s25 =	simm.s32 $0xC8;
	[sflag:s17] =	ssyncadd.s32 $0xFFFFF600  }
0x2d: {  	[tilespmem:s18], [sflag:$0x2] =	stream.indirect.gather [hbm4b:s2+s8], $0x40, s25, s8, $0xb8;
	[tilespmem:$0x7D00] =	vst v63  }
0x2e: {  	s1 =	simm.s32 $0xF0;
	s24 =	rddreg [dreg:$0x3]  }
0x2f: {  	[tilespmem:s24], [sflag:$0x2] =	stream.indirect.gather [hbm4b:s2+s8], $0x40, s1, s8, $0xb8;
	[tilespmem:$0x7D00] =	vst v63  }
0x30: {  	s26 =	rddreg [dreg:$0x4];
	s25 =	simm.s32 $0x118  }
0x31: {  	[tilespmem:s26], [sflag:$0x2] =	stream.indirect.gather [hbm4b:s2+s8], $0x40, s25, s8, $0xb8;
	[tilespmem:$0x7D00] =	vst v63  }
0x32: {  	s28 =	rddreg [dreg:$0x5];
	s1 =	simm.s32 $0x140  }
0x33: {  	[tilespmem:s28], [sflag:$0x2] =	stream.indirect.gather [hbm4b:s2+s8], $0x40, s1, s8, $0xb8;
	[tilespmem:$0x7D00] =	vst v63  }
0x34: {  	s25 =	simm.s32 $0x168  }
0x35: {  	[tilespmem:s19], [sflag:$0x2] =	stream.indirect.gather [hbm4b:s2+s8], $0x40, s25, s8, $0xb8;
	[tilespmem:$0x7D00] =	vst v63  }
0x36: {  	_ = 	snop  }
0x37: {  	[hbm4b:s6+s3] =	stream.linear.scatter [tilespmem:s9], [sflag:$0x3], $0x3200, $0x38;
	[tilespmem:$0x7D00] =	vst v63  }
0x38: {  	_ =	swait.ge [sflag:s20], $0xA00  }
0x39: {  	[sflag:s20] =	ssyncset.done $0x0  }
0x3a: {  	[sflag:s20] =	ssyncadd.s32 $0xFFFFF600  }
0x3b: {  	_ =	swait.ge [sflag:s20], $0xA00  }
0x3c: {  	[sflag:s20] =	ssyncset.done $0x0  }
0x3d: {  	[sflag:s20] =	ssyncadd.s32 $0xFFFFF600  }
0x3e: {  	_ =	swait.ge [sflag:s20], $0xA00  }
0x3f: {  	[sflag:s20] =	ssyncset.done $0x0  }
0x40: {  	[sflag:s20] =	ssyncadd.s32 $0xFFFFF600  }
0x41: {  	_ =	swait.ge [sflag:s20], $0xA00  }
0x42: {  	[sflag:s20] =	ssyncset.done $0x0  }
0x43: {  	[sflag:s20] =	ssyncadd.s32 $0xFFFFF600  }
0x44: {  	_ =	swait.ge [sflag:s20], $0xA00  }
0x45: {  	[sflag:s20] =	ssyncset.done $0x0  }
0x46: {  	s26 =	sand.u32 $0x1E, s20;
	[sflag:s20] =	ssyncadd.s32 $0xFFFFF600  }
0x47: {  	s24 =	smul.u32 $0x320, s26;
	_ =	swait.ge [sflag:s21], $0x3200  }
0x48: {  	[sflag:s21] =	ssyncset.done $0x0  }
0x49: {  	s24 =	sshrl.u32 s24, $0x2;
	[sflag:s21] =	ssyncadd.s32 $0xFFFFCE00  }
0x4a: {  	[tilespmem:s9], [sflag:$0x1] =	stream.indirect.gather [hbm4b:s2+s8], $0x40, s24, s8, $0xb8;
	[tilespmem:$0x7D00] =	vst v63  }
0x4b: {  	s28 =	sadd.s32 $0x28, s24  }
0x4c: {  	[tilespmem:s10], [sflag:$0x1] =	stream.indirect.gather [hbm4b:s2+s8], $0x40, s28, s8, $0xb8;
	[tilespmem:$0x7D00] =	vst v63  }
0x4d: {  	s1 =	sadd.s32 $0x50, s24  }
0x4e: {  	[tilespmem:s12], [sflag:$0x1] =	stream.indirect.gather [hbm4b:s2+s8], $0x40, s1, s8, $0xb8;
	[tilespmem:$0x7D00] =	vst v63  }
0x4f: {  	s26 =	sadd.s32 $0x78, s24  }
0x50: {  	[tilespmem:s14], [sflag:$0x1] =	stream.indirect.gather [hbm4b:s2+s8], $0x40, s26, s8, $0xb8;
	[tilespmem:$0x7D00] =	vst v63  }
0x51: {  	s24 =	sadd.s32 $0xA0, s24  }
0x52: {  	[tilespmem:s16], [sflag:$0x1] =	stream.indirect.gather [hbm4b:s2+s8], $0x40, s24, s8, $0xb8;
	[tilespmem:$0x7D00] =	vst v63  }
0x53: {  	s28 =	sadd.s32 $0x640, s6  }
0x54: {  	[hbm4b:s28+s3] =	stream.linear.scatter [tilespmem:s18], [sflag:$0x4], $0x3200, $0x38;
	[tilespmem:$0x7D00] =	vst v63  }
0x55: {  	_ =	swait.ge [sflag:s17], $0xA00  }
0x56: {  	[sflag:s17] =	ssyncset.done $0x0  }
0x57: {  	[sflag:s17] =	ssyncadd.s32 $0xFFFFF600  }
0x58: {  	_ =	swait.ge [sflag:s17], $0xA00  }
0x59: {  	[sflag:s17] =	ssyncset.done $0x0  }
0x5a: {  	[sflag:s17] =	ssyncadd.s32 $0xFFFFF600  }
0x5b: {  	_ =	swait.ge [sflag:s17], $0xA00  }
0x5c: {  	[sflag:s17] =	ssyncset.done $0x0  }
0x5d: {  	[sflag:s17] =	ssyncadd.s32 $0xFFFFF600  }
0x5e: {  	_ =	swait.ge [sflag:s17], $0xA00  }
0x5f: {  	[sflag:s17] =	ssyncset.done $0x0  }
0x60: {  	[sflag:s17] =	ssyncadd.s32 $0xFFFFF600  }
0x61: {  	_ =	swait.ge [sflag:s17], $0xA00  }
0x62: {  	[sflag:s17] =	ssyncset.done $0x0  }
0x63: {  	s31 =	simm.s32 $0xC80;
	[sflag:s17] =	ssyncadd.s32 $0xFFFFF600  }
0x64: {  	s29 =	simm.s32 $0x190;
	s25 =	simm.s32 $0x4;
	_ =	swait.ge [sflag:s22], $0x3200  }
0x65: {  	s24 =	sadd.s32 $0xC80, s6;
	s30 =	rddreg [dreg:$0x3];
	[sflag:s22] =	ssyncset.done $0x0  }
.LBB2_2:
0x66: {  	s1 =	sadd.s32 $0xC8, s29;
	[sflag:s22] =	ssyncadd.s32 $0xFFFFCE00  }
0x67: {  	[tilespmem:s18], [sflag:$0x2] =	stream.indirect.gather [hbm4b:s2+s8], $0x40, s1, s8, $0xb8;
	[tilespmem:$0x7D00] =	vst v63  }
0x68: {  	s28 =	smov.u32 s31;
	s26 =	sadd.s32 $0x640, s31;
	s1 =	sadd.s32 $0xF0, s29  }
0x69: {  	[tilespmem:s30], [sflag:$0x2] =	stream.indirect.gather [hbm4b:s2+s8], $0x40, s1, s8, $0xb8;
	[tilespmem:$0x7D00] =	vst v63  }
0x6a: {  	p0 =	sne.s32 s31, $0x5DC0;
	s31 =	rddreg [dreg:$0x4];
	s1 =	sadd.s32 $0x118, s29  }
0x6b: {  	[tilespmem:s31], [sflag:$0x2] =	stream.indirect.gather [hbm4b:s2+s8], $0x40, s1, s8, $0xb8;
	[tilespmem:$0x7D00] =	vst v63  }
0x6c: {  	s30 =	rddreg [dreg:$0x5];
	s1 =	sadd.s32 $0x140, s29  }
0x6d: {  	[tilespmem:s30], [sflag:$0x2] =	stream.indirect.gather [hbm4b:s2+s8], $0x40, s1, s8, $0xb8;
	[tilespmem:$0x7D00] =	vst v63  }
0x6e: {  	s1 =	sadd.s32 $0x168, s29  }
0x6f: {  	[tilespmem:s19], [sflag:$0x2] =	stream.indirect.gather [hbm4b:s2+s8], $0x40, s1, s8, $0xb8;
	[tilespmem:$0x7D00] =	vst v63  }
0x70: {  	_ = 	snop  }
0x71: {  	[hbm4b:s24+s3] =	stream.linear.scatter [tilespmem:s9], [sflag:$0x3], $0x3200, $0x38;
	[tilespmem:$0x7D00] =	vst v63  }
0x72: {  	_ =	swait.ge [sflag:s20], $0xA00  }
0x73: {  	[sflag:s20] =	ssyncset.done $0x0  }
0x74: {  	[sflag:s20] =	ssyncadd.s32 $0xFFFFF600  }
0x75: {  	_ =	swait.ge [sflag:s20], $0xA00  }
0x76: {  	[sflag:s20] =	ssyncset.done $0x0  }
0x77: {  	[sflag:s20] =	ssyncadd.s32 $0xFFFFF600  }
0x78: {  	_ =	swait.ge [sflag:s20], $0xA00  }
0x79: {  	[sflag:s20] =	ssyncset.done $0x0  }
0x7a: {  	[sflag:s20] =	ssyncadd.s32 $0xFFFFF600  }
0x7b: {  	_ =	swait.ge [sflag:s20], $0xA00  }
0x7c: {  	[sflag:s20] =	ssyncset.done $0x0  }
0x7d: {  	[sflag:s20] =	ssyncadd.s32 $0xFFFFF600  }
0x7e: {  	_ =	swait.ge [sflag:s20], $0xA00  }
0x7f: {  	[sflag:s20] =	ssyncset.done $0x0  }
0x80: {  	s1 =	sand.u32 $0x1E, s25;
	[sflag:s20] =	ssyncadd.s32 $0xFFFFF600  }
0x81: {  	s1 =	smul.u32 $0x320, s1;
	_ =	swait.ge [sflag:s21], $0x3200  }
0x82: {  	[sflag:s21] =	ssyncset.done $0x0  }
0x83: {  	s1 =	sshrl.u32 s1, $0x2;
	[sflag:s21] =	ssyncadd.s32 $0xFFFFCE00  }
0x84: {  	[tilespmem:s9], [sflag:$0x1] =	stream.indirect.gather [hbm4b:s2+s8], $0x40, s1, s8, $0xb8;
	[tilespmem:$0x7D00] =	vst v63  }
0x85: {  	s29 =	sadd.s32 $0x28, s1  }
0x86: {  	[tilespmem:s10], [sflag:$0x1] =	stream.indirect.gather [hbm4b:s2+s8], $0x40, s29, s8, $0xb8;
	[tilespmem:$0x7D00] =	vst v63  }
0x87: {  	s29 =	sadd.s32 $0x50, s1  }
0x88: {  	[tilespmem:s12], [sflag:$0x1] =	stream.indirect.gather [hbm4b:s2+s8], $0x40, s29, s8, $0xb8;
	[tilespmem:$0x7D00] =	vst v63  }
0x89: {  	s29 =	sadd.s32 $0x78, s1  }
0x8a: {  	[tilespmem:s14], [sflag:$0x1] =	stream.indirect.gather [hbm4b:s2+s8], $0x40, s29, s8, $0xb8;
	[tilespmem:$0x7D00] =	vst v63  }
0x8b: {  	s1 =	sadd.s32 $0xA0, s1  }
0x8c: {  	[tilespmem:s16], [sflag:$0x1] =	stream.indirect.gather [hbm4b:s2+s8], $0x40, s1, s8, $0xb8;
	[tilespmem:$0x7D00] =	vst v63  }
0x8d: {  	s1 =	sadd.s32 $0x640, s24  }
0x8e: {  	[hbm4b:s1+s3] =	stream.linear.scatter [tilespmem:s18], [sflag:$0x4], $0x3200, $0x38;
	[tilespmem:$0x7D00] =	vst v63  }
0x8f: {  	_ =	swait.ge [sflag:s17], $0xA00  }
0x90: {  	[sflag:s17] =	ssyncset.done $0x0  }
0x91: {  	[sflag:s17] =	ssyncadd.s32 $0xFFFFF600  }
0x92: {  	_ =	swait.ge [sflag:s17], $0xA00  }
0x93: {  	[sflag:s17] =	ssyncset.done $0x0  }
0x94: {  	[sflag:s17] =	ssyncadd.s32 $0xFFFFF600  }
0x95: {  	_ =	swait.ge [sflag:s17], $0xA00  }
0x96: {  	[sflag:s17] =	ssyncset.done $0x0  }
0x97: {  	[sflag:s17] =	ssyncadd.s32 $0xFFFFF600  }
0x98: {  	_ =	swait.ge [sflag:s17], $0xA00  }
0x99: {  	[sflag:s17] =	ssyncset.done $0x0  }
0x9a: {  	[sflag:s17] =	ssyncadd.s32 $0xFFFFF600  }
.Ltmp0:
0x9b: {  	_ =	swait.ge [sflag:s17], $0xA00;
	(pc) =	sbr.rel @p0 .LBB2_2-.Ltmp0, $4  }
0x9c: {  	[sflag:s17] =	ssyncset.done $0x0  }
0x9d: {  	s31 =	smov.u32 s26;
	[sflag:s17] =	ssyncadd.s32 $0xFFFFF600  }
0x9e: {  	s25 =	sadd.s32 $0x2, s25;
	s29 =	sshra.s32 s28, $0x2;
	_ =	swait.ge [sflag:s22], $0x3200  }
0x9f: {  	s24 =	sadd.s32 $0xC80, s24;
	s30 =	rddreg [dreg:$0x3];
	[sflag:s22] =	ssyncset.done $0x0  }
0xa0: {  	s1 =	sadd.s32 $0xC8, s29;
	[sflag:s22] =	ssyncadd.s32 $0xFFFFCE00  }
0xa1: {  	[tilespmem:s18], [sflag:$0x2] =	stream.indirect.gather [hbm4b:s2+s8], $0x40, s1, s8, $0xb8;
	[tilespmem:$0x7D00] =	vst v63  }
0xa2: {  	s28 =	sadd.s32 $0xF0, s29  }
0xa3: {  	[tilespmem:s30], [sflag:$0x2] =	stream.indirect.gather [hbm4b:s2+s8], $0x40, s28, s8, $0xb8;
	[tilespmem:$0x7D00] =	vst v63  }
0xa4: {  	s26 =	rddreg [dreg:$0x4];
	s31 =	sadd.s32 $0x118, s29  }
0xa5: {  	[tilespmem:s26], [sflag:$0x2] =	stream.indirect.gather [hbm4b:s2+s8], $0x40, s31, s8, $0xb8;
	[tilespmem:$0x7D00] =	vst v63  }
0xa6: {  	s28 =	rddreg [dreg:$0x5];
	s30 =	sadd.s32 $0x140, s29  }
0xa7: {  	[tilespmem:s28], [sflag:$0x2] =	stream.indirect.gather [hbm4b:s2+s8], $0x40, s30, s8, $0xb8;
	[tilespmem:$0x7D00] =	vst v63  }
0xa8: {  	s31 =	sadd.s32 $0x168, s29  }
0xa9: {  	[tilespmem:s19], [sflag:$0x2] =	stream.indirect.gather [hbm4b:s2+s8], $0x40, s31, s8, $0xb8;
	[tilespmem:$0x7D00] =	vst v63  }
0xaa: {  	_ = 	snop  }
0xab: {  	[hbm4b:s24+s3] =	stream.linear.scatter [tilespmem:s9], [sflag:$0x3], $0x3200, $0x38;
	[tilespmem:$0x7D00] =	vst v63  }
0xac: {  	_ =	swait.ge [sflag:s20], $0xA00  }
0xad: {  	[sflag:s20] =	ssyncset.done $0x0  }
0xae: {  	[sflag:s20] =	ssyncadd.s32 $0xFFFFF600  }
0xaf: {  	_ =	swait.ge [sflag:s20], $0xA00  }
0xb0: {  	[sflag:s20] =	ssyncset.done $0x0  }
0xb1: {  	[sflag:s20] =	ssyncadd.s32 $0xFFFFF600  }
0xb2: {  	_ =	swait.ge [sflag:s20], $0xA00  }
0xb3: {  	[sflag:s20] =	ssyncset.done $0x0  }
0xb4: {  	[sflag:s20] =	ssyncadd.s32 $0xFFFFF600  }
0xb5: {  	_ =	swait.ge [sflag:s20], $0xA00  }
0xb6: {  	[sflag:s20] =	ssyncset.done $0x0  }
0xb7: {  	[sflag:s20] =	ssyncadd.s32 $0xFFFFF600  }
0xb8: {  	_ =	swait.ge [sflag:s20], $0xA00  }
0xb9: {  	[sflag:s20] =	ssyncset.done $0x0  }
0xba: {  	s26 =	sand.u32 $0x1E, s25;
	[sflag:s20] =	ssyncadd.s32 $0xFFFFF600  }
0xbb: {  	s1 =	smul.u32 $0x320, s26;
	_ =	swait.ge [sflag:s21], $0x3200  }
0xbc: {  	[sflag:s21] =	ssyncset.done $0x0  }
0xbd: {  	s1 =	sshrl.u32 s1, $0x2;
	[sflag:s21] =	ssyncadd.s32 $0xFFFFCE00  }
0xbe: {  	[tilespmem:s9], [sflag:$0x1] =	stream.indirect.gather [hbm4b:s2+s8], $0x40, s1, s8, $0xb8;
	[tilespmem:$0x7D00] =	vst v63  }
0xbf: {  	s28 =	sadd.s32 $0x28, s1  }
0xc0: {  	[tilespmem:s10], [sflag:$0x1] =	stream.indirect.gather [hbm4b:s2+s8], $0x40, s28, s8, $0xb8;
	[tilespmem:$0x7D00] =	vst v63  }
0xc1: {  	s29 =	sadd.s32 $0x50, s1  }
0xc2: {  	[tilespmem:s12], [sflag:$0x1] =	stream.indirect.gather [hbm4b:s2+s8], $0x40, s29, s8, $0xb8;
	[tilespmem:$0x7D00] =	vst v63  }
0xc3: {  	s30 =	sadd.s32 $0x78, s1  }
0xc4: {  	[tilespmem:s14], [sflag:$0x1] =	stream.indirect.gather [hbm4b:s2+s8], $0x40, s30, s8, $0xb8;
	[tilespmem:$0x7D00] =	vst v63  }
0xc5: {  	s1 =	sadd.s32 $0xA0, s1  }
0xc6: {  	[tilespmem:s16], [sflag:$0x1] =	stream.indirect.gather [hbm4b:s2+s8], $0x40, s1, s8, $0xb8;
	[tilespmem:$0x7D00] =	vst v63  }
0xc7: {  	s31 =	sadd.s32 $0x640, s24  }
0xc8: {  	[hbm4b:s31+s3] =	stream.linear.scatter [tilespmem:s18], [sflag:$0x4], $0x3200, $0x38;
	[tilespmem:$0x7D00] =	vst v63  }
0xc9: {  	_ =	swait.ge [sflag:s17], $0xA00  }
0xca: {  	[sflag:s17] =	ssyncset.done $0x0  }
0xcb: {  	[sflag:s17] =	ssyncadd.s32 $0xFFFFF600  }
0xcc: {  	_ =	swait.ge [sflag:s17], $0xA00  }
0xcd: {  	[sflag:s17] =	ssyncset.done $0x0  }
0xce: {  	[sflag:s17] =	ssyncadd.s32 $0xFFFFF600  }
0xcf: {  	_ =	swait.ge [sflag:s17], $0xA00  }
0xd0: {  	[sflag:s17] =	ssyncset.done $0x0  }
0xd1: {  	[sflag:s17] =	ssyncadd.s32 $0xFFFFF600  }
0xd2: {  	_ =	swait.ge [sflag:s17], $0xA00  }
0xd3: {  	[sflag:s17] =	ssyncset.done $0x0  }
0xd4: {  	s23 =	sadd.s32 $0x1, s23;
	[sflag:s17] =	ssyncadd.s32 $0xFFFFF600  }
0xd5: {  	p0 =	sne.s32 s23, s5;
	_ =	swait.ge [sflag:s17], $0xA00  }
.Ltmp1:
0xd6: {  	[sflag:s17] =	ssyncset.done $0x0;
	(pc) =	sbr.rel @p0 .LBB2_1-.Ltmp1, $4  }
0xd7: {  	[sflag:s17] =	ssyncadd.s32 $0xFFFFF600  }
0xd8: {  	_ =	swait.ge [sflag:s22], $0x3200  }
0xd9: {  	[sflag:s22] =	ssyncset.done $0x0  }
0xda: {  	[sflag:s22] =	ssyncadd.s32 $0xFFFFCE00  }
0xdb: {  	_ =	sfence.sel $0x180000  }
0xdc: {  	[bflag:$0x0] =	sbarrier.arrive $0xFFFF  }
0xdd: {  	_ =	strace $0x90000050  }
0xde: {  	[bflag:$0x2] =	sbarrier.arrive $0xFFFF  }
0xdf: {  	p0 =	sne.s32 s0, $0x0;
	s0 =	rddreg [dreg:$0x2]  }
0xe0: {  	s0 =	sadd.s32 @!p0 $0x100000, s0  }
0xe1: {  	[sflag:s0] =	ssyncadd.tile.s32 @!p0 $0x1;
	_ =	shalt  }
.Lfunc_end2:
_tile_overlayer_lowered:
.L_overlay_start_2:
0xe2: {  	(tag) =	ssettag $0x2  }
0xe3: {  	s0 =	rddreg [dreg:$0x0];
	s2 =	stileid.u32  }
0xe4: {  	s1 =	rddreg [dreg:$0x1];
	p0 =	sne.s32 s2, $0x0  }
0xe5: {  	s3 =	rddreg [dreg:$0x2];
	[bflag:$0x3] =	sbarrier.arrive $0xFFFF;
	s2 =	simm.s32 @!p0 $0x1C05  }
0xe6: {  	[timem:s3], [sflag:s2] =	dma.local @!p0 [hbm:s0], s1  }
0xe7: {  	s0 =	simm.s32 @!p0 $0x5  }
0xe8: {  	_ =	swait.ge @!p0 [sflag:s0], s1  }
0xe9: {  	s1 =	ssub.s32 @!p0 $0x0, s1;
	[sflag:s0] =	ssyncset.done @!p0 $0x0  }
0xea: {  	[sflag:s0] =	ssyncadd.s32 @!p0 s1  }
0xeb: {  	[bflag:$0x3] =	sbarrier.arrive $0xFFFF  }
0xec: {  	_ =	shalt  }

// kernel: sparse-core-data-format-call.cloned.1.call-start
scs
called_computation_lowered:
.L_overlay_start_0:
0x0: {  	s2 =	sld [smem:$0x3FD9]  }
0x1: {  	s3 =	sld [smem:$0x3FFE];
	_ =	sdelay $0x1  }
0x2: {  	s1 =	srdreg.scid  }
0x3: {  	s0 =	sand.u32 $0x1, s1  }
0x4: {  	s18 =	sshll.u32 s0, $0xA;
	s2 =	sadd.s32 s3, s2  }
0x5: {  	s2 =	sadd.s32 s2, s18  }
0x6: {  	[smem:$0x3FC3] =	sst s2  }
0x7: {  	_ = 	snop  }
0x8: {  	s2 =	sld [smem:$0x3FD0];
	(tm) =	ssettm $0x1  }
0x9: {  	s19 =	sld [smem:$0x3FFB];
	_ =	sdelay $0x3  }
0xa: {  	_ =	strace s19  }
0xb: {  	s3 =	sld [smem:$0x3FFC];
	_ =	sdelay $0x3  }
0xc: {  	_ =	strace s3  }
0xd: {  	s3 =	sld [smem:$0x3FFD];
	_ =	sdelay $0x3  }
0xe: {  	_ =	strace s3  }
0xf: {  	_ =	strace $0x8FFFFFFF  }
0x10: {  	s20 =	sld [smem:$0x3FDB];
	_ =	sdelay $0x1  }
0x11: {  	s4 =	simm.s32 $_scs_section_size  }
0x12: {  	s5 =	simm.s32 $_size__tile_overlayer_lowered;
	s6 =	simm.s32 $_tile_overlayer_lowered  }
0x13: {  	s23 =	simm.s32 $0x1BFF;
	s22 =	sshll.u32 s6, $0x1;
	s3 =	sadd.s32 s4, s20  }
0x14: {  	s7 =	simm.s32 $0x0;
	s21 =	sshll.u32 s5, $0x1;
	s5 =	sadd.s32 s22, s3  }
0x15: {  	[timem:s7], [sflag:s23] =	dma.local [hbm:s5], s21  }
0x16: {  	_ =	swait.ge [sflag:s23], s21  }
0x17: {  	s4 =	ssub.s32 $0x0, s21;
	[sflag:s23] =	ssyncset.done $0x0  }
0x18: {  	[sflag:s23] =	ssyncadd.s32 s4;
	_ =	sdelay $0x1  }
0x19: {  	s24 =	simm.s32 $0x1B8B  }
0x1a: {  	_ =	swait.ge [sflag:s24], $0x1  }
0x1b: {  	[sflag:s24] =	ssyncset.done $0x0  }
0x1c: {  	s26 =	simm.s32 $0x1B8E;
	s25 =	sld [smem:$0x3FFE];
	[sflag:s24] =	ssyncadd.s32 $0xFFFFFFFF  }
0x1d: {  	s27 =	simm.s32 $execute0_lowered;
	[smem:$0x3FD2] =	sst s26  }
0x1e: {  	s5 =	sshll.u32 s27, $0x1;
	_ =	strace $0x80000052;
	[dreg:$0x1] =	wrdreg $0xFFFFFFFF  }
0x1f: {  	s28 =	simm.s32 $_size_execute0_lowered;
	s3 =	sadd.s32 s3, s5;
	[dreg:$0x0] =	wrdreg $0x0  }
0x20: {  	s5 =	sshll.u32 s28, $0x1;
	[dreg:$0x2] =	wrdreg s3  }
0x21: {  	[dreg:$0x3] =	wrdreg s5  }
0x22: {  	[dreg:$0x4] =	wrdreg $0xC0  }
0x23: {  	_ =	task [dreg:s7], $0x5FFFF  }
0x24: {  	[dreg:$0x1] =	wrdreg $0xFFFFFFFF  }
0x25: {  	[dreg:$0x0] =	wrdreg $0x60  }
0x26: {  	[dreg:$0x2] =	wrdreg s25  }
0x27: {  	[dreg:$0x3] =	wrdreg s2  }
0x28: {  	[dreg:$0x4] =	wrdreg $0x9  }
0x29: {  	_ =	task.clear_ibuf [dreg:s7], $0x5FFFF;
	_ =	strace $0x90000052  }
0x2a: {  	s29 =	simm.s32 $0x9;
	_ =	strace $0x80000054  }
0x2b: {  	_ =	swait.ge [sflag:s29], $0x1  }
0x2c: {  	[sflag:s29] =	ssyncadd.s32 $0xFFFFFFFF  }
0x2d: {  	_ =	strace $0x90000054  }
0x2e: {  	_ =	sfence  }
0x2f: {  	s30 =	sld [smem:$0x0];
	_ =	sdelay $0x2  }
0x30: {  	s31 =	sshll.u32 s1, $0xD;
	s1 =	sshrl.u32 s1, $0x2  }
0x31: {  	s3 =	sand.u32 $0x4000, s31;
	s1 =	sadd.s32 s1, s30  }
0x32: {  	s0 =	sor.u32 s3, s0;
	s1 =	sshll.u32 s1, $0x11  }
0x33: {  	s0 =	sor.u32 s1, s0  }
0x34: {  	s0 =	sadd.s32 $0x8F2B, s0  }
0x35: {  	[sflag:s0] =	ssyncadd.remote.s32 $0x1  }
0x36: {  	_ =	sfence.sel $0xFFFF  }
0x37: {  	[dreg:$0x0] =	wrdreg $0xFFFFFFFF;
	(pc) =	sbr.abs _section_cstart, $3  }
0x38: {  	[dreg:$0x1] =	wrdreg $0xFFFFFFFF  }
0x39: {  	_ =	task.clear_ibuf [dreg:s7], $0x2FFFF;
	_ =	strace $0x9FFFFFFF  }
0x3a: {  	(tm) =	ssettm $0x7FFFFFFF  }
0x3b: {  	_ =	shalt  }
tec
execute0_lowered:
.L_overlay_start_1:
0x0: {  	(tag) =	ssettag $0x1  }
0x1: {  	s0 =	srdreg.scid  }
0x2: {  	s1 =	sshll.u32 s0, $0x4  }
0x3: {  	s6 =	rddreg [dreg:$0x0];
	s0 =	stileid.u32;
	s1 =	sand.u32 $0x10, s1  }
0x4: {  	s3 =	rddreg [dreg:$0x1];
	s1 =	sor.u32 s0, s1  }
0x5: {  	s5 =	simm.s32 $0x1;
	s31 =	simm.s32 $0x2;
	s2 =	sshll.u32 s1, $0x7  }
0x6: {  	s15 =	simm.s32 $0x0;
	s8 =	simm.s32 $0x8000;
	s4 =	ssub.s32 $0x1000, s2  }
0x7: {  	s14 =	simm.s32 $0x0;
	s9 =	simm.s32 $0x0;
	s30 =	sand.u32 $0xF80, s4  }
0x8: {  	s10 =	simm.s32 $0x0;
	s11 =	simm.s32 $0x0;
	p0 =	sne.s32 s30, $0x0  }
.Ltmp0:
0x9: {  	s7 =	sshrl.u32 s4, $0xC;
	s5 =	simm.s32 @!p0 $0x0;
	(pc) =	sbr.rel .LBB1_1-.Ltmp0, $4  }
0xa: {  	s13 =	simm.s32 $0x0;
	s1 =	rddreg [dreg:$0x2];
	s5 =	sadd.s32 s5, s7  }
0xb: {  	_ =	strace $0x80000053;
	s4 =	simm.s32 $0x1;
	s5 =	smul.u32 $0xC8, s5  }
0xc: {  	s6 =	sadd.s32 $0xCB5C00, s6;
	s12 =	smov.u32 s2;
	[sflag:s4] =	ssyncpa.u1 $0x0  }
0xd: {  	[sflag:s31] =	ssyncpa.u1 $0x0;
	p0 =	por $0x0, $0x0;
	s7 =	sor.u32 $0x1, s5  }
.LBB1_4:
0xe: {  	s20 =	sshra.s32 s20, $0x2;
	s28 =	sshll.u32 s10, $0x3;
	p1 =	sgt.s32 s9, $0xC7  }
0xf: {  	s21 =	smov.u32 s9;
	s23 =	sshra.s32 s9, $0x1F;
	s24 =	smov.u32 s10  }
0x10: {  	v5 =	vld [tilespmem:s17+$0xFFFFFFD0];
	[tilespmem:s18+$0x2040 ss:$0x81] =	vst.msk $0xffff, v4;
	s25 =	sshra.s32 s10, $0x1F;
	s26 =	sand.u32 $0x78, s10;
	s19 =	sadd.s32 s20, s19  }
0x11: {  	v58 =	vld [tilespmem:s17+$0xFFFFFFE0];
	[tilespmem:s18+$0x2850 ss:$0x81] =	vst.msk $0xffff, v3;
	s22 =	sshrl.u32 s28, $0xC;
	s21 =	simm.s32 @!p1 $0xC7;
	s23 =	sand.u32 s23, s9  }
0x12: {  	v59 =	vld [tilespmem:s17+$0xFFFFFFF0];
	[tilespmem:s18+$0x3060 ss:$0x81] =	vst.msk $0xffff, v2;
	p1 =	sgt.s32 s10, $0xF80;
	s29 =	sand.u32 s25, s10;
	s20 =	sand.u32 $0xC00, s28  }
0x13: {  	v60 =	vld [tilespmem:s17+$0x0];
	[tilespmem:s18+$0x0 ss:$0x81] =	vst.msk $0xffff, v0;
	s28 =	smul.u32 $0xA000, s9;
	s21 =	ssub.s32 s21, s23;
	s24 =	simm.s32 @!p1 $0xF80  }
0x14: {  	v61 =	vld [tilespmem:s17+$0x10];
	s30 =	smulhi.u32 $0x3333334, s22;
	[tilespmem:s19+$0x3870 ss:$0x81] =	vst.msk $0xffff, v1;
	s20 =	sor.u32 s26, s20;
	s31 =	ssub.s32 $0xC8, s21  }
0x15: {  	v62 =	vld [tilespmem:s17+$0x20];
	s23 =	ssub.s32 s24, s29;
	s21 =	sadd.s32 $0xFFFFFF39, s21;
	s25 =	smul.u32 $0x50, s31;
	[tilespmem:s19+$0x810 ss:$0x81] =	vst.msk $0xffff, v5  }
0x16: {  	v63 =	vld [tilespmem:s17+$0xFFFFFFC0];
	s18 =	smul.u32 $0x50, s30;
	p1 =	sgt.s32 s21, $0x0;
	s27 =	sadd.s32 $0xFFFFF080, s23;
	[tilespmem:s19+$0x1020 ss:$0x81] =	vst.msk $0xffff, v58  }
0x17: {  	s17 =	ssub.s32 $0x1000, s23;
	[tilespmem:s19+$0x1830 ss:$0x81] =	vst.msk $0xffff, v59;
	s25 =	simm.s32 @p1 $0x0;
	p1 =	sgt.s32 s27, $0x7F  }
0x18: {  	s29 =	sand.u32 $0x7, s10;
	[tilespmem:s19+$0x2040 ss:$0x81] =	vst.msk $0xffff, v60;
	s18 =	ssub.s32 s22, s18;
	s17 =	simm.s32 @p1 $0x0  }
0x19: {  	s21 =	sadd.s32 s3, s28;
	[tilespmem:s19+$0x2850 ss:$0x81] =	vst.msk $0xffff, v61;
	s18 =	sshll.u32 s18, $0x9;
	s17 =	smul.u32 s17, s25  }
0x1a: {  	s20 =	sshrl.u32 s20, $0x3;
	s30 =	sshll.u32 s29, $0x12;
	[tilespmem:s19+$0x3060 ss:$0x81] =	vst.msk $0xffff, v62;
	s18 =	sadd.s32 s18, s21  }
0x1b: {  	[tilespmem:s19+$0x0 ss:$0x81] =	vst.msk $0xffff, v63;
	s31 =	sor.u32 $0x400, s30;
	s18 =	sadd.s32 s20, s18;
	s17 =	sand.u32 $0x3FFFFFF0, s17  }
0x1c: {  	[hbm4b:s18+s31] =	stream.strided.scatter [tilespmem:s16], [sflag:$0x2], s17, s8, s31, $0x20;
	[tilespmem:$0x10100] =	vst v63  }
.LBB1_5:
0x1d: {  	p1 =	slt.u32 s13, $0x2  }
0x1e: {  	s17 =	smov.u32 s15;
	p2 =	sgt.s32 @!p1 s15, $0xC7;
	s16 =	sshra.s32 @!p1 s15, $0x1F  }
0x1f: {  	p3 =	sgt.s32 @!p1 s14, $0xF80;
	s18 =	sshra.s32 @!p1 s14, $0x1F;
	p2 =	por !p2, p1  }
0x20: {  	s15 =	sand.u32 @!p1 s16, s15;
	p3 =	por !p3, p1;
	s16 =	smov.u32 s14  }
0x21: {  	s14 =	sand.u32 @!p1 s18, s14;
	s17 =	simm.s32 @p2 $0xC7;
	s16 =	simm.s32 @p3 $0xF80  }
0x22: {  	s18 =	smov.u32 s12;
	s15 =	ssub.s32 @!p1 s17, s15;
	s14 =	ssub.s32 @!p1 s16, s14  }
0x23: {  	s16 =	sadd.s32 @!p1 $0xFFFFFF39, s15;
	s15 =	ssub.s32 @!p1 $0xC8, s15;
	s17 =	sadd.s32 @!p1 $0xFFFFF080, s14  }
0x24: {  	p2 =	sgt.s32 @!p1 s16, $0x0;
	s15 =	smul.u32 @!p1 $0x50, s15;
	p3 =	sgt.s32 @!p1 s17, $0x7F  }
0x25: {  	s14 =	ssub.s32 @!p1 $0x1000, s14;
	p2 =	por !p2, p1;
	p3 =	por !p3, p1  }
0x26: {  	s16 =	sadd.s32 $0x1, s11;
	s15 =	simm.s32 @!p2 $0x0;
	s14 =	simm.s32 @!p3 $0x0  }
0x27: {  	p2 =	sgt.s32 s16, $0xC7;
	s14 =	smul.u32 @!p1 s14, s15;
	s15 =	sadd.s32 $0x1000, s12  }
0x28: {  	s18 =	smov.u32 @p2 s15  }
0x29: {  	s16 =	simm.s32 @p2 $0x0;
	p2 =	sgt.s32 s18, $0xFFF  }
0x2a: {  	s18 =	smov.u32 @p2 s2;
	p2 =	sne.s32 s13, s7  }
.Ltmp1:
0x2b: {  	p0 =	por !p0, !p0;
	s17 =	simm.s32 @!p1 $0x2;
	(pc) =	sbr.rel @!p2 .LBB1_6-.Ltmp1, $4  }
0x2c: {  	s15 =	smov.u32 s9;
	s9 =	smov.u32 s11;
	s14 =	sand.u32 @!p1 $0x3FFFFFF0, s14  }
0x2d: {  	s11 =	smov.u32 s16;
	_ =	swait.ge @!p1 [sflag:s17], s14;
	s19 =	ssub.s32 @!p1 $0x0, s14  }
0x2e: {  	s14 =	smov.u32 s10;
	s13 =	sadd.s32 $0x1, s13;
	[sflag:s17] =	ssyncset.done @!p1 $0x0  }
0x2f: {  	s10 =	smov.u32 s12;
	s12 =	smov.u32 s18;
	[sflag:s17] =	ssyncadd.s32 @!p1 s19  }
.LBB1_1:
0x30: {  	p1 =	sge.u32 s13, s5  }
0x31: {  	s16 =	sand.u32 @!p1 $0x1FFFFFF, s11  }
0x32: {  	s17 =	smulhi.u32 @!p1 $0x147AE15, s16;
	_ =	sdelay $0x1  }
0x33: {  	s17 =	smul.u32 @!p1 $0xC8, s17  }
0x34: {  	s18 =	sxor.u32 @!p1 $0xFFFFFFFF, s13;
	s19 =	smul.u32 @!p1 $0xC80, s12  }
0x35: {  	s31 =	sadd.s32 $0xFFFFFFFF, s13;
	s18 =	sshll.u32 @!p1 s18, $0xE;
	s16 =	ssub.s32 @!p1 s16, s17  }
0x36: {  	s17 =	sand.u32 @!p1 $0x4000, s18;
	s18 =	sadd.s32 @!p1 s6, s19;
	s16 =	sshll.u32 @!p1 s16, $0x4  }
0x37: {  	s19 =	simm.s32 @!p1 $0x6400;
	s16 =	sadd.s32 @!p1 s16, s18;
	s18 =	simm.s32 @!p1 $0x80  }
0x38: {  	[tilespmem:s17], [sflag:$0x1] =	stream.strided.gather @!p1 [hbm4b:s16+s18], $0x4000, s19, s18, $0x38;
	[tilespmem:$0x10100] =	vst v63  }
0x39: {  	p1 =	sge.u32 s31, s5  }
.Ltmp2:
0x3a: {  	_ = 	snop;
	(pc) =	sbr.rel @p1 .LBB1_5-.Ltmp2, $1  }
0x3b: {  	_ =	sdelay $0x3  }
0x3c: {  	s16 =	simm.s32 $0x1  }
0x3d: {  	_ =	swait.ge [sflag:s4], $0x4000;
	s16 =	simm.s32 @!p0 $0x0  }
0x3e: {  	[sflag:s4] =	ssyncset.done $0x0;
	s17 =	sshll.u32 s16, $0xE  }
0x3f: {  	[sflag:s4] =	ssyncadd.s32 $0xFFFFC000;
	s17 =	sor.u32 $0x40, s17  }
0x40: {  	s16 =	smul.u32 $0x10200, s16;
	v0 =	vld [tilespmem:s17+$0x30]  }
0x41: {  	v1 =	vld [tilespmem:s17+$0xFFFFFFD0]  }
0x42: {  	s16 =	sshrl.u32 s16, $0x2;
	v5 =	vld [tilespmem:s17+$0xFFFFFFE0]  }
0x43: {  	v6 =	vld [tilespmem:s17+$0xFFFFFFF0];
	s19 =	sor.u32 $0x8000, s16  }
0x44: {  	s31 =	sand.u32 $0x1, s13;
	v4 =	vld [tilespmem:s17+$0x0];
	s18 =	sadd.s32 $0x0, s19  }
0x45: {  	v3 =	vld [tilespmem:s17+$0x10];
	s16 =	smul.u32 $0x10200, s31;
	[tilespmem:s18+$0x3870 ss:$0x81] =	vst.msk $0xffff, v0  }
0x46: {  	v2 =	vld [tilespmem:s17+$0x20];
	[tilespmem:s18+$0x810 ss:$0x81] =	vst.msk $0xffff, v1  }
0x47: {  	s16 =	sshrl.u32 s16, $0x2;
	v0 =	vld [tilespmem:s17+$0xFFFFFFC0];
	[tilespmem:s18+$0x1020 ss:$0x81] =	vst.msk $0xffff, v5;
	s17 =	sadd.s32 $0x80, s17  }
0x48: {  	s20 =	simm.s32 $0x4;
	s21 =	simm.s32 $0x8;
	s16 =	sor.u32 $0x8000, s16;
	[tilespmem:s18+$0x1830 ss:$0x81] =	vst.msk $0xffff, v6;
	v1 =	vld [tilespmem:s17+$0x30]  }
.LBB1_3:
0x49: {  	p1 =	sne.s32 s21, $0x1FC;
	v5 =	vld [tilespmem:s17+$0xFFFFFFD0];
	[tilespmem:s18+$0x2040 ss:$0x81] =	vst.msk $0xffff, v4  }
0x4a: {  	v6 =	vld [tilespmem:s17+$0xFFFFFFE0];
	[tilespmem:s18+$0x2850 ss:$0x81] =	vst.msk $0xffff, v3  }
0x4b: {  	s22 =	sshra.s32 s20, $0x2;
	s20 =	smov.u32 s21;
	v7 =	vld [tilespmem:s17+$0xFFFFFFF0];
	[tilespmem:s18+$0x3060 ss:$0x81] =	vst.msk $0xffff, v2  }
.Ltmp3:
0x4c: {  	v4 =	vld [tilespmem:s17+$0x0];
	[tilespmem:s18+$0x0 ss:$0x81] =	vst.msk $0xffff, v0;
	s18 =	sadd.s32 s22, s19;
	(pc) =	sbr.rel @p1 .LBB1_3-.Ltmp3, $4  }
0x4d: {  	v3 =	vld [tilespmem:s17+$0x10];
	[tilespmem:s18+$0x3870 ss:$0x81] =	vst.msk $0xffff, v1  }
0x4e: {  	[tilespmem:s18+$0x810 ss:$0x81] =	vst.msk $0xffff, v5;
	v2 =	vld [tilespmem:s17+$0x20]  }
0x4f: {  	v0 =	vld [tilespmem:s17+$0xFFFFFFC0];
	[tilespmem:s18+$0x1020 ss:$0x81] =	vst.msk $0xffff, v6;
	s17 =	sadd.s32 $0x80, s17  }
0x50: {  	s21 =	sadd.s32 $0x4, s21;
	v1 =	vld [tilespmem:s17+$0x30];
	[tilespmem:s18+$0x1830 ss:$0x81] =	vst.msk $0xffff, v7  }
.Ltmp4:
0x51: {  	_ = 	snop;
	(pc) =	sbr.rel .LBB1_4-.Ltmp4, $1  }
0x52: {  	_ =	sdelay $0x3  }
.LBB1_6:
0x53: {  	_ =	sfence.sel $0x180000  }
0x54: {  	s2 =	simm.s32 $0x1;
	[bflag:$0x0] =	sbarrier.arrive $0xFFFF  }
0x55: {  	s31 =	simm.s32 $0x2;
	[sflag:s2] =	ssyncpa.u1 $0x1  }
0x56: {  	[sflag:s31] =	ssyncpa.u1 $0x1  }
0x57: {  	p0 =	sne.s32 s0, $0x0;
	_ =	strace $0x90000053  }
0x58: {  	s0 =	sadd.s32 @!p0 $0x100000, s1;
	[bflag:$0x2] =	sbarrier.arrive $0xFFFF  }
0x59: {  	[sflag:s0] =	ssyncadd.tile.s32 @!p0 $0x1;
	_ =	shalt  }
.Lfunc_end1:
_tile_overlayer_lowered:
.L_overlay_start_2:
0x5a: {  	(tag) =	ssettag $0x2  }
0x5b: {  	s0 =	rddreg [dreg:$0x0];
	s2 =	stileid.u32  }
0x5c: {  	s1 =	rddreg [dreg:$0x1];
	p0 =	sne.s32 s2, $0x0  }
0x5d: {  	s3 =	rddreg [dreg:$0x2];
	[bflag:$0x3] =	sbarrier.arrive $0xFFFF;
	s2 =	simm.s32 @!p0 $0x1C01  }
0x5e: {  	[timem:s3], [sflag:s2] =	dma.local @!p0 [hbm:s0], s1  }
0x5f: {  	s0 =	simm.s32 @!p0 $0x1  }
0x60: {  	_ =	swait.ge @!p0 [sflag:s0], s1  }
0x61: {  	s1 =	ssub.s32 @!p0 $0x0, s1;
	[sflag:s0] =	ssyncset.done @!p0 $0x0  }
0x62: {  	[sflag:s0] =	ssyncadd.s32 @!p0 s1  }
0x63: {  	[bflag:$0x3] =	sbarrier.arrive $0xFFFF  }
0x64: {  	_ =	shalt  }

</sc_bundles>
